<compile_context>
chip_gen: v7x
topology: tpu7x:2x2x1
jax: 0.10.2.dev20260603
libtpu: 0.0.44.dev20260713+nightly
codegen_flags: <defaults>
</compile_context>

<pallas_src>
import functools

import jax
import jax.numpy as jnp
from jax import lax
from jax.experimental import pallas as pl
from jax.experimental.pallas import tpu as pltpu
from jax.experimental.pallas import tpu_sc as plsc

_NC, _NS, _L = 2, 16, 16


def _matmul_body(x_ref, w_ref, out_ref):
    out_ref[...] = jax.lax.dot_general(
        x_ref[...], w_ref[...],
        dimension_numbers=(((1,), (0,)), ((), ())),
        preferred_element_type=jnp.float32,
    )


def _router_body(logits_hbm, scores_hbm, idx_hbm, wts_hbm,
                 slab, scores_v, idx_v, wts_v, *, TPW, E, K):
    wid = lax.axis_index("s") * _NC + lax.axis_index("c")
    base = wid * TPW
    pltpu.sync_copy(logits_hbm.at[pl.ds(base * E, TPW * E)], slab)
    lane = lax.broadcasted_iota(jnp.int32, (_L,), 0)
    lane_e = lane * E
    zero16 = jnp.zeros((_L,), jnp.float32)
    ninf = jnp.full((_L,), -jnp.inf, jnp.float32)
    izero = jnp.zeros((_L,), jnp.int32)

    def group(g, carry):
        gbase = g * (_L * E)
        vals = [ninf] * K
        idxs = [izero] * K
        gidx0 = gbase + lane_e
        for e in range(E):
            cv = plsc.load_gather(slab, [gidx0 + e])
            ci = jnp.full((_L,), e, jnp.int32)
            take = cv > vals[0]
            for j in range(K):
                if j:
                    take = jnp.logical_or(take, cv > vals[j])
                nv = jnp.where(take, cv, vals[j])
                ni = jnp.where(take, ci, idxs[j])
                if j < K - 1:
                    sv = jnp.where(take, vals[j], cv)
                    si = jnp.where(take, idxs[j], ci)
                vals[j] = nv
                idxs[j] = ni
                if j < K - 1:
                    cv = sv
                    ci = si
        mx = vals[0]
        exps = [jnp.exp(v - mx) for v in vals]
        denom = exps[0]
        for j in range(1, K):
            denom = denom + exps[j]
        inv = 1.0 / denom
        for i in range(E):
            scores_v[pl.ds(gbase + i * _L, _L)] = zero16
        row_flat = gbase + lane_e
        out_flat = g * (_L * K) + lane * K
        for j in range(K):
            w = exps[j] * inv
            plsc.store_scatter(scores_v, [row_flat + idxs[j]], w)
            plsc.store_scatter(idx_v, [out_flat + j], idxs[j])
            plsc.store_scatter(wts_v, [out_flat + j], w)
        return carry

    lax.fori_loop(0, TPW // _L, group, None)
    pltpu.sync_copy(scores_v, scores_hbm.at[pl.ds(base * E, TPW * E)])
    pltpu.sync_copy(idx_v, idx_hbm.at[pl.ds(base * K, TPW * K)])
    pltpu.sync_copy(wts_v, wts_hbm.at[pl.ds(base * K, TPW * K)])


def kernel(x, W):
    B, S, H = x.shape
    E = W.shape[0]
    K = 8
    N = B * S
    T = 1024
    while N % T:
        T //= 2
    xr = x.reshape(N, H)
    wt = W.T
    logits = pl.pallas_call(
        _matmul_body,
        grid=(N // T,),
        in_specs=[
            pl.BlockSpec((T, H), lambda i: (i, 0)),
            pl.BlockSpec((H, E), lambda i: (0, 0)),
        ],
        out_specs=pl.BlockSpec((T, E), lambda i: (i, 0)),
        out_shape=jax.ShapeDtypeStruct((N, E), jnp.float32),
    )(xr, wt)

    NW = _NC * _NS
    TPW = N // NW
    router = pl.kernel(
        functools.partial(_router_body, TPW=TPW, E=E, K=K),
        out_type=[
            jax.ShapeDtypeStruct((N * E,), jnp.float32),
            jax.ShapeDtypeStruct((N * K,), jnp.int32),
            jax.ShapeDtypeStruct((N * K,), jnp.float32),
        ],
        mesh=plsc.VectorSubcoreMesh(core_axis_name="c", subcore_axis_name="s",
                                    num_cores=_NC, num_subcores=_NS),
        compiler_params=pltpu.CompilerParams(needs_layout_passes=False),
        scratch_types=[
            pltpu.VMEM((TPW * E,), jnp.float32),
            pltpu.VMEM((TPW * E,), jnp.float32),
            pltpu.VMEM((TPW * K,), jnp.int32),
            pltpu.VMEM((TPW * K,), jnp.float32),
        ],
    )
    scores, idx, wts = router(logits.reshape(N * E))
    return (scores.reshape(B, S, E), idx.reshape(B, S, K), wts.reshape(B, S, K))

# --- scband reference (transcript-rebuilt; emitter-appended) ---
"""Pipeline reference for scband-noisy-top-kgating-74036646248876 (READ-ONLY COPY).

The authoritative reference and input builder live on the scoring server;
editing this copy changes nothing except your own understanding.
"""

import jax, jax.numpy as jnp
import numpy as np

B, S, H, E, K = 4, 4096, 4096, 64, 8

def setup_inputs(seed=0) -> dict:
    key = jax.random.key(seed)
    kx, kw = jax.random.split(key)
    x = jax.random.normal(kx, (B, S, H), dtype=jnp.float32)
    # xavier_uniform for gate weight [E, H]
    limit = float(np.sqrt(6.0 / (H + E)))
    W = jax.random.uniform(kw, (E, H), dtype=jnp.float32, minval=-limit, maxval=limit)
    return {"x": x, "W": W}

def reference(x, W):
    # gate_logits = x @ W^T  -> [B, S, E]
    gate_logits = jnp.einsum('bsh,eh->bse', x, W)
    # eval mode: no noise added (torch path only adds noise when self.training and noise_std > 0)
    top_k_weights, top_k_indices = jax.lax.top_k(gate_logits, K)
    top_k_weights = jax.nn.softmax(top_k_weights, axis=-1)
    # scatter top-k weights into zeros along last dim
    b_idx = jnp.arange(B)[:, None, None]
    s_idx = jnp.arange(S)[None, :, None]
    gate_scores = jnp.zeros_like(gate_logits).at[b_idx, s_idx, top_k_indices].set(top_k_weights)
    return (gate_scores, top_k_indices, top_k_weights)

if __name__ == "__main__":
    import jax
    _d = setup_inputs()
    print(jax.jit(kernel)(*tuple(_d.values())))

</pallas_src>

<mosaic_0001>
#map = affine_map<(d0, d1) -> (0)>
module attributes {stable_mosaic.version = 14 : i64} {
  func.func @_router_body(%arg0: i32, %arg1: i32, %arg2: memref<1048576xf32, #tpu.memory_space<hbm>>, %arg3: memref<1048576xf32, #tpu.memory_space<hbm>>, %arg4: memref<131072xi32, #tpu.memory_space<hbm>>, %arg5: memref<131072xf32, #tpu.memory_space<hbm>>, %arg6: memref<32768xf32, #tpu.memory_space<vmem>>, %arg7: memref<32768xf32, #tpu.memory_space<vmem>>, %arg8: memref<4096xi32, #tpu.memory_space<vmem>>, %arg9: memref<4096xf32, #tpu.memory_space<vmem>>) attributes {dimension_semantics = [#tpu.dimension_semantics<core_parallel>, #tpu.dimension_semantics<subcore_parallel>], iteration_bounds = array<i64: 2, 16>, scalar_prefetch = 0 : i64, scratch_operands = 4 : i64, tpu.core_type = #tpu.core_type<sc_vector_subcore>, window_params = [{transform_indices = #map}, {transform_indices = #map}, {transform_indices = #map}, {transform_indices = #map}]} {
    %mul3A = arith.constant 2 : i32
    %mul3A_0 = arith.muli %arg1, %mul3A : i32
    %add3A = arith.addi %mul3A_0, %arg0 : i32
    %mul3A_1 = arith.constant 512 : i32
    %mul3A_2 = arith.muli %add3A, %mul3A_1 : i32
    %mul3A_3 = arith.constant 64 : i32
    %mul3A_4 = arith.muli %mul3A_2, %mul3A_3 : i32
    "tpu.region"() ({
      %run_scoped3A = tpu.sem_alloc : memref<!tpu.dma_semaphore, #tpu.memory_space<semaphore_mem>>
      %dma_start3A = tpu.memref_slice %arg2[%mul3A_4] : memref<1048576xf32, #tpu.memory_space<hbm>> -> memref<32768xf32, #tpu.memory_space<hbm>>
      %dma_start3A_23 = tpu.memref_slice %arg2[%mul3A_4] : memref<1048576xf32, #tpu.memory_space<hbm>> -> memref<32768xf32, #tpu.memory_space<hbm>>
      tpu.enqueue_dma source(%dma_start3A_23 : memref<32768xf32, #tpu.memory_space<hbm>>) target(%arg6 : memref<32768xf32, #tpu.memory_space<vmem>>) target_semaphore(%run_scoped3A : memref<!tpu.dma_semaphore, #tpu.memory_space<semaphore_mem>>)
      %dma_wait3A = tpu.memref_slice %arg2[%mul3A_4] : memref<1048576xf32, #tpu.memory_space<hbm>> -> memref<32768xf32, #tpu.memory_space<hbm>>
      %dma_wait3A_24 = tpu.memref_slice %arg2[%mul3A_4] : memref<1048576xf32, #tpu.memory_space<hbm>> -> memref<32768xf32, #tpu.memory_space<hbm>>
      tpu.wait_dma2 semaphore(%run_scoped3A : memref<!tpu.dma_semaphore, #tpu.memory_space<semaphore_mem>>) src(%dma_wait3A_24 : memref<32768xf32, #tpu.memory_space<hbm>>) dst(%arg6 : memref<32768xf32, #tpu.memory_space<vmem>>)
      tpu.yield
    }) : () -> ()
    %iota3A = tpu.iota {dimensions = array<i32: 0>} : vector<16xi32>
    %mul3A_5 = arith.constant 64 : i32
    %mul3A_6 = vector.broadcast %mul3A_5 : i32 to vector<16xi32>
    %mul3A_7 = arith.muli %iota3A, %mul3A_6 : vector<16xi32>
    %broadcast_in_dim3A = arith.constant 0.000000e+00 : f32
    %broadcast_in_dim3A_8 = vector.broadcast %broadcast_in_dim3A : f32 to vector<16xf32>
    %broadcast_in_dim3A_9 = arith.constant 0xFF800000 : f32
    %broadcast_in_dim3A_10 = vector.broadcast %broadcast_in_dim3A_9 : f32 to vector<16xf32>
    %broadcast_in_dim3A_11 = arith.constant 0 : i32
    %broadcast_in_dim3A_12 = vector.broadcast %broadcast_in_dim3A_11 : i32 to vector<16xi32>
    %scan3A = arith.constant 0 : i32
    %scan3A_13 = arith.constant 32 : i32
    %scan3A_14 = arith.addi %scan3A, %scan3A_13 : i32
    %scan3A_15 = arith.constant 1 : i32
    scf.for %scan3A_23 = %scan3A to %scan3A_14 step %scan3A_15  : i32 {
      %mul3A_24 = arith.constant 1024 : i32
      %mul3A_25 = arith.muli %scan3A_23, %mul3A_24 : i32
      %add3A_26 = vector.broadcast %mul3A_25 : i32 to vector<16xi32>
      %add3A_27 = arith.addi %add3A_26, %mul3A_7 : vector<16xi32>
      %add3A_28 = arith.constant 0 : i32
      %add3A_29 = vector.broadcast %add3A_28 : i32 to vector<16xi32>
      %add3A_30 = arith.addi %add3A_27, %add3A_29 : vector<16xi32>
      %gather3A = tpu.vector_load_idx %arg6[%add3A_30] : memref<32768xf32, #tpu.memory_space<vmem>>[vector<16xi32>], vector<16xf32>,
      %broadcast_in_dim3A_31 = arith.constant 0 : i32
      %broadcast_in_dim3A_32 = vector.broadcast %broadcast_in_dim3A_31 : i32 to vector<16xi32>
      %gt3A = arith.cmpf ogt, %gather3A, %broadcast_in_dim3A_10 : vector<16xf32>
      %select_n3A = arith.select %gt3A, %gather3A, %broadcast_in_dim3A_10 : vector<16xi1>, vector<16xf32>
      %select_n3A_33 = arith.select %gt3A, %broadcast_in_dim3A_32, %broadcast_in_dim3A_12 : vector<16xi1>, vector<16xi32>
      %select_n3A_34 = arith.select %gt3A, %broadcast_in_dim3A_10, %gather3A : vector<16xi1>, vector<16xf32>
      %select_n3A_35 = arith.select %gt3A, %broadcast_in_dim3A_12, %broadcast_in_dim3A_32 : vector<16xi1>, vector<16xi32>
      %gt3A_36 = arith.cmpf ogt, %select_n3A_34, %broadcast_in_dim3A_10 : vector<16xf32>
      %or3A = arith.ori %gt3A, %gt3A_36 : vector<16xi1>
      %select_n3A_37 = arith.select %or3A, %select_n3A_34, %broadcast_in_dim3A_10 : vector<16xi1>, vector<16xf32>
      %select_n3A_38 = arith.select %or3A, %select_n3A_35, %broadcast_in_dim3A_12 : vector<16xi1>, vector<16xi32>
      %select_n3A_39 = arith.select %or3A, %broadcast_in_dim3A_10, %select_n3A_34 : vector<16xi1>, vector<16xf32>
      %select_n3A_40 = arith.select %or3A, %broadcast_in_dim3A_12, %select_n3A_35 : vector<16xi1>, vector<16xi32>
      %gt3A_41 = arith.cmpf ogt, %select_n3A_39, %broadcast_in_dim3A_10 : vector<16xf32>
      %or3A_42 = arith.ori %or3A, %gt3A_41 : vector<16xi1>
      %select_n3A_43 = arith.select %or3A_42, %select_n3A_39, %broadcast_in_dim3A_10 : vector<16xi1>, vector<16xf32>
      %select_n3A_44 = arith.select %or3A_42, %select_n3A_40, %broadcast_in_dim3A_12 : vector<16xi1>, vector<16xi32>
      %select_n3A_45 = arith.select %or3A_42, %broadcast_in_dim3A_10, %select_n3A_39 : vector<16xi1>, vector<16xf32>
      %select_n3A_46 = arith.select %or3A_42, %broadcast_in_dim3A_12, %select_n3A_40 : vector<16xi1>, vector<16xi32>
      %gt3A_47 = arith.cmpf ogt, %select_n3A_45, %broadcast_in_dim3A_10 : vector<16xf32>
      %or3A_48 = arith.ori %or3A_42, %gt3A_47 : vector<16xi1>
      %select_n3A_49 = arith.select %or3A_48, %select_n3A_45, %broadcast_in_dim3A_10 : vector<16xi1>, vector<16xf32>
      %select_n3A_50 = arith.select %or3A_48, %select_n3A_46, %broadcast_in_dim3A_12 : vector<16xi1>, vector<16xi32>
      %select_n3A_51 = arith.select %or3A_48, %broadcast_in_dim3A_10, %select_n3A_45 : vector<16xi1>, vector<16xf32>
      %select_n3A_52 = arith.select %or3A_48, %broadcast_in_dim3A_12, %select_n3A_46 : vector<16xi1>, vector<16xi32>
      %gt3A_53 = arith.cmpf ogt, %select_n3A_51, %broadcast_in_dim3A_10 : vector<16xf32>
      %or3A_54 = arith.ori %or3A_48, %gt3A_53 : vector<16xi1>
      %select_n3A_55 = arith.select %or3A_54, %select_n3A_51, %broadcast_in_dim3A_10 : vector<16xi1>, vector<16xf32>
      %select_n3A_56 = arith.select %or3A_54, %select_n3A_52, %broadcast_in_dim3A_12 : vector<16xi1>, vector<16xi32>
      %select_n3A_57 = arith.select %or3A_54, %broadcast_in_dim3A_10, %select_n3A_51 : vector<16xi1>, vector<16xf32>
      %select_n3A_58 = arith.select %or3A_54, %broadcast_in_dim3A_12, %select_n3A_52 : vector<16xi1>, vector<16xi32>
      %gt3A_59 = arith.cmpf ogt, %select_n3A_57, %broadcast_in_dim3A_10 : vector<16xf32>
      %or3A_60 = arith.ori %or3A_54, %gt3A_59 : vector<16xi1>
      %select_n3A_61 = arith.select %or3A_60, %select_n3A_57, %broadcast_in_dim3A_10 : vector<16xi1>, vector<16xf32>
      %select_n3A_62 = arith.select %or3A_60, %select_n3A_58, %broadcast_in_dim3A_12 : vector<16xi1>, vector<16xi32>
      %select_n3A_63 = arith.select %or3A_60, %broadcast_in_dim3A_10, %select_n3A_57 : vector<16xi1>, vector<16xf32>
      %select_n3A_64 = arith.select %or3A_60, %broadcast_in_dim3A_12, %select_n3A_58 : vector<16xi1>, vector<16xi32>
      %gt3A_65 = arith.cmpf ogt, %select_n3A_63, %broadcast_in_dim3A_10 : vector<16xf32>
      %or3A_66 = arith.ori %or3A_60, %gt3A_65 : vector<16xi1>
      %select_n3A_67 = arith.select %or3A_66, %select_n3A_63, %broadcast_in_dim3A_10 : vector<16xi1>, vector<16xf32>
      %select_n3A_68 = arith.select %or3A_66, %select_n3A_64, %broadcast_in_dim3A_12 : vector<16xi1>, vector<16xi32>
      %select_n3A_69 = arith.select %or3A_66, %broadcast_in_dim3A_10, %select_n3A_63 : vector<16xi1>, vector<16xf32>
      %select_n3A_70 = arith.select %or3A_66, %broadcast_in_dim3A_12, %select_n3A_64 : vector<16xi1>, vector<16xi32>
      %gt3A_71 = arith.cmpf ogt, %select_n3A_69, %broadcast_in_dim3A_10 : vector<16xf32>
      %or3A_72 = arith.ori %or3A_66, %gt3A_71 : vector<16xi1>
      %select_n3A_73 = arith.select %or3A_72, %select_n3A_69, %broadcast_in_dim3A_10 : vector<16xi1>, vector<16xf32>
      %select_n3A_74 = arith.select %or3A_72, %select_n3A_70, %broadcast_in_dim3A_12 : vector<16xi1>, vector<16xi32>
      %add3A_75 = arith.constant 1 : i32
      %add3A_76 = vector.broadcast %add3A_75 : i32 to vector<16xi32>
      %add3A_77 = arith.addi %add3A_27, %add3A_76 : vector<16xi32>
      %gather3A_78 = tpu.vector_load_idx %arg6[%add3A_77] : memref<32768xf32, #tpu.memory_space<vmem>>[vector<16xi32>], vector<16xf32>,
      %broadcast_in_dim3A_79 = arith.constant 1 : i32
      %broadcast_in_dim3A_80 = vector.broadcast %broadcast_in_dim3A_79 : i32 to vector<16xi32>
      %gt3A_81 = arith.cmpf ogt, %gather3A_78, %select_n3A : vector<16xf32>
      %select_n3A_82 = arith.select %gt3A_81, %gather3A_78, %select_n3A : vector<16xi1>, vector<16xf32>
      %select_n3A_83 = arith.select %gt3A_81, %broadcast_in_dim3A_80, %select_n3A_33 : vector<16xi1>, vector<16xi32>
      %select_n3A_84 = arith.select %gt3A_81, %select_n3A, %gather3A_78 : vector<16xi1>, vector<16xf32>
      %select_n3A_85 = arith.select %gt3A_81, %select_n3A_33, %broadcast_in_dim3A_80 : vector<16xi1>, vector<16xi32>
      %gt3A_86 = arith.cmpf ogt, %select_n3A_84, %select_n3A_37 : vector<16xf32>
      %or3A_87 = arith.ori %gt3A_81, %gt3A_86 : vector<16xi1>
      %select_n3A_88 = arith.select %or3A_87, %select_n3A_84, %select_n3A_37 : vector<16xi1>, vector<16xf32>
      %select_n3A_89 = arith.select %or3A_87, %select_n3A_85, %select_n3A_38 : vector<16xi1>, vector<16xi32>
      %select_n3A_90 = arith.select %or3A_87, %select_n3A_37, %select_n3A_84 : vector<16xi1>, vector<16xf32>
      %select_n3A_91 = arith.select %or3A_87, %select_n3A_38, %select_n3A_85 : vector<16xi1>, vector<16xi32>
      %gt3A_92 = arith.cmpf ogt, %select_n3A_90, %select_n3A_43 : vector<16xf32>
      %or3A_93 = arith.ori %or3A_87, %gt3A_92 : vector<16xi1>
      %select_n3A_94 = arith.select %or3A_93, %select_n3A_90, %select_n3A_43 : vector<16xi1>, vector<16xf32>
      %select_n3A_95 = arith.select %or3A_93, %select_n3A_91, %select_n3A_44 : vector<16xi1>, vector<16xi32>
      %select_n3A_96 = arith.select %or3A_93, %select_n3A_43, %select_n3A_90 : vector<16xi1>, vector<16xf32>
      %select_n3A_97 = arith.select %or3A_93, %select_n3A_44, %select_n3A_91 : vector<16xi1>, vector<16xi32>
      %gt3A_98 = arith.cmpf ogt, %select_n3A_96, %select_n3A_49 : vector<16xf32>
      %or3A_99 = arith.ori %or3A_93, %gt3A_98 : vector<16xi1>
      %select_n3A_100 = arith.select %or3A_99, %select_n3A_96, %select_n3A_49 : vector<16xi1>, vector<16xf32>
      %select_n3A_101 = arith.select %or3A_99, %select_n3A_97, %select_n3A_50 : vector<16xi1>, vector<16xi32>
      %select_n3A_102 = arith.select %or3A_99, %select_n3A_49, %select_n3A_96 : vector<16xi1>, vector<16xf32>
      %select_n3A_103 = arith.select %or3A_99, %select_n3A_50, %select_n3A_97 : vector<16xi1>, vector<16xi32>
      %gt3A_104 = arith.cmpf ogt, %select_n3A_102, %select_n3A_55 : vector<16xf32>
      %or3A_105 = arith.ori %or3A_99, %gt3A_104 : vector<16xi1>
      %select_n3A_106 = arith.select %or3A_105, %select_n3A_102, %select_n3A_55 : vector<16xi1>, vector<16xf32>
      %select_n3A_107 = arith.select %or3A_105, %select_n3A_103, %select_n3A_56 : vector<16xi1>, vector<16xi32>
      %select_n3A_108 = arith.select %or3A_105, %select_n3A_55, %select_n3A_102 : vector<16xi1>, vector<16xf32>
      %select_n3A_109 = arith.select %or3A_105, %select_n3A_56, %select_n3A_103 : vector<16xi1>, vector<16xi32>
      %gt3A_110 = arith.cmpf ogt, %select_n3A_108, %select_n3A_61 : vector<16xf32>
      %or3A_111 = arith.ori %or3A_105, %gt3A_110 : vector<16xi1>
      %select_n3A_112 = arith.select %or3A_111, %select_n3A_108, %select_n3A_61 : vector<16xi1>, vector<16xf32>
      %select_n3A_113 = arith.select %or3A_111, %select_n3A_109, %select_n3A_62 : vector<16xi1>, vector<16xi32>
      %select_n3A_114 = arith.select %or3A_111, %select_n3A_61, %select_n3A_108 : vector<16xi1>, vector<16xf32>
      %select_n3A_115 = arith.select %or3A_111, %select_n3A_62, %select_n3A_109 : vector<16xi1>, vector<16xi32>
      %gt3A_116 = arith.cmpf ogt, %select_n3A_114, %select_n3A_67 : vector<16xf32>
      %or3A_117 = arith.ori %or3A_111, %gt3A_116 : vector<16xi1>
      %select_n3A_118 = arith.select %or3A_117, %select_n3A_114, %select_n3A_67 : vector<16xi1>, vector<16xf32>
      %select_n3A_119 = arith.select %or3A_117, %select_n3A_115, %select_n3A_68 : vector<16xi1>, vector<16xi32>
      %select_n3A_120 = arith.select %or3A_117, %select_n3A_67, %select_n3A_114 : vector<16xi1>, vector<16xf32>
      %select_n3A_121 = arith.select %or3A_117, %select_n3A_68, %select_n3A_115 : vector<16xi1>, vector<16xi32>
      %gt3A_122 = arith.cmpf ogt, %select_n3A_120, %select_n3A_73 : vector<16xf32>
      %or3A_123 = arith.ori %or3A_117, %gt3A_122 : vector<16xi1>
      %select_n3A_124 = arith.select %or3A_123, %select_n3A_120, %select_n3A_73 : vector<16xi1>, vector<16xf32>
      %select_n3A_125 = arith.select %or3A_123, %select_n3A_121, %select_n3A_74 : vector<16xi1>, vector<16xi32>
      %add3A_126 = arith.constant 2 : i32
      %add3A_127 = vector.broadcast %add3A_126 : i32 to vector<16xi32>
      %add3A_128 = arith.addi %add3A_27, %add3A_127 : vector<16xi32>
      %gather3A_129 = tpu.vector_load_idx %arg6[%add3A_128] : memref<32768xf32, #tpu.memory_space<vmem>>[vector<16xi32>], vector<16xf32>,
      %broadcast_in_dim3A_130 = arith.constant 2 : i32
      %broadcast_in_dim3A_131 = vector.broadcast %broadcast_in_dim3A_130 : i32 to vector<16xi32>
      %gt3A_132 = arith.cmpf ogt, %gather3A_129, %select_n3A_82 : vector<16xf32>
      %select_n3A_133 = arith.select %gt3A_132, %gather3A_129, %select_n3A_82 : vector<16xi1>, vector<16xf32>
      %select_n3A_134 = arith.select %gt3A_132, %broadcast_in_dim3A_131, %select_n3A_83 : vector<16xi1>, vector<16xi32>
      %select_n3A_135 = arith.select %gt3A_132, %select_n3A_82, %gather3A_129 : vector<16xi1>, vector<16xf32>
      %select_n3A_136 = arith.select %gt3A_132, %select_n3A_83, %broadcast_in_dim3A_131 : vector<16xi1>, vector<16xi32>
      %gt3A_137 = arith.cmpf ogt, %select_n3A_135, %select_n3A_88 : vector<16xf32>
      %or3A_138 = arith.ori %gt3A_132, %gt3A_137 : vector<16xi1>
      %select_n3A_139 = arith.select %or3A_138, %select_n3A_135, %select_n3A_88 : vector<16xi1>, vector<16xf32>
      %select_n3A_140 = arith.select %or3A_138, %select_n3A_136, %select_n3A_89 : vector<16xi1>, vector<16xi32>
      %select_n3A_141 = arith.select %or3A_138, %select_n3A_88, %select_n3A_135 : vector<16xi1>, vector<16xf32>
      %select_n3A_142 = arith.select %or3A_138, %select_n3A_89, %select_n3A_136 : vector<16xi1>, vector<16xi32>
      %gt3A_143 = arith.cmpf ogt, %select_n3A_141, %select_n3A_94 : vector<16xf32>
      %or3A_144 = arith.ori %or3A_138, %gt3A_143 : vector<16xi1>
      %select_n3A_145 = arith.select %or3A_144, %select_n3A_141, %select_n3A_94 : vector<16xi1>, vector<16xf32>
      %select_n3A_146 = arith.select %or3A_144, %select_n3A_142, %select_n3A_95 : vector<16xi1>, vector<16xi32>
      %select_n3A_147 = arith.select %or3A_144, %select_n3A_94, %select_n3A_141 : vector<16xi1>, vector<16xf32>
      %select_n3A_148 = arith.select %or3A_144, %select_n3A_95, %select_n3A_142 : vector<16xi1>, vector<16xi32>
      %gt3A_149 = arith.cmpf ogt, %select_n3A_147, %select_n3A_100 : vector<16xf32>
      %or3A_150 = arith.ori %or3A_144, %gt3A_149 : vector<16xi1>
      %select_n3A_151 = arith.select %or3A_150, %select_n3A_147, %select_n3A_100 : vector<16xi1>, vector<16xf32>
      %select_n3A_152 = arith.select %or3A_150, %select_n3A_148, %select_n3A_101 : vector<16xi1>, vector<16xi32>
      %select_n3A_153 = arith.select %or3A_150, %select_n3A_100, %select_n3A_147 : vector<16xi1>, vector<16xf32>
      %select_n3A_154 = arith.select %or3A_150, %select_n3A_101, %select_n3A_148 : vector<16xi1>, vector<16xi32>
      %gt3A_155 = arith.cmpf ogt, %select_n3A_153, %select_n3A_106 : vector<16xf32>
      %or3A_156 = arith.ori %or3A_150, %gt3A_155 : vector<16xi1>
      %select_n3A_157 = arith.select %or3A_156, %select_n3A_153, %select_n3A_106 : vector<16xi1>, vector<16xf32>
      %select_n3A_158 = arith.select %or3A_156, %select_n3A_154, %select_n3A_107 : vector<16xi1>, vector<16xi32>
      %select_n3A_159 = arith.select %or3A_156, %select_n3A_106, %select_n3A_153 : vector<16xi1>, vector<16xf32>
      %select_n3A_160 = arith.select %or3A_156, %select_n3A_107, %select_n3A_154 : vector<16xi1>, vector<16xi32>
      %gt3A_161 = arith.cmpf ogt, %select_n3A_159, %select_n3A_112 : vector<16xf32>
      %or3A_162 = arith.ori %or3A_156, %gt3A_161 : vector<16xi1>
      %select_n3A_163 = arith.select %or3A_162, %select_n3A_159, %select_n3A_112 : vector<16xi1>, vector<16xf32>
      %select_n3A_164 = arith.select %or3A_162, %select_n3A_160, %select_n3A_113 : vector<16xi1>, vector<16xi32>
      %select_n3A_165 = arith.select %or3A_162, %select_n3A_112, %select_n3A_159 : vector<16xi1>, vector<16xf32>
      %select_n3A_166 = arith.select %or3A_162, %select_n3A_113, %select_n3A_160 : vector<16xi1>, vector<16xi32>
      %gt3A_167 = arith.cmpf ogt, %select_n3A_165, %select_n3A_118 : vector<16xf32>
      %or3A_168 = arith.ori %or3A_162, %gt3A_167 : vector<16xi1>
      %select_n3A_169 = arith.select %or3A_168, %select_n3A_165, %select_n3A_118 : vector<16xi1>, vector<16xf32>
      %select_n3A_170 = arith.select %or3A_168, %select_n3A_166, %select_n3A_119 : vector<16xi1>, vector<16xi32>
      %select_n3A_171 = arith.select %or3A_168, %select_n3A_118, %select_n3A_165 : vector<16xi1>, vector<16xf32>
      %select_n3A_172 = arith.select %or3A_168, %select_n3A_119, %select_n3A_166 : vector<16xi1>, vector<16xi32>
      %gt3A_173 = arith.cmpf ogt, %select_n3A_171, %select_n3A_124 : vector<16xf32>
      %or3A_174 = arith.ori %or3A_168, %gt3A_173 : vector<16xi1>
      %select_n3A_175 = arith.select %or3A_174, %select_n3A_171, %select_n3A_124 : vector<16xi1>, vector<16xf32>
      %select_n3A_176 = arith.select %or3A_174, %select_n3A_172, %select_n3A_125 : vector<16xi1>, vector<16xi32>
      %add3A_177 = arith.constant 3 : i32
      %add3A_178 = vector.broadcast %add3A_177 : i32 to vector<16xi32>
      %add3A_179 = arith.addi %add3A_27, %add3A_178 : vector<16xi32>
      %gather3A_180 = tpu.vector_load_idx %arg6[%add3A_179] : memref<32768xf32, #tpu.memory_space<vmem>>[vector<16xi32>], vector<16xf32>,
      %broadcast_in_dim3A_181 = arith.constant 3 : i32
      %broadcast_in_dim3A_182 = vector.broadcast %broadcast_in_dim3A_181 : i32 to vector<16xi32>
      %gt3A_183 = arith.cmpf ogt, %gather3A_180, %select_n3A_133 : vector<16xf32>
      %select_n3A_184 = arith.select %gt3A_183, %gather3A_180, %select_n3A_133 : vector<16xi1>, vector<16xf32>
      %select_n3A_185 = arith.select %gt3A_183, %broadcast_in_dim3A_182, %select_n3A_134 : vector<16xi1>, vector<16xi32>
      %select_n3A_186 = arith.select %gt3A_183, %select_n3A_133, %gather3A_180 : vector<16xi1>, vector<16xf32>
      %select_n3A_187 = arith.select %gt3A_183, %select_n3A_134, %broadcast_in_dim3A_182 : vector<16xi1>, vector<16xi32>
      %gt3A_188 = arith.cmpf ogt, %select_n3A_186, %select_n3A_139 : vector<16xf32>
      %or3A_189 = arith.ori %gt3A_183, %gt3A_188 : vector<16xi1>
      %select_n3A_190 = arith.select %or3A_189, %select_n3A_186, %select_n3A_139 : vector<16xi1>, vector<16xf32>
      %select_n3A_191 = arith.select %or3A_189, %select_n3A_187, %select_n3A_140 : vector<16xi1>, vector<16xi32>
      %select_n3A_192 = arith.select %or3A_189, %select_n3A_139, %select_n3A_186 : vector<16xi1>, vector<16xf32>
      %select_n3A_193 = arith.select %or3A_189, %select_n3A_140, %select_n3A_187 : vector<16xi1>, vector<16xi32>
      %gt3A_194 = arith.cmpf ogt, %select_n3A_192, %select_n3A_145 : vector<16xf32>
      %or3A_195 = arith.ori %or3A_189, %gt3A_194 : vector<16xi1>
      %select_n3A_196 = arith.select %or3A_195, %select_n3A_192, %select_n3A_145 : vector<16xi1>, vector<16xf32>
      %select_n3A_197 = arith.select %or3A_195, %select_n3A_193, %select_n3A_146 : vector<16xi1>, vector<16xi32>
      %select_n3A_198 = arith.select %or3A_195, %select_n3A_145, %select_n3A_192 : vector<16xi1>, vector<16xf32>
      %select_n3A_199 = arith.select %or3A_195, %select_n3A_146, %select_n3A_193 : vector<16xi1>, vector<16xi32>
      %gt3A_200 = arith.cmpf ogt, %select_n3A_198, %select_n3A_151 : vector<16xf32>
      %or3A_201 = arith.ori %or3A_195, %gt3A_200 : vector<16xi1>
      %select_n3A_202 = arith.select %or3A_201, %select_n3A_198, %select_n3A_151 : vector<16xi1>, vector<16xf32>
      %select_n3A_203 = arith.select %or3A_201, %select_n3A_199, %select_n3A_152 : vector<16xi1>, vector<16xi32>
      %select_n3A_204 = arith.select %or3A_201, %select_n3A_151, %select_n3A_198 : vector<16xi1>, vector<16xf32>
      %select_n3A_205 = arith.select %or3A_201, %select_n3A_152, %select_n3A_199 : vector<16xi1>, vector<16xi32>
      %gt3A_206 = arith.cmpf ogt, %select_n3A_204, %select_n3A_157 : vector<16xf32>
      %or3A_207 = arith.ori %or3A_201, %gt3A_206 : vector<16xi1>
      %select_n3A_208 = arith.select %or3A_207, %select_n3A_204, %select_n3A_157 : vector<16xi1>, vector<16xf32>
      %select_n3A_209 = arith.select %or3A_207, %select_n3A_205, %select_n3A_158 : vector<16xi1>, vector<16xi32>
      %select_n3A_210 = arith.select %or3A_207, %select_n3A_157, %select_n3A_204 : vector<16xi1>, vector<16xf32>
      %select_n3A_211 = arith.select %or3A_207, %select_n3A_158, %select_n3A_205 : vector<16xi1>, vector<16xi32>
      %gt3A_212 = arith.cmpf ogt, %select_n3A_210, %select_n3A_163 : vector<16xf32>
      %or3A_213 = arith.ori %or3A_207, %gt3A_212 : vector<16xi1>
      %select_n3A_214 = arith.select %or3A_213, %select_n3A_210, %select_n3A_163 : vector<16xi1>, vector<16xf32>
      %select_n3A_215 = arith.select %or3A_213, %select_n3A_211, %select_n3A_164 : vector<16xi1>, vector<16xi32>
      %select_n3A_216 = arith.select %or3A_213, %select_n3A_163, %select_n3A_210 : vector<16xi1>, vector<16xf32>
      %select_n3A_217 = arith.select %or3A_213, %select_n3A_164, %select_n3A_211 : vector<16xi1>, vector<16xi32>
      %gt3A_218 = arith.cmpf ogt, %select_n3A_216, %select_n3A_169 : vector<16xf32>
      %or3A_219 = arith.ori %or3A_213, %gt3A_218 : vector<16xi1>
      %select_n3A_220 = arith.select %or3A_219, %select_n3A_216, %select_n3A_169 : vector<16xi1>, vector<16xf32>
      %select_n3A_221 = arith.select %or3A_219, %select_n3A_217, %select_n3A_170 : vector<16xi1>, vector<16xi32>
      %select_n3A_222 = arith.select %or3A_219, %select_n3A_169, %select_n3A_216 : vector<16xi1>, vector<16xf32>
      %select_n3A_223 = arith.select %or3A_219, %select_n3A_170, %select_n3A_217 : vector<16xi1>, vector<16xi32>
      %gt3A_224 = arith.cmpf ogt, %select_n3A_222, %select_n3A_175 : vector<16xf32>
      %or3A_225 = arith.ori %or3A_219, %gt3A_224 : vector<16xi1>
      %select_n3A_226 = arith.select %or3A_225, %select_n3A_222, %select_n3A_175 : vector<16xi1>, vector<16xf32>
      %select_n3A_227 = arith.select %or3A_225, %select_n3A_223, %select_n3A_176 : vector<16xi1>, vector<16xi32>
      %add3A_228 = arith.constant 4 : i32
      %add3A_229 = vector.broadcast %add3A_228 : i32 to vector<16xi32>
      %add3A_230 = arith.addi %add3A_27, %add3A_229 : vector<16xi32>
      %gather3A_231 = tpu.vector_load_idx %arg6[%add3A_230] : memref<32768xf32, #tpu.memory_space<vmem>>[vector<16xi32>], vector<16xf32>,
      %broadcast_in_dim3A_232 = arith.constant 4 : i32
      %broadcast_in_dim3A_233 = vector.broadcast %broadcast_in_dim3A_232 : i32 to vector<16xi32>
      %gt3A_234 = arith.cmpf ogt, %gather3A_231, %select_n3A_184 : vector<16xf32>
      %select_n3A_235 = arith.select %gt3A_234, %gather3A_231, %select_n3A_184 : vector<16xi1>, vector<16xf32>
      %select_n3A_236 = arith.select %gt3A_234, %broadcast_in_dim3A_233, %select_n3A_185 : vector<16xi1>, vector<16xi32>
      %select_n3A_237 = arith.select %gt3A_234, %select_n3A_184, %gather3A_231 : vector<16xi1>, vector<16xf32>
      %select_n3A_238 = arith.select %gt3A_234, %select_n3A_185, %broadcast_in_dim3A_233 : vector<16xi1>, vector<16xi32>
      %gt3A_239 = arith.cmpf ogt, %select_n3A_237, %select_n3A_190 : vector<16xf32>
      %or3A_240 = arith.ori %gt3A_234, %gt3A_239 : vector<16xi1>
      %select_n3A_241 = arith.select %or3A_240, %select_n3A_237, %select_n3A_190 : vector<16xi1>, vector<16xf32>
      %select_n3A_242 = arith.select %or3A_240, %select_n3A_238, %select_n3A_191 : vector<16xi1>, vector<16xi32>
      %select_n3A_243 = arith.select %or3A_240, %select_n3A_190, %select_n3A_237 : vector<16xi1>, vector<16xf32>
      %select_n3A_244 = arith.select %or3A_240, %select_n3A_191, %select_n3A_238 : vector<16xi1>, vector<16xi32>
      %gt3A_245 = arith.cmpf ogt, %select_n3A_243, %select_n3A_196 : vector<16xf32>
      %or3A_246 = arith.ori %or3A_240, %gt3A_245 : vector<16xi1>
      %select_n3A_247 = arith.select %or3A_246, %select_n3A_243, %select_n3A_196 : vector<16xi1>, vector<16xf32>
      %select_n3A_248 = arith.select %or3A_246, %select_n3A_244, %select_n3A_197 : vector<16xi1>, vector<16xi32>
      %select_n3A_249 = arith.select %or3A_246, %select_n3A_196, %select_n3A_243 : vector<16xi1>, vector<16xf32>
      %select_n3A_250 = arith.select %or3A_246, %select_n3A_197, %select_n3A_244 : vector<16xi1>, vector<16xi32>
      %gt3A_251 = arith.cmpf ogt, %select_n3A_249, %select_n3A_202 : vector<16xf32>
      %or3A_252 = arith.ori %or3A_246, %gt3A_251 : vector<16xi1>
      %select_n3A_253 = arith.select %or3A_252, %select_n3A_249, %select_n3A_202 : vector<16xi1>, vector<16xf32>
      %select_n3A_254 = arith.select %or3A_252, %select_n3A_250, %select_n3A_203 : vector<16xi1>, vector<16xi32>
      %select_n3A_255 = arith.select %or3A_252, %select_n3A_202, %select_n3A_249 : vector<16xi1>, vector<16xf32>
      %select_n3A_256 = arith.select %or3A_252, %select_n3A_203, %select_n3A_250 : vector<16xi1>, vector<16xi32>
      %gt3A_257 = arith.cmpf ogt, %select_n3A_255, %select_n3A_208 : vector<16xf32>
      %or3A_258 = arith.ori %or3A_252, %gt3A_257 : vector<16xi1>
      %select_n3A_259 = arith.select %or3A_258, %select_n3A_255, %select_n3A_208 : vector<16xi1>, vector<16xf32>
      %select_n3A_260 = arith.select %or3A_258, %select_n3A_256, %select_n3A_209 : vector<16xi1>, vector<16xi32>
      %select_n3A_261 = arith.select %or3A_258, %select_n3A_208, %select_n3A_255 : vector<16xi1>, vector<16xf32>
      %select_n3A_262 = arith.select %or3A_258, %select_n3A_209, %select_n3A_256 : vector<16xi1>, vector<16xi32>
      %gt3A_263 = arith.cmpf ogt, %select_n3A_261, %select_n3A_214 : vector<16xf32>
      %or3A_264 = arith.ori %or3A_258, %gt3A_263 : vector<16xi1>
      %select_n3A_265 = arith.select %or3A_264, %select_n3A_261, %select_n3A_214 : vector<16xi1>, vector<16xf32>
      %select_n3A_266 = arith.select %or3A_264, %select_n3A_262, %select_n3A_215 : vector<16xi1>, vector<16xi32>
      %select_n3A_267 = arith.select %or3A_264, %select_n3A_214, %select_n3A_261 : vector<16xi1>, vector<16xf32>
      %select_n3A_268 = arith.select %or3A_264, %select_n3A_215, %select_n3A_262 : vector<16xi1>, vector<16xi32>
      %gt3A_269 = arith.cmpf ogt, %select_n3A_267, %select_n3A_220 : vector<16xf32>
      %or3A_270 = arith.ori %or3A_264, %gt3A_269 : vector<16xi1>
      %select_n3A_271 = arith.select %or3A_270, %select_n3A_267, %select_n3A_220 : vector<16xi1>, vector<16xf32>
      %select_n3A_272 = arith.select %or3A_270, %select_n3A_268, %select_n3A_221 : vector<16xi1>, vector<16xi32>
      %select_n3A_273 = arith.select %or3A_270, %select_n3A_220, %select_n3A_267 : vector<16xi1>, vector<16xf32>
      %select_n3A_274 = arith.select %or3A_270, %select_n3A_221, %select_n3A_268 : vector<16xi1>, vector<16xi32>
      %gt3A_275 = arith.cmpf ogt, %select_n3A_273, %select_n3A_226 : vector<16xf32>
      %or3A_276 = arith.ori %or3A_270, %gt3A_275 : vector<16xi1>
      %select_n3A_277 = arith.select %or3A_276, %select_n3A_273, %select_n3A_226 : vector<16xi1>, vector<16xf32>
      %select_n3A_278 = arith.select %or3A_276, %select_n3A_274, %select_n3A_227 : vector<16xi1>, vector<16xi32>
      %add3A_279 = arith.constant 5 : i32
      %add3A_280 = vector.broadcast %add3A_279 : i32 to vector<16xi32>
      %add3A_281 = arith.addi %add3A_27, %add3A_280 : vector<16xi32>
      %gather3A_282 = tpu.vector_load_idx %arg6[%add3A_281] : memref<32768xf32, #tpu.memory_space<vmem>>[vector<16xi32>], vector<16xf32>,
      %broadcast_in_dim3A_283 = arith.constant 5 : i32
      %broadcast_in_dim3A_284 = vector.broadcast %broadcast_in_dim3A_283 : i32 to vector<16xi32>
      %gt3A_285 = arith.cmpf ogt, %gather3A_282, %select_n3A_235 : vector<16xf32>
      %select_n3A_286 = arith.select %gt3A_285, %gather3A_282, %select_n3A_235 : vector<16xi1>, vector<16xf32>
      %select_n3A_287 = arith.select %gt3A_285, %broadcast_in_dim3A_284, %select_n3A_236 : vector<16xi1>, vector<16xi32>
      %select_n3A_288 = arith.select %gt3A_285, %select_n3A_235, %gather3A_282 : vector<16xi1>, vector<16xf32>
      %select_n3A_289 = arith.select %gt3A_285, %select_n3A_236, %broadcast_in_dim3A_284 : vector<16xi1>, vector<16xi32>
      %gt3A_290 = arith.cmpf ogt, %select_n3A_288, %select_n3A_241 : vector<16xf32>
      %or3A_291 = arith.ori %gt3A_285, %gt3A_290 : vector<16xi1>
      %select_n3A_292 = arith.select %or3A_291, %select_n3A_288, %select_n3A_241 : vector<16xi1>, vector<16xf32>
      %select_n3A_293 = arith.select %or3A_291, %select_n3A_289, %select_n3A_242 : vector<16xi1>, vector<16xi32>
      %select_n3A_294 = arith.select %or3A_291, %select_n3A_241, %select_n3A_288 : vector<16xi1>, vector<16xf32>
      %select_n3A_295 = arith.select %or3A_291, %select_n3A_242, %select_n3A_289 : vector<16xi1>, vector<16xi32>
      %gt3A_296 = arith.cmpf ogt, %select_n3A_294, %select_n3A_247 : vector<16xf32>
      %or3A_297 = arith.ori %or3A_291, %gt3A_296 : vector<16xi1>
      %select_n3A_298 = arith.select %or3A_297, %select_n3A_294, %select_n3A_247 : vector<16xi1>, vector<16xf32>
      %select_n3A_299 = arith.select %or3A_297, %select_n3A_295, %select_n3A_248 : vector<16xi1>, vector<16xi32>
      %select_n3A_300 = arith.select %or3A_297, %select_n3A_247, %select_n3A_294 : vector<16xi1>, vector<16xf32>
      %select_n3A_301 = arith.select %or3A_297, %select_n3A_248, %select_n3A_295 : vector<16xi1>, vector<16xi32>
      %gt3A_302 = arith.cmpf ogt, %select_n3A_300, %select_n3A_253 : vector<16xf32>
      %or3A_303 = arith.ori %or3A_297, %gt3A_302 : vector<16xi1>
      %select_n3A_304 = arith.select %or3A_303, %select_n3A_300, %select_n3A_253 : vector<16xi1>, vector<16xf32>
      %select_n3A_305 = arith.select %or3A_303, %select_n3A_301, %select_n3A_254 : vector<16xi1>, vector<16xi32>
      %select_n3A_306 = arith.select %or3A_303, %select_n3A_253, %select_n3A_300 : vector<16xi1>, vector<16xf32>
      %select_n3A_307 = arith.select %or3A_303, %select_n3A_254, %select_n3A_301 : vector<16xi1>, vector<16xi32>
      %gt3A_308 = arith.cmpf ogt, %select_n3A_306, %select_n3A_259 : vector<16xf32>
      %or3A_309 = arith.ori %or3A_303, %gt3A_308 : vector<16xi1>
      %select_n3A_310 = arith.select %or3A_309, %select_n3A_306, %select_n3A_259 : vector<16xi1>, vector<16xf32>
      %select_n3A_311 = arith.select %or3A_309, %select_n3A_307, %select_n3A_260 : vector<16xi1>, vector<16xi32>
      %select_n3A_312 = arith.select %or3A_309, %select_n3A_259, %select_n3A_306 : vector<16xi1>, vector<16xf32>
      %select_n3A_313 = arith.select %or3A_309, %select_n3A_260, %select_n3A_307 : vector<16xi1>, vector<16xi32>
      %gt3A_314 = arith.cmpf ogt, %select_n3A_312, %select_n3A_265 : vector<16xf32>
      %or3A_315 = arith.ori %or3A_309, %gt3A_314 : vector<16xi1>
      %select_n3A_316 = arith.select %or3A_315, %select_n3A_312, %select_n3A_265 : vector<16xi1>, vector<16xf32>
      %select_n3A_317 = arith.select %or3A_315, %select_n3A_313, %select_n3A_266 : vector<16xi1>, vector<16xi32>
      %select_n3A_318 = arith.select %or3A_315, %select_n3A_265, %select_n3A_312 : vector<16xi1>, vector<16xf32>
      %select_n3A_319 = arith.select %or3A_315, %select_n3A_266, %select_n3A_313 : vector<16xi1>, vector<16xi32>
      %gt3A_320 = arith.cmpf ogt, %select_n3A_318, %select_n3A_271 : vector<16xf32>
      %or3A_321 = arith.ori %or3A_315, %gt3A_320 : vector<16xi1>
      %select_n3A_322 = arith.select %or3A_321, %select_n3A_318, %select_n3A_271 : vector<16xi1>, vector<16xf32>
      %select_n3A_323 = arith.select %or3A_321, %select_n3A_319, %select_n3A_272 : vector<16xi1>, vector<16xi32>
      %select_n3A_324 = arith.select %or3A_321, %select_n3A_271, %select_n3A_318 : vector<16xi1>, vector<16xf32>
      %select_n3A_325 = arith.select %or3A_321, %select_n3A_272, %select_n3A_319 : vector<16xi1>, vector<16xi32>
      %gt3A_326 = arith.cmpf ogt, %select_n3A_324, %select_n3A_277 : vector<16xf32>
      %or3A_327 = arith.ori %or3A_321, %gt3A_326 : vector<16xi1>
      %select_n3A_328 = arith.select %or3A_327, %select_n3A_324, %select_n3A_277 : vector<16xi1>, vector<16xf32>
      %select_n3A_329 = arith.select %or3A_327, %select_n3A_325, %select_n3A_278 : vector<16xi1>, vector<16xi32>
      %add3A_330 = arith.constant 6 : i32
      %add3A_331 = vector.broadcast %add3A_330 : i32 to vector<16xi32>
      %add3A_332 = arith.addi %add3A_27, %add3A_331 : vector<16xi32>
      %gather3A_333 = tpu.vector_load_idx %arg6[%add3A_332] : memref<32768xf32, #tpu.memory_space<vmem>>[vector<16xi32>], vector<16xf32>,
      %broadcast_in_dim3A_334 = arith.constant 6 : i32
      %broadcast_in_dim3A_335 = vector.broadcast %broadcast_in_dim3A_334 : i32 to vector<16xi32>
      %gt3A_336 = arith.cmpf ogt, %gather3A_333, %select_n3A_286 : vector<16xf32>
      %select_n3A_337 = arith.select %gt3A_336, %gather3A_333, %select_n3A_286 : vector<16xi1>, vector<16xf32>
      %select_n3A_338 = arith.select %gt3A_336, %broadcast_in_dim3A_335, %select_n3A_287 : vector<16xi1>, vector<16xi32>
      %select_n3A_339 = arith.select %gt3A_336, %select_n3A_286, %gather3A_333 : vector<16xi1>, vector<16xf32>
      %select_n3A_340 = arith.select %gt3A_336, %select_n3A_287, %broadcast_in_dim3A_335 : vector<16xi1>, vector<16xi32>
      %gt3A_341 = arith.cmpf ogt, %select_n3A_339, %select_n3A_292 : vector<16xf32>
      %or3A_342 = arith.ori %gt3A_336, %gt3A_341 : vector<16xi1>
      %select_n3A_343 = arith.select %or3A_342, %select_n3A_339, %select_n3A_292 : vector<16xi1>, vector<16xf32>
      %select_n3A_344 = arith.select %or3A_342, %select_n3A_340, %select_n3A_293 : vector<16xi1>, vector<16xi32>
      %select_n3A_345 = arith.select %or3A_342, %select_n3A_292, %select_n3A_339 : vector<16xi1>, vector<16xf32>
      %select_n3A_346 = arith.select %or3A_342, %select_n3A_293, %select_n3A_340 : vector<16xi1>, vector<16xi32>
      %gt3A_347 = arith.cmpf ogt, %select_n3A_345, %select_n3A_298 : vector<16xf32>
      %or3A_348 = arith.ori %or3A_342, %gt3A_347 : vector<16xi1>
      %select_n3A_349 = arith.select %or3A_348, %select_n3A_345, %select_n3A_298 : vector<16xi1>, vector<16xf32>
      %select_n3A_350 = arith.select %or3A_348, %select_n3A_346, %select_n3A_299 : vector<16xi1>, vector<16xi32>
      %select_n3A_351 = arith.select %or3A_348, %select_n3A_298, %select_n3A_345 : vector<16xi1>, vector<16xf32>
      %select_n3A_352 = arith.select %or3A_348, %select_n3A_299, %select_n3A_346 : vector<16xi1>, vector<16xi32>
      %gt3A_353 = arith.cmpf ogt, %select_n3A_351, %select_n3A_304 : vector<16xf32>
      %or3A_354 = arith.ori %or3A_348, %gt3A_353 : vector<16xi1>
      %select_n3A_355 = arith.select %or3A_354, %select_n3A_351, %select_n3A_304 : vector<16xi1>, vector<16xf32>
      %select_n3A_356 = arith.select %or3A_354, %select_n3A_352, %select_n3A_305 : vector<16xi1>, vector<16xi32>
      %select_n3A_357 = arith.select %or3A_354, %select_n3A_304, %select_n3A_351 : vector<16xi1>, vector<16xf32>
      %select_n3A_358 = arith.select %or3A_354, %select_n3A_305, %select_n3A_352 : vector<16xi1>, vector<16xi32>
      %gt3A_359 = arith.cmpf ogt, %select_n3A_357, %select_n3A_310 : vector<16xf32>
      %or3A_360 = arith.ori %or3A_354, %gt3A_359 : vector<16xi1>
      %select_n3A_361 = arith.select %or3A_360, %select_n3A_357, %select_n3A_310 : vector<16xi1>, vector<16xf32>
      %select_n3A_362 = arith.select %or3A_360, %select_n3A_358, %select_n3A_311 : vector<16xi1>, vector<16xi32>
      %select_n3A_363 = arith.select %or3A_360, %select_n3A_310, %select_n3A_357 : vector<16xi1>, vector<16xf32>
      %select_n3A_364 = arith.select %or3A_360, %select_n3A_311, %select_n3A_358 : vector<16xi1>, vector<16xi32>
      %gt3A_365 = arith.cmpf ogt, %select_n3A_363, %select_n3A_316 : vector<16xf32>
      %or3A_366 = arith.ori %or3A_360, %gt3A_365 : vector<16xi1>
      %select_n3A_367 = arith.select %or3A_366, %select_n3A_363, %select_n3A_316 : vector<16xi1>, vector<16xf32>
      %select_n3A_368 = arith.select %or3A_366, %select_n3A_364, %select_n3A_317 : vector<16xi1>, vector<16xi32>
      %select_n3A_369 = arith.select %or3A_366, %select_n3A_316, %select_n3A_363 : vector<16xi1>, vector<16xf32>
      %select_n3A_370 = arith.select %or3A_366, %select_n3A_317, %select_n3A_364 : vector<16xi1>, vector<16xi32>
      %gt3A_371 = arith.cmpf ogt, %select_n3A_369, %select_n3A_322 : vector<16xf32>
      %or3A_372 = arith.ori %or3A_366, %gt3A_371 : vector<16xi1>
      %select_n3A_373 = arith.select %or3A_372, %select_n3A_369, %select_n3A_322 : vector<16xi1>, vector<16xf32>
      %select_n3A_374 = arith.select %or3A_372, %select_n3A_370, %select_n3A_323 : vector<16xi1>, vector<16xi32>
      %select_n3A_375 = arith.select %or3A_372, %select_n3A_322, %select_n3A_369 : vector<16xi1>, vector<16xf32>
      %select_n3A_376 = arith.select %or3A_372, %select_n3A_323, %select_n3A_370 : vector<16xi1>, vector<16xi32>
      %gt3A_377 = arith.cmpf ogt, %select_n3A_375, %select_n3A_328 : vector<16xf32>
      %or3A_378 = arith.ori %or3A_372, %gt3A_377 : vector<16xi1>
      %select_n3A_379 = arith.select %or3A_378, %select_n3A_375, %select_n3A_328 : vector<16xi1>, vector<16xf32>
      %select_n3A_380 = arith.select %or3A_378, %select_n3A_376, %select_n3A_329 : vector<16xi1>, vector<16xi32>
      %add3A_381 = arith.constant 7 : i32
      %add3A_382 = vector.broadcast %add3A_381 : i32 to vector<16xi32>
      %add3A_383 = arith.addi %add3A_27, %add3A_382 : vector<16xi32>
      %gather3A_384 = tpu.vector_load_idx %arg6[%add3A_383] : memref<32768xf32, #tpu.memory_space<vmem>>[vector<16xi32>], vector<16xf32>,
      %broadcast_in_dim3A_385 = arith.constant 7 : i32
      %broadcast_in_dim3A_386 = vector.broadcast %broadcast_in_dim3A_385 : i32 to vector<16xi32>
      %gt3A_387 = arith.cmpf ogt, %gather3A_384, %select_n3A_337 : vector<16xf32>
      %select_n3A_388 = arith.select %gt3A_387, %gather3A_384, %select_n3A_337 : vector<16xi1>, vector<16xf32>
      %select_n3A_389 = arith.select %gt3A_387, %broadcast_in_dim3A_386, %select_n3A_338 : vector<16xi1>, vector<16xi32>
      %select_n3A_390 = arith.select %gt3A_387, %select_n3A_337, %gather3A_384 : vector<16xi1>, vector<16xf32>
      %select_n3A_391 = arith.select %gt3A_387, %select_n3A_338, %broadcast_in_dim3A_386 : vector<16xi1>, vector<16xi32>
      %gt3A_392 = arith.cmpf ogt, %select_n3A_390, %select_n3A_343 : vector<16xf32>
      %or3A_393 = arith.ori %gt3A_387, %gt3A_392 : vector<16xi1>
      %select_n3A_394 = arith.select %or3A_393, %select_n3A_390, %select_n3A_343 : vector<16xi1>, vector<16xf32>
      %select_n3A_395 = arith.select %or3A_393, %select_n3A_391, %select_n3A_344 : vector<16xi1>, vector<16xi32>
      %select_n3A_396 = arith.select %or3A_393, %select_n3A_343, %select_n3A_390 : vector<16xi1>, vector<16xf32>
      %select_n3A_397 = arith.select %or3A_393, %select_n3A_344, %select_n3A_391 : vector<16xi1>, vector<16xi32>
      %gt3A_398 = arith.cmpf ogt, %select_n3A_396, %select_n3A_349 : vector<16xf32>
      %or3A_399 = arith.ori %or3A_393, %gt3A_398 : vector<16xi1>
      %select_n3A_400 = arith.select %or3A_399, %select_n3A_396, %select_n3A_349 : vector<16xi1>, vector<16xf32>
      %select_n3A_401 = arith.select %or3A_399, %select_n3A_397, %select_n3A_350 : vector<16xi1>, vector<16xi32>
      %select_n3A_402 = arith.select %or3A_399, %select_n3A_349, %select_n3A_396 : vector<16xi1>, vector<16xf32>
      %select_n3A_403 = arith.select %or3A_399, %select_n3A_350, %select_n3A_397 : vector<16xi1>, vector<16xi32>
      %gt3A_404 = arith.cmpf ogt, %select_n3A_402, %select_n3A_355 : vector<16xf32>
      %or3A_405 = arith.ori %or3A_399, %gt3A_404 : vector<16xi1>
      %select_n3A_406 = arith.select %or3A_405, %select_n3A_402, %select_n3A_355 : vector<16xi1>, vector<16xf32>
      %select_n3A_407 = arith.select %or3A_405, %select_n3A_403, %select_n3A_356 : vector<16xi1>, vector<16xi32>
      %select_n3A_408 = arith.select %or3A_405, %select_n3A_355, %select_n3A_402 : vector<16xi1>, vector<16xf32>
      %select_n3A_409 = arith.select %or3A_405, %select_n3A_356, %select_n3A_403 : vector<16xi1>, vector<16xi32>
      %gt3A_410 = arith.cmpf ogt, %select_n3A_408, %select_n3A_361 : vector<16xf32>
      %or3A_411 = arith.ori %or3A_405, %gt3A_410 : vector<16xi1>
      %select_n3A_412 = arith.select %or3A_411, %select_n3A_408, %select_n3A_361 : vector<16xi1>, vector<16xf32>
      %select_n3A_413 = arith.select %or3A_411, %select_n3A_409, %select_n3A_362 : vector<16xi1>, vector<16xi32>
      %select_n3A_414 = arith.select %or3A_411, %select_n3A_361, %select_n3A_408 : vector<16xi1>, vector<16xf32>
      %select_n3A_415 = arith.select %or3A_411, %select_n3A_362, %select_n3A_409 : vector<16xi1>, vector<16xi32>
      %gt3A_416 = arith.cmpf ogt, %select_n3A_414, %select_n3A_367 : vector<16xf32>
      %or3A_417 = arith.ori %or3A_411, %gt3A_416 : vector<16xi1>
      %select_n3A_418 = arith.select %or3A_417, %select_n3A_414, %select_n3A_367 : vector<16xi1>, vector<16xf32>
      %select_n3A_419 = arith.select %or3A_417, %select_n3A_415, %select_n3A_368 : vector<16xi1>, vector<16xi32>
      %select_n3A_420 = arith.select %or3A_417, %select_n3A_367, %select_n3A_414 : vector<16xi1>, vector<16xf32>
      %select_n3A_421 = arith.select %or3A_417, %select_n3A_368, %select_n3A_415 : vector<16xi1>, vector<16xi32>
      %gt3A_422 = arith.cmpf ogt, %select_n3A_420, %select_n3A_373 : vector<16xf32>
      %or3A_423 = arith.ori %or3A_417, %gt3A_422 : vector<16xi1>
      %select_n3A_424 = arith.select %or3A_423, %select_n3A_420, %select_n3A_373 : vector<16xi1>, vector<16xf32>
      %select_n3A_425 = arith.select %or3A_423, %select_n3A_421, %select_n3A_374 : vector<16xi1>, vector<16xi32>
      %select_n3A_426 = arith.select %or3A_423, %select_n3A_373, %select_n3A_420 : vector<16xi1>, vector<16xf32>
      %select_n3A_427 = arith.select %or3A_423, %select_n3A_374, %select_n3A_421 : vector<16xi1>, vector<16xi32>
      %gt3A_428 = arith.cmpf ogt, %select_n3A_426, %select_n3A_379 : vector<16xf32>
      %or3A_429 = arith.ori %or3A_423, %gt3A_428 : vector<16xi1>
      %select_n3A_430 = arith.select %or3A_429, %select_n3A_426, %select_n3A_379 : vector<16xi1>, vector<16xf32>
      %select_n3A_431 = arith.select %or3A_429, %select_n3A_427, %select_n3A_380 : vector<16xi1>, vector<16xi32>
      %add3A_432 = arith.constant 8 : i32
      %add3A_433 = vector.broadcast %add3A_432 : i32 to vector<16xi32>
      %add3A_434 = arith.addi %add3A_27, %add3A_433 : vector<16xi32>
      %gather3A_435 = tpu.vector_load_idx %arg6[%add3A_434] : memref<32768xf32, #tpu.memory_space<vmem>>[vector<16xi32>], vector<16xf32>,
      %broadcast_in_dim3A_436 = arith.constant 8 : i32
      %broadcast_in_dim3A_437 = vector.broadcast %broadcast_in_dim3A_436 : i32 to vector<16xi32>
      %gt3A_438 = arith.cmpf ogt, %gather3A_435, %select_n3A_388 : vector<16xf32>
      %select_n3A_439 = arith.select %gt3A_438, %gather3A_435, %select_n3A_388 : vector<16xi1>, vector<16xf32>
      %select_n3A_440 = arith.select %gt3A_438, %broadcast_in_dim3A_437, %select_n3A_389 : vector<16xi1>, vector<16xi32>
      %select_n3A_441 = arith.select %gt3A_438, %select_n3A_388, %gather3A_435 : vector<16xi1>, vector<16xf32>
      %select_n3A_442 = arith.select %gt3A_438, %select_n3A_389, %broadcast_in_dim3A_437 : vector<16xi1>, vector<16xi32>
      %gt3A_443 = arith.cmpf ogt, %select_n3A_441, %select_n3A_394 : vector<16xf32>
      %or3A_444 = arith.ori %gt3A_438, %gt3A_443 : vector<16xi1>
      %select_n3A_445 = arith.select %or3A_444, %select_n3A_441, %select_n3A_394 : vector<16xi1>, vector<16xf32>
      %select_n3A_446 = arith.select %or3A_444, %select_n3A_442, %select_n3A_395 : vector<16xi1>, vector<16xi32>
      %select_n3A_447 = arith.select %or3A_444, %select_n3A_394, %select_n3A_441 : vector<16xi1>, vector<16xf32>
      %select_n3A_448 = arith.select %or3A_444, %select_n3A_395, %select_n3A_442 : vector<16xi1>, vector<16xi32>
      %gt3A_449 = arith.cmpf ogt, %select_n3A_447, %select_n3A_400 : vector<16xf32>
      %or3A_450 = arith.ori %or3A_444, %gt3A_449 : vector<16xi1>
      %select_n3A_451 = arith.select %or3A_450, %select_n3A_447, %select_n3A_400 : vector<16xi1>, vector<16xf32>
      %select_n3A_452 = arith.select %or3A_450, %select_n3A_448, %select_n3A_401 : vector<16xi1>, vector<16xi32>
      %select_n3A_453 = arith.select %or3A_450, %select_n3A_400, %select_n3A_447 : vector<16xi1>, vector<16xf32>
      %select_n3A_454 = arith.select %or3A_450, %select_n3A_401, %select_n3A_448 : vector<16xi1>, vector<16xi32>
      %gt3A_455 = arith.cmpf ogt, %select_n3A_453, %select_n3A_406 : vector<16xf32>
      %or3A_456 = arith.ori %or3A_450, %gt3A_455 : vector<16xi1>
      %select_n3A_457 = arith.select %or3A_456, %select_n3A_453, %select_n3A_406 : vector<16xi1>, vector<16xf32>
      %select_n3A_458 = arith.select %or3A_456, %select_n3A_454, %select_n3A_407 : vector<16xi1>, vector<16xi32>
      %select_n3A_459 = arith.select %or3A_456, %select_n3A_406, %select_n3A_453 : vector<16xi1>, vector<16xf32>
      %select_n3A_460 = arith.select %or3A_456, %select_n3A_407, %select_n3A_454 : vector<16xi1>, vector<16xi32>
      %gt3A_461 = arith.cmpf ogt, %select_n3A_459, %select_n3A_412 : vector<16xf32>
      %or3A_462 = arith.ori %or3A_456, %gt3A_461 : vector<16xi1>
      %select_n3A_463 = arith.select %or3A_462, %select_n3A_459, %select_n3A_412 : vector<16xi1>, vector<16xf32>
      %select_n3A_464 = arith.select %or3A_462, %select_n3A_460, %select_n3A_413 : vector<16xi1>, vector<16xi32>
      %select_n3A_465 = arith.select %or3A_462, %select_n3A_412, %select_n3A_459 : vector<16xi1>, vector<16xf32>
      %select_n3A_466 = arith.select %or3A_462, %select_n3A_413, %select_n3A_460 : vector<16xi1>, vector<16xi32>
      %gt3A_467 = arith.cmpf ogt, %select_n3A_465, %select_n3A_418 : vector<16xf32>
      %or3A_468 = arith.ori %or3A_462, %gt3A_467 : vector<16xi1>
      %select_n3A_469 = arith.select %or3A_468, %select_n3A_465, %select_n3A_418 : vector<16xi1>, vector<16xf32>
      %select_n3A_470 = arith.select %or3A_468, %select_n3A_466, %select_n3A_419 : vector<16xi1>, vector<16xi32>
      %select_n3A_471 = arith.select %or3A_468, %select_n3A_418, %select_n3A_465 : vector<16xi1>, vector<16xf32>
      %select_n3A_472 = arith.select %or3A_468, %select_n3A_419, %select_n3A_466 : vector<16xi1>, vector<16xi32>
      %gt3A_473 = arith.cmpf ogt, %select_n3A_471, %select_n3A_424 : vector<16xf32>
      %or3A_474 = arith.ori %or3A_468, %gt3A_473 : vector<16xi1>
      %select_n3A_475 = arith.select %or3A_474, %select_n3A_471, %select_n3A_424 : vector<16xi1>, vector<16xf32>
      %select_n3A_476 = arith.select %or3A_474, %select_n3A_472, %select_n3A_425 : vector<16xi1>, vector<16xi32>
      %select_n3A_477 = arith.select %or3A_474, %select_n3A_424, %select_n3A_471 : vector<16xi1>, vector<16xf32>
      %select_n3A_478 = arith.select %or3A_474, %select_n3A_425, %select_n3A_472 : vector<16xi1>, vector<16xi32>
      %gt3A_479 = arith.cmpf ogt, %select_n3A_477, %select_n3A_430 : vector<16xf32>
      %or3A_480 = arith.ori %or3A_474, %gt3A_479 : vector<16xi1>
      %select_n3A_481 = arith.select %or3A_480, %select_n3A_477, %select_n3A_430 : vector<16xi1>, vector<16xf32>
      %select_n3A_482 = arith.select %or3A_480, %select_n3A_478, %select_n3A_431 : vector<16xi1>, vector<16xi32>
      %add3A_483 = arith.constant 9 : i32
      %add3A_484 = vector.broadcast %add3A_483 : i32 to vector<16xi32>
      %add3A_485 = arith.addi %add3A_27, %add3A_484 : vector<16xi32>
      %gather3A_486 = tpu.vector_load_idx %arg6[%add3A_485] : memref<32768xf32, #tpu.memory_space<vmem>>[vector<16xi32>], vector<16xf32>,
      %broadcast_in_dim3A_487 = arith.constant 9 : i32
      %broadcast_in_dim3A_488 = vector.broadcast %broadcast_in_dim3A_487 : i32 to vector<16xi32>
      %gt3A_489 = arith.cmpf ogt, %gather3A_486, %select_n3A_439 : vector<16xf32>
      %select_n3A_490 = arith.select %gt3A_489, %gather3A_486, %select_n3A_439 : vector<16xi1>, vector<16xf32>
      %select_n3A_491 = arith.select %gt3A_489, %broadcast_in_dim3A_488, %select_n3A_440 : vector<16xi1>, vector<16xi32>
      %select_n3A_492 = arith.select %gt3A_489, %select_n3A_439, %gather3A_486 : vector<16xi1>, vector<16xf32>
      %select_n3A_493 = arith.select %gt3A_489, %select_n3A_440, %broadcast_in_dim3A_488 : vector<16xi1>, vector<16xi32>
      %gt3A_494 = arith.cmpf ogt, %select_n3A_492, %select_n3A_445 : vector<16xf32>
      %or3A_495 = arith.ori %gt3A_489, %gt3A_494 : vector<16xi1>
      %select_n3A_496 = arith.select %or3A_495, %select_n3A_492, %select_n3A_445 : vector<16xi1>, vector<16xf32>
      %select_n3A_497 = arith.select %or3A_495, %select_n3A_493, %select_n3A_446 : vector<16xi1>, vector<16xi32>
      %select_n3A_498 = arith.select %or3A_495, %select_n3A_445, %select_n3A_492 : vector<16xi1>, vector<16xf32>
      %select_n3A_499 = arith.select %or3A_495, %select_n3A_446, %select_n3A_493 : vector<16xi1>, vector<16xi32>
      %gt3A_500 = arith.cmpf ogt, %select_n3A_498, %select_n3A_451 : vector<16xf32>
      %or3A_501 = arith.ori %or3A_495, %gt3A_500 : vector<16xi1>
      %select_n3A_502 = arith.select %or3A_501, %select_n3A_498, %select_n3A_451 : vector<16xi1>, vector<16xf32>
      %select_n3A_503 = arith.select %or3A_501, %select_n3A_499, %select_n3A_452 : vector<16xi1>, vector<16xi32>
      %select_n3A_504 = arith.select %or3A_501, %select_n3A_451, %select_n3A_498 : vector<16xi1>, vector<16xf32>
      %select_n3A_505 = arith.select %or3A_501, %select_n3A_452, %select_n3A_499 : vector<16xi1>, vector<16xi32>
      %gt3A_506 = arith.cmpf ogt, %select_n3A_504, %select_n3A_457 : vector<16xf32>
      %or3A_507 = arith.ori %or3A_501, %gt3A_506 : vector<16xi1>
      %select_n3A_508 = arith.select %or3A_507, %select_n3A_504, %select_n3A_457 : vector<16xi1>, vector<16xf32>
      %select_n3A_509 = arith.select %or3A_507, %select_n3A_505, %select_n3A_458 : vector<16xi1>, vector<16xi32>
      %select_n3A_510 = arith.select %or3A_507, %select_n3A_457, %select_n3A_504 : vector<16xi1>, vector<16xf32>
      %select_n3A_511 = arith.select %or3A_507, %select_n3A_458, %select_n3A_505 : vector<16xi1>, vector<16xi32>
      %gt3A_512 = arith.cmpf ogt, %select_n3A_510, %select_n3A_463 : vector<16xf32>
      %or3A_513 = arith.ori %or3A_507, %gt3A_512 : vector<16xi1>
      %select_n3A_514 = arith.select %or3A_513, %select_n3A_510, %select_n3A_463 : vector<16xi1>, vector<16xf32>
      %select_n3A_515 = arith.select %or3A_513, %select_n3A_511, %select_n3A_464 : vector<16xi1>, vector<16xi32>
      %select_n3A_516 = arith.select %or3A_513, %select_n3A_463, %select_n3A_510 : vector<16xi1>, vector<16xf32>
      %select_n3A_517 = arith.select %or3A_513, %select_n3A_464, %select_n3A_511 : vector<16xi1>, vector<16xi32>
      %gt3A_518 = arith.cmpf ogt, %select_n3A_516, %select_n3A_469 : vector<16xf32>
      %or3A_519 = arith.ori %or3A_513, %gt3A_518 : vector<16xi1>
      %select_n3A_520 = arith.select %or3A_519, %select_n3A_516, %select_n3A_469 : vector<16xi1>, vector<16xf32>
      %select_n3A_521 = arith.select %or3A_519, %select_n3A_517, %select_n3A_470 : vector<16xi1>, vector<16xi32>
      %select_n3A_522 = arith.select %or3A_519, %select_n3A_469, %select_n3A_516 : vector<16xi1>, vector<16xf32>
      %select_n3A_523 = arith.select %or3A_519, %select_n3A_470, %select_n3A_517 : vector<16xi1>, vector<16xi32>
      %gt3A_524 = arith.cmpf ogt, %select_n3A_522, %select_n3A_475 : vector<16xf32>
      %or3A_525 = arith.ori %or3A_519, %gt3A_524 : vector<16xi1>
      %select_n3A_526 = arith.select %or3A_525, %select_n3A_522, %select_n3A_475 : vector<16xi1>, vector<16xf32>
      %select_n3A_527 = arith.select %or3A_525, %select_n3A_523, %select_n3A_476 : vector<16xi1>, vector<16xi32>
      %select_n3A_528 = arith.select %or3A_525, %select_n3A_475, %select_n3A_522 : vector<16xi1>, vector<16xf32>
      %select_n3A_529 = arith.select %or3A_525, %select_n3A_476, %select_n3A_523 : vector<16xi1>, vector<16xi32>
      %gt3A_530 = arith.cmpf ogt, %select_n3A_528, %select_n3A_481 : vector<16xf32>
      %or3A_531 = arith.ori %or3A_525, %gt3A_530 : vector<16xi1>
      %select_n3A_532 = arith.select %or3A_531, %select_n3A_528, %select_n3A_481 : vector<16xi1>, vector<16xf32>
      %select_n3A_533 = arith.select %or3A_531, %select_n3A_529, %select_n3A_482 : vector<16xi1>, vector<16xi32>
      %add3A_534 = arith.constant 10 : i32
      %add3A_535 = vector.broadcast %add3A_534 : i32 to vector<16xi32>
      %add3A_536 = arith.addi %add3A_27, %add3A_535 : vector<16xi32>
      %gather3A_537 = tpu.vector_load_idx %arg6[%add3A_536] : memref<32768xf32, #tpu.memory_space<vmem>>[vector<16xi32>], vector<16xf32>,
      %broadcast_in_dim3A_538 = arith.constant 10 : i32
      %broadcast_in_dim3A_539 = vector.broadcast %broadcast_in_dim3A_538 : i32 to vector<16xi32>
      %gt3A_540 = arith.cmpf ogt, %gather3A_537, %select_n3A_490 : vector<16xf32>
      %select_n3A_541 = arith.select %gt3A_540, %gather3A_537, %select_n3A_490 : vector<16xi1>, vector<16xf32>
      %select_n3A_542 = arith.select %gt3A_540, %broadcast_in_dim3A_539, %select_n3A_491 : vector<16xi1>, vector<16xi32>
      %select_n3A_543 = arith.select %gt3A_540, %select_n3A_490, %gather3A_537 : vector<16xi1>, vector<16xf32>
      %select_n3A_544 = arith.select %gt3A_540, %select_n3A_491, %broadcast_in_dim3A_539 : vector<16xi1>, vector<16xi32>
      %gt3A_545 = arith.cmpf ogt, %select_n3A_543, %select_n3A_496 : vector<16xf32>
      %or3A_546 = arith.ori %gt3A_540, %gt3A_545 : vector<16xi1>
      %select_n3A_547 = arith.select %or3A_546, %select_n3A_543, %select_n3A_496 : vector<16xi1>, vector<16xf32>
      %select_n3A_548 = arith.select %or3A_546, %select_n3A_544, %select_n3A_497 : vector<16xi1>, vector<16xi32>
      %select_n3A_549 = arith.select %or3A_546, %select_n3A_496, %select_n3A_543 : vector<16xi1>, vector<16xf32>
      %select_n3A_550 = arith.select %or3A_546, %select_n3A_497, %select_n3A_544 : vector<16xi1>, vector<16xi32>
      %gt3A_551 = arith.cmpf ogt, %select_n3A_549, %select_n3A_502 : vector<16xf32>
      %or3A_552 = arith.ori %or3A_546, %gt3A_551 : vector<16xi1>
      %select_n3A_553 = arith.select %or3A_552, %select_n3A_549, %select_n3A_502 : vector<16xi1>, vector<16xf32>
      %select_n3A_554 = arith.select %or3A_552, %select_n3A_550, %select_n3A_503 : vector<16xi1>, vector<16xi32>
      %select_n3A_555 = arith.select %or3A_552, %select_n3A_502, %select_n3A_549 : vector<16xi1>, vector<16xf32>
      %select_n3A_556 = arith.select %or3A_552, %select_n3A_503, %select_n3A_550 : vector<16xi1>, vector<16xi32>
      %gt3A_557 = arith.cmpf ogt, %select_n3A_555, %select_n3A_508 : vector<16xf32>
      %or3A_558 = arith.ori %or3A_552, %gt3A_557 : vector<16xi1>
      %select_n3A_559 = arith.select %or3A_558, %select_n3A_555, %select_n3A_508 : vector<16xi1>, vector<16xf32>
      %select_n3A_560 = arith.select %or3A_558, %select_n3A_556, %select_n3A_509 : vector<16xi1>, vector<16xi32>
      %select_n3A_561 = arith.select %or3A_558, %select_n3A_508, %select_n3A_555 : vector<16xi1>, vector<16xf32>
      %select_n3A_562 = arith.select %or3A_558, %select_n3A_509, %select_n3A_556 : vector<16xi1>, vector<16xi32>
      %gt3A_563 = arith.cmpf ogt, %select_n3A_561, %select_n3A_514 : vector<16xf32>
      %or3A_564 = arith.ori %or3A_558, %gt3A_563 : vector<16xi1>
      %select_n3A_565 = arith.select %or3A_564, %select_n3A_561, %select_n3A_514 : vector<16xi1>, vector<16xf32>
      %select_n3A_566 = arith.select %or3A_564, %select_n3A_562, %select_n3A_515 : vector<16xi1>, vector<16xi32>
      %select_n3A_567 = arith.select %or3A_564, %select_n3A_514, %select_n3A_561 : vector<16xi1>, vector<16xf32>
      %select_n3A_568 = arith.select %or3A_564, %select_n3A_515, %select_n3A_562 : vector<16xi1>, vector<16xi32>
      %gt3A_569 = arith.cmpf ogt, %select_n3A_567, %select_n3A_520 : vector<16xf32>
      %or3A_570 = arith.ori %or3A_564, %gt3A_569 : vector<16xi1>
      %select_n3A_571 = arith.select %or3A_570, %select_n3A_567, %select_n3A_520 : vector<16xi1>, vector<16xf32>
      %select_n3A_572 = arith.select %or3A_570, %select_n3A_568, %select_n3A_521 : vector<16xi1>, vector<16xi32>
      %select_n3A_573 = arith.select %or3A_570, %select_n3A_520, %select_n3A_567 : vector<16xi1>, vector<16xf32>
      %select_n3A_574 = arith.select %or3A_570, %select_n3A_521, %select_n3A_568 : vector<16xi1>, vector<16xi32>
      %gt3A_575 = arith.cmpf ogt, %select_n3A_573, %select_n3A_526 : vector<16xf32>
      %or3A_576 = arith.ori %or3A_570, %gt3A_575 : vector<16xi1>
      %select_n3A_577 = arith.select %or3A_576, %select_n3A_573, %select_n3A_526 : vector<16xi1>, vector<16xf32>
      %select_n3A_578 = arith.select %or3A_576, %select_n3A_574, %select_n3A_527 : vector<16xi1>, vector<16xi32>
      %select_n3A_579 = arith.select %or3A_576, %select_n3A_526, %select_n3A_573 : vector<16xi1>, vector<16xf32>
      %select_n3A_580 = arith.select %or3A_576, %select_n3A_527, %select_n3A_574 : vector<16xi1>, vector<16xi32>
      %gt3A_581 = arith.cmpf ogt, %select_n3A_579, %select_n3A_532 : vector<16xf32>
      %or3A_582 = arith.ori %or3A_576, %gt3A_581 : vector<16xi1>
      %select_n3A_583 = arith.select %or3A_582, %select_n3A_579, %select_n3A_532 : vector<16xi1>, vector<16xf32>
      %select_n3A_584 = arith.select %or3A_582, %select_n3A_580, %select_n3A_533 : vector<16xi1>, vector<16xi32>
      %add3A_585 = arith.constant 11 : i32
      %add3A_586 = vector.broadcast %add3A_585 : i32 to vector<16xi32>
      %add3A_587 = arith.addi %add3A_27, %add3A_586 : vector<16xi32>
      %gather3A_588 = tpu.vector_load_idx %arg6[%add3A_587] : memref<32768xf32, #tpu.memory_space<vmem>>[vector<16xi32>], vector<16xf32>,
      %broadcast_in_dim3A_589 = arith.constant 11 : i32
      %broadcast_in_dim3A_590 = vector.broadcast %broadcast_in_dim3A_589 : i32 to vector<16xi32>
      %gt3A_591 = arith.cmpf ogt, %gather3A_588, %select_n3A_541 : vector<16xf32>
      %select_n3A_592 = arith.select %gt3A_591, %gather3A_588, %select_n3A_541 : vector<16xi1>, vector<16xf32>
      %select_n3A_593 = arith.select %gt3A_591, %broadcast_in_dim3A_590, %select_n3A_542 : vector<16xi1>, vector<16xi32>
      %select_n3A_594 = arith.select %gt3A_591, %select_n3A_541, %gather3A_588 : vector<16xi1>, vector<16xf32>
      %select_n3A_595 = arith.select %gt3A_591, %select_n3A_542, %broadcast_in_dim3A_590 : vector<16xi1>, vector<16xi32>
      %gt3A_596 = arith.cmpf ogt, %select_n3A_594, %select_n3A_547 : vector<16xf32>
      %or3A_597 = arith.ori %gt3A_591, %gt3A_596 : vector<16xi1>
      %select_n3A_598 = arith.select %or3A_597, %select_n3A_594, %select_n3A_547 : vector<16xi1>, vector<16xf32>
      %select_n3A_599 = arith.select %or3A_597, %select_n3A_595, %select_n3A_548 : vector<16xi1>, vector<16xi32>
      %select_n3A_600 = arith.select %or3A_597, %select_n3A_547, %select_n3A_594 : vector<16xi1>, vector<16xf32>
      %select_n3A_601 = arith.select %or3A_597, %select_n3A_548, %select_n3A_595 : vector<16xi1>, vector<16xi32>
      %gt3A_602 = arith.cmpf ogt, %select_n3A_600, %select_n3A_553 : vector<16xf32>
      %or3A_603 = arith.ori %or3A_597, %gt3A_602 : vector<16xi1>
      %select_n3A_604 = arith.select %or3A_603, %select_n3A_600, %select_n3A_553 : vector<16xi1>, vector<16xf32>
      %select_n3A_605 = arith.select %or3A_603, %select_n3A_601, %select_n3A_554 : vector<16xi1>, vector<16xi32>
      %select_n3A_606 = arith.select %or3A_603, %select_n3A_553, %select_n3A_600 : vector<16xi1>, vector<16xf32>
      %select_n3A_607 = arith.select %or3A_603, %select_n3A_554, %select_n3A_601 : vector<16xi1>, vector<16xi32>
      %gt3A_608 = arith.cmpf ogt, %select_n3A_606, %select_n3A_559 : vector<16xf32>
      %or3A_609 = arith.ori %or3A_603, %gt3A_608 : vector<16xi1>
      %select_n3A_610 = arith.select %or3A_609, %select_n3A_606, %select_n3A_559 : vector<16xi1>, vector<16xf32>
      %select_n3A_611 = arith.select %or3A_609, %select_n3A_607, %select_n3A_560 : vector<16xi1>, vector<16xi32>
      %select_n3A_612 = arith.select %or3A_609, %select_n3A_559, %select_n3A_606 : vector<16xi1>, vector<16xf32>
      %select_n3A_613 = arith.select %or3A_609, %select_n3A_560, %select_n3A_607 : vector<16xi1>, vector<16xi32>
      %gt3A_614 = arith.cmpf ogt, %select_n3A_612, %select_n3A_565 : vector<16xf32>
      %or3A_615 = arith.ori %or3A_609, %gt3A_614 : vector<16xi1>
      %select_n3A_616 = arith.select %or3A_615, %select_n3A_612, %select_n3A_565 : vector<16xi1>, vector<16xf32>
      %select_n3A_617 = arith.select %or3A_615, %select_n3A_613, %select_n3A_566 : vector<16xi1>, vector<16xi32>
      %select_n3A_618 = arith.select %or3A_615, %select_n3A_565, %select_n3A_612 : vector<16xi1>, vector<16xf32>
      %select_n3A_619 = arith.select %or3A_615, %select_n3A_566, %select_n3A_613 : vector<16xi1>, vector<16xi32>
      %gt3A_620 = arith.cmpf ogt, %select_n3A_618, %select_n3A_571 : vector<16xf32>
      %or3A_621 = arith.ori %or3A_615, %gt3A_620 : vector<16xi1>
      %select_n3A_622 = arith.select %or3A_621, %select_n3A_618, %select_n3A_571 : vector<16xi1>, vector<16xf32>
      %select_n3A_623 = arith.select %or3A_621, %select_n3A_619, %select_n3A_572 : vector<16xi1>, vector<16xi32>
      %select_n3A_624 = arith.select %or3A_621, %select_n3A_571, %select_n3A_618 : vector<16xi1>, vector<16xf32>
      %select_n3A_625 = arith.select %or3A_621, %select_n3A_572, %select_n3A_619 : vector<16xi1>, vector<16xi32>
      %gt3A_626 = arith.cmpf ogt, %select_n3A_624, %select_n3A_577 : vector<16xf32>
      %or3A_627 = arith.ori %or3A_621, %gt3A_626 : vector<16xi1>
      %select_n3A_628 = arith.select %or3A_627, %select_n3A_624, %select_n3A_577 : vector<16xi1>, vector<16xf32>
      %select_n3A_629 = arith.select %or3A_627, %select_n3A_625, %select_n3A_578 : vector<16xi1>, vector<16xi32>
      %select_n3A_630 = arith.select %or3A_627, %select_n3A_577, %select_n3A_624 : vector<16xi1>, vector<16xf32>
      %select_n3A_631 = arith.select %or3A_627, %select_n3A_578, %select_n3A_625 : vector<16xi1>, vector<16xi32>
      %gt3A_632 = arith.cmpf ogt, %select_n3A_630, %select_n3A_583 : vector<16xf32>
      %or3A_633 = arith.ori %or3A_627, %gt3A_632 : vector<16xi1>
      %select_n3A_634 = arith.select %or3A_633, %select_n3A_630, %select_n3A_583 : vector<16xi1>, vector<16xf32>
      %select_n3A_635 = arith.select %or3A_633, %select_n3A_631, %select_n3A_584 : vector<16xi1>, vector<16xi32>
      %add3A_636 = arith.constant 12 : i32
      %add3A_637 = vector.broadcast %add3A_636 : i32 to vector<16xi32>
      %add3A_638 = arith.addi %add3A_27, %add3A_637 : vector<16xi32>
      %gather3A_639 = tpu.vector_load_idx %arg6[%add3A_638] : memref<32768xf32, #tpu.memory_space<vmem>>[vector<16xi32>], vector<16xf32>,
      %broadcast_in_dim3A_640 = arith.constant 12 : i32
      %broadcast_in_dim3A_641 = vector.broadcast %broadcast_in_dim3A_640 : i32 to vector<16xi32>
      %gt3A_642 = arith.cmpf ogt, %gather3A_639, %select_n3A_592 : vector<16xf32>
      %select_n3A_643 = arith.select %gt3A_642, %gather3A_639, %select_n3A_592 : vector<16xi1>, vector<16xf32>
      %select_n3A_644 = arith.select %gt3A_642, %broadcast_in_dim3A_641, %select_n3A_593 : vector<16xi1>, vector<16xi32>
      %select_n3A_645 = arith.select %gt3A_642, %select_n3A_592, %gather3A_639 : vector<16xi1>, vector<16xf32>
      %select_n3A_646 = arith.select %gt3A_642, %select_n3A_593, %broadcast_in_dim3A_641 : vector<16xi1>, vector<16xi32>
      %gt3A_647 = arith.cmpf ogt, %select_n3A_645, %select_n3A_598 : vector<16xf32>
      %or3A_648 = arith.ori %gt3A_642, %gt3A_647 : vector<16xi1>
      %select_n3A_649 = arith.select %or3A_648, %select_n3A_645, %select_n3A_598 : vector<16xi1>, vector<16xf32>
      %select_n3A_650 = arith.select %or3A_648, %select_n3A_646, %select_n3A_599 : vector<16xi1>, vector<16xi32>
      %select_n3A_651 = arith.select %or3A_648, %select_n3A_598, %select_n3A_645 : vector<16xi1>, vector<16xf32>
      %select_n3A_652 = arith.select %or3A_648, %select_n3A_599, %select_n3A_646 : vector<16xi1>, vector<16xi32>
      %gt3A_653 = arith.cmpf ogt, %select_n3A_651, %select_n3A_604 : vector<16xf32>
      %or3A_654 = arith.ori %or3A_648, %gt3A_653 : vector<16xi1>
      %select_n3A_655 = arith.select %or3A_654, %select_n3A_651, %select_n3A_604 : vector<16xi1>, vector<16xf32>
      %select_n3A_656 = arith.select %or3A_654, %select_n3A_652, %select_n3A_605 : vector<16xi1>, vector<16xi32>
      %select_n3A_657 = arith.select %or3A_654, %select_n3A_604, %select_n3A_651 : vector<16xi1>, vector<16xf32>
      %select_n3A_658 = arith.select %or3A_654, %select_n3A_605, %select_n3A_652 : vector<16xi1>, vector<16xi32>
      %gt3A_659 = arith.cmpf ogt, %select_n3A_657, %select_n3A_610 : vector<16xf32>
      %or3A_660 = arith.ori %or3A_654, %gt3A_659 : vector<16xi1>
      %select_n3A_661 = arith.select %or3A_660, %select_n3A_657, %select_n3A_610 : vector<16xi1>, vector<16xf32>
      %select_n3A_662 = arith.select %or3A_660, %select_n3A_658, %select_n3A_611 : vector<16xi1>, vector<16xi32>
      %select_n3A_663 = arith.select %or3A_660, %select_n3A_610, %select_n3A_657 : vector<16xi1>, vector<16xf32>
      %select_n3A_664 = arith.select %or3A_660, %select_n3A_611, %select_n3A_658 : vector<16xi1>, vector<16xi32>
      %gt3A_665 = arith.cmpf ogt, %select_n3A_663, %select_n3A_616 : vector<16xf32>
      %or3A_666 = arith.ori %or3A_660, %gt3A_665 : vector<16xi1>
      %select_n3A_667 = arith.select %or3A_666, %select_n3A_663, %select_n3A_616 : vector<16xi1>, vector<16xf32>
      %select_n3A_668 = arith.select %or3A_666, %select_n3A_664, %select_n3A_617 : vector<16xi1>, vector<16xi32>
      %select_n3A_669 = arith.select %or3A_666, %select_n3A_616, %select_n3A_663 : vector<16xi1>, vector<16xf32>
      %select_n3A_670 = arith.select %or3A_666, %select_n3A_617, %select_n3A_664 : vector<16xi1>, vector<16xi32>
      %gt3A_671 = arith.cmpf ogt, %select_n3A_669, %select_n3A_622 : vector<16xf32>
      %or3A_672 = arith.ori %or3A_666, %gt3A_671 : vector<16xi1>
      %select_n3A_673 = arith.select %or3A_672, %select_n3A_669, %select_n3A_622 : vector<16xi1>, vector<16xf32>
      %select_n3A_674 = arith.select %or3A_672, %select_n3A_670, %select_n3A_623 : vector<16xi1>, vector<16xi32>
      %select_n3A_675 = arith.select %or3A_672, %select_n3A_622, %select_n3A_669 : vector<16xi1>, vector<16xf32>
      %select_n3A_676 = arith.select %or3A_672, %select_n3A_623, %select_n3A_670 : vector<16xi1>, vector<16xi32>
      %gt3A_677 = arith.cmpf ogt, %select_n3A_675, %select_n3A_628 : vector<16xf32>
      %or3A_678 = arith.ori %or3A_672, %gt3A_677 : vector<16xi1>
      %select_n3A_679 = arith.select %or3A_678, %select_n3A_675, %select_n3A_628 : vector<16xi1>, vector<16xf32>
      %select_n3A_680 = arith.select %or3A_678, %select_n3A_676, %select_n3A_629 : vector<16xi1>, vector<16xi32>
      %select_n3A_681 = arith.select %or3A_678, %select_n3A_628, %select_n3A_675 : vector<16xi1>, vector<16xf32>
      %select_n3A_682 = arith.select %or3A_678, %select_n3A_629, %select_n3A_676 : vector<16xi1>, vector<16xi32>
      %gt3A_683 = arith.cmpf ogt, %select_n3A_681, %select_n3A_634 : vector<16xf32>
      %or3A_684 = arith.ori %or3A_678, %gt3A_683 : vector<16xi1>
      %select_n3A_685 = arith.select %or3A_684, %select_n3A_681, %select_n3A_634 : vector<16xi1>, vector<16xf32>
      %select_n3A_686 = arith.select %or3A_684, %select_n3A_682, %select_n3A_635 : vector<16xi1>, vector<16xi32>
      %add3A_687 = arith.constant 13 : i32
      %add3A_688 = vector.broadcast %add3A_687 : i32 to vector<16xi32>
      %add3A_689 = arith.addi %add3A_27, %add3A_688 : vector<16xi32>
      %gather3A_690 = tpu.vector_load_idx %arg6[%add3A_689] : memref<32768xf32, #tpu.memory_space<vmem>>[vector<16xi32>], vector<16xf32>,
      %broadcast_in_dim3A_691 = arith.constant 13 : i32
      %broadcast_in_dim3A_692 = vector.broadcast %broadcast_in_dim3A_691 : i32 to vector<16xi32>
      %gt3A_693 = arith.cmpf ogt, %gather3A_690, %select_n3A_643 : vector<16xf32>
      %select_n3A_694 = arith.select %gt3A_693, %gather3A_690, %select_n3A_643 : vector<16xi1>, vector<16xf32>
      %select_n3A_695 = arith.select %gt3A_693, %broadcast_in_dim3A_692, %select_n3A_644 : vector<16xi1>, vector<16xi32>
      %select_n3A_696 = arith.select %gt3A_693, %select_n3A_643, %gather3A_690 : vector<16xi1>, vector<16xf32>
      %select_n3A_697 = arith.select %gt3A_693, %select_n3A_644, %broadcast_in_dim3A_692 : vector<16xi1>, vector<16xi32>
      %gt3A_698 = arith.cmpf ogt, %select_n3A_696, %select_n3A_649 : vector<16xf32>
      %or3A_699 = arith.ori %gt3A_693, %gt3A_698 : vector<16xi1>
      %select_n3A_700 = arith.select %or3A_699, %select_n3A_696, %select_n3A_649 : vector<16xi1>, vector<16xf32>
      %select_n3A_701 = arith.select %or3A_699, %select_n3A_697, %select_n3A_650 : vector<16xi1>, vector<16xi32>
      %select_n3A_702 = arith.select %or3A_699, %select_n3A_649, %select_n3A_696 : vector<16xi1>, vector<16xf32>
      %select_n3A_703 = arith.select %or3A_699, %select_n3A_650, %select_n3A_697 : vector<16xi1>, vector<16xi32>
      %gt3A_704 = arith.cmpf ogt, %select_n3A_702, %select_n3A_655 : vector<16xf32>
      %or3A_705 = arith.ori %or3A_699, %gt3A_704 : vector<16xi1>
      %select_n3A_706 = arith.select %or3A_705, %select_n3A_702, %select_n3A_655 : vector<16xi1>, vector<16xf32>
      %select_n3A_707 = arith.select %or3A_705, %select_n3A_703, %select_n3A_656 : vector<16xi1>, vector<16xi32>
      %select_n3A_708 = arith.select %or3A_705, %select_n3A_655, %select_n3A_702 : vector<16xi1>, vector<16xf32>
      %select_n3A_709 = arith.select %or3A_705, %select_n3A_656, %select_n3A_703 : vector<16xi1>, vector<16xi32>
      %gt3A_710 = arith.cmpf ogt, %select_n3A_708, %select_n3A_661 : vector<16xf32>
      %or3A_711 = arith.ori %or3A_705, %gt3A_710 : vector<16xi1>
      %select_n3A_712 = arith.select %or3A_711, %select_n3A_708, %select_n3A_661 : vector<16xi1>, vector<16xf32>
      %select_n3A_713 = arith.select %or3A_711, %select_n3A_709, %select_n3A_662 : vector<16xi1>, vector<16xi32>
      %select_n3A_714 = arith.select %or3A_711, %select_n3A_661, %select_n3A_708 : vector<16xi1>, vector<16xf32>
      %select_n3A_715 = arith.select %or3A_711, %select_n3A_662, %select_n3A_709 : vector<16xi1>, vector<16xi32>
      %gt3A_716 = arith.cmpf ogt, %select_n3A_714, %select_n3A_667 : vector<16xf32>
      %or3A_717 = arith.ori %or3A_711, %gt3A_716 : vector<16xi1>
      %select_n3A_718 = arith.select %or3A_717, %select_n3A_714, %select_n3A_667 : vector<16xi1>, vector<16xf32>
      %select_n3A_719 = arith.select %or3A_717, %select_n3A_715, %select_n3A_668 : vector<16xi1>, vector<16xi32>
      %select_n3A_720 = arith.select %or3A_717, %select_n3A_667, %select_n3A_714 : vector<16xi1>, vector<16xf32>
      %select_n3A_721 = arith.select %or3A_717, %select_n3A_668, %select_n3A_715 : vector<16xi1>, vector<16xi32>
      %gt3A_722 = arith.cmpf ogt, %select_n3A_720, %select_n3A_673 : vector<16xf32>
      %or3A_723 = arith.ori %or3A_717, %gt3A_722 : vector<16xi1>
      %select_n3A_724 = arith.select %or3A_723, %select_n3A_720, %select_n3A_673 : vector<16xi1>, vector<16xf32>
      %select_n3A_725 = arith.select %or3A_723, %select_n3A_721, %select_n3A_674 : vector<16xi1>, vector<16xi32>
      %select_n3A_726 = arith.select %or3A_723, %select_n3A_673, %select_n3A_720 : vector<16xi1>, vector<16xf32>
      %select_n3A_727 = arith.select %or3A_723, %select_n3A_674, %select_n3A_721 : vector<16xi1>, vector<16xi32>
      %gt3A_728 = arith.cmpf ogt, %select_n3A_726, %select_n3A_679 : vector<16xf32>
      %or3A_729 = arith.ori %or3A_723, %gt3A_728 : vector<16xi1>
      %select_n3A_730 = arith.select %or3A_729, %select_n3A_726, %select_n3A_679 : vector<16xi1>, vector<16xf32>
      %select_n3A_731 = arith.select %or3A_729, %select_n3A_727, %select_n3A_680 : vector<16xi1>, vector<16xi32>
      %select_n3A_732 = arith.select %or3A_729, %select_n3A_679, %select_n3A_726 : vector<16xi1>, vector<16xf32>
      %select_n3A_733 = arith.select %or3A_729, %select_n3A_680, %select_n3A_727 : vector<16xi1>, vector<16xi32>
      %gt3A_734 = arith.cmpf ogt, %select_n3A_732, %select_n3A_685 : vector<16xf32>
      %or3A_735 = arith.ori %or3A_729, %gt3A_734 : vector<16xi1>
      %select_n3A_736 = arith.select %or3A_735, %select_n3A_732, %select_n3A_685 : vector<16xi1>, vector<16xf32>
      %select_n3A_737 = arith.select %or3A_735, %select_n3A_733, %select_n3A_686 : vector<16xi1>, vector<16xi32>
      %add3A_738 = arith.constant 14 : i32
      %add3A_739 = vector.broadcast %add3A_738 : i32 to vector<16xi32>
      %add3A_740 = arith.addi %add3A_27, %add3A_739 : vector<16xi32>
      %gather3A_741 = tpu.vector_load_idx %arg6[%add3A_740] : memref<32768xf32, #tpu.memory_space<vmem>>[vector<16xi32>], vector<16xf32>,
      %broadcast_in_dim3A_742 = arith.constant 14 : i32
      %broadcast_in_dim3A_743 = vector.broadcast %broadcast_in_dim3A_742 : i32 to vector<16xi32>
      %gt3A_744 = arith.cmpf ogt, %gather3A_741, %select_n3A_694 : vector<16xf32>
      %select_n3A_745 = arith.select %gt3A_744, %gather3A_741, %select_n3A_694 : vector<16xi1>, vector<16xf32>
      %select_n3A_746 = arith.select %gt3A_744, %broadcast_in_dim3A_743, %select_n3A_695 : vector<16xi1>, vector<16xi32>
      %select_n3A_747 = arith.select %gt3A_744, %select_n3A_694, %gather3A_741 : vector<16xi1>, vector<16xf32>
      %select_n3A_748 = arith.select %gt3A_744, %select_n3A_695, %broadcast_in_dim3A_743 : vector<16xi1>, vector<16xi32>
      %gt3A_749 = arith.cmpf ogt, %select_n3A_747, %select_n3A_700 : vector<16xf32>
      %or3A_750 = arith.ori %gt3A_744, %gt3A_749 : vector<16xi1>
      %select_n3A_751 = arith.select %or3A_750, %select_n3A_747, %select_n3A_700 : vector<16xi1>, vector<16xf32>
      %select_n3A_752 = arith.select %or3A_750, %select_n3A_748, %select_n3A_701 : vector<16xi1>, vector<16xi32>
      %select_n3A_753 = arith.select %or3A_750, %select_n3A_700, %select_n3A_747 : vector<16xi1>, vector<16xf32>
      %select_n3A_754 = arith.select %or3A_750, %select_n3A_701, %select_n3A_748 : vector<16xi1>, vector<16xi32>
      %gt3A_755 = arith.cmpf ogt, %select_n3A_753, %select_n3A_706 : vector<16xf32>
      %or3A_756 = arith.ori %or3A_750, %gt3A_755 : vector<16xi1>
      %select_n3A_757 = arith.select %or3A_756, %select_n3A_753, %select_n3A_706 : vector<16xi1>, vector<16xf32>
      %select_n3A_758 = arith.select %or3A_756, %select_n3A_754, %select_n3A_707 : vector<16xi1>, vector<16xi32>
      %select_n3A_759 = arith.select %or3A_756, %select_n3A_706, %select_n3A_753 : vector<16xi1>, vector<16xf32>
      %select_n3A_760 = arith.select %or3A_756, %select_n3A_707, %select_n3A_754 : vector<16xi1>, vector<16xi32>
      %gt3A_761 = arith.cmpf ogt, %select_n3A_759, %select_n3A_712 : vector<16xf32>
      %or3A_762 = arith.ori %or3A_756, %gt3A_761 : vector<16xi1>
      %select_n3A_763 = arith.select %or3A_762, %select_n3A_759, %select_n3A_712 : vector<16xi1>, vector<16xf32>
      %select_n3A_764 = arith.select %or3A_762, %select_n3A_760, %select_n3A_713 : vector<16xi1>, vector<16xi32>
      %select_n3A_765 = arith.select %or3A_762, %select_n3A_712, %select_n3A_759 : vector<16xi1>, vector<16xf32>
      %select_n3A_766 = arith.select %or3A_762, %select_n3A_713, %select_n3A_760 : vector<16xi1>, vector<16xi32>
      %gt3A_767 = arith.cmpf ogt, %select_n3A_765, %select_n3A_718 : vector<16xf32>
      %or3A_768 = arith.ori %or3A_762, %gt3A_767 : vector<16xi1>
      %select_n3A_769 = arith.select %or3A_768, %select_n3A_765, %select_n3A_718 : vector<16xi1>, vector<16xf32>
      %select_n3A_770 = arith.select %or3A_768, %select_n3A_766, %select_n3A_719 : vector<16xi1>, vector<16xi32>
      %select_n3A_771 = arith.select %or3A_768, %select_n3A_718, %select_n3A_765 : vector<16xi1>, vector<16xf32>
      %select_n3A_772 = arith.select %or3A_768, %select_n3A_719, %select_n3A_766 : vector<16xi1>, vector<16xi32>
      %gt3A_773 = arith.cmpf ogt, %select_n3A_771, %select_n3A_724 : vector<16xf32>
      %or3A_774 = arith.ori %or3A_768, %gt3A_773 : vector<16xi1>
      %select_n3A_775 = arith.select %or3A_774, %select_n3A_771, %select_n3A_724 : vector<16xi1>, vector<16xf32>
      %select_n3A_776 = arith.select %or3A_774, %select_n3A_772, %select_n3A_725 : vector<16xi1>, vector<16xi32>
      %select_n3A_777 = arith.select %or3A_774, %select_n3A_724, %select_n3A_771 : vector<16xi1>, vector<16xf32>
      %select_n3A_778 = arith.select %or3A_774, %select_n3A_725, %select_n3A_772 : vector<16xi1>, vector<16xi32>
      %gt3A_779 = arith.cmpf ogt, %select_n3A_777, %select_n3A_730 : vector<16xf32>
      %or3A_780 = arith.ori %or3A_774, %gt3A_779 : vector<16xi1>
      %select_n3A_781 = arith.select %or3A_780, %select_n3A_777, %select_n3A_730 : vector<16xi1>, vector<16xf32>
      %select_n3A_782 = arith.select %or3A_780, %select_n3A_778, %select_n3A_731 : vector<16xi1>, vector<16xi32>
      %select_n3A_783 = arith.select %or3A_780, %select_n3A_730, %select_n3A_777 : vector<16xi1>, vector<16xf32>
      %select_n3A_784 = arith.select %or3A_780, %select_n3A_731, %select_n3A_778 : vector<16xi1>, vector<16xi32>
      %gt3A_785 = arith.cmpf ogt, %select_n3A_783, %select_n3A_736 : vector<16xf32>
      %or3A_786 = arith.ori %or3A_780, %gt3A_785 : vector<16xi1>
      %select_n3A_787 = arith.select %or3A_786, %select_n3A_783, %select_n3A_736 : vector<16xi1>, vector<16xf32>
      %select_n3A_788 = arith.select %or3A_786, %select_n3A_784, %select_n3A_737 : vector<16xi1>, vector<16xi32>
      %add3A_789 = arith.constant 15 : i32
      %add3A_790 = vector.broadcast %add3A_789 : i32 to vector<16xi32>
      %add3A_791 = arith.addi %add3A_27, %add3A_790 : vector<16xi32>
      %gather3A_792 = tpu.vector_load_idx %arg6[%add3A_791] : memref<32768xf32, #tpu.memory_space<vmem>>[vector<16xi32>], vector<16xf32>,
      %broadcast_in_dim3A_793 = arith.constant 15 : i32
      %broadcast_in_dim3A_794 = vector.broadcast %broadcast_in_dim3A_793 : i32 to vector<16xi32>
      %gt3A_795 = arith.cmpf ogt, %gather3A_792, %select_n3A_745 : vector<16xf32>
      %select_n3A_796 = arith.select %gt3A_795, %gather3A_792, %select_n3A_745 : vector<16xi1>, vector<16xf32>
      %select_n3A_797 = arith.select %gt3A_795, %broadcast_in_dim3A_794, %select_n3A_746 : vector<16xi1>, vector<16xi32>
      %select_n3A_798 = arith.select %gt3A_795, %select_n3A_745, %gather3A_792 : vector<16xi1>, vector<16xf32>
      %select_n3A_799 = arith.select %gt3A_795, %select_n3A_746, %broadcast_in_dim3A_794 : vector<16xi1>, vector<16xi32>
      %gt3A_800 = arith.cmpf ogt, %select_n3A_798, %select_n3A_751 : vector<16xf32>
      %or3A_801 = arith.ori %gt3A_795, %gt3A_800 : vector<16xi1>
      %select_n3A_802 = arith.select %or3A_801, %select_n3A_798, %select_n3A_751 : vector<16xi1>, vector<16xf32>
      %select_n3A_803 = arith.select %or3A_801, %select_n3A_799, %select_n3A_752 : vector<16xi1>, vector<16xi32>
      %select_n3A_804 = arith.select %or3A_801, %select_n3A_751, %select_n3A_798 : vector<16xi1>, vector<16xf32>
      %select_n3A_805 = arith.select %or3A_801, %select_n3A_752, %select_n3A_799 : vector<16xi1>, vector<16xi32>
      %gt3A_806 = arith.cmpf ogt, %select_n3A_804, %select_n3A_757 : vector<16xf32>
      %or3A_807 = arith.ori %or3A_801, %gt3A_806 : vector<16xi1>
      %select_n3A_808 = arith.select %or3A_807, %select_n3A_804, %select_n3A_757 : vector<16xi1>, vector<16xf32>
      %select_n3A_809 = arith.select %or3A_807, %select_n3A_805, %select_n3A_758 : vector<16xi1>, vector<16xi32>
      %select_n3A_810 = arith.select %or3A_807, %select_n3A_757, %select_n3A_804 : vector<16xi1>, vector<16xf32>
      %select_n3A_811 = arith.select %or3A_807, %select_n3A_758, %select_n3A_805 : vector<16xi1>, vector<16xi32>
      %gt3A_812 = arith.cmpf ogt, %select_n3A_810, %select_n3A_763 : vector<16xf32>
      %or3A_813 = arith.ori %or3A_807, %gt3A_812 : vector<16xi1>
      %select_n3A_814 = arith.select %or3A_813, %select_n3A_810, %select_n3A_763 : vector<16xi1>, vector<16xf32>
      %select_n3A_815 = arith.select %or3A_813, %select_n3A_811, %select_n3A_764 : vector<16xi1>, vector<16xi32>
      %select_n3A_816 = arith.select %or3A_813, %select_n3A_763, %select_n3A_810 : vector<16xi1>, vector<16xf32>
      %select_n3A_817 = arith.select %or3A_813, %select_n3A_764, %select_n3A_811 : vector<16xi1>, vector<16xi32>
      %gt3A_818 = arith.cmpf ogt, %select_n3A_816, %select_n3A_769 : vector<16xf32>
      %or3A_819 = arith.ori %or3A_813, %gt3A_818 : vector<16xi1>
      %select_n3A_820 = arith.select %or3A_819, %select_n3A_816, %select_n3A_769 : vector<16xi1>, vector<16xf32>
      %select_n3A_821 = arith.select %or3A_819, %select_n3A_817, %select_n3A_770 : vector<16xi1>, vector<16xi32>
      %select_n3A_822 = arith.select %or3A_819, %select_n3A_769, %select_n3A_816 : vector<16xi1>, vector<16xf32>
      %select_n3A_823 = arith.select %or3A_819, %select_n3A_770, %select_n3A_817 : vector<16xi1>, vector<16xi32>
      %gt3A_824 = arith.cmpf ogt, %select_n3A_822, %select_n3A_775 : vector<16xf32>
      %or3A_825 = arith.ori %or3A_819, %gt3A_824 : vector<16xi1>
      %select_n3A_826 = arith.select %or3A_825, %select_n3A_822, %select_n3A_775 : vector<16xi1>, vector<16xf32>
      %select_n3A_827 = arith.select %or3A_825, %select_n3A_823, %select_n3A_776 : vector<16xi1>, vector<16xi32>
      %select_n3A_828 = arith.select %or3A_825, %select_n3A_775, %select_n3A_822 : vector<16xi1>, vector<16xf32>
      %select_n3A_829 = arith.select %or3A_825, %select_n3A_776, %select_n3A_823 : vector<16xi1>, vector<16xi32>
      %gt3A_830 = arith.cmpf ogt, %select_n3A_828, %select_n3A_781 : vector<16xf32>
      %or3A_831 = arith.ori %or3A_825, %gt3A_830 : vector<16xi1>
      %select_n3A_832 = arith.select %or3A_831, %select_n3A_828, %select_n3A_781 : vector<16xi1>, vector<16xf32>
      %select_n3A_833 = arith.select %or3A_831, %select_n3A_829, %select_n3A_782 : vector<16xi1>, vector<16xi32>
      %select_n3A_834 = arith.select %or3A_831, %select_n3A_781, %select_n3A_828 : vector<16xi1>, vector<16xf32>
      %select_n3A_835 = arith.select %or3A_831, %select_n3A_782, %select_n3A_829 : vector<16xi1>, vector<16xi32>
      %gt3A_836 = arith.cmpf ogt, %select_n3A_834, %select_n3A_787 : vector<16xf32>
      %or3A_837 = arith.ori %or3A_831, %gt3A_836 : vector<16xi1>
      %select_n3A_838 = arith.select %or3A_837, %select_n3A_834, %select_n3A_787 : vector<16xi1>, vector<16xf32>
      %select_n3A_839 = arith.select %or3A_837, %select_n3A_835, %select_n3A_788 : vector<16xi1>, vector<16xi32>
      %add3A_840 = arith.constant 16 : i32
      %add3A_841 = vector.broadcast %add3A_840 : i32 to vector<16xi32>
      %add3A_842 = arith.addi %add3A_27, %add3A_841 : vector<16xi32>
      %gather3A_843 = tpu.vector_load_idx %arg6[%add3A_842] : memref<32768xf32, #tpu.memory_space<vmem>>[vector<16xi32>], vector<16xf32>,
      %broadcast_in_dim3A_844 = arith.constant 16 : i32
      %broadcast_in_dim3A_845 = vector.broadcast %broadcast_in_dim3A_844 : i32 to vector<16xi32>
      %gt3A_846 = arith.cmpf ogt, %gather3A_843, %select_n3A_796 : vector<16xf32>
      %select_n3A_847 = arith.select %gt3A_846, %gather3A_843, %select_n3A_796 : vector<16xi1>, vector<16xf32>
      %select_n3A_848 = arith.select %gt3A_846, %broadcast_in_dim3A_845, %select_n3A_797 : vector<16xi1>, vector<16xi32>
      %select_n3A_849 = arith.select %gt3A_846, %select_n3A_796, %gather3A_843 : vector<16xi1>, vector<16xf32>
      %select_n3A_850 = arith.select %gt3A_846, %select_n3A_797, %broadcast_in_dim3A_845 : vector<16xi1>, vector<16xi32>
      %gt3A_851 = arith.cmpf ogt, %select_n3A_849, %select_n3A_802 : vector<16xf32>
      %or3A_852 = arith.ori %gt3A_846, %gt3A_851 : vector<16xi1>
      %select_n3A_853 = arith.select %or3A_852, %select_n3A_849, %select_n3A_802 : vector<16xi1>, vector<16xf32>
      %select_n3A_854 = arith.select %or3A_852, %select_n3A_850, %select_n3A_803 : vector<16xi1>, vector<16xi32>
      %select_n3A_855 = arith.select %or3A_852, %select_n3A_802, %select_n3A_849 : vector<16xi1>, vector<16xf32>
      %select_n3A_856 = arith.select %or3A_852, %select_n3A_803, %select_n3A_850 : vector<16xi1>, vector<16xi32>
      %gt3A_857 = arith.cmpf ogt, %select_n3A_855, %select_n3A_808 : vector<16xf32>
      %or3A_858 = arith.ori %or3A_852, %gt3A_857 : vector<16xi1>
      %select_n3A_859 = arith.select %or3A_858, %select_n3A_855, %select_n3A_808 : vector<16xi1>, vector<16xf32>
      %select_n3A_860 = arith.select %or3A_858, %select_n3A_856, %select_n3A_809 : vector<16xi1>, vector<16xi32>
      %select_n3A_861 = arith.select %or3A_858, %select_n3A_808, %select_n3A_855 : vector<16xi1>, vector<16xf32>
      %select_n3A_862 = arith.select %or3A_858, %select_n3A_809, %select_n3A_856 : vector<16xi1>, vector<16xi32>
      %gt3A_863 = arith.cmpf ogt, %select_n3A_861, %select_n3A_814 : vector<16xf32>
      %or3A_864 = arith.ori %or3A_858, %gt3A_863 : vector<16xi1>
      %select_n3A_865 = arith.select %or3A_864, %select_n3A_861, %select_n3A_814 : vector<16xi1>, vector<16xf32>
      %select_n3A_866 = arith.select %or3A_864, %select_n3A_862, %select_n3A_815 : vector<16xi1>, vector<16xi32>
      %select_n3A_867 = arith.select %or3A_864, %select_n3A_814, %select_n3A_861 : vector<16xi1>, vector<16xf32>
      %select_n3A_868 = arith.select %or3A_864, %select_n3A_815, %select_n3A_862 : vector<16xi1>, vector<16xi32>
      %gt3A_869 = arith.cmpf ogt, %select_n3A_867, %select_n3A_820 : vector<16xf32>
      %or3A_870 = arith.ori %or3A_864, %gt3A_869 : vector<16xi1>
      %select_n3A_871 = arith.select %or3A_870, %select_n3A_867, %select_n3A_820 : vector<16xi1>, vector<16xf32>
      %select_n3A_872 = arith.select %or3A_870, %select_n3A_868, %select_n3A_821 : vector<16xi1>, vector<16xi32>
      %select_n3A_873 = arith.select %or3A_870, %select_n3A_820, %select_n3A_867 : vector<16xi1>, vector<16xf32>
      %select_n3A_874 = arith.select %or3A_870, %select_n3A_821, %select_n3A_868 : vector<16xi1>, vector<16xi32>
      %gt3A_875 = arith.cmpf ogt, %select_n3A_873, %select_n3A_826 : vector<16xf32>
      %or3A_876 = arith.ori %or3A_870, %gt3A_875 : vector<16xi1>
      %select_n3A_877 = arith.select %or3A_876, %select_n3A_873, %select_n3A_826 : vector<16xi1>, vector<16xf32>
      %select_n3A_878 = arith.select %or3A_876, %select_n3A_874, %select_n3A_827 : vector<16xi1>, vector<16xi32>
      %select_n3A_879 = arith.select %or3A_876, %select_n3A_826, %select_n3A_873 : vector<16xi1>, vector<16xf32>
      %select_n3A_880 = arith.select %or3A_876, %select_n3A_827, %select_n3A_874 : vector<16xi1>, vector<16xi32>
      %gt3A_881 = arith.cmpf ogt, %select_n3A_879, %select_n3A_832 : vector<16xf32>
      %or3A_882 = arith.ori %or3A_876, %gt3A_881 : vector<16xi1>
      %select_n3A_883 = arith.select %or3A_882, %select_n3A_879, %select_n3A_832 : vector<16xi1>, vector<16xf32>
      %select_n3A_884 = arith.select %or3A_882, %select_n3A_880, %select_n3A_833 : vector<16xi1>, vector<16xi32>
      %select_n3A_885 = arith.select %or3A_882, %select_n3A_832, %select_n3A_879 : vector<16xi1>, vector<16xf32>
      %select_n3A_886 = arith.select %or3A_882, %select_n3A_833, %select_n3A_880 : vector<16xi1>, vector<16xi32>
      %gt3A_887 = arith.cmpf ogt, %select_n3A_885, %select_n3A_838 : vector<16xf32>
      %or3A_888 = arith.ori %or3A_882, %gt3A_887 : vector<16xi1>
      %select_n3A_889 = arith.select %or3A_888, %select_n3A_885, %select_n3A_838 : vector<16xi1>, vector<16xf32>
      %select_n3A_890 = arith.select %or3A_888, %select_n3A_886, %select_n3A_839 : vector<16xi1>, vector<16xi32>
      %add3A_891 = arith.constant 17 : i32
      %add3A_892 = vector.broadcast %add3A_891 : i32 to vector<16xi32>
      %add3A_893 = arith.addi %add3A_27, %add3A_892 : vector<16xi32>
      %gather3A_894 = tpu.vector_load_idx %arg6[%add3A_893] : memref<32768xf32, #tpu.memory_space<vmem>>[vector<16xi32>], vector<16xf32>,
      %broadcast_in_dim3A_895 = arith.constant 17 : i32
      %broadcast_in_dim3A_896 = vector.broadcast %broadcast_in_dim3A_895 : i32 to vector<16xi32>
      %gt3A_897 = arith.cmpf ogt, %gather3A_894, %select_n3A_847 : vector<16xf32>
      %select_n3A_898 = arith.select %gt3A_897, %gather3A_894, %select_n3A_847 : vector<16xi1>, vector<16xf32>
      %select_n3A_899 = arith.select %gt3A_897, %broadcast_in_dim3A_896, %select_n3A_848 : vector<16xi1>, vector<16xi32>
      %select_n3A_900 = arith.select %gt3A_897, %select_n3A_847, %gather3A_894 : vector<16xi1>, vector<16xf32>
      %select_n3A_901 = arith.select %gt3A_897, %select_n3A_848, %broadcast_in_dim3A_896 : vector<16xi1>, vector<16xi32>
      %gt3A_902 = arith.cmpf ogt, %select_n3A_900, %select_n3A_853 : vector<16xf32>
      %or3A_903 = arith.ori %gt3A_897, %gt3A_902 : vector<16xi1>
      %select_n3A_904 = arith.select %or3A_903, %select_n3A_900, %select_n3A_853 : vector<16xi1>, vector<16xf32>
      %select_n3A_905 = arith.select %or3A_903, %select_n3A_901, %select_n3A_854 : vector<16xi1>, vector<16xi32>
      %select_n3A_906 = arith.select %or3A_903, %select_n3A_853, %select_n3A_900 : vector<16xi1>, vector<16xf32>
      %select_n3A_907 = arith.select %or3A_903, %select_n3A_854, %select_n3A_901 : vector<16xi1>, vector<16xi32>
      %gt3A_908 = arith.cmpf ogt, %select_n3A_906, %select_n3A_859 : vector<16xf32>
      %or3A_909 = arith.ori %or3A_903, %gt3A_908 : vector<16xi1>
      %select_n3A_910 = arith.select %or3A_909, %select_n3A_906, %select_n3A_859 : vector<16xi1>, vector<16xf32>
      %select_n3A_911 = arith.select %or3A_909, %select_n3A_907, %select_n3A_860 : vector<16xi1>, vector<16xi32>
      %select_n3A_912 = arith.select %or3A_909, %select_n3A_859, %select_n3A_906 : vector<16xi1>, vector<16xf32>
      %select_n3A_913 = arith.select %or3A_909, %select_n3A_860, %select_n3A_907 : vector<16xi1>, vector<16xi32>
      %gt3A_914 = arith.cmpf ogt, %select_n3A_912, %select_n3A_865 : vector<16xf32>
      %or3A_915 = arith.ori %or3A_909, %gt3A_914 : vector<16xi1>
      %select_n3A_916 = arith.select %or3A_915, %select_n3A_912, %select_n3A_865 : vector<16xi1>, vector<16xf32>
      %select_n3A_917 = arith.select %or3A_915, %select_n3A_913, %select_n3A_866 : vector<16xi1>, vector<16xi32>
      %select_n3A_918 = arith.select %or3A_915, %select_n3A_865, %select_n3A_912 : vector<16xi1>, vector<16xf32>
      %select_n3A_919 = arith.select %or3A_915, %select_n3A_866, %select_n3A_913 : vector<16xi1>, vector<16xi32>
      %gt3A_920 = arith.cmpf ogt, %select_n3A_918, %select_n3A_871 : vector<16xf32>
      %or3A_921 = arith.ori %or3A_915, %gt3A_920 : vector<16xi1>
      %select_n3A_922 = arith.select %or3A_921, %select_n3A_918, %select_n3A_871 : vector<16xi1>, vector<16xf32>
      %select_n3A_923 = arith.select %or3A_921, %select_n3A_919, %select_n3A_872 : vector<16xi1>, vector<16xi32>
      %select_n3A_924 = arith.select %or3A_921, %select_n3A_871, %select_n3A_918 : vector<16xi1>, vector<16xf32>
      %select_n3A_925 = arith.select %or3A_921, %select_n3A_872, %select_n3A_919 : vector<16xi1>, vector<16xi32>
      %gt3A_926 = arith.cmpf ogt, %select_n3A_924, %select_n3A_877 : vector<16xf32>
      %or3A_927 = arith.ori %or3A_921, %gt3A_926 : vector<16xi1>
      %select_n3A_928 = arith.select %or3A_927, %select_n3A_924, %select_n3A_877 : vector<16xi1>, vector<16xf32>
      %select_n3A_929 = arith.select %or3A_927, %select_n3A_925, %select_n3A_878 : vector<16xi1>, vector<16xi32>
      %select_n3A_930 = arith.select %or3A_927, %select_n3A_877, %select_n3A_924 : vector<16xi1>, vector<16xf32>
      %select_n3A_931 = arith.select %or3A_927, %select_n3A_878, %select_n3A_925 : vector<16xi1>, vector<16xi32>
      %gt3A_932 = arith.cmpf ogt, %select_n3A_930, %select_n3A_883 : vector<16xf32>
      %or3A_933 = arith.ori %or3A_927, %gt3A_932 : vector<16xi1>
      %select_n3A_934 = arith.select %or3A_933, %select_n3A_930, %select_n3A_883 : vector<16xi1>, vector<16xf32>
      %select_n3A_935 = arith.select %or3A_933, %select_n3A_931, %select_n3A_884 : vector<16xi1>, vector<16xi32>
      %select_n3A_936 = arith.select %or3A_933, %select_n3A_883, %select_n3A_930 : vector<16xi1>, vector<16xf32>
      %select_n3A_937 = arith.select %or3A_933, %select_n3A_884, %select_n3A_931 : vector<16xi1>, vector<16xi32>
      %gt3A_938 = arith.cmpf ogt, %select_n3A_936, %select_n3A_889 : vector<16xf32>
      %or3A_939 = arith.ori %or3A_933, %gt3A_938 : vector<16xi1>
      %select_n3A_940 = arith.select %or3A_939, %select_n3A_936, %select_n3A_889 : vector<16xi1>, vector<16xf32>
      %select_n3A_941 = arith.select %or3A_939, %select_n3A_937, %select_n3A_890 : vector<16xi1>, vector<16xi32>
      %add3A_942 = arith.constant 18 : i32
      %add3A_943 = vector.broadcast %add3A_942 : i32 to vector<16xi32>
      %add3A_944 = arith.addi %add3A_27, %add3A_943 : vector<16xi32>
      %gather3A_945 = tpu.vector_load_idx %arg6[%add3A_944] : memref<32768xf32, #tpu.memory_space<vmem>>[vector<16xi32>], vector<16xf32>,
      %broadcast_in_dim3A_946 = arith.constant 18 : i32
      %broadcast_in_dim3A_947 = vector.broadcast %broadcast_in_dim3A_946 : i32 to vector<16xi32>
      %gt3A_948 = arith.cmpf ogt, %gather3A_945, %select_n3A_898 : vector<16xf32>
      %select_n3A_949 = arith.select %gt3A_948, %gather3A_945, %select_n3A_898 : vector<16xi1>, vector<16xf32>
      %select_n3A_950 = arith.select %gt3A_948, %broadcast_in_dim3A_947, %select_n3A_899 : vector<16xi1>, vector<16xi32>
      %select_n3A_951 = arith.select %gt3A_948, %select_n3A_898, %gather3A_945 : vector<16xi1>, vector<16xf32>
      %select_n3A_952 = arith.select %gt3A_948, %select_n3A_899, %broadcast_in_dim3A_947 : vector<16xi1>, vector<16xi32>
      %gt3A_953 = arith.cmpf ogt, %select_n3A_951, %select_n3A_904 : vector<16xf32>
      %or3A_954 = arith.ori %gt3A_948, %gt3A_953 : vector<16xi1>
      %select_n3A_955 = arith.select %or3A_954, %select_n3A_951, %select_n3A_904 : vector<16xi1>, vector<16xf32>
      %select_n3A_956 = arith.select %or3A_954, %select_n3A_952, %select_n3A_905 : vector<16xi1>, vector<16xi32>
      %select_n3A_957 = arith.select %or3A_954, %select_n3A_904, %select_n3A_951 : vector<16xi1>, vector<16xf32>
      %select_n3A_958 = arith.select %or3A_954, %select_n3A_905, %select_n3A_952 : vector<16xi1>, vector<16xi32>
      %gt3A_959 = arith.cmpf ogt, %select_n3A_957, %select_n3A_910 : vector<16xf32>
      %or3A_960 = arith.ori %or3A_954, %gt3A_959 : vector<16xi1>
      %select_n3A_961 = arith.select %or3A_960, %select_n3A_957, %select_n3A_910 : vector<16xi1>, vector<16xf32>
      %select_n3A_962 = arith.select %or3A_960, %select_n3A_958, %select_n3A_911 : vector<16xi1>, vector<16xi32>
      %select_n3A_963 = arith.select %or3A_960, %select_n3A_910, %select_n3A_957 : vector<16xi1>, vector<16xf32>
      %select_n3A_964 = arith.select %or3A_960, %select_n3A_911, %select_n3A_958 : vector<16xi1>, vector<16xi32>
      %gt3A_965 = arith.cmpf ogt, %select_n3A_963, %select_n3A_916 : vector<16xf32>
      %or3A_966 = arith.ori %or3A_960, %gt3A_965 : vector<16xi1>
      %select_n3A_967 = arith.select %or3A_966, %select_n3A_963, %select_n3A_916 : vector<16xi1>, vector<16xf32>
      %select_n3A_968 = arith.select %or3A_966, %select_n3A_964, %select_n3A_917 : vector<16xi1>, vector<16xi32>
      %select_n3A_969 = arith.select %or3A_966, %select_n3A_916, %select_n3A_963 : vector<16xi1>, vector<16xf32>
      %select_n3A_970 = arith.select %or3A_966, %select_n3A_917, %select_n3A_964 : vector<16xi1>, vector<16xi32>
      %gt3A_971 = arith.cmpf ogt, %select_n3A_969, %select_n3A_922 : vector<16xf32>
      %or3A_972 = arith.ori %or3A_966, %gt3A_971 : vector<16xi1>
      %select_n3A_973 = arith.select %or3A_972, %select_n3A_969, %select_n3A_922 : vector<16xi1>, vector<16xf32>
      %select_n3A_974 = arith.select %or3A_972, %select_n3A_970, %select_n3A_923 : vector<16xi1>, vector<16xi32>
      %select_n3A_975 = arith.select %or3A_972, %select_n3A_922, %select_n3A_969 : vector<16xi1>, vector<16xf32>
      %select_n3A_976 = arith.select %or3A_972, %select_n3A_923, %select_n3A_970 : vector<16xi1>, vector<16xi32>
      %gt3A_977 = arith.cmpf ogt, %select_n3A_975, %select_n3A_928 : vector<16xf32>
      %or3A_978 = arith.ori %or3A_972, %gt3A_977 : vector<16xi1>
      %select_n3A_979 = arith.select %or3A_978, %select_n3A_975, %select_n3A_928 : vector<16xi1>, vector<16xf32>
      %select_n3A_980 = arith.select %or3A_978, %select_n3A_976, %select_n3A_929 : vector<16xi1>, vector<16xi32>
      %select_n3A_981 = arith.select %or3A_978, %select_n3A_928, %select_n3A_975 : vector<16xi1>, vector<16xf32>
      %select_n3A_982 = arith.select %or3A_978, %select_n3A_929, %select_n3A_976 : vector<16xi1>, vector<16xi32>
      %gt3A_983 = arith.cmpf ogt, %select_n3A_981, %select_n3A_934 : vector<16xf32>
      %or3A_984 = arith.ori %or3A_978, %gt3A_983 : vector<16xi1>
      %select_n3A_985 = arith.select %or3A_984, %select_n3A_981, %select_n3A_934 : vector<16xi1>, vector<16xf32>
      %select_n3A_986 = arith.select %or3A_984, %select_n3A_982, %select_n3A_935 : vector<16xi1>, vector<16xi32>
      %select_n3A_987 = arith.select %or3A_984, %select_n3A_934, %select_n3A_981 : vector<16xi1>, vector<16xf32>
      %select_n3A_988 = arith.select %or3A_984, %select_n3A_935, %select_n3A_982 : vector<16xi1>, vector<16xi32>
      %gt3A_989 = arith.cmpf ogt, %select_n3A_987, %select_n3A_940 : vector<16xf32>
      %or3A_990 = arith.ori %or3A_984, %gt3A_989 : vector<16xi1>
      %select_n3A_991 = arith.select %or3A_990, %select_n3A_987, %select_n3A_940 : vector<16xi1>, vector<16xf32>
      %select_n3A_992 = arith.select %or3A_990, %select_n3A_988, %select_n3A_941 : vector<16xi1>, vector<16xi32>
      %add3A_993 = arith.constant 19 : i32
      %add3A_994 = vector.broadcast %add3A_993 : i32 to vector<16xi32>
      %add3A_995 = arith.addi %add3A_27, %add3A_994 : vector<16xi32>
      %gather3A_996 = tpu.vector_load_idx %arg6[%add3A_995] : memref<32768xf32, #tpu.memory_space<vmem>>[vector<16xi32>], vector<16xf32>,
      %broadcast_in_dim3A_997 = arith.constant 19 : i32
      %broadcast_in_dim3A_998 = vector.broadcast %broadcast_in_dim3A_997 : i32 to vector<16xi32>
      %gt3A_999 = arith.cmpf ogt, %gather3A_996, %select_n3A_949 : vector<16xf32>
      %select_n3A_1000 = arith.select %gt3A_999, %gather3A_996, %select_n3A_949 : vector<16xi1>, vector<16xf32>
      %select_n3A_1001 = arith.select %gt3A_999, %broadcast_in_dim3A_998, %select_n3A_950 : vector<16xi1>, vector<16xi32>
      %select_n3A_1002 = arith.select %gt3A_999, %select_n3A_949, %gather3A_996 : vector<16xi1>, vector<16xf32>
      %select_n3A_1003 = arith.select %gt3A_999, %select_n3A_950, %broadcast_in_dim3A_998 : vector<16xi1>, vector<16xi32>
      %gt3A_1004 = arith.cmpf ogt, %select_n3A_1002, %select_n3A_955 : vector<16xf32>
      %or3A_1005 = arith.ori %gt3A_999, %gt3A_1004 : vector<16xi1>
      %select_n3A_1006 = arith.select %or3A_1005, %select_n3A_1002, %select_n3A_955 : vector<16xi1>, vector<16xf32>
      %select_n3A_1007 = arith.select %or3A_1005, %select_n3A_1003, %select_n3A_956 : vector<16xi1>, vector<16xi32>
      %select_n3A_1008 = arith.select %or3A_1005, %select_n3A_955, %select_n3A_1002 : vector<16xi1>, vector<16xf32>
      %select_n3A_1009 = arith.select %or3A_1005, %select_n3A_956, %select_n3A_1003 : vector<16xi1>, vector<16xi32>
      %gt3A_1010 = arith.cmpf ogt, %select_n3A_1008, %select_n3A_961 : vector<16xf32>
      %or3A_1011 = arith.ori %or3A_1005, %gt3A_1010 : vector<16xi1>
      %select_n3A_1012 = arith.select %or3A_1011, %select_n3A_1008, %select_n3A_961 : vector<16xi1>, vector<16xf32>
      %select_n3A_1013 = arith.select %or3A_1011, %select_n3A_1009, %select_n3A_962 : vector<16xi1>, vector<16xi32>
      %select_n3A_1014 = arith.select %or3A_1011, %select_n3A_961, %select_n3A_1008 : vector<16xi1>, vector<16xf32>
      %select_n3A_1015 = arith.select %or3A_1011, %select_n3A_962, %select_n3A_1009 : vector<16xi1>, vector<16xi32>
      %gt3A_1016 = arith.cmpf ogt, %select_n3A_1014, %select_n3A_967 : vector<16xf32>
      %or3A_1017 = arith.ori %or3A_1011, %gt3A_1016 : vector<16xi1>
      %select_n3A_1018 = arith.select %or3A_1017, %select_n3A_1014, %select_n3A_967 : vector<16xi1>, vector<16xf32>
      %select_n3A_1019 = arith.select %or3A_1017, %select_n3A_1015, %select_n3A_968 : vector<16xi1>, vector<16xi32>
      %select_n3A_1020 = arith.select %or3A_1017, %select_n3A_967, %select_n3A_1014 : vector<16xi1>, vector<16xf32>
      %select_n3A_1021 = arith.select %or3A_1017, %select_n3A_968, %select_n3A_1015 : vector<16xi1>, vector<16xi32>
      %gt3A_1022 = arith.cmpf ogt, %select_n3A_1020, %select_n3A_973 : vector<16xf32>
      %or3A_1023 = arith.ori %or3A_1017, %gt3A_1022 : vector<16xi1>
      %select_n3A_1024 = arith.select %or3A_1023, %select_n3A_1020, %select_n3A_973 : vector<16xi1>, vector<16xf32>
      %select_n3A_1025 = arith.select %or3A_1023, %select_n3A_1021, %select_n3A_974 : vector<16xi1>, vector<16xi32>
      %select_n3A_1026 = arith.select %or3A_1023, %select_n3A_973, %select_n3A_1020 : vector<16xi1>, vector<16xf32>
      %select_n3A_1027 = arith.select %or3A_1023, %select_n3A_974, %select_n3A_1021 : vector<16xi1>, vector<16xi32>
      %gt3A_1028 = arith.cmpf ogt, %select_n3A_1026, %select_n3A_979 : vector<16xf32>
      %or3A_1029 = arith.ori %or3A_1023, %gt3A_1028 : vector<16xi1>
      %select_n3A_1030 = arith.select %or3A_1029, %select_n3A_1026, %select_n3A_979 : vector<16xi1>, vector<16xf32>
      %select_n3A_1031 = arith.select %or3A_1029, %select_n3A_1027, %select_n3A_980 : vector<16xi1>, vector<16xi32>
      %select_n3A_1032 = arith.select %or3A_1029, %select_n3A_979, %select_n3A_1026 : vector<16xi1>, vector<16xf32>
      %select_n3A_1033 = arith.select %or3A_1029, %select_n3A_980, %select_n3A_1027 : vector<16xi1>, vector<16xi32>
      %gt3A_1034 = arith.cmpf ogt, %select_n3A_1032, %select_n3A_985 : vector<16xf32>
      %or3A_1035 = arith.ori %or3A_1029, %gt3A_1034 : vector<16xi1>
      %select_n3A_1036 = arith.select %or3A_1035, %select_n3A_1032, %select_n3A_985 : vector<16xi1>, vector<16xf32>
      %select_n3A_1037 = arith.select %or3A_1035, %select_n3A_1033, %select_n3A_986 : vector<16xi1>, vector<16xi32>
      %select_n3A_1038 = arith.select %or3A_1035, %select_n3A_985, %select_n3A_1032 : vector<16xi1>, vector<16xf32>
      %select_n3A_1039 = arith.select %or3A_1035, %select_n3A_986, %select_n3A_1033 : vector<16xi1>, vector<16xi32>
      %gt3A_1040 = arith.cmpf ogt, %select_n3A_1038, %select_n3A_991 : vector<16xf32>
      %or3A_1041 = arith.ori %or3A_1035, %gt3A_1040 : vector<16xi1>
      %select_n3A_1042 = arith.select %or3A_1041, %select_n3A_1038, %select_n3A_991 : vector<16xi1>, vector<16xf32>
      %select_n3A_1043 = arith.select %or3A_1041, %select_n3A_1039, %select_n3A_992 : vector<16xi1>, vector<16xi32>
      %add3A_1044 = arith.constant 20 : i32
      %add3A_1045 = vector.broadcast %add3A_1044 : i32 to vector<16xi32>
      %add3A_1046 = arith.addi %add3A_27, %add3A_1045 : vector<16xi32>
      %gather3A_1047 = tpu.vector_load_idx %arg6[%add3A_1046] : memref<32768xf32, #tpu.memory_space<vmem>>[vector<16xi32>], vector<16xf32>,
      %broadcast_in_dim3A_1048 = arith.constant 20 : i32
      %broadcast_in_dim3A_1049 = vector.broadcast %broadcast_in_dim3A_1048 : i32 to vector<16xi32>
      %gt3A_1050 = arith.cmpf ogt, %gather3A_1047, %select_n3A_1000 : vector<16xf32>
      %select_n3A_1051 = arith.select %gt3A_1050, %gather3A_1047, %select_n3A_1000 : vector<16xi1>, vector<16xf32>
      %select_n3A_1052 = arith.select %gt3A_1050, %broadcast_in_dim3A_1049, %select_n3A_1001 : vector<16xi1>, vector<16xi32>
      %select_n3A_1053 = arith.select %gt3A_1050, %select_n3A_1000, %gather3A_1047 : vector<16xi1>, vector<16xf32>
      %select_n3A_1054 = arith.select %gt3A_1050, %select_n3A_1001, %broadcast_in_dim3A_1049 : vector<16xi1>, vector<16xi32>
      %gt3A_1055 = arith.cmpf ogt, %select_n3A_1053, %select_n3A_1006 : vector<16xf32>
      %or3A_1056 = arith.ori %gt3A_1050, %gt3A_1055 : vector<16xi1>
      %select_n3A_1057 = arith.select %or3A_1056, %select_n3A_1053, %select_n3A_1006 : vector<16xi1>, vector<16xf32>
      %select_n3A_1058 = arith.select %or3A_1056, %select_n3A_1054, %select_n3A_1007 : vector<16xi1>, vector<16xi32>
      %select_n3A_1059 = arith.select %or3A_1056, %select_n3A_1006, %select_n3A_1053 : vector<16xi1>, vector<16xf32>
      %select_n3A_1060 = arith.select %or3A_1056, %select_n3A_1007, %select_n3A_1054 : vector<16xi1>, vector<16xi32>
      %gt3A_1061 = arith.cmpf ogt, %select_n3A_1059, %select_n3A_1012 : vector<16xf32>
      %or3A_1062 = arith.ori %or3A_1056, %gt3A_1061 : vector<16xi1>
      %select_n3A_1063 = arith.select %or3A_1062, %select_n3A_1059, %select_n3A_1012 : vector<16xi1>, vector<16xf32>
      %select_n3A_1064 = arith.select %or3A_1062, %select_n3A_1060, %select_n3A_1013 : vector<16xi1>, vector<16xi32>
      %select_n3A_1065 = arith.select %or3A_1062, %select_n3A_1012, %select_n3A_1059 : vector<16xi1>, vector<16xf32>
      %select_n3A_1066 = arith.select %or3A_1062, %select_n3A_1013, %select_n3A_1060 : vector<16xi1>, vector<16xi32>
      %gt3A_1067 = arith.cmpf ogt, %select_n3A_1065, %select_n3A_1018 : vector<16xf32>
      %or3A_1068 = arith.ori %or3A_1062, %gt3A_1067 : vector<16xi1>
      %select_n3A_1069 = arith.select %or3A_1068, %select_n3A_1065, %select_n3A_1018 : vector<16xi1>, vector<16xf32>
      %select_n3A_1070 = arith.select %or3A_1068, %select_n3A_1066, %select_n3A_1019 : vector<16xi1>, vector<16xi32>
      %select_n3A_1071 = arith.select %or3A_1068, %select_n3A_1018, %select_n3A_1065 : vector<16xi1>, vector<16xf32>
      %select_n3A_1072 = arith.select %or3A_1068, %select_n3A_1019, %select_n3A_1066 : vector<16xi1>, vector<16xi32>
      %gt3A_1073 = arith.cmpf ogt, %select_n3A_1071, %select_n3A_1024 : vector<16xf32>
      %or3A_1074 = arith.ori %or3A_1068, %gt3A_1073 : vector<16xi1>
      %select_n3A_1075 = arith.select %or3A_1074, %select_n3A_1071, %select_n3A_1024 : vector<16xi1>, vector<16xf32>
      %select_n3A_1076 = arith.select %or3A_1074, %select_n3A_1072, %select_n3A_1025 : vector<16xi1>, vector<16xi32>
      %select_n3A_1077 = arith.select %or3A_1074, %select_n3A_1024, %select_n3A_1071 : vector<16xi1>, vector<16xf32>
      %select_n3A_1078 = arith.select %or3A_1074, %select_n3A_1025, %select_n3A_1072 : vector<16xi1>, vector<16xi32>
      %gt3A_1079 = arith.cmpf ogt, %select_n3A_1077, %select_n3A_1030 : vector<16xf32>
      %or3A_1080 = arith.ori %or3A_1074, %gt3A_1079 : vector<16xi1>
      %select_n3A_1081 = arith.select %or3A_1080, %select_n3A_1077, %select_n3A_1030 : vector<16xi1>, vector<16xf32>
      %select_n3A_1082 = arith.select %or3A_1080, %select_n3A_1078, %select_n3A_1031 : vector<16xi1>, vector<16xi32>
      %select_n3A_1083 = arith.select %or3A_1080, %select_n3A_1030, %select_n3A_1077 : vector<16xi1>, vector<16xf32>
      %select_n3A_1084 = arith.select %or3A_1080, %select_n3A_1031, %select_n3A_1078 : vector<16xi1>, vector<16xi32>
      %gt3A_1085 = arith.cmpf ogt, %select_n3A_1083, %select_n3A_1036 : vector<16xf32>
      %or3A_1086 = arith.ori %or3A_1080, %gt3A_1085 : vector<16xi1>
      %select_n3A_1087 = arith.select %or3A_1086, %select_n3A_1083, %select_n3A_1036 : vector<16xi1>, vector<16xf32>
      %select_n3A_1088 = arith.select %or3A_1086, %select_n3A_1084, %select_n3A_1037 : vector<16xi1>, vector<16xi32>
      %select_n3A_1089 = arith.select %or3A_1086, %select_n3A_1036, %select_n3A_1083 : vector<16xi1>, vector<16xf32>
      %select_n3A_1090 = arith.select %or3A_1086, %select_n3A_1037, %select_n3A_1084 : vector<16xi1>, vector<16xi32>
      %gt3A_1091 = arith.cmpf ogt, %select_n3A_1089, %select_n3A_1042 : vector<16xf32>
      %or3A_1092 = arith.ori %or3A_1086, %gt3A_1091 : vector<16xi1>
      %select_n3A_1093 = arith.select %or3A_1092, %select_n3A_1089, %select_n3A_1042 : vector<16xi1>, vector<16xf32>
      %select_n3A_1094 = arith.select %or3A_1092, %select_n3A_1090, %select_n3A_1043 : vector<16xi1>, vector<16xi32>
      %add3A_1095 = arith.constant 21 : i32
      %add3A_1096 = vector.broadcast %add3A_1095 : i32 to vector<16xi32>
      %add3A_1097 = arith.addi %add3A_27, %add3A_1096 : vector<16xi32>
      %gather3A_1098 = tpu.vector_load_idx %arg6[%add3A_1097] : memref<32768xf32, #tpu.memory_space<vmem>>[vector<16xi32>], vector<16xf32>,
      %broadcast_in_dim3A_1099 = arith.constant 21 : i32
      %broadcast_in_dim3A_1100 = vector.broadcast %broadcast_in_dim3A_1099 : i32 to vector<16xi32>
      %gt3A_1101 = arith.cmpf ogt, %gather3A_1098, %select_n3A_1051 : vector<16xf32>
      %select_n3A_1102 = arith.select %gt3A_1101, %gather3A_1098, %select_n3A_1051 : vector<16xi1>, vector<16xf32>
      %select_n3A_1103 = arith.select %gt3A_1101, %broadcast_in_dim3A_1100, %select_n3A_1052 : vector<16xi1>, vector<16xi32>
      %select_n3A_1104 = arith.select %gt3A_1101, %select_n3A_1051, %gather3A_1098 : vector<16xi1>, vector<16xf32>
      %select_n3A_1105 = arith.select %gt3A_1101, %select_n3A_1052, %broadcast_in_dim3A_1100 : vector<16xi1>, vector<16xi32>
      %gt3A_1106 = arith.cmpf ogt, %select_n3A_1104, %select_n3A_1057 : vector<16xf32>
      %or3A_1107 = arith.ori %gt3A_1101, %gt3A_1106 : vector<16xi1>
      %select_n3A_1108 = arith.select %or3A_1107, %select_n3A_1104, %select_n3A_1057 : vector<16xi1>, vector<16xf32>
      %select_n3A_1109 = arith.select %or3A_1107, %select_n3A_1105, %select_n3A_1058 : vector<16xi1>, vector<16xi32>
      %select_n3A_1110 = arith.select %or3A_1107, %select_n3A_1057, %select_n3A_1104 : vector<16xi1>, vector<16xf32>
      %select_n3A_1111 = arith.select %or3A_1107, %select_n3A_1058, %select_n3A_1105 : vector<16xi1>, vector<16xi32>
      %gt3A_1112 = arith.cmpf ogt, %select_n3A_1110, %select_n3A_1063 : vector<16xf32>
      %or3A_1113 = arith.ori %or3A_1107, %gt3A_1112 : vector<16xi1>
      %select_n3A_1114 = arith.select %or3A_1113, %select_n3A_1110, %select_n3A_1063 : vector<16xi1>, vector<16xf32>
      %select_n3A_1115 = arith.select %or3A_1113, %select_n3A_1111, %select_n3A_1064 : vector<16xi1>, vector<16xi32>
      %select_n3A_1116 = arith.select %or3A_1113, %select_n3A_1063, %select_n3A_1110 : vector<16xi1>, vector<16xf32>
      %select_n3A_1117 = arith.select %or3A_1113, %select_n3A_1064, %select_n3A_1111 : vector<16xi1>, vector<16xi32>
      %gt3A_1118 = arith.cmpf ogt, %select_n3A_1116, %select_n3A_1069 : vector<16xf32>
      %or3A_1119 = arith.ori %or3A_1113, %gt3A_1118 : vector<16xi1>
      %select_n3A_1120 = arith.select %or3A_1119, %select_n3A_1116, %select_n3A_1069 : vector<16xi1>, vector<16xf32>
      %select_n3A_1121 = arith.select %or3A_1119, %select_n3A_1117, %select_n3A_1070 : vector<16xi1>, vector<16xi32>
      %select_n3A_1122 = arith.select %or3A_1119, %select_n3A_1069, %select_n3A_1116 : vector<16xi1>, vector<16xf32>
      %select_n3A_1123 = arith.select %or3A_1119, %select_n3A_1070, %select_n3A_1117 : vector<16xi1>, vector<16xi32>
      %gt3A_1124 = arith.cmpf ogt, %select_n3A_1122, %select_n3A_1075 : vector<16xf32>
      %or3A_1125 = arith.ori %or3A_1119, %gt3A_1124 : vector<16xi1>
      %select_n3A_1126 = arith.select %or3A_1125, %select_n3A_1122, %select_n3A_1075 : vector<16xi1>, vector<16xf32>
      %select_n3A_1127 = arith.select %or3A_1125, %select_n3A_1123, %select_n3A_1076 : vector<16xi1>, vector<16xi32>
      %select_n3A_1128 = arith.select %or3A_1125, %select_n3A_1075, %select_n3A_1122 : vector<16xi1>, vector<16xf32>
      %select_n3A_1129 = arith.select %or3A_1125, %select_n3A_1076, %select_n3A_1123 : vector<16xi1>, vector<16xi32>
      %gt3A_1130 = arith.cmpf ogt, %select_n3A_1128, %select_n3A_1081 : vector<16xf32>
      %or3A_1131 = arith.ori %or3A_1125, %gt3A_1130 : vector<16xi1>
      %select_n3A_1132 = arith.select %or3A_1131, %select_n3A_1128, %select_n3A_1081 : vector<16xi1>, vector<16xf32>
      %select_n3A_1133 = arith.select %or3A_1131, %select_n3A_1129, %select_n3A_1082 : vector<16xi1>, vector<16xi32>
      %select_n3A_1134 = arith.select %or3A_1131, %select_n3A_1081, %select_n3A_1128 : vector<16xi1>, vector<16xf32>
      %select_n3A_1135 = arith.select %or3A_1131, %select_n3A_1082, %select_n3A_1129 : vector<16xi1>, vector<16xi32>
      %gt3A_1136 = arith.cmpf ogt, %select_n3A_1134, %select_n3A_1087 : vector<16xf32>
      %or3A_1137 = arith.ori %or3A_1131, %gt3A_1136 : vector<16xi1>
      %select_n3A_1138 = arith.select %or3A_1137, %select_n3A_1134, %select_n3A_1087 : vector<16xi1>, vector<16xf32>
      %select_n3A_1139 = arith.select %or3A_1137, %select_n3A_1135, %select_n3A_1088 : vector<16xi1>, vector<16xi32>
      %select_n3A_1140 = arith.select %or3A_1137, %select_n3A_1087, %select_n3A_1134 : vector<16xi1>, vector<16xf32>
      %select_n3A_1141 = arith.select %or3A_1137, %select_n3A_1088, %select_n3A_1135 : vector<16xi1>, vector<16xi32>
      %gt3A_1142 = arith.cmpf ogt, %select_n3A_1140, %select_n3A_1093 : vector<16xf32>
      %or3A_1143 = arith.ori %or3A_1137, %gt3A_1142 : vector<16xi1>
      %select_n3A_1144 = arith.select %or3A_1143, %select_n3A_1140, %select_n3A_1093 : vector<16xi1>, vector<16xf32>
      %select_n3A_1145 = arith.select %or3A_1143, %select_n3A_1141, %select_n3A_1094 : vector<16xi1>, vector<16xi32>
      %add3A_1146 = arith.constant 22 : i32
      %add3A_1147 = vector.broadcast %add3A_1146 : i32 to vector<16xi32>
      %add3A_1148 = arith.addi %add3A_27, %add3A_1147 : vector<16xi32>
      %gather3A_1149 = tpu.vector_load_idx %arg6[%add3A_1148] : memref<32768xf32, #tpu.memory_space<vmem>>[vector<16xi32>], vector<16xf32>,
      %broadcast_in_dim3A_1150 = arith.constant 22 : i32
      %broadcast_in_dim3A_1151 = vector.broadcast %broadcast_in_dim3A_1150 : i32 to vector<16xi32>
      %gt3A_1152 = arith.cmpf ogt, %gather3A_1149, %select_n3A_1102 : vector<16xf32>
      %select_n3A_1153 = arith.select %gt3A_1152, %gather3A_1149, %select_n3A_1102 : vector<16xi1>, vector<16xf32>
      %select_n3A_1154 = arith.select %gt3A_1152, %broadcast_in_dim3A_1151, %select_n3A_1103 : vector<16xi1>, vector<16xi32>
      %select_n3A_1155 = arith.select %gt3A_1152, %select_n3A_1102, %gather3A_1149 : vector<16xi1>, vector<16xf32>
      %select_n3A_1156 = arith.select %gt3A_1152, %select_n3A_1103, %broadcast_in_dim3A_1151 : vector<16xi1>, vector<16xi32>
      %gt3A_1157 = arith.cmpf ogt, %select_n3A_1155, %select_n3A_1108 : vector<16xf32>
      %or3A_1158 = arith.ori %gt3A_1152, %gt3A_1157 : vector<16xi1>
      %select_n3A_1159 = arith.select %or3A_1158, %select_n3A_1155, %select_n3A_1108 : vector<16xi1>, vector<16xf32>
      %select_n3A_1160 = arith.select %or3A_1158, %select_n3A_1156, %select_n3A_1109 : vector<16xi1>, vector<16xi32>
      %select_n3A_1161 = arith.select %or3A_1158, %select_n3A_1108, %select_n3A_1155 : vector<16xi1>, vector<16xf32>
      %select_n3A_1162 = arith.select %or3A_1158, %select_n3A_1109, %select_n3A_1156 : vector<16xi1>, vector<16xi32>
      %gt3A_1163 = arith.cmpf ogt, %select_n3A_1161, %select_n3A_1114 : vector<16xf32>
      %or3A_1164 = arith.ori %or3A_1158, %gt3A_1163 : vector<16xi1>
      %select_n3A_1165 = arith.select %or3A_1164, %select_n3A_1161, %select_n3A_1114 : vector<16xi1>, vector<16xf32>
      %select_n3A_1166 = arith.select %or3A_1164, %select_n3A_1162, %select_n3A_1115 : vector<16xi1>, vector<16xi32>
      %select_n3A_1167 = arith.select %or3A_1164, %select_n3A_1114, %select_n3A_1161 : vector<16xi1>, vector<16xf32>
      %select_n3A_1168 = arith.select %or3A_1164, %select_n3A_1115, %select_n3A_1162 : vector<16xi1>, vector<16xi32>
      %gt3A_1169 = arith.cmpf ogt, %select_n3A_1167, %select_n3A_1120 : vector<16xf32>
      %or3A_1170 = arith.ori %or3A_1164, %gt3A_1169 : vector<16xi1>
      %select_n3A_1171 = arith.select %or3A_1170, %select_n3A_1167, %select_n3A_1120 : vector<16xi1>, vector<16xf32>
      %select_n3A_1172 = arith.select %or3A_1170, %select_n3A_1168, %select_n3A_1121 : vector<16xi1>, vector<16xi32>
      %select_n3A_1173 = arith.select %or3A_1170, %select_n3A_1120, %select_n3A_1167 : vector<16xi1>, vector<16xf32>
      %select_n3A_1174 = arith.select %or3A_1170, %select_n3A_1121, %select_n3A_1168 : vector<16xi1>, vector<16xi32>
      %gt3A_1175 = arith.cmpf ogt, %select_n3A_1173, %select_n3A_1126 : vector<16xf32>
      %or3A_1176 = arith.ori %or3A_1170, %gt3A_1175 : vector<16xi1>
      %select_n3A_1177 = arith.select %or3A_1176, %select_n3A_1173, %select_n3A_1126 : vector<16xi1>, vector<16xf32>
      %select_n3A_1178 = arith.select %or3A_1176, %select_n3A_1174, %select_n3A_1127 : vector<16xi1>, vector<16xi32>
      %select_n3A_1179 = arith.select %or3A_1176, %select_n3A_1126, %select_n3A_1173 : vector<16xi1>, vector<16xf32>
      %select_n3A_1180 = arith.select %or3A_1176, %select_n3A_1127, %select_n3A_1174 : vector<16xi1>, vector<16xi32>
      %gt3A_1181 = arith.cmpf ogt, %select_n3A_1179, %select_n3A_1132 : vector<16xf32>
      %or3A_1182 = arith.ori %or3A_1176, %gt3A_1181 : vector<16xi1>
      %select_n3A_1183 = arith.select %or3A_1182, %select_n3A_1179, %select_n3A_1132 : vector<16xi1>, vector<16xf32>
      %select_n3A_1184 = arith.select %or3A_1182, %select_n3A_1180, %select_n3A_1133 : vector<16xi1>, vector<16xi32>
      %select_n3A_1185 = arith.select %or3A_1182, %select_n3A_1132, %select_n3A_1179 : vector<16xi1>, vector<16xf32>
      %select_n3A_1186 = arith.select %or3A_1182, %select_n3A_1133, %select_n3A_1180 : vector<16xi1>, vector<16xi32>
      %gt3A_1187 = arith.cmpf ogt, %select_n3A_1185, %select_n3A_1138 : vector<16xf32>
      %or3A_1188 = arith.ori %or3A_1182, %gt3A_1187 : vector<16xi1>
      %select_n3A_1189 = arith.select %or3A_1188, %select_n3A_1185, %select_n3A_1138 : vector<16xi1>, vector<16xf32>
      %select_n3A_1190 = arith.select %or3A_1188, %select_n3A_1186, %select_n3A_1139 : vector<16xi1>, vector<16xi32>
      %select_n3A_1191 = arith.select %or3A_1188, %select_n3A_1138, %select_n3A_1185 : vector<16xi1>, vector<16xf32>
      %select_n3A_1192 = arith.select %or3A_1188, %select_n3A_1139, %select_n3A_1186 : vector<16xi1>, vector<16xi32>
      %gt3A_1193 = arith.cmpf ogt, %select_n3A_1191, %select_n3A_1144 : vector<16xf32>
      %or3A_1194 = arith.ori %or3A_1188, %gt3A_1193 : vector<16xi1>
      %select_n3A_1195 = arith.select %or3A_1194, %select_n3A_1191, %select_n3A_1144 : vector<16xi1>, vector<16xf32>
      %select_n3A_1196 = arith.select %or3A_1194, %select_n3A_1192, %select_n3A_1145 : vector<16xi1>, vector<16xi32>
      %add3A_1197 = arith.constant 23 : i32
      %add3A_1198 = vector.broadcast %add3A_1197 : i32 to vector<16xi32>
      %add3A_1199 = arith.addi %add3A_27, %add3A_1198 : vector<16xi32>
      %gather3A_1200 = tpu.vector_load_idx %arg6[%add3A_1199] : memref<32768xf32, #tpu.memory_space<vmem>>[vector<16xi32>], vector<16xf32>,
      %broadcast_in_dim3A_1201 = arith.constant 23 : i32
      %broadcast_in_dim3A_1202 = vector.broadcast %broadcast_in_dim3A_1201 : i32 to vector<16xi32>
      %gt3A_1203 = arith.cmpf ogt, %gather3A_1200, %select_n3A_1153 : vector<16xf32>
      %select_n3A_1204 = arith.select %gt3A_1203, %gather3A_1200, %select_n3A_1153 : vector<16xi1>, vector<16xf32>
      %select_n3A_1205 = arith.select %gt3A_1203, %broadcast_in_dim3A_1202, %select_n3A_1154 : vector<16xi1>, vector<16xi32>
      %select_n3A_1206 = arith.select %gt3A_1203, %select_n3A_1153, %gather3A_1200 : vector<16xi1>, vector<16xf32>
      %select_n3A_1207 = arith.select %gt3A_1203, %select_n3A_1154, %broadcast_in_dim3A_1202 : vector<16xi1>, vector<16xi32>
      %gt3A_1208 = arith.cmpf ogt, %select_n3A_1206, %select_n3A_1159 : vector<16xf32>
      %or3A_1209 = arith.ori %gt3A_1203, %gt3A_1208 : vector<16xi1>
      %select_n3A_1210 = arith.select %or3A_1209, %select_n3A_1206, %select_n3A_1159 : vector<16xi1>, vector<16xf32>
      %select_n3A_1211 = arith.select %or3A_1209, %select_n3A_1207, %select_n3A_1160 : vector<16xi1>, vector<16xi32>
      %select_n3A_1212 = arith.select %or3A_1209, %select_n3A_1159, %select_n3A_1206 : vector<16xi1>, vector<16xf32>
      %select_n3A_1213 = arith.select %or3A_1209, %select_n3A_1160, %select_n3A_1207 : vector<16xi1>, vector<16xi32>
      %gt3A_1214 = arith.cmpf ogt, %select_n3A_1212, %select_n3A_1165 : vector<16xf32>
      %or3A_1215 = arith.ori %or3A_1209, %gt3A_1214 : vector<16xi1>
      %select_n3A_1216 = arith.select %or3A_1215, %select_n3A_1212, %select_n3A_1165 : vector<16xi1>, vector<16xf32>
      %select_n3A_1217 = arith.select %or3A_1215, %select_n3A_1213, %select_n3A_1166 : vector<16xi1>, vector<16xi32>
      %select_n3A_1218 = arith.select %or3A_1215, %select_n3A_1165, %select_n3A_1212 : vector<16xi1>, vector<16xf32>
      %select_n3A_1219 = arith.select %or3A_1215, %select_n3A_1166, %select_n3A_1213 : vector<16xi1>, vector<16xi32>
      %gt3A_1220 = arith.cmpf ogt, %select_n3A_1218, %select_n3A_1171 : vector<16xf32>
      %or3A_1221 = arith.ori %or3A_1215, %gt3A_1220 : vector<16xi1>
      %select_n3A_1222 = arith.select %or3A_1221, %select_n3A_1218, %select_n3A_1171 : vector<16xi1>, vector<16xf32>
      %select_n3A_1223 = arith.select %or3A_1221, %select_n3A_1219, %select_n3A_1172 : vector<16xi1>, vector<16xi32>
      %select_n3A_1224 = arith.select %or3A_1221, %select_n3A_1171, %select_n3A_1218 : vector<16xi1>, vector<16xf32>
      %select_n3A_1225 = arith.select %or3A_1221, %select_n3A_1172, %select_n3A_1219 : vector<16xi1>, vector<16xi32>
      %gt3A_1226 = arith.cmpf ogt, %select_n3A_1224, %select_n3A_1177 : vector<16xf32>
      %or3A_1227 = arith.ori %or3A_1221, %gt3A_1226 : vector<16xi1>
      %select_n3A_1228 = arith.select %or3A_1227, %select_n3A_1224, %select_n3A_1177 : vector<16xi1>, vector<16xf32>
      %select_n3A_1229 = arith.select %or3A_1227, %select_n3A_1225, %select_n3A_1178 : vector<16xi1>, vector<16xi32>
      %select_n3A_1230 = arith.select %or3A_1227, %select_n3A_1177, %select_n3A_1224 : vector<16xi1>, vector<16xf32>
      %select_n3A_1231 = arith.select %or3A_1227, %select_n3A_1178, %select_n3A_1225 : vector<16xi1>, vector<16xi32>
      %gt3A_1232 = arith.cmpf ogt, %select_n3A_1230, %select_n3A_1183 : vector<16xf32>
      %or3A_1233 = arith.ori %or3A_1227, %gt3A_1232 : vector<16xi1>
      %select_n3A_1234 = arith.select %or3A_1233, %select_n3A_1230, %select_n3A_1183 : vector<16xi1>, vector<16xf32>
      %select_n3A_1235 = arith.select %or3A_1233, %select_n3A_1231, %select_n3A_1184 : vector<16xi1>, vector<16xi32>
      %select_n3A_1236 = arith.select %or3A_1233, %select_n3A_1183, %select_n3A_1230 : vector<16xi1>, vector<16xf32>
      %select_n3A_1237 = arith.select %or3A_1233, %select_n3A_1184, %select_n3A_1231 : vector<16xi1>, vector<16xi32>
      %gt3A_1238 = arith.cmpf ogt, %select_n3A_1236, %select_n3A_1189 : vector<16xf32>
      %or3A_1239 = arith.ori %or3A_1233, %gt3A_1238 : vector<16xi1>
      %select_n3A_1240 = arith.select %or3A_1239, %select_n3A_1236, %select_n3A_1189 : vector<16xi1>, vector<16xf32>
      %select_n3A_1241 = arith.select %or3A_1239, %select_n3A_1237, %select_n3A_1190 : vector<16xi1>, vector<16xi32>
      %select_n3A_1242 = arith.select %or3A_1239, %select_n3A_1189, %select_n3A_1236 : vector<16xi1>, vector<16xf32>
      %select_n3A_1243 = arith.select %or3A_1239, %select_n3A_1190, %select_n3A_1237 : vector<16xi1>, vector<16xi32>
      %gt3A_1244 = arith.cmpf ogt, %select_n3A_1242, %select_n3A_1195 : vector<16xf32>
      %or3A_1245 = arith.ori %or3A_1239, %gt3A_1244 : vector<16xi1>
      %select_n3A_1246 = arith.select %or3A_1245, %select_n3A_1242, %select_n3A_1195 : vector<16xi1>, vector<16xf32>
      %select_n3A_1247 = arith.select %or3A_1245, %select_n3A_1243, %select_n3A_1196 : vector<16xi1>, vector<16xi32>
      %add3A_1248 = arith.constant 24 : i32
      %add3A_1249 = vector.broadcast %add3A_1248 : i32 to vector<16xi32>
      %add3A_1250 = arith.addi %add3A_27, %add3A_1249 : vector<16xi32>
      %gather3A_1251 = tpu.vector_load_idx %arg6[%add3A_1250] : memref<32768xf32, #tpu.memory_space<vmem>>[vector<16xi32>], vector<16xf32>,
      %broadcast_in_dim3A_1252 = arith.constant 24 : i32
      %broadcast_in_dim3A_1253 = vector.broadcast %broadcast_in_dim3A_1252 : i32 to vector<16xi32>
      %gt3A_1254 = arith.cmpf ogt, %gather3A_1251, %select_n3A_1204 : vector<16xf32>
      %select_n3A_1255 = arith.select %gt3A_1254, %gather3A_1251, %select_n3A_1204 : vector<16xi1>, vector<16xf32>
      %select_n3A_1256 = arith.select %gt3A_1254, %broadcast_in_dim3A_1253, %select_n3A_1205 : vector<16xi1>, vector<16xi32>
      %select_n3A_1257 = arith.select %gt3A_1254, %select_n3A_1204, %gather3A_1251 : vector<16xi1>, vector<16xf32>
      %select_n3A_1258 = arith.select %gt3A_1254, %select_n3A_1205, %broadcast_in_dim3A_1253 : vector<16xi1>, vector<16xi32>
      %gt3A_1259 = arith.cmpf ogt, %select_n3A_1257, %select_n3A_1210 : vector<16xf32>
      %or3A_1260 = arith.ori %gt3A_1254, %gt3A_1259 : vector<16xi1>
      %select_n3A_1261 = arith.select %or3A_1260, %select_n3A_1257, %select_n3A_1210 : vector<16xi1>, vector<16xf32>
      %select_n3A_1262 = arith.select %or3A_1260, %select_n3A_1258, %select_n3A_1211 : vector<16xi1>, vector<16xi32>
      %select_n3A_1263 = arith.select %or3A_1260, %select_n3A_1210, %select_n3A_1257 : vector<16xi1>, vector<16xf32>
      %select_n3A_1264 = arith.select %or3A_1260, %select_n3A_1211, %select_n3A_1258 : vector<16xi1>, vector<16xi32>
      %gt3A_1265 = arith.cmpf ogt, %select_n3A_1263, %select_n3A_1216 : vector<16xf32>
      %or3A_1266 = arith.ori %or3A_1260, %gt3A_1265 : vector<16xi1>
      %select_n3A_1267 = arith.select %or3A_1266, %select_n3A_1263, %select_n3A_1216 : vector<16xi1>, vector<16xf32>
      %select_n3A_1268 = arith.select %or3A_1266, %select_n3A_1264, %select_n3A_1217 : vector<16xi1>, vector<16xi32>
      %select_n3A_1269 = arith.select %or3A_1266, %select_n3A_1216, %select_n3A_1263 : vector<16xi1>, vector<16xf32>
      %select_n3A_1270 = arith.select %or3A_1266, %select_n3A_1217, %select_n3A_1264 : vector<16xi1>, vector<16xi32>
      %gt3A_1271 = arith.cmpf ogt, %select_n3A_1269, %select_n3A_1222 : vector<16xf32>
      %or3A_1272 = arith.ori %or3A_1266, %gt3A_1271 : vector<16xi1>
      %select_n3A_1273 = arith.select %or3A_1272, %select_n3A_1269, %select_n3A_1222 : vector<16xi1>, vector<16xf32>
      %select_n3A_1274 = arith.select %or3A_1272, %select_n3A_1270, %select_n3A_1223 : vector<16xi1>, vector<16xi32>
      %select_n3A_1275 = arith.select %or3A_1272, %select_n3A_1222, %select_n3A_1269 : vector<16xi1>, vector<16xf32>
      %select_n3A_1276 = arith.select %or3A_1272, %select_n3A_1223, %select_n3A_1270 : vector<16xi1>, vector<16xi32>
      %gt3A_1277 = arith.cmpf ogt, %select_n3A_1275, %select_n3A_1228 : vector<16xf32>
      %or3A_1278 = arith.ori %or3A_1272, %gt3A_1277 : vector<16xi1>
      %select_n3A_1279 = arith.select %or3A_1278, %select_n3A_1275, %select_n3A_1228 : vector<16xi1>, vector<16xf32>
      %select_n3A_1280 = arith.select %or3A_1278, %select_n3A_1276, %select_n3A_1229 : vector<16xi1>, vector<16xi32>
      %select_n3A_1281 = arith.select %or3A_1278, %select_n3A_1228, %select_n3A_1275 : vector<16xi1>, vector<16xf32>
      %select_n3A_1282 = arith.select %or3A_1278, %select_n3A_1229, %select_n3A_1276 : vector<16xi1>, vector<16xi32>
      %gt3A_1283 = arith.cmpf ogt, %select_n3A_1281, %select_n3A_1234 : vector<16xf32>
      %or3A_1284 = arith.ori %or3A_1278, %gt3A_1283 : vector<16xi1>
      %select_n3A_1285 = arith.select %or3A_1284, %select_n3A_1281, %select_n3A_1234 : vector<16xi1>, vector<16xf32>
      %select_n3A_1286 = arith.select %or3A_1284, %select_n3A_1282, %select_n3A_1235 : vector<16xi1>, vector<16xi32>
      %select_n3A_1287 = arith.select %or3A_1284, %select_n3A_1234, %select_n3A_1281 : vector<16xi1>, vector<16xf32>
      %select_n3A_1288 = arith.select %or3A_1284, %select_n3A_1235, %select_n3A_1282 : vector<16xi1>, vector<16xi32>
      %gt3A_1289 = arith.cmpf ogt, %select_n3A_1287, %select_n3A_1240 : vector<16xf32>
      %or3A_1290 = arith.ori %or3A_1284, %gt3A_1289 : vector<16xi1>
      %select_n3A_1291 = arith.select %or3A_1290, %select_n3A_1287, %select_n3A_1240 : vector<16xi1>, vector<16xf32>
      %select_n3A_1292 = arith.select %or3A_1290, %select_n3A_1288, %select_n3A_1241 : vector<16xi1>, vector<16xi32>
      %select_n3A_1293 = arith.select %or3A_1290, %select_n3A_1240, %select_n3A_1287 : vector<16xi1>, vector<16xf32>
      %select_n3A_1294 = arith.select %or3A_1290, %select_n3A_1241, %select_n3A_1288 : vector<16xi1>, vector<16xi32>
      %gt3A_1295 = arith.cmpf ogt, %select_n3A_1293, %select_n3A_1246 : vector<16xf32>
      %or3A_1296 = arith.ori %or3A_1290, %gt3A_1295 : vector<16xi1>
      %select_n3A_1297 = arith.select %or3A_1296, %select_n3A_1293, %select_n3A_1246 : vector<16xi1>, vector<16xf32>
      %select_n3A_1298 = arith.select %or3A_1296, %select_n3A_1294, %select_n3A_1247 : vector<16xi1>, vector<16xi32>
      %add3A_1299 = arith.constant 25 : i32
      %add3A_1300 = vector.broadcast %add3A_1299 : i32 to vector<16xi32>
      %add3A_1301 = arith.addi %add3A_27, %add3A_1300 : vector<16xi32>
      %gather3A_1302 = tpu.vector_load_idx %arg6[%add3A_1301] : memref<32768xf32, #tpu.memory_space<vmem>>[vector<16xi32>], vector<16xf32>,
      %broadcast_in_dim3A_1303 = arith.constant 25 : i32
      %broadcast_in_dim3A_1304 = vector.broadcast %broadcast_in_dim3A_1303 : i32 to vector<16xi32>
      %gt3A_1305 = arith.cmpf ogt, %gather3A_1302, %select_n3A_1255 : vector<16xf32>
      %select_n3A_1306 = arith.select %gt3A_1305, %gather3A_1302, %select_n3A_1255 : vector<16xi1>, vector<16xf32>
      %select_n3A_1307 = arith.select %gt3A_1305, %broadcast_in_dim3A_1304, %select_n3A_1256 : vector<16xi1>, vector<16xi32>
      %select_n3A_1308 = arith.select %gt3A_1305, %select_n3A_1255, %gather3A_1302 : vector<16xi1>, vector<16xf32>
      %select_n3A_1309 = arith.select %gt3A_1305, %select_n3A_1256, %broadcast_in_dim3A_1304 : vector<16xi1>, vector<16xi32>
      %gt3A_1310 = arith.cmpf ogt, %select_n3A_1308, %select_n3A_1261 : vector<16xf32>
      %or3A_1311 = arith.ori %gt3A_1305, %gt3A_1310 : vector<16xi1>
      %select_n3A_1312 = arith.select %or3A_1311, %select_n3A_1308, %select_n3A_1261 : vector<16xi1>, vector<16xf32>
      %select_n3A_1313 = arith.select %or3A_1311, %select_n3A_1309, %select_n3A_1262 : vector<16xi1>, vector<16xi32>
      %select_n3A_1314 = arith.select %or3A_1311, %select_n3A_1261, %select_n3A_1308 : vector<16xi1>, vector<16xf32>
      %select_n3A_1315 = arith.select %or3A_1311, %select_n3A_1262, %select_n3A_1309 : vector<16xi1>, vector<16xi32>
      %gt3A_1316 = arith.cmpf ogt, %select_n3A_1314, %select_n3A_1267 : vector<16xf32>
      %or3A_1317 = arith.ori %or3A_1311, %gt3A_1316 : vector<16xi1>
      %select_n3A_1318 = arith.select %or3A_1317, %select_n3A_1314, %select_n3A_1267 : vector<16xi1>, vector<16xf32>
      %select_n3A_1319 = arith.select %or3A_1317, %select_n3A_1315, %select_n3A_1268 : vector<16xi1>, vector<16xi32>
      %select_n3A_1320 = arith.select %or3A_1317, %select_n3A_1267, %select_n3A_1314 : vector<16xi1>, vector<16xf32>
      %select_n3A_1321 = arith.select %or3A_1317, %select_n3A_1268, %select_n3A_1315 : vector<16xi1>, vector<16xi32>
      %gt3A_1322 = arith.cmpf ogt, %select_n3A_1320, %select_n3A_1273 : vector<16xf32>
      %or3A_1323 = arith.ori %or3A_1317, %gt3A_1322 : vector<16xi1>
      %select_n3A_1324 = arith.select %or3A_1323, %select_n3A_1320, %select_n3A_1273 : vector<16xi1>, vector<16xf32>
      %select_n3A_1325 = arith.select %or3A_1323, %select_n3A_1321, %select_n3A_1274 : vector<16xi1>, vector<16xi32>
      %select_n3A_1326 = arith.select %or3A_1323, %select_n3A_1273, %select_n3A_1320 : vector<16xi1>, vector<16xf32>
      %select_n3A_1327 = arith.select %or3A_1323, %select_n3A_1274, %select_n3A_1321 : vector<16xi1>, vector<16xi32>
      %gt3A_1328 = arith.cmpf ogt, %select_n3A_1326, %select_n3A_1279 : vector<16xf32>
      %or3A_1329 = arith.ori %or3A_1323, %gt3A_1328 : vector<16xi1>
      %select_n3A_1330 = arith.select %or3A_1329, %select_n3A_1326, %select_n3A_1279 : vector<16xi1>, vector<16xf32>
      %select_n3A_1331 = arith.select %or3A_1329, %select_n3A_1327, %select_n3A_1280 : vector<16xi1>, vector<16xi32>
      %select_n3A_1332 = arith.select %or3A_1329, %select_n3A_1279, %select_n3A_1326 : vector<16xi1>, vector<16xf32>
      %select_n3A_1333 = arith.select %or3A_1329, %select_n3A_1280, %select_n3A_1327 : vector<16xi1>, vector<16xi32>
      %gt3A_1334 = arith.cmpf ogt, %select_n3A_1332, %select_n3A_1285 : vector<16xf32>
      %or3A_1335 = arith.ori %or3A_1329, %gt3A_1334 : vector<16xi1>
      %select_n3A_1336 = arith.select %or3A_1335, %select_n3A_1332, %select_n3A_1285 : vector<16xi1>, vector<16xf32>
      %select_n3A_1337 = arith.select %or3A_1335, %select_n3A_1333, %select_n3A_1286 : vector<16xi1>, vector<16xi32>
      %select_n3A_1338 = arith.select %or3A_1335, %select_n3A_1285, %select_n3A_1332 : vector<16xi1>, vector<16xf32>
      %select_n3A_1339 = arith.select %or3A_1335, %select_n3A_1286, %select_n3A_1333 : vector<16xi1>, vector<16xi32>
      %gt3A_1340 = arith.cmpf ogt, %select_n3A_1338, %select_n3A_1291 : vector<16xf32>
      %or3A_1341 = arith.ori %or3A_1335, %gt3A_1340 : vector<16xi1>
      %select_n3A_1342 = arith.select %or3A_1341, %select_n3A_1338, %select_n3A_1291 : vector<16xi1>, vector<16xf32>
      %select_n3A_1343 = arith.select %or3A_1341, %select_n3A_1339, %select_n3A_1292 : vector<16xi1>, vector<16xi32>
      %select_n3A_1344 = arith.select %or3A_1341, %select_n3A_1291, %select_n3A_1338 : vector<16xi1>, vector<16xf32>
      %select_n3A_1345 = arith.select %or3A_1341, %select_n3A_1292, %select_n3A_1339 : vector<16xi1>, vector<16xi32>
      %gt3A_1346 = arith.cmpf ogt, %select_n3A_1344, %select_n3A_1297 : vector<16xf32>
      %or3A_1347 = arith.ori %or3A_1341, %gt3A_1346 : vector<16xi1>
      %select_n3A_1348 = arith.select %or3A_1347, %select_n3A_1344, %select_n3A_1297 : vector<16xi1>, vector<16xf32>
      %select_n3A_1349 = arith.select %or3A_1347, %select_n3A_1345, %select_n3A_1298 : vector<16xi1>, vector<16xi32>
      %add3A_1350 = arith.constant 26 : i32
      %add3A_1351 = vector.broadcast %add3A_1350 : i32 to vector<16xi32>
      %add3A_1352 = arith.addi %add3A_27, %add3A_1351 : vector<16xi32>
      %gather3A_1353 = tpu.vector_load_idx %arg6[%add3A_1352] : memref<32768xf32, #tpu.memory_space<vmem>>[vector<16xi32>], vector<16xf32>,
      %broadcast_in_dim3A_1354 = arith.constant 26 : i32
      %broadcast_in_dim3A_1355 = vector.broadcast %broadcast_in_dim3A_1354 : i32 to vector<16xi32>
      %gt3A_1356 = arith.cmpf ogt, %gather3A_1353, %select_n3A_1306 : vector<16xf32>
      %select_n3A_1357 = arith.select %gt3A_1356, %gather3A_1353, %select_n3A_1306 : vector<16xi1>, vector<16xf32>
      %select_n3A_1358 = arith.select %gt3A_1356, %broadcast_in_dim3A_1355, %select_n3A_1307 : vector<16xi1>, vector<16xi32>
      %select_n3A_1359 = arith.select %gt3A_1356, %select_n3A_1306, %gather3A_1353 : vector<16xi1>, vector<16xf32>
      %select_n3A_1360 = arith.select %gt3A_1356, %select_n3A_1307, %broadcast_in_dim3A_1355 : vector<16xi1>, vector<16xi32>
      %gt3A_1361 = arith.cmpf ogt, %select_n3A_1359, %select_n3A_1312 : vector<16xf32>
      %or3A_1362 = arith.ori %gt3A_1356, %gt3A_1361 : vector<16xi1>
      %select_n3A_1363 = arith.select %or3A_1362, %select_n3A_1359, %select_n3A_1312 : vector<16xi1>, vector<16xf32>
      %select_n3A_1364 = arith.select %or3A_1362, %select_n3A_1360, %select_n3A_1313 : vector<16xi1>, vector<16xi32>
      %select_n3A_1365 = arith.select %or3A_1362, %select_n3A_1312, %select_n3A_1359 : vector<16xi1>, vector<16xf32>
      %select_n3A_1366 = arith.select %or3A_1362, %select_n3A_1313, %select_n3A_1360 : vector<16xi1>, vector<16xi32>
      %gt3A_1367 = arith.cmpf ogt, %select_n3A_1365, %select_n3A_1318 : vector<16xf32>
      %or3A_1368 = arith.ori %or3A_1362, %gt3A_1367 : vector<16xi1>
      %select_n3A_1369 = arith.select %or3A_1368, %select_n3A_1365, %select_n3A_1318 : vector<16xi1>, vector<16xf32>
      %select_n3A_1370 = arith.select %or3A_1368, %select_n3A_1366, %select_n3A_1319 : vector<16xi1>, vector<16xi32>
      %select_n3A_1371 = arith.select %or3A_1368, %select_n3A_1318, %select_n3A_1365 : vector<16xi1>, vector<16xf32>
      %select_n3A_1372 = arith.select %or3A_1368, %select_n3A_1319, %select_n3A_1366 : vector<16xi1>, vector<16xi32>
      %gt3A_1373 = arith.cmpf ogt, %select_n3A_1371, %select_n3A_1324 : vector<16xf32>
      %or3A_1374 = arith.ori %or3A_1368, %gt3A_1373 : vector<16xi1>
      %select_n3A_1375 = arith.select %or3A_1374, %select_n3A_1371, %select_n3A_1324 : vector<16xi1>, vector<16xf32>
      %select_n3A_1376 = arith.select %or3A_1374, %select_n3A_1372, %select_n3A_1325 : vector<16xi1>, vector<16xi32>
      %select_n3A_1377 = arith.select %or3A_1374, %select_n3A_1324, %select_n3A_1371 : vector<16xi1>, vector<16xf32>
      %select_n3A_1378 = arith.select %or3A_1374, %select_n3A_1325, %select_n3A_1372 : vector<16xi1>, vector<16xi32>
      %gt3A_1379 = arith.cmpf ogt, %select_n3A_1377, %select_n3A_1330 : vector<16xf32>
      %or3A_1380 = arith.ori %or3A_1374, %gt3A_1379 : vector<16xi1>
      %select_n3A_1381 = arith.select %or3A_1380, %select_n3A_1377, %select_n3A_1330 : vector<16xi1>, vector<16xf32>
      %select_n3A_1382 = arith.select %or3A_1380, %select_n3A_1378, %select_n3A_1331 : vector<16xi1>, vector<16xi32>
      %select_n3A_1383 = arith.select %or3A_1380, %select_n3A_1330, %select_n3A_1377 : vector<16xi1>, vector<16xf32>
      %select_n3A_1384 = arith.select %or3A_1380, %select_n3A_1331, %select_n3A_1378 : vector<16xi1>, vector<16xi32>
      %gt3A_1385 = arith.cmpf ogt, %select_n3A_1383, %select_n3A_1336 : vector<16xf32>
      %or3A_1386 = arith.ori %or3A_1380, %gt3A_1385 : vector<16xi1>
      %select_n3A_1387 = arith.select %or3A_1386, %select_n3A_1383, %select_n3A_1336 : vector<16xi1>, vector<16xf32>
      %select_n3A_1388 = arith.select %or3A_1386, %select_n3A_1384, %select_n3A_1337 : vector<16xi1>, vector<16xi32>
      %select_n3A_1389 = arith.select %or3A_1386, %select_n3A_1336, %select_n3A_1383 : vector<16xi1>, vector<16xf32>
      %select_n3A_1390 = arith.select %or3A_1386, %select_n3A_1337, %select_n3A_1384 : vector<16xi1>, vector<16xi32>
      %gt3A_1391 = arith.cmpf ogt, %select_n3A_1389, %select_n3A_1342 : vector<16xf32>
      %or3A_1392 = arith.ori %or3A_1386, %gt3A_1391 : vector<16xi1>
      %select_n3A_1393 = arith.select %or3A_1392, %select_n3A_1389, %select_n3A_1342 : vector<16xi1>, vector<16xf32>
      %select_n3A_1394 = arith.select %or3A_1392, %select_n3A_1390, %select_n3A_1343 : vector<16xi1>, vector<16xi32>
      %select_n3A_1395 = arith.select %or3A_1392, %select_n3A_1342, %select_n3A_1389 : vector<16xi1>, vector<16xf32>
      %select_n3A_1396 = arith.select %or3A_1392, %select_n3A_1343, %select_n3A_1390 : vector<16xi1>, vector<16xi32>
      %gt3A_1397 = arith.cmpf ogt, %select_n3A_1395, %select_n3A_1348 : vector<16xf32>
      %or3A_1398 = arith.ori %or3A_1392, %gt3A_1397 : vector<16xi1>
      %select_n3A_1399 = arith.select %or3A_1398, %select_n3A_1395, %select_n3A_1348 : vector<16xi1>, vector<16xf32>
      %select_n3A_1400 = arith.select %or3A_1398, %select_n3A_1396, %select_n3A_1349 : vector<16xi1>, vector<16xi32>
      %add3A_1401 = arith.constant 27 : i32
      %add3A_1402 = vector.broadcast %add3A_1401 : i32 to vector<16xi32>
      %add3A_1403 = arith.addi %add3A_27, %add3A_1402 : vector<16xi32>
      %gather3A_1404 = tpu.vector_load_idx %arg6[%add3A_1403] : memref<32768xf32, #tpu.memory_space<vmem>>[vector<16xi32>], vector<16xf32>,
      %broadcast_in_dim3A_1405 = arith.constant 27 : i32
      %broadcast_in_dim3A_1406 = vector.broadcast %broadcast_in_dim3A_1405 : i32 to vector<16xi32>
      %gt3A_1407 = arith.cmpf ogt, %gather3A_1404, %select_n3A_1357 : vector<16xf32>
      %select_n3A_1408 = arith.select %gt3A_1407, %gather3A_1404, %select_n3A_1357 : vector<16xi1>, vector<16xf32>
      %select_n3A_1409 = arith.select %gt3A_1407, %broadcast_in_dim3A_1406, %select_n3A_1358 : vector<16xi1>, vector<16xi32>
      %select_n3A_1410 = arith.select %gt3A_1407, %select_n3A_1357, %gather3A_1404 : vector<16xi1>, vector<16xf32>
      %select_n3A_1411 = arith.select %gt3A_1407, %select_n3A_1358, %broadcast_in_dim3A_1406 : vector<16xi1>, vector<16xi32>
      %gt3A_1412 = arith.cmpf ogt, %select_n3A_1410, %select_n3A_1363 : vector<16xf32>
      %or3A_1413 = arith.ori %gt3A_1407, %gt3A_1412 : vector<16xi1>
      %select_n3A_1414 = arith.select %or3A_1413, %select_n3A_1410, %select_n3A_1363 : vector<16xi1>, vector<16xf32>
      %select_n3A_1415 = arith.select %or3A_1413, %select_n3A_1411, %select_n3A_1364 : vector<16xi1>, vector<16xi32>
      %select_n3A_1416 = arith.select %or3A_1413, %select_n3A_1363, %select_n3A_1410 : vector<16xi1>, vector<16xf32>
      %select_n3A_1417 = arith.select %or3A_1413, %select_n3A_1364, %select_n3A_1411 : vector<16xi1>, vector<16xi32>
      %gt3A_1418 = arith.cmpf ogt, %select_n3A_1416, %select_n3A_1369 : vector<16xf32>
      %or3A_1419 = arith.ori %or3A_1413, %gt3A_1418 : vector<16xi1>
      %select_n3A_1420 = arith.select %or3A_1419, %select_n3A_1416, %select_n3A_1369 : vector<16xi1>, vector<16xf32>
      %select_n3A_1421 = arith.select %or3A_1419, %select_n3A_1417, %select_n3A_1370 : vector<16xi1>, vector<16xi32>
      %select_n3A_1422 = arith.select %or3A_1419, %select_n3A_1369, %select_n3A_1416 : vector<16xi1>, vector<16xf32>
      %select_n3A_1423 = arith.select %or3A_1419, %select_n3A_1370, %select_n3A_1417 : vector<16xi1>, vector<16xi32>
      %gt3A_1424 = arith.cmpf ogt, %select_n3A_1422, %select_n3A_1375 : vector<16xf32>
      %or3A_1425 = arith.ori %or3A_1419, %gt3A_1424 : vector<16xi1>
      %select_n3A_1426 = arith.select %or3A_1425, %select_n3A_1422, %select_n3A_1375 : vector<16xi1>, vector<16xf32>
      %select_n3A_1427 = arith.select %or3A_1425, %select_n3A_1423, %select_n3A_1376 : vector<16xi1>, vector<16xi32>
      %select_n3A_1428 = arith.select %or3A_1425, %select_n3A_1375, %select_n3A_1422 : vector<16xi1>, vector<16xf32>
      %select_n3A_1429 = arith.select %or3A_1425, %select_n3A_1376, %select_n3A_1423 : vector<16xi1>, vector<16xi32>
      %gt3A_1430 = arith.cmpf ogt, %select_n3A_1428, %select_n3A_1381 : vector<16xf32>
      %or3A_1431 = arith.ori %or3A_1425, %gt3A_1430 : vector<16xi1>
      %select_n3A_1432 = arith.select %or3A_1431, %select_n3A_1428, %select_n3A_1381 : vector<16xi1>, vector<16xf32>
      %select_n3A_1433 = arith.select %or3A_1431, %select_n3A_1429, %select_n3A_1382 : vector<16xi1>, vector<16xi32>
      %select_n3A_1434 = arith.select %or3A_1431, %select_n3A_1381, %select_n3A_1428 : vector<16xi1>, vector<16xf32>
      %select_n3A_1435 = arith.select %or3A_1431, %select_n3A_1382, %select_n3A_1429 : vector<16xi1>, vector<16xi32>
      %gt3A_1436 = arith.cmpf ogt, %select_n3A_1434, %select_n3A_1387 : vector<16xf32>
      %or3A_1437 = arith.ori %or3A_1431, %gt3A_1436 : vector<16xi1>
      %select_n3A_1438 = arith.select %or3A_1437, %select_n3A_1434, %select_n3A_1387 : vector<16xi1>, vector<16xf32>
      %select_n3A_1439 = arith.select %or3A_1437, %select_n3A_1435, %select_n3A_1388 : vector<16xi1>, vector<16xi32>
      %select_n3A_1440 = arith.select %or3A_1437, %select_n3A_1387, %select_n3A_1434 : vector<16xi1>, vector<16xf32>
      %select_n3A_1441 = arith.select %or3A_1437, %select_n3A_1388, %select_n3A_1435 : vector<16xi1>, vector<16xi32>
      %gt3A_1442 = arith.cmpf ogt, %select_n3A_1440, %select_n3A_1393 : vector<16xf32>
      %or3A_1443 = arith.ori %or3A_1437, %gt3A_1442 : vector<16xi1>
      %select_n3A_1444 = arith.select %or3A_1443, %select_n3A_1440, %select_n3A_1393 : vector<16xi1>, vector<16xf32>
      %select_n3A_1445 = arith.select %or3A_1443, %select_n3A_1441, %select_n3A_1394 : vector<16xi1>, vector<16xi32>
      %select_n3A_1446 = arith.select %or3A_1443, %select_n3A_1393, %select_n3A_1440 : vector<16xi1>, vector<16xf32>
      %select_n3A_1447 = arith.select %or3A_1443, %select_n3A_1394, %select_n3A_1441 : vector<16xi1>, vector<16xi32>
      %gt3A_1448 = arith.cmpf ogt, %select_n3A_1446, %select_n3A_1399 : vector<16xf32>
      %or3A_1449 = arith.ori %or3A_1443, %gt3A_1448 : vector<16xi1>
      %select_n3A_1450 = arith.select %or3A_1449, %select_n3A_1446, %select_n3A_1399 : vector<16xi1>, vector<16xf32>
      %select_n3A_1451 = arith.select %or3A_1449, %select_n3A_1447, %select_n3A_1400 : vector<16xi1>, vector<16xi32>
      %add3A_1452 = arith.constant 28 : i32
      %add3A_1453 = vector.broadcast %add3A_1452 : i32 to vector<16xi32>
      %add3A_1454 = arith.addi %add3A_27, %add3A_1453 : vector<16xi32>
      %gather3A_1455 = tpu.vector_load_idx %arg6[%add3A_1454] : memref<32768xf32, #tpu.memory_space<vmem>>[vector<16xi32>], vector<16xf32>,
      %broadcast_in_dim3A_1456 = arith.constant 28 : i32
      %broadcast_in_dim3A_1457 = vector.broadcast %broadcast_in_dim3A_1456 : i32 to vector<16xi32>
      %gt3A_1458 = arith.cmpf ogt, %gather3A_1455, %select_n3A_1408 : vector<16xf32>
      %select_n3A_1459 = arith.select %gt3A_1458, %gather3A_1455, %select_n3A_1408 : vector<16xi1>, vector<16xf32>
      %select_n3A_1460 = arith.select %gt3A_1458, %broadcast_in_dim3A_1457, %select_n3A_1409 : vector<16xi1>, vector<16xi32>
      %select_n3A_1461 = arith.select %gt3A_1458, %select_n3A_1408, %gather3A_1455 : vector<16xi1>, vector<16xf32>
      %select_n3A_1462 = arith.select %gt3A_1458, %select_n3A_1409, %broadcast_in_dim3A_1457 : vector<16xi1>, vector<16xi32>
      %gt3A_1463 = arith.cmpf ogt, %select_n3A_1461, %select_n3A_1414 : vector<16xf32>
      %or3A_1464 = arith.ori %gt3A_1458, %gt3A_1463 : vector<16xi1>
      %select_n3A_1465 = arith.select %or3A_1464, %select_n3A_1461, %select_n3A_1414 : vector<16xi1>, vector<16xf32>
      %select_n3A_1466 = arith.select %or3A_1464, %select_n3A_1462, %select_n3A_1415 : vector<16xi1>, vector<16xi32>
      %select_n3A_1467 = arith.select %or3A_1464, %select_n3A_1414, %select_n3A_1461 : vector<16xi1>, vector<16xf32>
      %select_n3A_1468 = arith.select %or3A_1464, %select_n3A_1415, %select_n3A_1462 : vector<16xi1>, vector<16xi32>
      %gt3A_1469 = arith.cmpf ogt, %select_n3A_1467, %select_n3A_1420 : vector<16xf32>
      %or3A_1470 = arith.ori %or3A_1464, %gt3A_1469 : vector<16xi1>
      %select_n3A_1471 = arith.select %or3A_1470, %select_n3A_1467, %select_n3A_1420 : vector<16xi1>, vector<16xf32>
      %select_n3A_1472 = arith.select %or3A_1470, %select_n3A_1468, %select_n3A_1421 : vector<16xi1>, vector<16xi32>
      %select_n3A_1473 = arith.select %or3A_1470, %select_n3A_1420, %select_n3A_1467 : vector<16xi1>, vector<16xf32>
      %select_n3A_1474 = arith.select %or3A_1470, %select_n3A_1421, %select_n3A_1468 : vector<16xi1>, vector<16xi32>
      %gt3A_1475 = arith.cmpf ogt, %select_n3A_1473, %select_n3A_1426 : vector<16xf32>
      %or3A_1476 = arith.ori %or3A_1470, %gt3A_1475 : vector<16xi1>
      %select_n3A_1477 = arith.select %or3A_1476, %select_n3A_1473, %select_n3A_1426 : vector<16xi1>, vector<16xf32>
      %select_n3A_1478 = arith.select %or3A_1476, %select_n3A_1474, %select_n3A_1427 : vector<16xi1>, vector<16xi32>
      %select_n3A_1479 = arith.select %or3A_1476, %select_n3A_1426, %select_n3A_1473 : vector<16xi1>, vector<16xf32>
      %select_n3A_1480 = arith.select %or3A_1476, %select_n3A_1427, %select_n3A_1474 : vector<16xi1>, vector<16xi32>
      %gt3A_1481 = arith.cmpf ogt, %select_n3A_1479, %select_n3A_1432 : vector<16xf32>
      %or3A_1482 = arith.ori %or3A_1476, %gt3A_1481 : vector<16xi1>
      %select_n3A_1483 = arith.select %or3A_1482, %select_n3A_1479, %select_n3A_1432 : vector<16xi1>, vector<16xf32>
      %select_n3A_1484 = arith.select %or3A_1482, %select_n3A_1480, %select_n3A_1433 : vector<16xi1>, vector<16xi32>
      %select_n3A_1485 = arith.select %or3A_1482, %select_n3A_1432, %select_n3A_1479 : vector<16xi1>, vector<16xf32>
      %select_n3A_1486 = arith.select %or3A_1482, %select_n3A_1433, %select_n3A_1480 : vector<16xi1>, vector<16xi32>
      %gt3A_1487 = arith.cmpf ogt, %select_n3A_1485, %select_n3A_1438 : vector<16xf32>
      %or3A_1488 = arith.ori %or3A_1482, %gt3A_1487 : vector<16xi1>
      %select_n3A_1489 = arith.select %or3A_1488, %select_n3A_1485, %select_n3A_1438 : vector<16xi1>, vector<16xf32>
      %select_n3A_1490 = arith.select %or3A_1488, %select_n3A_1486, %select_n3A_1439 : vector<16xi1>, vector<16xi32>
      %select_n3A_1491 = arith.select %or3A_1488, %select_n3A_1438, %select_n3A_1485 : vector<16xi1>, vector<16xf32>
      %select_n3A_1492 = arith.select %or3A_1488, %select_n3A_1439, %select_n3A_1486 : vector<16xi1>, vector<16xi32>
      %gt3A_1493 = arith.cmpf ogt, %select_n3A_1491, %select_n3A_1444 : vector<16xf32>
      %or3A_1494 = arith.ori %or3A_1488, %gt3A_1493 : vector<16xi1>
      %select_n3A_1495 = arith.select %or3A_1494, %select_n3A_1491, %select_n3A_1444 : vector<16xi1>, vector<16xf32>
      %select_n3A_1496 = arith.select %or3A_1494, %select_n3A_1492, %select_n3A_1445 : vector<16xi1>, vector<16xi32>
      %select_n3A_1497 = arith.select %or3A_1494, %select_n3A_1444, %select_n3A_1491 : vector<16xi1>, vector<16xf32>
      %select_n3A_1498 = arith.select %or3A_1494, %select_n3A_1445, %select_n3A_1492 : vector<16xi1>, vector<16xi32>
      %gt3A_1499 = arith.cmpf ogt, %select_n3A_1497, %select_n3A_1450 : vector<16xf32>
      %or3A_1500 = arith.ori %or3A_1494, %gt3A_1499 : vector<16xi1>
      %select_n3A_1501 = arith.select %or3A_1500, %select_n3A_1497, %select_n3A_1450 : vector<16xi1>, vector<16xf32>
      %select_n3A_1502 = arith.select %or3A_1500, %select_n3A_1498, %select_n3A_1451 : vector<16xi1>, vector<16xi32>
      %add3A_1503 = arith.constant 29 : i32
      %add3A_1504 = vector.broadcast %add3A_1503 : i32 to vector<16xi32>
      %add3A_1505 = arith.addi %add3A_27, %add3A_1504 : vector<16xi32>
      %gather3A_1506 = tpu.vector_load_idx %arg6[%add3A_1505] : memref<32768xf32, #tpu.memory_space<vmem>>[vector<16xi32>], vector<16xf32>,
      %broadcast_in_dim3A_1507 = arith.constant 29 : i32
      %broadcast_in_dim3A_1508 = vector.broadcast %broadcast_in_dim3A_1507 : i32 to vector<16xi32>
      %gt3A_1509 = arith.cmpf ogt, %gather3A_1506, %select_n3A_1459 : vector<16xf32>
      %select_n3A_1510 = arith.select %gt3A_1509, %gather3A_1506, %select_n3A_1459 : vector<16xi1>, vector<16xf32>
      %select_n3A_1511 = arith.select %gt3A_1509, %broadcast_in_dim3A_1508, %select_n3A_1460 : vector<16xi1>, vector<16xi32>
      %select_n3A_1512 = arith.select %gt3A_1509, %select_n3A_1459, %gather3A_1506 : vector<16xi1>, vector<16xf32>
      %select_n3A_1513 = arith.select %gt3A_1509, %select_n3A_1460, %broadcast_in_dim3A_1508 : vector<16xi1>, vector<16xi32>
      %gt3A_1514 = arith.cmpf ogt, %select_n3A_1512, %select_n3A_1465 : vector<16xf32>
      %or3A_1515 = arith.ori %gt3A_1509, %gt3A_1514 : vector<16xi1>
      %select_n3A_1516 = arith.select %or3A_1515, %select_n3A_1512, %select_n3A_1465 : vector<16xi1>, vector<16xf32>
      %select_n3A_1517 = arith.select %or3A_1515, %select_n3A_1513, %select_n3A_1466 : vector<16xi1>, vector<16xi32>
      %select_n3A_1518 = arith.select %or3A_1515, %select_n3A_1465, %select_n3A_1512 : vector<16xi1>, vector<16xf32>
      %select_n3A_1519 = arith.select %or3A_1515, %select_n3A_1466, %select_n3A_1513 : vector<16xi1>, vector<16xi32>
      %gt3A_1520 = arith.cmpf ogt, %select_n3A_1518, %select_n3A_1471 : vector<16xf32>
      %or3A_1521 = arith.ori %or3A_1515, %gt3A_1520 : vector<16xi1>
      %select_n3A_1522 = arith.select %or3A_1521, %select_n3A_1518, %select_n3A_1471 : vector<16xi1>, vector<16xf32>
      %select_n3A_1523 = arith.select %or3A_1521, %select_n3A_1519, %select_n3A_1472 : vector<16xi1>, vector<16xi32>
      %select_n3A_1524 = arith.select %or3A_1521, %select_n3A_1471, %select_n3A_1518 : vector<16xi1>, vector<16xf32>
      %select_n3A_1525 = arith.select %or3A_1521, %select_n3A_1472, %select_n3A_1519 : vector<16xi1>, vector<16xi32>
      %gt3A_1526 = arith.cmpf ogt, %select_n3A_1524, %select_n3A_1477 : vector<16xf32>
      %or3A_1527 = arith.ori %or3A_1521, %gt3A_1526 : vector<16xi1>
      %select_n3A_1528 = arith.select %or3A_1527, %select_n3A_1524, %select_n3A_1477 : vector<16xi1>, vector<16xf32>
      %select_n3A_1529 = arith.select %or3A_1527, %select_n3A_1525, %select_n3A_1478 : vector<16xi1>, vector<16xi32>
      %select_n3A_1530 = arith.select %or3A_1527, %select_n3A_1477, %select_n3A_1524 : vector<16xi1>, vector<16xf32>
      %select_n3A_1531 = arith.select %or3A_1527, %select_n3A_1478, %select_n3A_1525 : vector<16xi1>, vector<16xi32>
      %gt3A_1532 = arith.cmpf ogt, %select_n3A_1530, %select_n3A_1483 : vector<16xf32>
      %or3A_1533 = arith.ori %or3A_1527, %gt3A_1532 : vector<16xi1>
      %select_n3A_1534 = arith.select %or3A_1533, %select_n3A_1530, %select_n3A_1483 : vector<16xi1>, vector<16xf32>
      %select_n3A_1535 = arith.select %or3A_1533, %select_n3A_1531, %select_n3A_1484 : vector<16xi1>, vector<16xi32>
      %select_n3A_1536 = arith.select %or3A_1533, %select_n3A_1483, %select_n3A_1530 : vector<16xi1>, vector<16xf32>
      %select_n3A_1537 = arith.select %or3A_1533, %select_n3A_1484, %select_n3A_1531 : vector<16xi1>, vector<16xi32>
      %gt3A_1538 = arith.cmpf ogt, %select_n3A_1536, %select_n3A_1489 : vector<16xf32>
      %or3A_1539 = arith.ori %or3A_1533, %gt3A_1538 : vector<16xi1>
      %select_n3A_1540 = arith.select %or3A_1539, %select_n3A_1536, %select_n3A_1489 : vector<16xi1>, vector<16xf32>
      %select_n3A_1541 = arith.select %or3A_1539, %select_n3A_1537, %select_n3A_1490 : vector<16xi1>, vector<16xi32>
      %select_n3A_1542 = arith.select %or3A_1539, %select_n3A_1489, %select_n3A_1536 : vector<16xi1>, vector<16xf32>
      %select_n3A_1543 = arith.select %or3A_1539, %select_n3A_1490, %select_n3A_1537 : vector<16xi1>, vector<16xi32>
      %gt3A_1544 = arith.cmpf ogt, %select_n3A_1542, %select_n3A_1495 : vector<16xf32>
      %or3A_1545 = arith.ori %or3A_1539, %gt3A_1544 : vector<16xi1>
      %select_n3A_1546 = arith.select %or3A_1545, %select_n3A_1542, %select_n3A_1495 : vector<16xi1>, vector<16xf32>
      %select_n3A_1547 = arith.select %or3A_1545, %select_n3A_1543, %select_n3A_1496 : vector<16xi1>, vector<16xi32>
      %select_n3A_1548 = arith.select %or3A_1545, %select_n3A_1495, %select_n3A_1542 : vector<16xi1>, vector<16xf32>
      %select_n3A_1549 = arith.select %or3A_1545, %select_n3A_1496, %select_n3A_1543 : vector<16xi1>, vector<16xi32>
      %gt3A_1550 = arith.cmpf ogt, %select_n3A_1548, %select_n3A_1501 : vector<16xf32>
      %or3A_1551 = arith.ori %or3A_1545, %gt3A_1550 : vector<16xi1>
      %select_n3A_1552 = arith.select %or3A_1551, %select_n3A_1548, %select_n3A_1501 : vector<16xi1>, vector<16xf32>
      %select_n3A_1553 = arith.select %or3A_1551, %select_n3A_1549, %select_n3A_1502 : vector<16xi1>, vector<16xi32>
      %add3A_1554 = arith.constant 30 : i32
      %add3A_1555 = vector.broadcast %add3A_1554 : i32 to vector<16xi32>
      %add3A_1556 = arith.addi %add3A_27, %add3A_1555 : vector<16xi32>
      %gather3A_1557 = tpu.vector_load_idx %arg6[%add3A_1556] : memref<32768xf32, #tpu.memory_space<vmem>>[vector<16xi32>], vector<16xf32>,
      %broadcast_in_dim3A_1558 = arith.constant 30 : i32
      %broadcast_in_dim3A_1559 = vector.broadcast %broadcast_in_dim3A_1558 : i32 to vector<16xi32>
      %gt3A_1560 = arith.cmpf ogt, %gather3A_1557, %select_n3A_1510 : vector<16xf32>
      %select_n3A_1561 = arith.select %gt3A_1560, %gather3A_1557, %select_n3A_1510 : vector<16xi1>, vector<16xf32>
      %select_n3A_1562 = arith.select %gt3A_1560, %broadcast_in_dim3A_1559, %select_n3A_1511 : vector<16xi1>, vector<16xi32>
      %select_n3A_1563 = arith.select %gt3A_1560, %select_n3A_1510, %gather3A_1557 : vector<16xi1>, vector<16xf32>
      %select_n3A_1564 = arith.select %gt3A_1560, %select_n3A_1511, %broadcast_in_dim3A_1559 : vector<16xi1>, vector<16xi32>
      %gt3A_1565 = arith.cmpf ogt, %select_n3A_1563, %select_n3A_1516 : vector<16xf32>
      %or3A_1566 = arith.ori %gt3A_1560, %gt3A_1565 : vector<16xi1>
      %select_n3A_1567 = arith.select %or3A_1566, %select_n3A_1563, %select_n3A_1516 : vector<16xi1>, vector<16xf32>
      %select_n3A_1568 = arith.select %or3A_1566, %select_n3A_1564, %select_n3A_1517 : vector<16xi1>, vector<16xi32>
      %select_n3A_1569 = arith.select %or3A_1566, %select_n3A_1516, %select_n3A_1563 : vector<16xi1>, vector<16xf32>
      %select_n3A_1570 = arith.select %or3A_1566, %select_n3A_1517, %select_n3A_1564 : vector<16xi1>, vector<16xi32>
      %gt3A_1571 = arith.cmpf ogt, %select_n3A_1569, %select_n3A_1522 : vector<16xf32>
      %or3A_1572 = arith.ori %or3A_1566, %gt3A_1571 : vector<16xi1>
      %select_n3A_1573 = arith.select %or3A_1572, %select_n3A_1569, %select_n3A_1522 : vector<16xi1>, vector<16xf32>
      %select_n3A_1574 = arith.select %or3A_1572, %select_n3A_1570, %select_n3A_1523 : vector<16xi1>, vector<16xi32>
      %select_n3A_1575 = arith.select %or3A_1572, %select_n3A_1522, %select_n3A_1569 : vector<16xi1>, vector<16xf32>
      %select_n3A_1576 = arith.select %or3A_1572, %select_n3A_1523, %select_n3A_1570 : vector<16xi1>, vector<16xi32>
      %gt3A_1577 = arith.cmpf ogt, %select_n3A_1575, %select_n3A_1528 : vector<16xf32>
      %or3A_1578 = arith.ori %or3A_1572, %gt3A_1577 : vector<16xi1>
      %select_n3A_1579 = arith.select %or3A_1578, %select_n3A_1575, %select_n3A_1528 : vector<16xi1>, vector<16xf32>
      %select_n3A_1580 = arith.select %or3A_1578, %select_n3A_1576, %select_n3A_1529 : vector<16xi1>, vector<16xi32>
      %select_n3A_1581 = arith.select %or3A_1578, %select_n3A_1528, %select_n3A_1575 : vector<16xi1>, vector<16xf32>
      %select_n3A_1582 = arith.select %or3A_1578, %select_n3A_1529, %select_n3A_1576 : vector<16xi1>, vector<16xi32>
      %gt3A_1583 = arith.cmpf ogt, %select_n3A_1581, %select_n3A_1534 : vector<16xf32>
      %or3A_1584 = arith.ori %or3A_1578, %gt3A_1583 : vector<16xi1>
      %select_n3A_1585 = arith.select %or3A_1584, %select_n3A_1581, %select_n3A_1534 : vector<16xi1>, vector<16xf32>
      %select_n3A_1586 = arith.select %or3A_1584, %select_n3A_1582, %select_n3A_1535 : vector<16xi1>, vector<16xi32>
      %select_n3A_1587 = arith.select %or3A_1584, %select_n3A_1534, %select_n3A_1581 : vector<16xi1>, vector<16xf32>
      %select_n3A_1588 = arith.select %or3A_1584, %select_n3A_1535, %select_n3A_1582 : vector<16xi1>, vector<16xi32>
      %gt3A_1589 = arith.cmpf ogt, %select_n3A_1587, %select_n3A_1540 : vector<16xf32>
      %or3A_1590 = arith.ori %or3A_1584, %gt3A_1589 : vector<16xi1>
      %select_n3A_1591 = arith.select %or3A_1590, %select_n3A_1587, %select_n3A_1540 : vector<16xi1>, vector<16xf32>
      %select_n3A_1592 = arith.select %or3A_1590, %select_n3A_1588, %select_n3A_1541 : vector<16xi1>, vector<16xi32>
      %select_n3A_1593 = arith.select %or3A_1590, %select_n3A_1540, %select_n3A_1587 : vector<16xi1>, vector<16xf32>
      %select_n3A_1594 = arith.select %or3A_1590, %select_n3A_1541, %select_n3A_1588 : vector<16xi1>, vector<16xi32>
      %gt3A_1595 = arith.cmpf ogt, %select_n3A_1593, %select_n3A_1546 : vector<16xf32>
      %or3A_1596 = arith.ori %or3A_1590, %gt3A_1595 : vector<16xi1>
      %select_n3A_1597 = arith.select %or3A_1596, %select_n3A_1593, %select_n3A_1546 : vector<16xi1>, vector<16xf32>
      %select_n3A_1598 = arith.select %or3A_1596, %select_n3A_1594, %select_n3A_1547 : vector<16xi1>, vector<16xi32>
      %select_n3A_1599 = arith.select %or3A_1596, %select_n3A_1546, %select_n3A_1593 : vector<16xi1>, vector<16xf32>
      %select_n3A_1600 = arith.select %or3A_1596, %select_n3A_1547, %select_n3A_1594 : vector<16xi1>, vector<16xi32>
      %gt3A_1601 = arith.cmpf ogt, %select_n3A_1599, %select_n3A_1552 : vector<16xf32>
      %or3A_1602 = arith.ori %or3A_1596, %gt3A_1601 : vector<16xi1>
      %select_n3A_1603 = arith.select %or3A_1602, %select_n3A_1599, %select_n3A_1552 : vector<16xi1>, vector<16xf32>
      %select_n3A_1604 = arith.select %or3A_1602, %select_n3A_1600, %select_n3A_1553 : vector<16xi1>, vector<16xi32>
      %add3A_1605 = arith.constant 31 : i32
      %add3A_1606 = vector.broadcast %add3A_1605 : i32 to vector<16xi32>
      %add3A_1607 = arith.addi %add3A_27, %add3A_1606 : vector<16xi32>
      %gather3A_1608 = tpu.vector_load_idx %arg6[%add3A_1607] : memref<32768xf32, #tpu.memory_space<vmem>>[vector<16xi32>], vector<16xf32>,
      %broadcast_in_dim3A_1609 = arith.constant 31 : i32
      %broadcast_in_dim3A_1610 = vector.broadcast %broadcast_in_dim3A_1609 : i32 to vector<16xi32>
      %gt3A_1611 = arith.cmpf ogt, %gather3A_1608, %select_n3A_1561 : vector<16xf32>
      %select_n3A_1612 = arith.select %gt3A_1611, %gather3A_1608, %select_n3A_1561 : vector<16xi1>, vector<16xf32>
      %select_n3A_1613 = arith.select %gt3A_1611, %broadcast_in_dim3A_1610, %select_n3A_1562 : vector<16xi1>, vector<16xi32>
      %select_n3A_1614 = arith.select %gt3A_1611, %select_n3A_1561, %gather3A_1608 : vector<16xi1>, vector<16xf32>
      %select_n3A_1615 = arith.select %gt3A_1611, %select_n3A_1562, %broadcast_in_dim3A_1610 : vector<16xi1>, vector<16xi32>
      %gt3A_1616 = arith.cmpf ogt, %select_n3A_1614, %select_n3A_1567 : vector<16xf32>
      %or3A_1617 = arith.ori %gt3A_1611, %gt3A_1616 : vector<16xi1>
      %select_n3A_1618 = arith.select %or3A_1617, %select_n3A_1614, %select_n3A_1567 : vector<16xi1>, vector<16xf32>
      %select_n3A_1619 = arith.select %or3A_1617, %select_n3A_1615, %select_n3A_1568 : vector<16xi1>, vector<16xi32>
      %select_n3A_1620 = arith.select %or3A_1617, %select_n3A_1567, %select_n3A_1614 : vector<16xi1>, vector<16xf32>
      %select_n3A_1621 = arith.select %or3A_1617, %select_n3A_1568, %select_n3A_1615 : vector<16xi1>, vector<16xi32>
      %gt3A_1622 = arith.cmpf ogt, %select_n3A_1620, %select_n3A_1573 : vector<16xf32>
      %or3A_1623 = arith.ori %or3A_1617, %gt3A_1622 : vector<16xi1>
      %select_n3A_1624 = arith.select %or3A_1623, %select_n3A_1620, %select_n3A_1573 : vector<16xi1>, vector<16xf32>
      %select_n3A_1625 = arith.select %or3A_1623, %select_n3A_1621, %select_n3A_1574 : vector<16xi1>, vector<16xi32>
      %select_n3A_1626 = arith.select %or3A_1623, %select_n3A_1573, %select_n3A_1620 : vector<16xi1>, vector<16xf32>
      %select_n3A_1627 = arith.select %or3A_1623, %select_n3A_1574, %select_n3A_1621 : vector<16xi1>, vector<16xi32>
      %gt3A_1628 = arith.cmpf ogt, %select_n3A_1626, %select_n3A_1579 : vector<16xf32>
      %or3A_1629 = arith.ori %or3A_1623, %gt3A_1628 : vector<16xi1>
      %select_n3A_1630 = arith.select %or3A_1629, %select_n3A_1626, %select_n3A_1579 : vector<16xi1>, vector<16xf32>
      %select_n3A_1631 = arith.select %or3A_1629, %select_n3A_1627, %select_n3A_1580 : vector<16xi1>, vector<16xi32>
      %select_n3A_1632 = arith.select %or3A_1629, %select_n3A_1579, %select_n3A_1626 : vector<16xi1>, vector<16xf32>
      %select_n3A_1633 = arith.select %or3A_1629, %select_n3A_1580, %select_n3A_1627 : vector<16xi1>, vector<16xi32>
      %gt3A_1634 = arith.cmpf ogt, %select_n3A_1632, %select_n3A_1585 : vector<16xf32>
      %or3A_1635 = arith.ori %or3A_1629, %gt3A_1634 : vector<16xi1>
      %select_n3A_1636 = arith.select %or3A_1635, %select_n3A_1632, %select_n3A_1585 : vector<16xi1>, vector<16xf32>
      %select_n3A_1637 = arith.select %or3A_1635, %select_n3A_1633, %select_n3A_1586 : vector<16xi1>, vector<16xi32>
      %select_n3A_1638 = arith.select %or3A_1635, %select_n3A_1585, %select_n3A_1632 : vector<16xi1>, vector<16xf32>
      %select_n3A_1639 = arith.select %or3A_1635, %select_n3A_1586, %select_n3A_1633 : vector<16xi1>, vector<16xi32>
      %gt3A_1640 = arith.cmpf ogt, %select_n3A_1638, %select_n3A_1591 : vector<16xf32>
      %or3A_1641 = arith.ori %or3A_1635, %gt3A_1640 : vector<16xi1>
      %select_n3A_1642 = arith.select %or3A_1641, %select_n3A_1638, %select_n3A_1591 : vector<16xi1>, vector<16xf32>
      %select_n3A_1643 = arith.select %or3A_1641, %select_n3A_1639, %select_n3A_1592 : vector<16xi1>, vector<16xi32>
      %select_n3A_1644 = arith.select %or3A_1641, %select_n3A_1591, %select_n3A_1638 : vector<16xi1>, vector<16xf32>
      %select_n3A_1645 = arith.select %or3A_1641, %select_n3A_1592, %select_n3A_1639 : vector<16xi1>, vector<16xi32>
      %gt3A_1646 = arith.cmpf ogt, %select_n3A_1644, %select_n3A_1597 : vector<16xf32>
      %or3A_1647 = arith.ori %or3A_1641, %gt3A_1646 : vector<16xi1>
      %select_n3A_1648 = arith.select %or3A_1647, %select_n3A_1644, %select_n3A_1597 : vector<16xi1>, vector<16xf32>
      %select_n3A_1649 = arith.select %or3A_1647, %select_n3A_1645, %select_n3A_1598 : vector<16xi1>, vector<16xi32>
      %select_n3A_1650 = arith.select %or3A_1647, %select_n3A_1597, %select_n3A_1644 : vector<16xi1>, vector<16xf32>
      %select_n3A_1651 = arith.select %or3A_1647, %select_n3A_1598, %select_n3A_1645 : vector<16xi1>, vector<16xi32>
      %gt3A_1652 = arith.cmpf ogt, %select_n3A_1650, %select_n3A_1603 : vector<16xf32>
      %or3A_1653 = arith.ori %or3A_1647, %gt3A_1652 : vector<16xi1>
      %select_n3A_1654 = arith.select %or3A_1653, %select_n3A_1650, %select_n3A_1603 : vector<16xi1>, vector<16xf32>
      %select_n3A_1655 = arith.select %or3A_1653, %select_n3A_1651, %select_n3A_1604 : vector<16xi1>, vector<16xi32>
      %add3A_1656 = arith.constant 32 : i32
      %add3A_1657 = vector.broadcast %add3A_1656 : i32 to vector<16xi32>
      %add3A_1658 = arith.addi %add3A_27, %add3A_1657 : vector<16xi32>
      %gather3A_1659 = tpu.vector_load_idx %arg6[%add3A_1658] : memref<32768xf32, #tpu.memory_space<vmem>>[vector<16xi32>], vector<16xf32>,
      %broadcast_in_dim3A_1660 = arith.constant 32 : i32
      %broadcast_in_dim3A_1661 = vector.broadcast %broadcast_in_dim3A_1660 : i32 to vector<16xi32>
      %gt3A_1662 = arith.cmpf ogt, %gather3A_1659, %select_n3A_1612 : vector<16xf32>
      %select_n3A_1663 = arith.select %gt3A_1662, %gather3A_1659, %select_n3A_1612 : vector<16xi1>, vector<16xf32>
      %select_n3A_1664 = arith.select %gt3A_1662, %broadcast_in_dim3A_1661, %select_n3A_1613 : vector<16xi1>, vector<16xi32>
      %select_n3A_1665 = arith.select %gt3A_1662, %select_n3A_1612, %gather3A_1659 : vector<16xi1>, vector<16xf32>
      %select_n3A_1666 = arith.select %gt3A_1662, %select_n3A_1613, %broadcast_in_dim3A_1661 : vector<16xi1>, vector<16xi32>
      %gt3A_1667 = arith.cmpf ogt, %select_n3A_1665, %select_n3A_1618 : vector<16xf32>
      %or3A_1668 = arith.ori %gt3A_1662, %gt3A_1667 : vector<16xi1>
      %select_n3A_1669 = arith.select %or3A_1668, %select_n3A_1665, %select_n3A_1618 : vector<16xi1>, vector<16xf32>
      %select_n3A_1670 = arith.select %or3A_1668, %select_n3A_1666, %select_n3A_1619 : vector<16xi1>, vector<16xi32>
      %select_n3A_1671 = arith.select %or3A_1668, %select_n3A_1618, %select_n3A_1665 : vector<16xi1>, vector<16xf32>
      %select_n3A_1672 = arith.select %or3A_1668, %select_n3A_1619, %select_n3A_1666 : vector<16xi1>, vector<16xi32>
      %gt3A_1673 = arith.cmpf ogt, %select_n3A_1671, %select_n3A_1624 : vector<16xf32>
      %or3A_1674 = arith.ori %or3A_1668, %gt3A_1673 : vector<16xi1>
      %select_n3A_1675 = arith.select %or3A_1674, %select_n3A_1671, %select_n3A_1624 : vector<16xi1>, vector<16xf32>
      %select_n3A_1676 = arith.select %or3A_1674, %select_n3A_1672, %select_n3A_1625 : vector<16xi1>, vector<16xi32>
      %select_n3A_1677 = arith.select %or3A_1674, %select_n3A_1624, %select_n3A_1671 : vector<16xi1>, vector<16xf32>
      %select_n3A_1678 = arith.select %or3A_1674, %select_n3A_1625, %select_n3A_1672 : vector<16xi1>, vector<16xi32>
      %gt3A_1679 = arith.cmpf ogt, %select_n3A_1677, %select_n3A_1630 : vector<16xf32>
      %or3A_1680 = arith.ori %or3A_1674, %gt3A_1679 : vector<16xi1>
      %select_n3A_1681 = arith.select %or3A_1680, %select_n3A_1677, %select_n3A_1630 : vector<16xi1>, vector<16xf32>
      %select_n3A_1682 = arith.select %or3A_1680, %select_n3A_1678, %select_n3A_1631 : vector<16xi1>, vector<16xi32>
      %select_n3A_1683 = arith.select %or3A_1680, %select_n3A_1630, %select_n3A_1677 : vector<16xi1>, vector<16xf32>
      %select_n3A_1684 = arith.select %or3A_1680, %select_n3A_1631, %select_n3A_1678 : vector<16xi1>, vector<16xi32>
      %gt3A_1685 = arith.cmpf ogt, %select_n3A_1683, %select_n3A_1636 : vector<16xf32>
      %or3A_1686 = arith.ori %or3A_1680, %gt3A_1685 : vector<16xi1>
      %select_n3A_1687 = arith.select %or3A_1686, %select_n3A_1683, %select_n3A_1636 : vector<16xi1>, vector<16xf32>
      %select_n3A_1688 = arith.select %or3A_1686, %select_n3A_1684, %select_n3A_1637 : vector<16xi1>, vector<16xi32>
      %select_n3A_1689 = arith.select %or3A_1686, %select_n3A_1636, %select_n3A_1683 : vector<16xi1>, vector<16xf32>
      %select_n3A_1690 = arith.select %or3A_1686, %select_n3A_1637, %select_n3A_1684 : vector<16xi1>, vector<16xi32>
      %gt3A_1691 = arith.cmpf ogt, %select_n3A_1689, %select_n3A_1642 : vector<16xf32>
      %or3A_1692 = arith.ori %or3A_1686, %gt3A_1691 : vector<16xi1>
      %select_n3A_1693 = arith.select %or3A_1692, %select_n3A_1689, %select_n3A_1642 : vector<16xi1>, vector<16xf32>
      %select_n3A_1694 = arith.select %or3A_1692, %select_n3A_1690, %select_n3A_1643 : vector<16xi1>, vector<16xi32>
      %select_n3A_1695 = arith.select %or3A_1692, %select_n3A_1642, %select_n3A_1689 : vector<16xi1>, vector<16xf32>
      %select_n3A_1696 = arith.select %or3A_1692, %select_n3A_1643, %select_n3A_1690 : vector<16xi1>, vector<16xi32>
      %gt3A_1697 = arith.cmpf ogt, %select_n3A_1695, %select_n3A_1648 : vector<16xf32>
      %or3A_1698 = arith.ori %or3A_1692, %gt3A_1697 : vector<16xi1>
      %select_n3A_1699 = arith.select %or3A_1698, %select_n3A_1695, %select_n3A_1648 : vector<16xi1>, vector<16xf32>
      %select_n3A_1700 = arith.select %or3A_1698, %select_n3A_1696, %select_n3A_1649 : vector<16xi1>, vector<16xi32>
      %select_n3A_1701 = arith.select %or3A_1698, %select_n3A_1648, %select_n3A_1695 : vector<16xi1>, vector<16xf32>
      %select_n3A_1702 = arith.select %or3A_1698, %select_n3A_1649, %select_n3A_1696 : vector<16xi1>, vector<16xi32>
      %gt3A_1703 = arith.cmpf ogt, %select_n3A_1701, %select_n3A_1654 : vector<16xf32>
      %or3A_1704 = arith.ori %or3A_1698, %gt3A_1703 : vector<16xi1>
      %select_n3A_1705 = arith.select %or3A_1704, %select_n3A_1701, %select_n3A_1654 : vector<16xi1>, vector<16xf32>
      %select_n3A_1706 = arith.select %or3A_1704, %select_n3A_1702, %select_n3A_1655 : vector<16xi1>, vector<16xi32>
      %add3A_1707 = arith.constant 33 : i32
      %add3A_1708 = vector.broadcast %add3A_1707 : i32 to vector<16xi32>
      %add3A_1709 = arith.addi %add3A_27, %add3A_1708 : vector<16xi32>
      %gather3A_1710 = tpu.vector_load_idx %arg6[%add3A_1709] : memref<32768xf32, #tpu.memory_space<vmem>>[vector<16xi32>], vector<16xf32>,
      %broadcast_in_dim3A_1711 = arith.constant 33 : i32
      %broadcast_in_dim3A_1712 = vector.broadcast %broadcast_in_dim3A_1711 : i32 to vector<16xi32>
      %gt3A_1713 = arith.cmpf ogt, %gather3A_1710, %select_n3A_1663 : vector<16xf32>
      %select_n3A_1714 = arith.select %gt3A_1713, %gather3A_1710, %select_n3A_1663 : vector<16xi1>, vector<16xf32>
      %select_n3A_1715 = arith.select %gt3A_1713, %broadcast_in_dim3A_1712, %select_n3A_1664 : vector<16xi1>, vector<16xi32>
      %select_n3A_1716 = arith.select %gt3A_1713, %select_n3A_1663, %gather3A_1710 : vector<16xi1>, vector<16xf32>
      %select_n3A_1717 = arith.select %gt3A_1713, %select_n3A_1664, %broadcast_in_dim3A_1712 : vector<16xi1>, vector<16xi32>
      %gt3A_1718 = arith.cmpf ogt, %select_n3A_1716, %select_n3A_1669 : vector<16xf32>
      %or3A_1719 = arith.ori %gt3A_1713, %gt3A_1718 : vector<16xi1>
      %select_n3A_1720 = arith.select %or3A_1719, %select_n3A_1716, %select_n3A_1669 : vector<16xi1>, vector<16xf32>
      %select_n3A_1721 = arith.select %or3A_1719, %select_n3A_1717, %select_n3A_1670 : vector<16xi1>, vector<16xi32>
      %select_n3A_1722 = arith.select %or3A_1719, %select_n3A_1669, %select_n3A_1716 : vector<16xi1>, vector<16xf32>
      %select_n3A_1723 = arith.select %or3A_1719, %select_n3A_1670, %select_n3A_1717 : vector<16xi1>, vector<16xi32>
      %gt3A_1724 = arith.cmpf ogt, %select_n3A_1722, %select_n3A_1675 : vector<16xf32>
      %or3A_1725 = arith.ori %or3A_1719, %gt3A_1724 : vector<16xi1>
      %select_n3A_1726 = arith.select %or3A_1725, %select_n3A_1722, %select_n3A_1675 : vector<16xi1>, vector<16xf32>
      %select_n3A_1727 = arith.select %or3A_1725, %select_n3A_1723, %select_n3A_1676 : vector<16xi1>, vector<16xi32>
      %select_n3A_1728 = arith.select %or3A_1725, %select_n3A_1675, %select_n3A_1722 : vector<16xi1>, vector<16xf32>
      %select_n3A_1729 = arith.select %or3A_1725, %select_n3A_1676, %select_n3A_1723 : vector<16xi1>, vector<16xi32>
      %gt3A_1730 = arith.cmpf ogt, %select_n3A_1728, %select_n3A_1681 : vector<16xf32>
      %or3A_1731 = arith.ori %or3A_1725, %gt3A_1730 : vector<16xi1>
      %select_n3A_1732 = arith.select %or3A_1731, %select_n3A_1728, %select_n3A_1681 : vector<16xi1>, vector<16xf32>
      %select_n3A_1733 = arith.select %or3A_1731, %select_n3A_1729, %select_n3A_1682 : vector<16xi1>, vector<16xi32>
      %select_n3A_1734 = arith.select %or3A_1731, %select_n3A_1681, %select_n3A_1728 : vector<16xi1>, vector<16xf32>
      %select_n3A_1735 = arith.select %or3A_1731, %select_n3A_1682, %select_n3A_1729 : vector<16xi1>, vector<16xi32>
      %gt3A_1736 = arith.cmpf ogt, %select_n3A_1734, %select_n3A_1687 : vector<16xf32>
      %or3A_1737 = arith.ori %or3A_1731, %gt3A_1736 : vector<16xi1>
      %select_n3A_1738 = arith.select %or3A_1737, %select_n3A_1734, %select_n3A_1687 : vector<16xi1>, vector<16xf32>
      %select_n3A_1739 = arith.select %or3A_1737, %select_n3A_1735, %select_n3A_1688 : vector<16xi1>, vector<16xi32>
      %select_n3A_1740 = arith.select %or3A_1737, %select_n3A_1687, %select_n3A_1734 : vector<16xi1>, vector<16xf32>
      %select_n3A_1741 = arith.select %or3A_1737, %select_n3A_1688, %select_n3A_1735 : vector<16xi1>, vector<16xi32>
      %gt3A_1742 = arith.cmpf ogt, %select_n3A_1740, %select_n3A_1693 : vector<16xf32>
      %or3A_1743 = arith.ori %or3A_1737, %gt3A_1742 : vector<16xi1>
      %select_n3A_1744 = arith.select %or3A_1743, %select_n3A_1740, %select_n3A_1693 : vector<16xi1>, vector<16xf32>
      %select_n3A_1745 = arith.select %or3A_1743, %select_n3A_1741, %select_n3A_1694 : vector<16xi1>, vector<16xi32>
      %select_n3A_1746 = arith.select %or3A_1743, %select_n3A_1693, %select_n3A_1740 : vector<16xi1>, vector<16xf32>
      %select_n3A_1747 = arith.select %or3A_1743, %select_n3A_1694, %select_n3A_1741 : vector<16xi1>, vector<16xi32>
      %gt3A_1748 = arith.cmpf ogt, %select_n3A_1746, %select_n3A_1699 : vector<16xf32>
      %or3A_1749 = arith.ori %or3A_1743, %gt3A_1748 : vector<16xi1>
      %select_n3A_1750 = arith.select %or3A_1749, %select_n3A_1746, %select_n3A_1699 : vector<16xi1>, vector<16xf32>
      %select_n3A_1751 = arith.select %or3A_1749, %select_n3A_1747, %select_n3A_1700 : vector<16xi1>, vector<16xi32>
      %select_n3A_1752 = arith.select %or3A_1749, %select_n3A_1699, %select_n3A_1746 : vector<16xi1>, vector<16xf32>
      %select_n3A_1753 = arith.select %or3A_1749, %select_n3A_1700, %select_n3A_1747 : vector<16xi1>, vector<16xi32>
      %gt3A_1754 = arith.cmpf ogt, %select_n3A_1752, %select_n3A_1705 : vector<16xf32>
      %or3A_1755 = arith.ori %or3A_1749, %gt3A_1754 : vector<16xi1>
      %select_n3A_1756 = arith.select %or3A_1755, %select_n3A_1752, %select_n3A_1705 : vector<16xi1>, vector<16xf32>
      %select_n3A_1757 = arith.select %or3A_1755, %select_n3A_1753, %select_n3A_1706 : vector<16xi1>, vector<16xi32>
      %add3A_1758 = arith.constant 34 : i32
      %add3A_1759 = vector.broadcast %add3A_1758 : i32 to vector<16xi32>
      %add3A_1760 = arith.addi %add3A_27, %add3A_1759 : vector<16xi32>
      %gather3A_1761 = tpu.vector_load_idx %arg6[%add3A_1760] : memref<32768xf32, #tpu.memory_space<vmem>>[vector<16xi32>], vector<16xf32>,
      %broadcast_in_dim3A_1762 = arith.constant 34 : i32
      %broadcast_in_dim3A_1763 = vector.broadcast %broadcast_in_dim3A_1762 : i32 to vector<16xi32>
      %gt3A_1764 = arith.cmpf ogt, %gather3A_1761, %select_n3A_1714 : vector<16xf32>
      %select_n3A_1765 = arith.select %gt3A_1764, %gather3A_1761, %select_n3A_1714 : vector<16xi1>, vector<16xf32>
      %select_n3A_1766 = arith.select %gt3A_1764, %broadcast_in_dim3A_1763, %select_n3A_1715 : vector<16xi1>, vector<16xi32>
      %select_n3A_1767 = arith.select %gt3A_1764, %select_n3A_1714, %gather3A_1761 : vector<16xi1>, vector<16xf32>
      %select_n3A_1768 = arith.select %gt3A_1764, %select_n3A_1715, %broadcast_in_dim3A_1763 : vector<16xi1>, vector<16xi32>
      %gt3A_1769 = arith.cmpf ogt, %select_n3A_1767, %select_n3A_1720 : vector<16xf32>
      %or3A_1770 = arith.ori %gt3A_1764, %gt3A_1769 : vector<16xi1>
      %select_n3A_1771 = arith.select %or3A_1770, %select_n3A_1767, %select_n3A_1720 : vector<16xi1>, vector<16xf32>
      %select_n3A_1772 = arith.select %or3A_1770, %select_n3A_1768, %select_n3A_1721 : vector<16xi1>, vector<16xi32>
      %select_n3A_1773 = arith.select %or3A_1770, %select_n3A_1720, %select_n3A_1767 : vector<16xi1>, vector<16xf32>
      %select_n3A_1774 = arith.select %or3A_1770, %select_n3A_1721, %select_n3A_1768 : vector<16xi1>, vector<16xi32>
      %gt3A_1775 = arith.cmpf ogt, %select_n3A_1773, %select_n3A_1726 : vector<16xf32>
      %or3A_1776 = arith.ori %or3A_1770, %gt3A_1775 : vector<16xi1>
      %select_n3A_1777 = arith.select %or3A_1776, %select_n3A_1773, %select_n3A_1726 : vector<16xi1>, vector<16xf32>
      %select_n3A_1778 = arith.select %or3A_1776, %select_n3A_1774, %select_n3A_1727 : vector<16xi1>, vector<16xi32>
      %select_n3A_1779 = arith.select %or3A_1776, %select_n3A_1726, %select_n3A_1773 : vector<16xi1>, vector<16xf32>
      %select_n3A_1780 = arith.select %or3A_1776, %select_n3A_1727, %select_n3A_1774 : vector<16xi1>, vector<16xi32>
      %gt3A_1781 = arith.cmpf ogt, %select_n3A_1779, %select_n3A_1732 : vector<16xf32>
      %or3A_1782 = arith.ori %or3A_1776, %gt3A_1781 : vector<16xi1>
      %select_n3A_1783 = arith.select %or3A_1782, %select_n3A_1779, %select_n3A_1732 : vector<16xi1>, vector<16xf32>
      %select_n3A_1784 = arith.select %or3A_1782, %select_n3A_1780, %select_n3A_1733 : vector<16xi1>, vector<16xi32>
      %select_n3A_1785 = arith.select %or3A_1782, %select_n3A_1732, %select_n3A_1779 : vector<16xi1>, vector<16xf32>
      %select_n3A_1786 = arith.select %or3A_1782, %select_n3A_1733, %select_n3A_1780 : vector<16xi1>, vector<16xi32>
      %gt3A_1787 = arith.cmpf ogt, %select_n3A_1785, %select_n3A_1738 : vector<16xf32>
      %or3A_1788 = arith.ori %or3A_1782, %gt3A_1787 : vector<16xi1>
      %select_n3A_1789 = arith.select %or3A_1788, %select_n3A_1785, %select_n3A_1738 : vector<16xi1>, vector<16xf32>
      %select_n3A_1790 = arith.select %or3A_1788, %select_n3A_1786, %select_n3A_1739 : vector<16xi1>, vector<16xi32>
      %select_n3A_1791 = arith.select %or3A_1788, %select_n3A_1738, %select_n3A_1785 : vector<16xi1>, vector<16xf32>
      %select_n3A_1792 = arith.select %or3A_1788, %select_n3A_1739, %select_n3A_1786 : vector<16xi1>, vector<16xi32>
      %gt3A_1793 = arith.cmpf ogt, %select_n3A_1791, %select_n3A_1744 : vector<16xf32>
      %or3A_1794 = arith.ori %or3A_1788, %gt3A_1793 : vector<16xi1>
      %select_n3A_1795 = arith.select %or3A_1794, %select_n3A_1791, %select_n3A_1744 : vector<16xi1>, vector<16xf32>
      %select_n3A_1796 = arith.select %or3A_1794, %select_n3A_1792, %select_n3A_1745 : vector<16xi1>, vector<16xi32>
      %select_n3A_1797 = arith.select %or3A_1794, %select_n3A_1744, %select_n3A_1791 : vector<16xi1>, vector<16xf32>
      %select_n3A_1798 = arith.select %or3A_1794, %select_n3A_1745, %select_n3A_1792 : vector<16xi1>, vector<16xi32>
      %gt3A_1799 = arith.cmpf ogt, %select_n3A_1797, %select_n3A_1750 : vector<16xf32>
      %or3A_1800 = arith.ori %or3A_1794, %gt3A_1799 : vector<16xi1>
      %select_n3A_1801 = arith.select %or3A_1800, %select_n3A_1797, %select_n3A_1750 : vector<16xi1>, vector<16xf32>
      %select_n3A_1802 = arith.select %or3A_1800, %select_n3A_1798, %select_n3A_1751 : vector<16xi1>, vector<16xi32>
      %select_n3A_1803 = arith.select %or3A_1800, %select_n3A_1750, %select_n3A_1797 : vector<16xi1>, vector<16xf32>
      %select_n3A_1804 = arith.select %or3A_1800, %select_n3A_1751, %select_n3A_1798 : vector<16xi1>, vector<16xi32>
      %gt3A_1805 = arith.cmpf ogt, %select_n3A_1803, %select_n3A_1756 : vector<16xf32>
      %or3A_1806 = arith.ori %or3A_1800, %gt3A_1805 : vector<16xi1>
      %select_n3A_1807 = arith.select %or3A_1806, %select_n3A_1803, %select_n3A_1756 : vector<16xi1>, vector<16xf32>
      %select_n3A_1808 = arith.select %or3A_1806, %select_n3A_1804, %select_n3A_1757 : vector<16xi1>, vector<16xi32>
      %add3A_1809 = arith.constant 35 : i32
      %add3A_1810 = vector.broadcast %add3A_1809 : i32 to vector<16xi32>
      %add3A_1811 = arith.addi %add3A_27, %add3A_1810 : vector<16xi32>
      %gather3A_1812 = tpu.vector_load_idx %arg6[%add3A_1811] : memref<32768xf32, #tpu.memory_space<vmem>>[vector<16xi32>], vector<16xf32>,
      %broadcast_in_dim3A_1813 = arith.constant 35 : i32
      %broadcast_in_dim3A_1814 = vector.broadcast %broadcast_in_dim3A_1813 : i32 to vector<16xi32>
      %gt3A_1815 = arith.cmpf ogt, %gather3A_1812, %select_n3A_1765 : vector<16xf32>
      %select_n3A_1816 = arith.select %gt3A_1815, %gather3A_1812, %select_n3A_1765 : vector<16xi1>, vector<16xf32>
      %select_n3A_1817 = arith.select %gt3A_1815, %broadcast_in_dim3A_1814, %select_n3A_1766 : vector<16xi1>, vector<16xi32>
      %select_n3A_1818 = arith.select %gt3A_1815, %select_n3A_1765, %gather3A_1812 : vector<16xi1>, vector<16xf32>
      %select_n3A_1819 = arith.select %gt3A_1815, %select_n3A_1766, %broadcast_in_dim3A_1814 : vector<16xi1>, vector<16xi32>
      %gt3A_1820 = arith.cmpf ogt, %select_n3A_1818, %select_n3A_1771 : vector<16xf32>
      %or3A_1821 = arith.ori %gt3A_1815, %gt3A_1820 : vector<16xi1>
      %select_n3A_1822 = arith.select %or3A_1821, %select_n3A_1818, %select_n3A_1771 : vector<16xi1>, vector<16xf32>
      %select_n3A_1823 = arith.select %or3A_1821, %select_n3A_1819, %select_n3A_1772 : vector<16xi1>, vector<16xi32>
      %select_n3A_1824 = arith.select %or3A_1821, %select_n3A_1771, %select_n3A_1818 : vector<16xi1>, vector<16xf32>
      %select_n3A_1825 = arith.select %or3A_1821, %select_n3A_1772, %select_n3A_1819 : vector<16xi1>, vector<16xi32>
      %gt3A_1826 = arith.cmpf ogt, %select_n3A_1824, %select_n3A_1777 : vector<16xf32>
      %or3A_1827 = arith.ori %or3A_1821, %gt3A_1826 : vector<16xi1>
      %select_n3A_1828 = arith.select %or3A_1827, %select_n3A_1824, %select_n3A_1777 : vector<16xi1>, vector<16xf32>
      %select_n3A_1829 = arith.select %or3A_1827, %select_n3A_1825, %select_n3A_1778 : vector<16xi1>, vector<16xi32>
      %select_n3A_1830 = arith.select %or3A_1827, %select_n3A_1777, %select_n3A_1824 : vector<16xi1>, vector<16xf32>
      %select_n3A_1831 = arith.select %or3A_1827, %select_n3A_1778, %select_n3A_1825 : vector<16xi1>, vector<16xi32>
      %gt3A_1832 = arith.cmpf ogt, %select_n3A_1830, %select_n3A_1783 : vector<16xf32>
      %or3A_1833 = arith.ori %or3A_1827, %gt3A_1832 : vector<16xi1>
      %select_n3A_1834 = arith.select %or3A_1833, %select_n3A_1830, %select_n3A_1783 : vector<16xi1>, vector<16xf32>
      %select_n3A_1835 = arith.select %or3A_1833, %select_n3A_1831, %select_n3A_1784 : vector<16xi1>, vector<16xi32>
      %select_n3A_1836 = arith.select %or3A_1833, %select_n3A_1783, %select_n3A_1830 : vector<16xi1>, vector<16xf32>
      %select_n3A_1837 = arith.select %or3A_1833, %select_n3A_1784, %select_n3A_1831 : vector<16xi1>, vector<16xi32>
      %gt3A_1838 = arith.cmpf ogt, %select_n3A_1836, %select_n3A_1789 : vector<16xf32>
      %or3A_1839 = arith.ori %or3A_1833, %gt3A_1838 : vector<16xi1>
      %select_n3A_1840 = arith.select %or3A_1839, %select_n3A_1836, %select_n3A_1789 : vector<16xi1>, vector<16xf32>
      %select_n3A_1841 = arith.select %or3A_1839, %select_n3A_1837, %select_n3A_1790 : vector<16xi1>, vector<16xi32>
      %select_n3A_1842 = arith.select %or3A_1839, %select_n3A_1789, %select_n3A_1836 : vector<16xi1>, vector<16xf32>
      %select_n3A_1843 = arith.select %or3A_1839, %select_n3A_1790, %select_n3A_1837 : vector<16xi1>, vector<16xi32>
      %gt3A_1844 = arith.cmpf ogt, %select_n3A_1842, %select_n3A_1795 : vector<16xf32>
      %or3A_1845 = arith.ori %or3A_1839, %gt3A_1844 : vector<16xi1>
      %select_n3A_1846 = arith.select %or3A_1845, %select_n3A_1842, %select_n3A_1795 : vector<16xi1>, vector<16xf32>
      %select_n3A_1847 = arith.select %or3A_1845, %select_n3A_1843, %select_n3A_1796 : vector<16xi1>, vector<16xi32>
      %select_n3A_1848 = arith.select %or3A_1845, %select_n3A_1795, %select_n3A_1842 : vector<16xi1>, vector<16xf32>
      %select_n3A_1849 = arith.select %or3A_1845, %select_n3A_1796, %select_n3A_1843 : vector<16xi1>, vector<16xi32>
      %gt3A_1850 = arith.cmpf ogt, %select_n3A_1848, %select_n3A_1801 : vector<16xf32>
      %or3A_1851 = arith.ori %or3A_1845, %gt3A_1850 : vector<16xi1>
      %select_n3A_1852 = arith.select %or3A_1851, %select_n3A_1848, %select_n3A_1801 : vector<16xi1>, vector<16xf32>
      %select_n3A_1853 = arith.select %or3A_1851, %select_n3A_1849, %select_n3A_1802 : vector<16xi1>, vector<16xi32>
      %select_n3A_1854 = arith.select %or3A_1851, %select_n3A_1801, %select_n3A_1848 : vector<16xi1>, vector<16xf32>
      %select_n3A_1855 = arith.select %or3A_1851, %select_n3A_1802, %select_n3A_1849 : vector<16xi1>, vector<16xi32>
      %gt3A_1856 = arith.cmpf ogt, %select_n3A_1854, %select_n3A_1807 : vector<16xf32>
      %or3A_1857 = arith.ori %or3A_1851, %gt3A_1856 : vector<16xi1>
      %select_n3A_1858 = arith.select %or3A_1857, %select_n3A_1854, %select_n3A_1807 : vector<16xi1>, vector<16xf32>
      %select_n3A_1859 = arith.select %or3A_1857, %select_n3A_1855, %select_n3A_1808 : vector<16xi1>, vector<16xi32>
      %add3A_1860 = arith.constant 36 : i32
      %add3A_1861 = vector.broadcast %add3A_1860 : i32 to vector<16xi32>
      %add3A_1862 = arith.addi %add3A_27, %add3A_1861 : vector<16xi32>
      %gather3A_1863 = tpu.vector_load_idx %arg6[%add3A_1862] : memref<32768xf32, #tpu.memory_space<vmem>>[vector<16xi32>], vector<16xf32>,
      %broadcast_in_dim3A_1864 = arith.constant 36 : i32
      %broadcast_in_dim3A_1865 = vector.broadcast %broadcast_in_dim3A_1864 : i32 to vector<16xi32>
      %gt3A_1866 = arith.cmpf ogt, %gather3A_1863, %select_n3A_1816 : vector<16xf32>
      %select_n3A_1867 = arith.select %gt3A_1866, %gather3A_1863, %select_n3A_1816 : vector<16xi1>, vector<16xf32>
      %select_n3A_1868 = arith.select %gt3A_1866, %broadcast_in_dim3A_1865, %select_n3A_1817 : vector<16xi1>, vector<16xi32>
      %select_n3A_1869 = arith.select %gt3A_1866, %select_n3A_1816, %gather3A_1863 : vector<16xi1>, vector<16xf32>
      %select_n3A_1870 = arith.select %gt3A_1866, %select_n3A_1817, %broadcast_in_dim3A_1865 : vector<16xi1>, vector<16xi32>
      %gt3A_1871 = arith.cmpf ogt, %select_n3A_1869, %select_n3A_1822 : vector<16xf32>
      %or3A_1872 = arith.ori %gt3A_1866, %gt3A_1871 : vector<16xi1>
      %select_n3A_1873 = arith.select %or3A_1872, %select_n3A_1869, %select_n3A_1822 : vector<16xi1>, vector<16xf32>
      %select_n3A_1874 = arith.select %or3A_1872, %select_n3A_1870, %select_n3A_1823 : vector<16xi1>, vector<16xi32>
      %select_n3A_1875 = arith.select %or3A_1872, %select_n3A_1822, %select_n3A_1869 : vector<16xi1>, vector<16xf32>
      %select_n3A_1876 = arith.select %or3A_1872, %select_n3A_1823, %select_n3A_1870 : vector<16xi1>, vector<16xi32>
      %gt3A_1877 = arith.cmpf ogt, %select_n3A_1875, %select_n3A_1828 : vector<16xf32>
      %or3A_1878 = arith.ori %or3A_1872, %gt3A_1877 : vector<16xi1>
      %select_n3A_1879 = arith.select %or3A_1878, %select_n3A_1875, %select_n3A_1828 : vector<16xi1>, vector<16xf32>
      %select_n3A_1880 = arith.select %or3A_1878, %select_n3A_1876, %select_n3A_1829 : vector<16xi1>, vector<16xi32>
      %select_n3A_1881 = arith.select %or3A_1878, %select_n3A_1828, %select_n3A_1875 : vector<16xi1>, vector<16xf32>
      %select_n3A_1882 = arith.select %or3A_1878, %select_n3A_1829, %select_n3A_1876 : vector<16xi1>, vector<16xi32>
      %gt3A_1883 = arith.cmpf ogt, %select_n3A_1881, %select_n3A_1834 : vector<16xf32>
      %or3A_1884 = arith.ori %or3A_1878, %gt3A_1883 : vector<16xi1>
      %select_n3A_1885 = arith.select %or3A_1884, %select_n3A_1881, %select_n3A_1834 : vector<16xi1>, vector<16xf32>
      %select_n3A_1886 = arith.select %or3A_1884, %select_n3A_1882, %select_n3A_1835 : vector<16xi1>, vector<16xi32>
      %select_n3A_1887 = arith.select %or3A_1884, %select_n3A_1834, %select_n3A_1881 : vector<16xi1>, vector<16xf32>
      %select_n3A_1888 = arith.select %or3A_1884, %select_n3A_1835, %select_n3A_1882 : vector<16xi1>, vector<16xi32>
      %gt3A_1889 = arith.cmpf ogt, %select_n3A_1887, %select_n3A_1840 : vector<16xf32>
      %or3A_1890 = arith.ori %or3A_1884, %gt3A_1889 : vector<16xi1>
      %select_n3A_1891 = arith.select %or3A_1890, %select_n3A_1887, %select_n3A_1840 : vector<16xi1>, vector<16xf32>
      %select_n3A_1892 = arith.select %or3A_1890, %select_n3A_1888, %select_n3A_1841 : vector<16xi1>, vector<16xi32>
      %select_n3A_1893 = arith.select %or3A_1890, %select_n3A_1840, %select_n3A_1887 : vector<16xi1>, vector<16xf32>
      %select_n3A_1894 = arith.select %or3A_1890, %select_n3A_1841, %select_n3A_1888 : vector<16xi1>, vector<16xi32>
      %gt3A_1895 = arith.cmpf ogt, %select_n3A_1893, %select_n3A_1846 : vector<16xf32>
      %or3A_1896 = arith.ori %or3A_1890, %gt3A_1895 : vector<16xi1>
      %select_n3A_1897 = arith.select %or3A_1896, %select_n3A_1893, %select_n3A_1846 : vector<16xi1>, vector<16xf32>
      %select_n3A_1898 = arith.select %or3A_1896, %select_n3A_1894, %select_n3A_1847 : vector<16xi1>, vector<16xi32>
      %select_n3A_1899 = arith.select %or3A_1896, %select_n3A_1846, %select_n3A_1893 : vector<16xi1>, vector<16xf32>
      %select_n3A_1900 = arith.select %or3A_1896, %select_n3A_1847, %select_n3A_1894 : vector<16xi1>, vector<16xi32>
      %gt3A_1901 = arith.cmpf ogt, %select_n3A_1899, %select_n3A_1852 : vector<16xf32>
      %or3A_1902 = arith.ori %or3A_1896, %gt3A_1901 : vector<16xi1>
      %select_n3A_1903 = arith.select %or3A_1902, %select_n3A_1899, %select_n3A_1852 : vector<16xi1>, vector<16xf32>
      %select_n3A_1904 = arith.select %or3A_1902, %select_n3A_1900, %select_n3A_1853 : vector<16xi1>, vector<16xi32>
      %select_n3A_1905 = arith.select %or3A_1902, %select_n3A_1852, %select_n3A_1899 : vector<16xi1>, vector<16xf32>
      %select_n3A_1906 = arith.select %or3A_1902, %select_n3A_1853, %select_n3A_1900 : vector<16xi1>, vector<16xi32>
      %gt3A_1907 = arith.cmpf ogt, %select_n3A_1905, %select_n3A_1858 : vector<16xf32>
      %or3A_1908 = arith.ori %or3A_1902, %gt3A_1907 : vector<16xi1>
      %select_n3A_1909 = arith.select %or3A_1908, %select_n3A_1905, %select_n3A_1858 : vector<16xi1>, vector<16xf32>
      %select_n3A_1910 = arith.select %or3A_1908, %select_n3A_1906, %select_n3A_1859 : vector<16xi1>, vector<16xi32>
      %add3A_1911 = arith.constant 37 : i32
      %add3A_1912 = vector.broadcast %add3A_1911 : i32 to vector<16xi32>
      %add3A_1913 = arith.addi %add3A_27, %add3A_1912 : vector<16xi32>
      %gather3A_1914 = tpu.vector_load_idx %arg6[%add3A_1913] : memref<32768xf32, #tpu.memory_space<vmem>>[vector<16xi32>], vector<16xf32>,
      %broadcast_in_dim3A_1915 = arith.constant 37 : i32
      %broadcast_in_dim3A_1916 = vector.broadcast %broadcast_in_dim3A_1915 : i32 to vector<16xi32>
      %gt3A_1917 = arith.cmpf ogt, %gather3A_1914, %select_n3A_1867 : vector<16xf32>
      %select_n3A_1918 = arith.select %gt3A_1917, %gather3A_1914, %select_n3A_1867 : vector<16xi1>, vector<16xf32>
      %select_n3A_1919 = arith.select %gt3A_1917, %broadcast_in_dim3A_1916, %select_n3A_1868 : vector<16xi1>, vector<16xi32>
      %select_n3A_1920 = arith.select %gt3A_1917, %select_n3A_1867, %gather3A_1914 : vector<16xi1>, vector<16xf32>
      %select_n3A_1921 = arith.select %gt3A_1917, %select_n3A_1868, %broadcast_in_dim3A_1916 : vector<16xi1>, vector<16xi32>
      %gt3A_1922 = arith.cmpf ogt, %select_n3A_1920, %select_n3A_1873 : vector<16xf32>
      %or3A_1923 = arith.ori %gt3A_1917, %gt3A_1922 : vector<16xi1>
      %select_n3A_1924 = arith.select %or3A_1923, %select_n3A_1920, %select_n3A_1873 : vector<16xi1>, vector<16xf32>
      %select_n3A_1925 = arith.select %or3A_1923, %select_n3A_1921, %select_n3A_1874 : vector<16xi1>, vector<16xi32>
      %select_n3A_1926 = arith.select %or3A_1923, %select_n3A_1873, %select_n3A_1920 : vector<16xi1>, vector<16xf32>
      %select_n3A_1927 = arith.select %or3A_1923, %select_n3A_1874, %select_n3A_1921 : vector<16xi1>, vector<16xi32>
      %gt3A_1928 = arith.cmpf ogt, %select_n3A_1926, %select_n3A_1879 : vector<16xf32>
      %or3A_1929 = arith.ori %or3A_1923, %gt3A_1928 : vector<16xi1>
      %select_n3A_1930 = arith.select %or3A_1929, %select_n3A_1926, %select_n3A_1879 : vector<16xi1>, vector<16xf32>
      %select_n3A_1931 = arith.select %or3A_1929, %select_n3A_1927, %select_n3A_1880 : vector<16xi1>, vector<16xi32>
      %select_n3A_1932 = arith.select %or3A_1929, %select_n3A_1879, %select_n3A_1926 : vector<16xi1>, vector<16xf32>
      %select_n3A_1933 = arith.select %or3A_1929, %select_n3A_1880, %select_n3A_1927 : vector<16xi1>, vector<16xi32>
      %gt3A_1934 = arith.cmpf ogt, %select_n3A_1932, %select_n3A_1885 : vector<16xf32>
      %or3A_1935 = arith.ori %or3A_1929, %gt3A_1934 : vector<16xi1>
      %select_n3A_1936 = arith.select %or3A_1935, %select_n3A_1932, %select_n3A_1885 : vector<16xi1>, vector<16xf32>
      %select_n3A_1937 = arith.select %or3A_1935, %select_n3A_1933, %select_n3A_1886 : vector<16xi1>, vector<16xi32>
      %select_n3A_1938 = arith.select %or3A_1935, %select_n3A_1885, %select_n3A_1932 : vector<16xi1>, vector<16xf32>
      %select_n3A_1939 = arith.select %or3A_1935, %select_n3A_1886, %select_n3A_1933 : vector<16xi1>, vector<16xi32>
      %gt3A_1940 = arith.cmpf ogt, %select_n3A_1938, %select_n3A_1891 : vector<16xf32>
      %or3A_1941 = arith.ori %or3A_1935, %gt3A_1940 : vector<16xi1>
      %select_n3A_1942 = arith.select %or3A_1941, %select_n3A_1938, %select_n3A_1891 : vector<16xi1>, vector<16xf32>
      %select_n3A_1943 = arith.select %or3A_1941, %select_n3A_1939, %select_n3A_1892 : vector<16xi1>, vector<16xi32>
      %select_n3A_1944 = arith.select %or3A_1941, %select_n3A_1891, %select_n3A_1938 : vector<16xi1>, vector<16xf32>
      %select_n3A_1945 = arith.select %or3A_1941, %select_n3A_1892, %select_n3A_1939 : vector<16xi1>, vector<16xi32>
      %gt3A_1946 = arith.cmpf ogt, %select_n3A_1944, %select_n3A_1897 : vector<16xf32>
      %or3A_1947 = arith.ori %or3A_1941, %gt3A_1946 : vector<16xi1>
      %select_n3A_1948 = arith.select %or3A_1947, %select_n3A_1944, %select_n3A_1897 : vector<16xi1>, vector<16xf32>
      %select_n3A_1949 = arith.select %or3A_1947, %select_n3A_1945, %select_n3A_1898 : vector<16xi1>, vector<16xi32>
      %select_n3A_1950 = arith.select %or3A_1947, %select_n3A_1897, %select_n3A_1944 : vector<16xi1>, vector<16xf32>
      %select_n3A_1951 = arith.select %or3A_1947, %select_n3A_1898, %select_n3A_1945 : vector<16xi1>, vector<16xi32>
      %gt3A_1952 = arith.cmpf ogt, %select_n3A_1950, %select_n3A_1903 : vector<16xf32>
      %or3A_1953 = arith.ori %or3A_1947, %gt3A_1952 : vector<16xi1>
      %select_n3A_1954 = arith.select %or3A_1953, %select_n3A_1950, %select_n3A_1903 : vector<16xi1>, vector<16xf32>
      %select_n3A_1955 = arith.select %or3A_1953, %select_n3A_1951, %select_n3A_1904 : vector<16xi1>, vector<16xi32>
      %select_n3A_1956 = arith.select %or3A_1953, %select_n3A_1903, %select_n3A_1950 : vector<16xi1>, vector<16xf32>
      %select_n3A_1957 = arith.select %or3A_1953, %select_n3A_1904, %select_n3A_1951 : vector<16xi1>, vector<16xi32>
      %gt3A_1958 = arith.cmpf ogt, %select_n3A_1956, %select_n3A_1909 : vector<16xf32>
      %or3A_1959 = arith.ori %or3A_1953, %gt3A_1958 : vector<16xi1>
      %select_n3A_1960 = arith.select %or3A_1959, %select_n3A_1956, %select_n3A_1909 : vector<16xi1>, vector<16xf32>
      %select_n3A_1961 = arith.select %or3A_1959, %select_n3A_1957, %select_n3A_1910 : vector<16xi1>, vector<16xi32>
      %add3A_1962 = arith.constant 38 : i32
      %add3A_1963 = vector.broadcast %add3A_1962 : i32 to vector<16xi32>
      %add3A_1964 = arith.addi %add3A_27, %add3A_1963 : vector<16xi32>
      %gather3A_1965 = tpu.vector_load_idx %arg6[%add3A_1964] : memref<32768xf32, #tpu.memory_space<vmem>>[vector<16xi32>], vector<16xf32>,
      %broadcast_in_dim3A_1966 = arith.constant 38 : i32
      %broadcast_in_dim3A_1967 = vector.broadcast %broadcast_in_dim3A_1966 : i32 to vector<16xi32>
      %gt3A_1968 = arith.cmpf ogt, %gather3A_1965, %select_n3A_1918 : vector<16xf32>
      %select_n3A_1969 = arith.select %gt3A_1968, %gather3A_1965, %select_n3A_1918 : vector<16xi1>, vector<16xf32>
      %select_n3A_1970 = arith.select %gt3A_1968, %broadcast_in_dim3A_1967, %select_n3A_1919 : vector<16xi1>, vector<16xi32>
      %select_n3A_1971 = arith.select %gt3A_1968, %select_n3A_1918, %gather3A_1965 : vector<16xi1>, vector<16xf32>
      %select_n3A_1972 = arith.select %gt3A_1968, %select_n3A_1919, %broadcast_in_dim3A_1967 : vector<16xi1>, vector<16xi32>
      %gt3A_1973 = arith.cmpf ogt, %select_n3A_1971, %select_n3A_1924 : vector<16xf32>
      %or3A_1974 = arith.ori %gt3A_1968, %gt3A_1973 : vector<16xi1>
      %select_n3A_1975 = arith.select %or3A_1974, %select_n3A_1971, %select_n3A_1924 : vector<16xi1>, vector<16xf32>
      %select_n3A_1976 = arith.select %or3A_1974, %select_n3A_1972, %select_n3A_1925 : vector<16xi1>, vector<16xi32>
      %select_n3A_1977 = arith.select %or3A_1974, %select_n3A_1924, %select_n3A_1971 : vector<16xi1>, vector<16xf32>
      %select_n3A_1978 = arith.select %or3A_1974, %select_n3A_1925, %select_n3A_1972 : vector<16xi1>, vector<16xi32>
      %gt3A_1979 = arith.cmpf ogt, %select_n3A_1977, %select_n3A_1930 : vector<16xf32>
      %or3A_1980 = arith.ori %or3A_1974, %gt3A_1979 : vector<16xi1>
      %select_n3A_1981 = arith.select %or3A_1980, %select_n3A_1977, %select_n3A_1930 : vector<16xi1>, vector<16xf32>
      %select_n3A_1982 = arith.select %or3A_1980, %select_n3A_1978, %select_n3A_1931 : vector<16xi1>, vector<16xi32>
      %select_n3A_1983 = arith.select %or3A_1980, %select_n3A_1930, %select_n3A_1977 : vector<16xi1>, vector<16xf32>
      %select_n3A_1984 = arith.select %or3A_1980, %select_n3A_1931, %select_n3A_1978 : vector<16xi1>, vector<16xi32>
      %gt3A_1985 = arith.cmpf ogt, %select_n3A_1983, %select_n3A_1936 : vector<16xf32>
      %or3A_1986 = arith.ori %or3A_1980, %gt3A_1985 : vector<16xi1>
      %select_n3A_1987 = arith.select %or3A_1986, %select_n3A_1983, %select_n3A_1936 : vector<16xi1>, vector<16xf32>
      %select_n3A_1988 = arith.select %or3A_1986, %select_n3A_1984, %select_n3A_1937 : vector<16xi1>, vector<16xi32>
      %select_n3A_1989 = arith.select %or3A_1986, %select_n3A_1936, %select_n3A_1983 : vector<16xi1>, vector<16xf32>
      %select_n3A_1990 = arith.select %or3A_1986, %select_n3A_1937, %select_n3A_1984 : vector<16xi1>, vector<16xi32>
      %gt3A_1991 = arith.cmpf ogt, %select_n3A_1989, %select_n3A_1942 : vector<16xf32>
      %or3A_1992 = arith.ori %or3A_1986, %gt3A_1991 : vector<16xi1>
      %select_n3A_1993 = arith.select %or3A_1992, %select_n3A_1989, %select_n3A_1942 : vector<16xi1>, vector<16xf32>
      %select_n3A_1994 = arith.select %or3A_1992, %select_n3A_1990, %select_n3A_1943 : vector<16xi1>, vector<16xi32>
      %select_n3A_1995 = arith.select %or3A_1992, %select_n3A_1942, %select_n3A_1989 : vector<16xi1>, vector<16xf32>
      %select_n3A_1996 = arith.select %or3A_1992, %select_n3A_1943, %select_n3A_1990 : vector<16xi1>, vector<16xi32>
      %gt3A_1997 = arith.cmpf ogt, %select_n3A_1995, %select_n3A_1948 : vector<16xf32>
      %or3A_1998 = arith.ori %or3A_1992, %gt3A_1997 : vector<16xi1>
      %select_n3A_1999 = arith.select %or3A_1998, %select_n3A_1995, %select_n3A_1948 : vector<16xi1>, vector<16xf32>
      %select_n3A_2000 = arith.select %or3A_1998, %select_n3A_1996, %select_n3A_1949 : vector<16xi1>, vector<16xi32>
      %select_n3A_2001 = arith.select %or3A_1998, %select_n3A_1948, %select_n3A_1995 : vector<16xi1>, vector<16xf32>
      %select_n3A_2002 = arith.select %or3A_1998, %select_n3A_1949, %select_n3A_1996 : vector<16xi1>, vector<16xi32>
      %gt3A_2003 = arith.cmpf ogt, %select_n3A_2001, %select_n3A_1954 : vector<16xf32>
      %or3A_2004 = arith.ori %or3A_1998, %gt3A_2003 : vector<16xi1>
      %select_n3A_2005 = arith.select %or3A_2004, %select_n3A_2001, %select_n3A_1954 : vector<16xi1>, vector<16xf32>
      %select_n3A_2006 = arith.select %or3A_2004, %select_n3A_2002, %select_n3A_1955 : vector<16xi1>, vector<16xi32>
      %select_n3A_2007 = arith.select %or3A_2004, %select_n3A_1954, %select_n3A_2001 : vector<16xi1>, vector<16xf32>
      %select_n3A_2008 = arith.select %or3A_2004, %select_n3A_1955, %select_n3A_2002 : vector<16xi1>, vector<16xi32>
      %gt3A_2009 = arith.cmpf ogt, %select_n3A_2007, %select_n3A_1960 : vector<16xf32>
      %or3A_2010 = arith.ori %or3A_2004, %gt3A_2009 : vector<16xi1>
      %select_n3A_2011 = arith.select %or3A_2010, %select_n3A_2007, %select_n3A_1960 : vector<16xi1>, vector<16xf32>
      %select_n3A_2012 = arith.select %or3A_2010, %select_n3A_2008, %select_n3A_1961 : vector<16xi1>, vector<16xi32>
      %add3A_2013 = arith.constant 39 : i32
      %add3A_2014 = vector.broadcast %add3A_2013 : i32 to vector<16xi32>
      %add3A_2015 = arith.addi %add3A_27, %add3A_2014 : vector<16xi32>
      %gather3A_2016 = tpu.vector_load_idx %arg6[%add3A_2015] : memref<32768xf32, #tpu.memory_space<vmem>>[vector<16xi32>], vector<16xf32>,
      %broadcast_in_dim3A_2017 = arith.constant 39 : i32
      %broadcast_in_dim3A_2018 = vector.broadcast %broadcast_in_dim3A_2017 : i32 to vector<16xi32>
      %gt3A_2019 = arith.cmpf ogt, %gather3A_2016, %select_n3A_1969 : vector<16xf32>
      %select_n3A_2020 = arith.select %gt3A_2019, %gather3A_2016, %select_n3A_1969 : vector<16xi1>, vector<16xf32>
      %select_n3A_2021 = arith.select %gt3A_2019, %broadcast_in_dim3A_2018, %select_n3A_1970 : vector<16xi1>, vector<16xi32>
      %select_n3A_2022 = arith.select %gt3A_2019, %select_n3A_1969, %gather3A_2016 : vector<16xi1>, vector<16xf32>
      %select_n3A_2023 = arith.select %gt3A_2019, %select_n3A_1970, %broadcast_in_dim3A_2018 : vector<16xi1>, vector<16xi32>
      %gt3A_2024 = arith.cmpf ogt, %select_n3A_2022, %select_n3A_1975 : vector<16xf32>
      %or3A_2025 = arith.ori %gt3A_2019, %gt3A_2024 : vector<16xi1>
      %select_n3A_2026 = arith.select %or3A_2025, %select_n3A_2022, %select_n3A_1975 : vector<16xi1>, vector<16xf32>
      %select_n3A_2027 = arith.select %or3A_2025, %select_n3A_2023, %select_n3A_1976 : vector<16xi1>, vector<16xi32>
      %select_n3A_2028 = arith.select %or3A_2025, %select_n3A_1975, %select_n3A_2022 : vector<16xi1>, vector<16xf32>
      %select_n3A_2029 = arith.select %or3A_2025, %select_n3A_1976, %select_n3A_2023 : vector<16xi1>, vector<16xi32>
      %gt3A_2030 = arith.cmpf ogt, %select_n3A_2028, %select_n3A_1981 : vector<16xf32>
      %or3A_2031 = arith.ori %or3A_2025, %gt3A_2030 : vector<16xi1>
      %select_n3A_2032 = arith.select %or3A_2031, %select_n3A_2028, %select_n3A_1981 : vector<16xi1>, vector<16xf32>
      %select_n3A_2033 = arith.select %or3A_2031, %select_n3A_2029, %select_n3A_1982 : vector<16xi1>, vector<16xi32>
      %select_n3A_2034 = arith.select %or3A_2031, %select_n3A_1981, %select_n3A_2028 : vector<16xi1>, vector<16xf32>
      %select_n3A_2035 = arith.select %or3A_2031, %select_n3A_1982, %select_n3A_2029 : vector<16xi1>, vector<16xi32>
      %gt3A_2036 = arith.cmpf ogt, %select_n3A_2034, %select_n3A_1987 : vector<16xf32>
      %or3A_2037 = arith.ori %or3A_2031, %gt3A_2036 : vector<16xi1>
      %select_n3A_2038 = arith.select %or3A_2037, %select_n3A_2034, %select_n3A_1987 : vector<16xi1>, vector<16xf32>
      %select_n3A_2039 = arith.select %or3A_2037, %select_n3A_2035, %select_n3A_1988 : vector<16xi1>, vector<16xi32>
      %select_n3A_2040 = arith.select %or3A_2037, %select_n3A_1987, %select_n3A_2034 : vector<16xi1>, vector<16xf32>
      %select_n3A_2041 = arith.select %or3A_2037, %select_n3A_1988, %select_n3A_2035 : vector<16xi1>, vector<16xi32>
      %gt3A_2042 = arith.cmpf ogt, %select_n3A_2040, %select_n3A_1993 : vector<16xf32>
      %or3A_2043 = arith.ori %or3A_2037, %gt3A_2042 : vector<16xi1>
      %select_n3A_2044 = arith.select %or3A_2043, %select_n3A_2040, %select_n3A_1993 : vector<16xi1>, vector<16xf32>
      %select_n3A_2045 = arith.select %or3A_2043, %select_n3A_2041, %select_n3A_1994 : vector<16xi1>, vector<16xi32>
      %select_n3A_2046 = arith.select %or3A_2043, %select_n3A_1993, %select_n3A_2040 : vector<16xi1>, vector<16xf32>
      %select_n3A_2047 = arith.select %or3A_2043, %select_n3A_1994, %select_n3A_2041 : vector<16xi1>, vector<16xi32>
      %gt3A_2048 = arith.cmpf ogt, %select_n3A_2046, %select_n3A_1999 : vector<16xf32>
      %or3A_2049 = arith.ori %or3A_2043, %gt3A_2048 : vector<16xi1>
      %select_n3A_2050 = arith.select %or3A_2049, %select_n3A_2046, %select_n3A_1999 : vector<16xi1>, vector<16xf32>
      %select_n3A_2051 = arith.select %or3A_2049, %select_n3A_2047, %select_n3A_2000 : vector<16xi1>, vector<16xi32>
      %select_n3A_2052 = arith.select %or3A_2049, %select_n3A_1999, %select_n3A_2046 : vector<16xi1>, vector<16xf32>
      %select_n3A_2053 = arith.select %or3A_2049, %select_n3A_2000, %select_n3A_2047 : vector<16xi1>, vector<16xi32>
      %gt3A_2054 = arith.cmpf ogt, %select_n3A_2052, %select_n3A_2005 : vector<16xf32>
      %or3A_2055 = arith.ori %or3A_2049, %gt3A_2054 : vector<16xi1>
      %select_n3A_2056 = arith.select %or3A_2055, %select_n3A_2052, %select_n3A_2005 : vector<16xi1>, vector<16xf32>
      %select_n3A_2057 = arith.select %or3A_2055, %select_n3A_2053, %select_n3A_2006 : vector<16xi1>, vector<16xi32>
      %select_n3A_2058 = arith.select %or3A_2055, %select_n3A_2005, %select_n3A_2052 : vector<16xi1>, vector<16xf32>
      %select_n3A_2059 = arith.select %or3A_2055, %select_n3A_2006, %select_n3A_2053 : vector<16xi1>, vector<16xi32>
      %gt3A_2060 = arith.cmpf ogt, %select_n3A_2058, %select_n3A_2011 : vector<16xf32>
      %or3A_2061 = arith.ori %or3A_2055, %gt3A_2060 : vector<16xi1>
      %select_n3A_2062 = arith.select %or3A_2061, %select_n3A_2058, %select_n3A_2011 : vector<16xi1>, vector<16xf32>
      %select_n3A_2063 = arith.select %or3A_2061, %select_n3A_2059, %select_n3A_2012 : vector<16xi1>, vector<16xi32>
      %add3A_2064 = arith.constant 40 : i32
      %add3A_2065 = vector.broadcast %add3A_2064 : i32 to vector<16xi32>
      %add3A_2066 = arith.addi %add3A_27, %add3A_2065 : vector<16xi32>
      %gather3A_2067 = tpu.vector_load_idx %arg6[%add3A_2066] : memref<32768xf32, #tpu.memory_space<vmem>>[vector<16xi32>], vector<16xf32>,
      %broadcast_in_dim3A_2068 = arith.constant 40 : i32
      %broadcast_in_dim3A_2069 = vector.broadcast %broadcast_in_dim3A_2068 : i32 to vector<16xi32>
      %gt3A_2070 = arith.cmpf ogt, %gather3A_2067, %select_n3A_2020 : vector<16xf32>
      %select_n3A_2071 = arith.select %gt3A_2070, %gather3A_2067, %select_n3A_2020 : vector<16xi1>, vector<16xf32>
      %select_n3A_2072 = arith.select %gt3A_2070, %broadcast_in_dim3A_2069, %select_n3A_2021 : vector<16xi1>, vector<16xi32>
      %select_n3A_2073 = arith.select %gt3A_2070, %select_n3A_2020, %gather3A_2067 : vector<16xi1>, vector<16xf32>
      %select_n3A_2074 = arith.select %gt3A_2070, %select_n3A_2021, %broadcast_in_dim3A_2069 : vector<16xi1>, vector<16xi32>
      %gt3A_2075 = arith.cmpf ogt, %select_n3A_2073, %select_n3A_2026 : vector<16xf32>
      %or3A_2076 = arith.ori %gt3A_2070, %gt3A_2075 : vector<16xi1>
      %select_n3A_2077 = arith.select %or3A_2076, %select_n3A_2073, %select_n3A_2026 : vector<16xi1>, vector<16xf32>
      %select_n3A_2078 = arith.select %or3A_2076, %select_n3A_2074, %select_n3A_2027 : vector<16xi1>, vector<16xi32>
      %select_n3A_2079 = arith.select %or3A_2076, %select_n3A_2026, %select_n3A_2073 : vector<16xi1>, vector<16xf32>
      %select_n3A_2080 = arith.select %or3A_2076, %select_n3A_2027, %select_n3A_2074 : vector<16xi1>, vector<16xi32>
      %gt3A_2081 = arith.cmpf ogt, %select_n3A_2079, %select_n3A_2032 : vector<16xf32>
      %or3A_2082 = arith.ori %or3A_2076, %gt3A_2081 : vector<16xi1>
      %select_n3A_2083 = arith.select %or3A_2082, %select_n3A_2079, %select_n3A_2032 : vector<16xi1>, vector<16xf32>
      %select_n3A_2084 = arith.select %or3A_2082, %select_n3A_2080, %select_n3A_2033 : vector<16xi1>, vector<16xi32>
      %select_n3A_2085 = arith.select %or3A_2082, %select_n3A_2032, %select_n3A_2079 : vector<16xi1>, vector<16xf32>
      %select_n3A_2086 = arith.select %or3A_2082, %select_n3A_2033, %select_n3A_2080 : vector<16xi1>, vector<16xi32>
      %gt3A_2087 = arith.cmpf ogt, %select_n3A_2085, %select_n3A_2038 : vector<16xf32>
      %or3A_2088 = arith.ori %or3A_2082, %gt3A_2087 : vector<16xi1>
      %select_n3A_2089 = arith.select %or3A_2088, %select_n3A_2085, %select_n3A_2038 : vector<16xi1>, vector<16xf32>
      %select_n3A_2090 = arith.select %or3A_2088, %select_n3A_2086, %select_n3A_2039 : vector<16xi1>, vector<16xi32>
      %select_n3A_2091 = arith.select %or3A_2088, %select_n3A_2038, %select_n3A_2085 : vector<16xi1>, vector<16xf32>
      %select_n3A_2092 = arith.select %or3A_2088, %select_n3A_2039, %select_n3A_2086 : vector<16xi1>, vector<16xi32>
      %gt3A_2093 = arith.cmpf ogt, %select_n3A_2091, %select_n3A_2044 : vector<16xf32>
      %or3A_2094 = arith.ori %or3A_2088, %gt3A_2093 : vector<16xi1>
      %select_n3A_2095 = arith.select %or3A_2094, %select_n3A_2091, %select_n3A_2044 : vector<16xi1>, vector<16xf32>
      %select_n3A_2096 = arith.select %or3A_2094, %select_n3A_2092, %select_n3A_2045 : vector<16xi1>, vector<16xi32>
      %select_n3A_2097 = arith.select %or3A_2094, %select_n3A_2044, %select_n3A_2091 : vector<16xi1>, vector<16xf32>
      %select_n3A_2098 = arith.select %or3A_2094, %select_n3A_2045, %select_n3A_2092 : vector<16xi1>, vector<16xi32>
      %gt3A_2099 = arith.cmpf ogt, %select_n3A_2097, %select_n3A_2050 : vector<16xf32>
      %or3A_2100 = arith.ori %or3A_2094, %gt3A_2099 : vector<16xi1>
      %select_n3A_2101 = arith.select %or3A_2100, %select_n3A_2097, %select_n3A_2050 : vector<16xi1>, vector<16xf32>
      %select_n3A_2102 = arith.select %or3A_2100, %select_n3A_2098, %select_n3A_2051 : vector<16xi1>, vector<16xi32>
      %select_n3A_2103 = arith.select %or3A_2100, %select_n3A_2050, %select_n3A_2097 : vector<16xi1>, vector<16xf32>
      %select_n3A_2104 = arith.select %or3A_2100, %select_n3A_2051, %select_n3A_2098 : vector<16xi1>, vector<16xi32>
      %gt3A_2105 = arith.cmpf ogt, %select_n3A_2103, %select_n3A_2056 : vector<16xf32>
      %or3A_2106 = arith.ori %or3A_2100, %gt3A_2105 : vector<16xi1>
      %select_n3A_2107 = arith.select %or3A_2106, %select_n3A_2103, %select_n3A_2056 : vector<16xi1>, vector<16xf32>
      %select_n3A_2108 = arith.select %or3A_2106, %select_n3A_2104, %select_n3A_2057 : vector<16xi1>, vector<16xi32>
      %select_n3A_2109 = arith.select %or3A_2106, %select_n3A_2056, %select_n3A_2103 : vector<16xi1>, vector<16xf32>
      %select_n3A_2110 = arith.select %or3A_2106, %select_n3A_2057, %select_n3A_2104 : vector<16xi1>, vector<16xi32>
      %gt3A_2111 = arith.cmpf ogt, %select_n3A_2109, %select_n3A_2062 : vector<16xf32>
      %or3A_2112 = arith.ori %or3A_2106, %gt3A_2111 : vector<16xi1>
      %select_n3A_2113 = arith.select %or3A_2112, %select_n3A_2109, %select_n3A_2062 : vector<16xi1>, vector<16xf32>
      %select_n3A_2114 = arith.select %or3A_2112, %select_n3A_2110, %select_n3A_2063 : vector<16xi1>, vector<16xi32>
      %add3A_2115 = arith.constant 41 : i32
      %add3A_2116 = vector.broadcast %add3A_2115 : i32 to vector<16xi32>
      %add3A_2117 = arith.addi %add3A_27, %add3A_2116 : vector<16xi32>
      %gather3A_2118 = tpu.vector_load_idx %arg6[%add3A_2117] : memref<32768xf32, #tpu.memory_space<vmem>>[vector<16xi32>], vector<16xf32>,
      %broadcast_in_dim3A_2119 = arith.constant 41 : i32
      %broadcast_in_dim3A_2120 = vector.broadcast %broadcast_in_dim3A_2119 : i32 to vector<16xi32>
      %gt3A_2121 = arith.cmpf ogt, %gather3A_2118, %select_n3A_2071 : vector<16xf32>
      %select_n3A_2122 = arith.select %gt3A_2121, %gather3A_2118, %select_n3A_2071 : vector<16xi1>, vector<16xf32>
      %select_n3A_2123 = arith.select %gt3A_2121, %broadcast_in_dim3A_2120, %select_n3A_2072 : vector<16xi1>, vector<16xi32>
      %select_n3A_2124 = arith.select %gt3A_2121, %select_n3A_2071, %gather3A_2118 : vector<16xi1>, vector<16xf32>
      %select_n3A_2125 = arith.select %gt3A_2121, %select_n3A_2072, %broadcast_in_dim3A_2120 : vector<16xi1>, vector<16xi32>
      %gt3A_2126 = arith.cmpf ogt, %select_n3A_2124, %select_n3A_2077 : vector<16xf32>
      %or3A_2127 = arith.ori %gt3A_2121, %gt3A_2126 : vector<16xi1>
      %select_n3A_2128 = arith.select %or3A_2127, %select_n3A_2124, %select_n3A_2077 : vector<16xi1>, vector<16xf32>
      %select_n3A_2129 = arith.select %or3A_2127, %select_n3A_2125, %select_n3A_2078 : vector<16xi1>, vector<16xi32>
      %select_n3A_2130 = arith.select %or3A_2127, %select_n3A_2077, %select_n3A_2124 : vector<16xi1>, vector<16xf32>
      %select_n3A_2131 = arith.select %or3A_2127, %select_n3A_2078, %select_n3A_2125 : vector<16xi1>, vector<16xi32>
      %gt3A_2132 = arith.cmpf ogt, %select_n3A_2130, %select_n3A_2083 : vector<16xf32>
      %or3A_2133 = arith.ori %or3A_2127, %gt3A_2132 : vector<16xi1>
      %select_n3A_2134 = arith.select %or3A_2133, %select_n3A_2130, %select_n3A_2083 : vector<16xi1>, vector<16xf32>
      %select_n3A_2135 = arith.select %or3A_2133, %select_n3A_2131, %select_n3A_2084 : vector<16xi1>, vector<16xi32>
      %select_n3A_2136 = arith.select %or3A_2133, %select_n3A_2083, %select_n3A_2130 : vector<16xi1>, vector<16xf32>
      %select_n3A_2137 = arith.select %or3A_2133, %select_n3A_2084, %select_n3A_2131 : vector<16xi1>, vector<16xi32>
      %gt3A_2138 = arith.cmpf ogt, %select_n3A_2136, %select_n3A_2089 : vector<16xf32>
      %or3A_2139 = arith.ori %or3A_2133, %gt3A_2138 : vector<16xi1>
      %select_n3A_2140 = arith.select %or3A_2139, %select_n3A_2136, %select_n3A_2089 : vector<16xi1>, vector<16xf32>
      %select_n3A_2141 = arith.select %or3A_2139, %select_n3A_2137, %select_n3A_2090 : vector<16xi1>, vector<16xi32>
      %select_n3A_2142 = arith.select %or3A_2139, %select_n3A_2089, %select_n3A_2136 : vector<16xi1>, vector<16xf32>
      %select_n3A_2143 = arith.select %or3A_2139, %select_n3A_2090, %select_n3A_2137 : vector<16xi1>, vector<16xi32>
      %gt3A_2144 = arith.cmpf ogt, %select_n3A_2142, %select_n3A_2095 : vector<16xf32>
      %or3A_2145 = arith.ori %or3A_2139, %gt3A_2144 : vector<16xi1>
      %select_n3A_2146 = arith.select %or3A_2145, %select_n3A_2142, %select_n3A_2095 : vector<16xi1>, vector<16xf32>
      %select_n3A_2147 = arith.select %or3A_2145, %select_n3A_2143, %select_n3A_2096 : vector<16xi1>, vector<16xi32>
      %select_n3A_2148 = arith.select %or3A_2145, %select_n3A_2095, %select_n3A_2142 : vector<16xi1>, vector<16xf32>
      %select_n3A_2149 = arith.select %or3A_2145, %select_n3A_2096, %select_n3A_2143 : vector<16xi1>, vector<16xi32>
      %gt3A_2150 = arith.cmpf ogt, %select_n3A_2148, %select_n3A_2101 : vector<16xf32>
      %or3A_2151 = arith.ori %or3A_2145, %gt3A_2150 : vector<16xi1>
      %select_n3A_2152 = arith.select %or3A_2151, %select_n3A_2148, %select_n3A_2101 : vector<16xi1>, vector<16xf32>
      %select_n3A_2153 = arith.select %or3A_2151, %select_n3A_2149, %select_n3A_2102 : vector<16xi1>, vector<16xi32>
      %select_n3A_2154 = arith.select %or3A_2151, %select_n3A_2101, %select_n3A_2148 : vector<16xi1>, vector<16xf32>
      %select_n3A_2155 = arith.select %or3A_2151, %select_n3A_2102, %select_n3A_2149 : vector<16xi1>, vector<16xi32>
      %gt3A_2156 = arith.cmpf ogt, %select_n3A_2154, %select_n3A_2107 : vector<16xf32>
      %or3A_2157 = arith.ori %or3A_2151, %gt3A_2156 : vector<16xi1>
      %select_n3A_2158 = arith.select %or3A_2157, %select_n3A_2154, %select_n3A_2107 : vector<16xi1>, vector<16xf32>
      %select_n3A_2159 = arith.select %or3A_2157, %select_n3A_2155, %select_n3A_2108 : vector<16xi1>, vector<16xi32>
      %select_n3A_2160 = arith.select %or3A_2157, %select_n3A_2107, %select_n3A_2154 : vector<16xi1>, vector<16xf32>
      %select_n3A_2161 = arith.select %or3A_2157, %select_n3A_2108, %select_n3A_2155 : vector<16xi1>, vector<16xi32>
      %gt3A_2162 = arith.cmpf ogt, %select_n3A_2160, %select_n3A_2113 : vector<16xf32>
      %or3A_2163 = arith.ori %or3A_2157, %gt3A_2162 : vector<16xi1>
      %select_n3A_2164 = arith.select %or3A_2163, %select_n3A_2160, %select_n3A_2113 : vector<16xi1>, vector<16xf32>
      %select_n3A_2165 = arith.select %or3A_2163, %select_n3A_2161, %select_n3A_2114 : vector<16xi1>, vector<16xi32>
      %add3A_2166 = arith.constant 42 : i32
      %add3A_2167 = vector.broadcast %add3A_2166 : i32 to vector<16xi32>
      %add3A_2168 = arith.addi %add3A_27, %add3A_2167 : vector<16xi32>
      %gather3A_2169 = tpu.vector_load_idx %arg6[%add3A_2168] : memref<32768xf32, #tpu.memory_space<vmem>>[vector<16xi32>], vector<16xf32>,
      %broadcast_in_dim3A_2170 = arith.constant 42 : i32
      %broadcast_in_dim3A_2171 = vector.broadcast %broadcast_in_dim3A_2170 : i32 to vector<16xi32>
      %gt3A_2172 = arith.cmpf ogt, %gather3A_2169, %select_n3A_2122 : vector<16xf32>
      %select_n3A_2173 = arith.select %gt3A_2172, %gather3A_2169, %select_n3A_2122 : vector<16xi1>, vector<16xf32>
      %select_n3A_2174 = arith.select %gt3A_2172, %broadcast_in_dim3A_2171, %select_n3A_2123 : vector<16xi1>, vector<16xi32>
      %select_n3A_2175 = arith.select %gt3A_2172, %select_n3A_2122, %gather3A_2169 : vector<16xi1>, vector<16xf32>
      %select_n3A_2176 = arith.select %gt3A_2172, %select_n3A_2123, %broadcast_in_dim3A_2171 : vector<16xi1>, vector<16xi32>
      %gt3A_2177 = arith.cmpf ogt, %select_n3A_2175, %select_n3A_2128 : vector<16xf32>
      %or3A_2178 = arith.ori %gt3A_2172, %gt3A_2177 : vector<16xi1>
      %select_n3A_2179 = arith.select %or3A_2178, %select_n3A_2175, %select_n3A_2128 : vector<16xi1>, vector<16xf32>
      %select_n3A_2180 = arith.select %or3A_2178, %select_n3A_2176, %select_n3A_2129 : vector<16xi1>, vector<16xi32>
      %select_n3A_2181 = arith.select %or3A_2178, %select_n3A_2128, %select_n3A_2175 : vector<16xi1>, vector<16xf32>
      %select_n3A_2182 = arith.select %or3A_2178, %select_n3A_2129, %select_n3A_2176 : vector<16xi1>, vector<16xi32>
      %gt3A_2183 = arith.cmpf ogt, %select_n3A_2181, %select_n3A_2134 : vector<16xf32>
      %or3A_2184 = arith.ori %or3A_2178, %gt3A_2183 : vector<16xi1>
      %select_n3A_2185 = arith.select %or3A_2184, %select_n3A_2181, %select_n3A_2134 : vector<16xi1>, vector<16xf32>
      %select_n3A_2186 = arith.select %or3A_2184, %select_n3A_2182, %select_n3A_2135 : vector<16xi1>, vector<16xi32>
      %select_n3A_2187 = arith.select %or3A_2184, %select_n3A_2134, %select_n3A_2181 : vector<16xi1>, vector<16xf32>
      %select_n3A_2188 = arith.select %or3A_2184, %select_n3A_2135, %select_n3A_2182 : vector<16xi1>, vector<16xi32>
      %gt3A_2189 = arith.cmpf ogt, %select_n3A_2187, %select_n3A_2140 : vector<16xf32>
      %or3A_2190 = arith.ori %or3A_2184, %gt3A_2189 : vector<16xi1>
      %select_n3A_2191 = arith.select %or3A_2190, %select_n3A_2187, %select_n3A_2140 : vector<16xi1>, vector<16xf32>
      %select_n3A_2192 = arith.select %or3A_2190, %select_n3A_2188, %select_n3A_2141 : vector<16xi1>, vector<16xi32>
      %select_n3A_2193 = arith.select %or3A_2190, %select_n3A_2140, %select_n3A_2187 : vector<16xi1>, vector<16xf32>
      %select_n3A_2194 = arith.select %or3A_2190, %select_n3A_2141, %select_n3A_2188 : vector<16xi1>, vector<16xi32>
      %gt3A_2195 = arith.cmpf ogt, %select_n3A_2193, %select_n3A_2146 : vector<16xf32>
      %or3A_2196 = arith.ori %or3A_2190, %gt3A_2195 : vector<16xi1>
      %select_n3A_2197 = arith.select %or3A_2196, %select_n3A_2193, %select_n3A_2146 : vector<16xi1>, vector<16xf32>
      %select_n3A_2198 = arith.select %or3A_2196, %select_n3A_2194, %select_n3A_2147 : vector<16xi1>, vector<16xi32>
      %select_n3A_2199 = arith.select %or3A_2196, %select_n3A_2146, %select_n3A_2193 : vector<16xi1>, vector<16xf32>
      %select_n3A_2200 = arith.select %or3A_2196, %select_n3A_2147, %select_n3A_2194 : vector<16xi1>, vector<16xi32>
      %gt3A_2201 = arith.cmpf ogt, %select_n3A_2199, %select_n3A_2152 : vector<16xf32>
      %or3A_2202 = arith.ori %or3A_2196, %gt3A_2201 : vector<16xi1>
      %select_n3A_2203 = arith.select %or3A_2202, %select_n3A_2199, %select_n3A_2152 : vector<16xi1>, vector<16xf32>
      %select_n3A_2204 = arith.select %or3A_2202, %select_n3A_2200, %select_n3A_2153 : vector<16xi1>, vector<16xi32>
      %select_n3A_2205 = arith.select %or3A_2202, %select_n3A_2152, %select_n3A_2199 : vector<16xi1>, vector<16xf32>
      %select_n3A_2206 = arith.select %or3A_2202, %select_n3A_2153, %select_n3A_2200 : vector<16xi1>, vector<16xi32>
      %gt3A_2207 = arith.cmpf ogt, %select_n3A_2205, %select_n3A_2158 : vector<16xf32>
      %or3A_2208 = arith.ori %or3A_2202, %gt3A_2207 : vector<16xi1>
      %select_n3A_2209 = arith.select %or3A_2208, %select_n3A_2205, %select_n3A_2158 : vector<16xi1>, vector<16xf32>
      %select_n3A_2210 = arith.select %or3A_2208, %select_n3A_2206, %select_n3A_2159 : vector<16xi1>, vector<16xi32>
      %select_n3A_2211 = arith.select %or3A_2208, %select_n3A_2158, %select_n3A_2205 : vector<16xi1>, vector<16xf32>
      %select_n3A_2212 = arith.select %or3A_2208, %select_n3A_2159, %select_n3A_2206 : vector<16xi1>, vector<16xi32>
      %gt3A_2213 = arith.cmpf ogt, %select_n3A_2211, %select_n3A_2164 : vector<16xf32>
      %or3A_2214 = arith.ori %or3A_2208, %gt3A_2213 : vector<16xi1>
      %select_n3A_2215 = arith.select %or3A_2214, %select_n3A_2211, %select_n3A_2164 : vector<16xi1>, vector<16xf32>
      %select_n3A_2216 = arith.select %or3A_2214, %select_n3A_2212, %select_n3A_2165 : vector<16xi1>, vector<16xi32>
      %add3A_2217 = arith.constant 43 : i32
      %add3A_2218 = vector.broadcast %add3A_2217 : i32 to vector<16xi32>
      %add3A_2219 = arith.addi %add3A_27, %add3A_2218 : vector<16xi32>
      %gather3A_2220 = tpu.vector_load_idx %arg6[%add3A_2219] : memref<32768xf32, #tpu.memory_space<vmem>>[vector<16xi32>], vector<16xf32>,
      %broadcast_in_dim3A_2221 = arith.constant 43 : i32
      %broadcast_in_dim3A_2222 = vector.broadcast %broadcast_in_dim3A_2221 : i32 to vector<16xi32>
      %gt3A_2223 = arith.cmpf ogt, %gather3A_2220, %select_n3A_2173 : vector<16xf32>
      %select_n3A_2224 = arith.select %gt3A_2223, %gather3A_2220, %select_n3A_2173 : vector<16xi1>, vector<16xf32>
      %select_n3A_2225 = arith.select %gt3A_2223, %broadcast_in_dim3A_2222, %select_n3A_2174 : vector<16xi1>, vector<16xi32>
      %select_n3A_2226 = arith.select %gt3A_2223, %select_n3A_2173, %gather3A_2220 : vector<16xi1>, vector<16xf32>
      %select_n3A_2227 = arith.select %gt3A_2223, %select_n3A_2174, %broadcast_in_dim3A_2222 : vector<16xi1>, vector<16xi32>
      %gt3A_2228 = arith.cmpf ogt, %select_n3A_2226, %select_n3A_2179 : vector<16xf32>
      %or3A_2229 = arith.ori %gt3A_2223, %gt3A_2228 : vector<16xi1>
      %select_n3A_2230 = arith.select %or3A_2229, %select_n3A_2226, %select_n3A_2179 : vector<16xi1>, vector<16xf32>
      %select_n3A_2231 = arith.select %or3A_2229, %select_n3A_2227, %select_n3A_2180 : vector<16xi1>, vector<16xi32>
      %select_n3A_2232 = arith.select %or3A_2229, %select_n3A_2179, %select_n3A_2226 : vector<16xi1>, vector<16xf32>
      %select_n3A_2233 = arith.select %or3A_2229, %select_n3A_2180, %select_n3A_2227 : vector<16xi1>, vector<16xi32>
      %gt3A_2234 = arith.cmpf ogt, %select_n3A_2232, %select_n3A_2185 : vector<16xf32>
      %or3A_2235 = arith.ori %or3A_2229, %gt3A_2234 : vector<16xi1>
      %select_n3A_2236 = arith.select %or3A_2235, %select_n3A_2232, %select_n3A_2185 : vector<16xi1>, vector<16xf32>
      %select_n3A_2237 = arith.select %or3A_2235, %select_n3A_2233, %select_n3A_2186 : vector<16xi1>, vector<16xi32>
      %select_n3A_2238 = arith.select %or3A_2235, %select_n3A_2185, %select_n3A_2232 : vector<16xi1>, vector<16xf32>
      %select_n3A_2239 = arith.select %or3A_2235, %select_n3A_2186, %select_n3A_2233 : vector<16xi1>, vector<16xi32>
      %gt3A_2240 = arith.cmpf ogt, %select_n3A_2238, %select_n3A_2191 : vector<16xf32>
      %or3A_2241 = arith.ori %or3A_2235, %gt3A_2240 : vector<16xi1>
      %select_n3A_2242 = arith.select %or3A_2241, %select_n3A_2238, %select_n3A_2191 : vector<16xi1>, vector<16xf32>
      %select_n3A_2243 = arith.select %or3A_2241, %select_n3A_2239, %select_n3A_2192 : vector<16xi1>, vector<16xi32>
      %select_n3A_2244 = arith.select %or3A_2241, %select_n3A_2191, %select_n3A_2238 : vector<16xi1>, vector<16xf32>
      %select_n3A_2245 = arith.select %or3A_2241, %select_n3A_2192, %select_n3A_2239 : vector<16xi1>, vector<16xi32>
      %gt3A_2246 = arith.cmpf ogt, %select_n3A_2244, %select_n3A_2197 : vector<16xf32>
      %or3A_2247 = arith.ori %or3A_2241, %gt3A_2246 : vector<16xi1>
      %select_n3A_2248 = arith.select %or3A_2247, %select_n3A_2244, %select_n3A_2197 : vector<16xi1>, vector<16xf32>
      %select_n3A_2249 = arith.select %or3A_2247, %select_n3A_2245, %select_n3A_2198 : vector<16xi1>, vector<16xi32>
      %select_n3A_2250 = arith.select %or3A_2247, %select_n3A_2197, %select_n3A_2244 : vector<16xi1>, vector<16xf32>
      %select_n3A_2251 = arith.select %or3A_2247, %select_n3A_2198, %select_n3A_2245 : vector<16xi1>, vector<16xi32>
      %gt3A_2252 = arith.cmpf ogt, %select_n3A_2250, %select_n3A_2203 : vector<16xf32>
      %or3A_2253 = arith.ori %or3A_2247, %gt3A_2252 : vector<16xi1>
      %select_n3A_2254 = arith.select %or3A_2253, %select_n3A_2250, %select_n3A_2203 : vector<16xi1>, vector<16xf32>
      %select_n3A_2255 = arith.select %or3A_2253, %select_n3A_2251, %select_n3A_2204 : vector<16xi1>, vector<16xi32>
      %select_n3A_2256 = arith.select %or3A_2253, %select_n3A_2203, %select_n3A_2250 : vector<16xi1>, vector<16xf32>
      %select_n3A_2257 = arith.select %or3A_2253, %select_n3A_2204, %select_n3A_2251 : vector<16xi1>, vector<16xi32>
      %gt3A_2258 = arith.cmpf ogt, %select_n3A_2256, %select_n3A_2209 : vector<16xf32>
      %or3A_2259 = arith.ori %or3A_2253, %gt3A_2258 : vector<16xi1>
      %select_n3A_2260 = arith.select %or3A_2259, %select_n3A_2256, %select_n3A_2209 : vector<16xi1>, vector<16xf32>
      %select_n3A_2261 = arith.select %or3A_2259, %select_n3A_2257, %select_n3A_2210 : vector<16xi1>, vector<16xi32>
      %select_n3A_2262 = arith.select %or3A_2259, %select_n3A_2209, %select_n3A_2256 : vector<16xi1>, vector<16xf32>
      %select_n3A_2263 = arith.select %or3A_2259, %select_n3A_2210, %select_n3A_2257 : vector<16xi1>, vector<16xi32>
      %gt3A_2264 = arith.cmpf ogt, %select_n3A_2262, %select_n3A_2215 : vector<16xf32>
      %or3A_2265 = arith.ori %or3A_2259, %gt3A_2264 : vector<16xi1>
      %select_n3A_2266 = arith.select %or3A_2265, %select_n3A_2262, %select_n3A_2215 : vector<16xi1>, vector<16xf32>
      %select_n3A_2267 = arith.select %or3A_2265, %select_n3A_2263, %select_n3A_2216 : vector<16xi1>, vector<16xi32>
      %add3A_2268 = arith.constant 44 : i32
      %add3A_2269 = vector.broadcast %add3A_2268 : i32 to vector<16xi32>
      %add3A_2270 = arith.addi %add3A_27, %add3A_2269 : vector<16xi32>
      %gather3A_2271 = tpu.vector_load_idx %arg6[%add3A_2270] : memref<32768xf32, #tpu.memory_space<vmem>>[vector<16xi32>], vector<16xf32>,
      %broadcast_in_dim3A_2272 = arith.constant 44 : i32
      %broadcast_in_dim3A_2273 = vector.broadcast %broadcast_in_dim3A_2272 : i32 to vector<16xi32>
      %gt3A_2274 = arith.cmpf ogt, %gather3A_2271, %select_n3A_2224 : vector<16xf32>
      %select_n3A_2275 = arith.select %gt3A_2274, %gather3A_2271, %select_n3A_2224 : vector<16xi1>, vector<16xf32>
      %select_n3A_2276 = arith.select %gt3A_2274, %broadcast_in_dim3A_2273, %select_n3A_2225 : vector<16xi1>, vector<16xi32>
      %select_n3A_2277 = arith.select %gt3A_2274, %select_n3A_2224, %gather3A_2271 : vector<16xi1>, vector<16xf32>
      %select_n3A_2278 = arith.select %gt3A_2274, %select_n3A_2225, %broadcast_in_dim3A_2273 : vector<16xi1>, vector<16xi32>
      %gt3A_2279 = arith.cmpf ogt, %select_n3A_2277, %select_n3A_2230 : vector<16xf32>
      %or3A_2280 = arith.ori %gt3A_2274, %gt3A_2279 : vector<16xi1>
      %select_n3A_2281 = arith.select %or3A_2280, %select_n3A_2277, %select_n3A_2230 : vector<16xi1>, vector<16xf32>
      %select_n3A_2282 = arith.select %or3A_2280, %select_n3A_2278, %select_n3A_2231 : vector<16xi1>, vector<16xi32>
      %select_n3A_2283 = arith.select %or3A_2280, %select_n3A_2230, %select_n3A_2277 : vector<16xi1>, vector<16xf32>
      %select_n3A_2284 = arith.select %or3A_2280, %select_n3A_2231, %select_n3A_2278 : vector<16xi1>, vector<16xi32>
      %gt3A_2285 = arith.cmpf ogt, %select_n3A_2283, %select_n3A_2236 : vector<16xf32>
      %or3A_2286 = arith.ori %or3A_2280, %gt3A_2285 : vector<16xi1>
      %select_n3A_2287 = arith.select %or3A_2286, %select_n3A_2283, %select_n3A_2236 : vector<16xi1>, vector<16xf32>
      %select_n3A_2288 = arith.select %or3A_2286, %select_n3A_2284, %select_n3A_2237 : vector<16xi1>, vector<16xi32>
      %select_n3A_2289 = arith.select %or3A_2286, %select_n3A_2236, %select_n3A_2283 : vector<16xi1>, vector<16xf32>
      %select_n3A_2290 = arith.select %or3A_2286, %select_n3A_2237, %select_n3A_2284 : vector<16xi1>, vector<16xi32>
      %gt3A_2291 = arith.cmpf ogt, %select_n3A_2289, %select_n3A_2242 : vector<16xf32>
      %or3A_2292 = arith.ori %or3A_2286, %gt3A_2291 : vector<16xi1>
      %select_n3A_2293 = arith.select %or3A_2292, %select_n3A_2289, %select_n3A_2242 : vector<16xi1>, vector<16xf32>
      %select_n3A_2294 = arith.select %or3A_2292, %select_n3A_2290, %select_n3A_2243 : vector<16xi1>, vector<16xi32>
      %select_n3A_2295 = arith.select %or3A_2292, %select_n3A_2242, %select_n3A_2289 : vector<16xi1>, vector<16xf32>
      %select_n3A_2296 = arith.select %or3A_2292, %select_n3A_2243, %select_n3A_2290 : vector<16xi1>, vector<16xi32>
      %gt3A_2297 = arith.cmpf ogt, %select_n3A_2295, %select_n3A_2248 : vector<16xf32>
      %or3A_2298 = arith.ori %or3A_2292, %gt3A_2297 : vector<16xi1>
      %select_n3A_2299 = arith.select %or3A_2298, %select_n3A_2295, %select_n3A_2248 : vector<16xi1>, vector<16xf32>
      %select_n3A_2300 = arith.select %or3A_2298, %select_n3A_2296, %select_n3A_2249 : vector<16xi1>, vector<16xi32>
      %select_n3A_2301 = arith.select %or3A_2298, %select_n3A_2248, %select_n3A_2295 : vector<16xi1>, vector<16xf32>
      %select_n3A_2302 = arith.select %or3A_2298, %select_n3A_2249, %select_n3A_2296 : vector<16xi1>, vector<16xi32>
      %gt3A_2303 = arith.cmpf ogt, %select_n3A_2301, %select_n3A_2254 : vector<16xf32>
      %or3A_2304 = arith.ori %or3A_2298, %gt3A_2303 : vector<16xi1>
      %select_n3A_2305 = arith.select %or3A_2304, %select_n3A_2301, %select_n3A_2254 : vector<16xi1>, vector<16xf32>
      %select_n3A_2306 = arith.select %or3A_2304, %select_n3A_2302, %select_n3A_2255 : vector<16xi1>, vector<16xi32>
      %select_n3A_2307 = arith.select %or3A_2304, %select_n3A_2254, %select_n3A_2301 : vector<16xi1>, vector<16xf32>
      %select_n3A_2308 = arith.select %or3A_2304, %select_n3A_2255, %select_n3A_2302 : vector<16xi1>, vector<16xi32>
      %gt3A_2309 = arith.cmpf ogt, %select_n3A_2307, %select_n3A_2260 : vector<16xf32>
      %or3A_2310 = arith.ori %or3A_2304, %gt3A_2309 : vector<16xi1>
      %select_n3A_2311 = arith.select %or3A_2310, %select_n3A_2307, %select_n3A_2260 : vector<16xi1>, vector<16xf32>
      %select_n3A_2312 = arith.select %or3A_2310, %select_n3A_2308, %select_n3A_2261 : vector<16xi1>, vector<16xi32>
      %select_n3A_2313 = arith.select %or3A_2310, %select_n3A_2260, %select_n3A_2307 : vector<16xi1>, vector<16xf32>
      %select_n3A_2314 = arith.select %or3A_2310, %select_n3A_2261, %select_n3A_2308 : vector<16xi1>, vector<16xi32>
      %gt3A_2315 = arith.cmpf ogt, %select_n3A_2313, %select_n3A_2266 : vector<16xf32>
      %or3A_2316 = arith.ori %or3A_2310, %gt3A_2315 : vector<16xi1>
      %select_n3A_2317 = arith.select %or3A_2316, %select_n3A_2313, %select_n3A_2266 : vector<16xi1>, vector<16xf32>
      %select_n3A_2318 = arith.select %or3A_2316, %select_n3A_2314, %select_n3A_2267 : vector<16xi1>, vector<16xi32>
      %add3A_2319 = arith.constant 45 : i32
      %add3A_2320 = vector.broadcast %add3A_2319 : i32 to vector<16xi32>
      %add3A_2321 = arith.addi %add3A_27, %add3A_2320 : vector<16xi32>
      %gather3A_2322 = tpu.vector_load_idx %arg6[%add3A_2321] : memref<32768xf32, #tpu.memory_space<vmem>>[vector<16xi32>], vector<16xf32>,
      %broadcast_in_dim3A_2323 = arith.constant 45 : i32
      %broadcast_in_dim3A_2324 = vector.broadcast %broadcast_in_dim3A_2323 : i32 to vector<16xi32>
      %gt3A_2325 = arith.cmpf ogt, %gather3A_2322, %select_n3A_2275 : vector<16xf32>
      %select_n3A_2326 = arith.select %gt3A_2325, %gather3A_2322, %select_n3A_2275 : vector<16xi1>, vector<16xf32>
      %select_n3A_2327 = arith.select %gt3A_2325, %broadcast_in_dim3A_2324, %select_n3A_2276 : vector<16xi1>, vector<16xi32>
      %select_n3A_2328 = arith.select %gt3A_2325, %select_n3A_2275, %gather3A_2322 : vector<16xi1>, vector<16xf32>
      %select_n3A_2329 = arith.select %gt3A_2325, %select_n3A_2276, %broadcast_in_dim3A_2324 : vector<16xi1>, vector<16xi32>
      %gt3A_2330 = arith.cmpf ogt, %select_n3A_2328, %select_n3A_2281 : vector<16xf32>
      %or3A_2331 = arith.ori %gt3A_2325, %gt3A_2330 : vector<16xi1>
      %select_n3A_2332 = arith.select %or3A_2331, %select_n3A_2328, %select_n3A_2281 : vector<16xi1>, vector<16xf32>
      %select_n3A_2333 = arith.select %or3A_2331, %select_n3A_2329, %select_n3A_2282 : vector<16xi1>, vector<16xi32>
      %select_n3A_2334 = arith.select %or3A_2331, %select_n3A_2281, %select_n3A_2328 : vector<16xi1>, vector<16xf32>
      %select_n3A_2335 = arith.select %or3A_2331, %select_n3A_2282, %select_n3A_2329 : vector<16xi1>, vector<16xi32>
      %gt3A_2336 = arith.cmpf ogt, %select_n3A_2334, %select_n3A_2287 : vector<16xf32>
      %or3A_2337 = arith.ori %or3A_2331, %gt3A_2336 : vector<16xi1>
      %select_n3A_2338 = arith.select %or3A_2337, %select_n3A_2334, %select_n3A_2287 : vector<16xi1>, vector<16xf32>
      %select_n3A_2339 = arith.select %or3A_2337, %select_n3A_2335, %select_n3A_2288 : vector<16xi1>, vector<16xi32>
      %select_n3A_2340 = arith.select %or3A_2337, %select_n3A_2287, %select_n3A_2334 : vector<16xi1>, vector<16xf32>
      %select_n3A_2341 = arith.select %or3A_2337, %select_n3A_2288, %select_n3A_2335 : vector<16xi1>, vector<16xi32>
      %gt3A_2342 = arith.cmpf ogt, %select_n3A_2340, %select_n3A_2293 : vector<16xf32>
      %or3A_2343 = arith.ori %or3A_2337, %gt3A_2342 : vector<16xi1>
      %select_n3A_2344 = arith.select %or3A_2343, %select_n3A_2340, %select_n3A_2293 : vector<16xi1>, vector<16xf32>
      %select_n3A_2345 = arith.select %or3A_2343, %select_n3A_2341, %select_n3A_2294 : vector<16xi1>, vector<16xi32>
      %select_n3A_2346 = arith.select %or3A_2343, %select_n3A_2293, %select_n3A_2340 : vector<16xi1>, vector<16xf32>
      %select_n3A_2347 = arith.select %or3A_2343, %select_n3A_2294, %select_n3A_2341 : vector<16xi1>, vector<16xi32>
      %gt3A_2348 = arith.cmpf ogt, %select_n3A_2346, %select_n3A_2299 : vector<16xf32>
      %or3A_2349 = arith.ori %or3A_2343, %gt3A_2348 : vector<16xi1>
      %select_n3A_2350 = arith.select %or3A_2349, %select_n3A_2346, %select_n3A_2299 : vector<16xi1>, vector<16xf32>
      %select_n3A_2351 = arith.select %or3A_2349, %select_n3A_2347, %select_n3A_2300 : vector<16xi1>, vector<16xi32>
      %select_n3A_2352 = arith.select %or3A_2349, %select_n3A_2299, %select_n3A_2346 : vector<16xi1>, vector<16xf32>
      %select_n3A_2353 = arith.select %or3A_2349, %select_n3A_2300, %select_n3A_2347 : vector<16xi1>, vector<16xi32>
      %gt3A_2354 = arith.cmpf ogt, %select_n3A_2352, %select_n3A_2305 : vector<16xf32>
      %or3A_2355 = arith.ori %or3A_2349, %gt3A_2354 : vector<16xi1>
      %select_n3A_2356 = arith.select %or3A_2355, %select_n3A_2352, %select_n3A_2305 : vector<16xi1>, vector<16xf32>
      %select_n3A_2357 = arith.select %or3A_2355, %select_n3A_2353, %select_n3A_2306 : vector<16xi1>, vector<16xi32>
      %select_n3A_2358 = arith.select %or3A_2355, %select_n3A_2305, %select_n3A_2352 : vector<16xi1>, vector<16xf32>
      %select_n3A_2359 = arith.select %or3A_2355, %select_n3A_2306, %select_n3A_2353 : vector<16xi1>, vector<16xi32>
      %gt3A_2360 = arith.cmpf ogt, %select_n3A_2358, %select_n3A_2311 : vector<16xf32>
      %or3A_2361 = arith.ori %or3A_2355, %gt3A_2360 : vector<16xi1>
      %select_n3A_2362 = arith.select %or3A_2361, %select_n3A_2358, %select_n3A_2311 : vector<16xi1>, vector<16xf32>
      %select_n3A_2363 = arith.select %or3A_2361, %select_n3A_2359, %select_n3A_2312 : vector<16xi1>, vector<16xi32>
      %select_n3A_2364 = arith.select %or3A_2361, %select_n3A_2311, %select_n3A_2358 : vector<16xi1>, vector<16xf32>
      %select_n3A_2365 = arith.select %or3A_2361, %select_n3A_2312, %select_n3A_2359 : vector<16xi1>, vector<16xi32>
      %gt3A_2366 = arith.cmpf ogt, %select_n3A_2364, %select_n3A_2317 : vector<16xf32>
      %or3A_2367 = arith.ori %or3A_2361, %gt3A_2366 : vector<16xi1>
      %select_n3A_2368 = arith.select %or3A_2367, %select_n3A_2364, %select_n3A_2317 : vector<16xi1>, vector<16xf32>
      %select_n3A_2369 = arith.select %or3A_2367, %select_n3A_2365, %select_n3A_2318 : vector<16xi1>, vector<16xi32>
      %add3A_2370 = arith.constant 46 : i32
      %add3A_2371 = vector.broadcast %add3A_2370 : i32 to vector<16xi32>
      %add3A_2372 = arith.addi %add3A_27, %add3A_2371 : vector<16xi32>
      %gather3A_2373 = tpu.vector_load_idx %arg6[%add3A_2372] : memref<32768xf32, #tpu.memory_space<vmem>>[vector<16xi32>], vector<16xf32>,
      %broadcast_in_dim3A_2374 = arith.constant 46 : i32
      %broadcast_in_dim3A_2375 = vector.broadcast %broadcast_in_dim3A_2374 : i32 to vector<16xi32>
      %gt3A_2376 = arith.cmpf ogt, %gather3A_2373, %select_n3A_2326 : vector<16xf32>
      %select_n3A_2377 = arith.select %gt3A_2376, %gather3A_2373, %select_n3A_2326 : vector<16xi1>, vector<16xf32>
      %select_n3A_2378 = arith.select %gt3A_2376, %broadcast_in_dim3A_2375, %select_n3A_2327 : vector<16xi1>, vector<16xi32>
      %select_n3A_2379 = arith.select %gt3A_2376, %select_n3A_2326, %gather3A_2373 : vector<16xi1>, vector<16xf32>
      %select_n3A_2380 = arith.select %gt3A_2376, %select_n3A_2327, %broadcast_in_dim3A_2375 : vector<16xi1>, vector<16xi32>
      %gt3A_2381 = arith.cmpf ogt, %select_n3A_2379, %select_n3A_2332 : vector<16xf32>
      %or3A_2382 = arith.ori %gt3A_2376, %gt3A_2381 : vector<16xi1>
      %select_n3A_2383 = arith.select %or3A_2382, %select_n3A_2379, %select_n3A_2332 : vector<16xi1>, vector<16xf32>
      %select_n3A_2384 = arith.select %or3A_2382, %select_n3A_2380, %select_n3A_2333 : vector<16xi1>, vector<16xi32>
      %select_n3A_2385 = arith.select %or3A_2382, %select_n3A_2332, %select_n3A_2379 : vector<16xi1>, vector<16xf32>
      %select_n3A_2386 = arith.select %or3A_2382, %select_n3A_2333, %select_n3A_2380 : vector<16xi1>, vector<16xi32>
      %gt3A_2387 = arith.cmpf ogt, %select_n3A_2385, %select_n3A_2338 : vector<16xf32>
      %or3A_2388 = arith.ori %or3A_2382, %gt3A_2387 : vector<16xi1>
      %select_n3A_2389 = arith.select %or3A_2388, %select_n3A_2385, %select_n3A_2338 : vector<16xi1>, vector<16xf32>
      %select_n3A_2390 = arith.select %or3A_2388, %select_n3A_2386, %select_n3A_2339 : vector<16xi1>, vector<16xi32>
      %select_n3A_2391 = arith.select %or3A_2388, %select_n3A_2338, %select_n3A_2385 : vector<16xi1>, vector<16xf32>
      %select_n3A_2392 = arith.select %or3A_2388, %select_n3A_2339, %select_n3A_2386 : vector<16xi1>, vector<16xi32>
      %gt3A_2393 = arith.cmpf ogt, %select_n3A_2391, %select_n3A_2344 : vector<16xf32>
      %or3A_2394 = arith.ori %or3A_2388, %gt3A_2393 : vector<16xi1>
      %select_n3A_2395 = arith.select %or3A_2394, %select_n3A_2391, %select_n3A_2344 : vector<16xi1>, vector<16xf32>
      %select_n3A_2396 = arith.select %or3A_2394, %select_n3A_2392, %select_n3A_2345 : vector<16xi1>, vector<16xi32>
      %select_n3A_2397 = arith.select %or3A_2394, %select_n3A_2344, %select_n3A_2391 : vector<16xi1>, vector<16xf32>
      %select_n3A_2398 = arith.select %or3A_2394, %select_n3A_2345, %select_n3A_2392 : vector<16xi1>, vector<16xi32>
      %gt3A_2399 = arith.cmpf ogt, %select_n3A_2397, %select_n3A_2350 : vector<16xf32>
      %or3A_2400 = arith.ori %or3A_2394, %gt3A_2399 : vector<16xi1>
      %select_n3A_2401 = arith.select %or3A_2400, %select_n3A_2397, %select_n3A_2350 : vector<16xi1>, vector<16xf32>
      %select_n3A_2402 = arith.select %or3A_2400, %select_n3A_2398, %select_n3A_2351 : vector<16xi1>, vector<16xi32>
      %select_n3A_2403 = arith.select %or3A_2400, %select_n3A_2350, %select_n3A_2397 : vector<16xi1>, vector<16xf32>
      %select_n3A_2404 = arith.select %or3A_2400, %select_n3A_2351, %select_n3A_2398 : vector<16xi1>, vector<16xi32>
      %gt3A_2405 = arith.cmpf ogt, %select_n3A_2403, %select_n3A_2356 : vector<16xf32>
      %or3A_2406 = arith.ori %or3A_2400, %gt3A_2405 : vector<16xi1>
      %select_n3A_2407 = arith.select %or3A_2406, %select_n3A_2403, %select_n3A_2356 : vector<16xi1>, vector<16xf32>
      %select_n3A_2408 = arith.select %or3A_2406, %select_n3A_2404, %select_n3A_2357 : vector<16xi1>, vector<16xi32>
      %select_n3A_2409 = arith.select %or3A_2406, %select_n3A_2356, %select_n3A_2403 : vector<16xi1>, vector<16xf32>
      %select_n3A_2410 = arith.select %or3A_2406, %select_n3A_2357, %select_n3A_2404 : vector<16xi1>, vector<16xi32>
      %gt3A_2411 = arith.cmpf ogt, %select_n3A_2409, %select_n3A_2362 : vector<16xf32>
      %or3A_2412 = arith.ori %or3A_2406, %gt3A_2411 : vector<16xi1>
      %select_n3A_2413 = arith.select %or3A_2412, %select_n3A_2409, %select_n3A_2362 : vector<16xi1>, vector<16xf32>
      %select_n3A_2414 = arith.select %or3A_2412, %select_n3A_2410, %select_n3A_2363 : vector<16xi1>, vector<16xi32>
      %select_n3A_2415 = arith.select %or3A_2412, %select_n3A_2362, %select_n3A_2409 : vector<16xi1>, vector<16xf32>
      %select_n3A_2416 = arith.select %or3A_2412, %select_n3A_2363, %select_n3A_2410 : vector<16xi1>, vector<16xi32>
      %gt3A_2417 = arith.cmpf ogt, %select_n3A_2415, %select_n3A_2368 : vector<16xf32>
      %or3A_2418 = arith.ori %or3A_2412, %gt3A_2417 : vector<16xi1>
      %select_n3A_2419 = arith.select %or3A_2418, %select_n3A_2415, %select_n3A_2368 : vector<16xi1>, vector<16xf32>
      %select_n3A_2420 = arith.select %or3A_2418, %select_n3A_2416, %select_n3A_2369 : vector<16xi1>, vector<16xi32>
      %add3A_2421 = arith.constant 47 : i32
      %add3A_2422 = vector.broadcast %add3A_2421 : i32 to vector<16xi32>
      %add3A_2423 = arith.addi %add3A_27, %add3A_2422 : vector<16xi32>
      %gather3A_2424 = tpu.vector_load_idx %arg6[%add3A_2423] : memref<32768xf32, #tpu.memory_space<vmem>>[vector<16xi32>], vector<16xf32>,
      %broadcast_in_dim3A_2425 = arith.constant 47 : i32
      %broadcast_in_dim3A_2426 = vector.broadcast %broadcast_in_dim3A_2425 : i32 to vector<16xi32>
      %gt3A_2427 = arith.cmpf ogt, %gather3A_2424, %select_n3A_2377 : vector<16xf32>
      %select_n3A_2428 = arith.select %gt3A_2427, %gather3A_2424, %select_n3A_2377 : vector<16xi1>, vector<16xf32>
      %select_n3A_2429 = arith.select %gt3A_2427, %broadcast_in_dim3A_2426, %select_n3A_2378 : vector<16xi1>, vector<16xi32>
      %select_n3A_2430 = arith.select %gt3A_2427, %select_n3A_2377, %gather3A_2424 : vector<16xi1>, vector<16xf32>
      %select_n3A_2431 = arith.select %gt3A_2427, %select_n3A_2378, %broadcast_in_dim3A_2426 : vector<16xi1>, vector<16xi32>
      %gt3A_2432 = arith.cmpf ogt, %select_n3A_2430, %select_n3A_2383 : vector<16xf32>
      %or3A_2433 = arith.ori %gt3A_2427, %gt3A_2432 : vector<16xi1>
      %select_n3A_2434 = arith.select %or3A_2433, %select_n3A_2430, %select_n3A_2383 : vector<16xi1>, vector<16xf32>
      %select_n3A_2435 = arith.select %or3A_2433, %select_n3A_2431, %select_n3A_2384 : vector<16xi1>, vector<16xi32>
      %select_n3A_2436 = arith.select %or3A_2433, %select_n3A_2383, %select_n3A_2430 : vector<16xi1>, vector<16xf32>
      %select_n3A_2437 = arith.select %or3A_2433, %select_n3A_2384, %select_n3A_2431 : vector<16xi1>, vector<16xi32>
      %gt3A_2438 = arith.cmpf ogt, %select_n3A_2436, %select_n3A_2389 : vector<16xf32>
      %or3A_2439 = arith.ori %or3A_2433, %gt3A_2438 : vector<16xi1>
      %select_n3A_2440 = arith.select %or3A_2439, %select_n3A_2436, %select_n3A_2389 : vector<16xi1>, vector<16xf32>
      %select_n3A_2441 = arith.select %or3A_2439, %select_n3A_2437, %select_n3A_2390 : vector<16xi1>, vector<16xi32>
      %select_n3A_2442 = arith.select %or3A_2439, %select_n3A_2389, %select_n3A_2436 : vector<16xi1>, vector<16xf32>
      %select_n3A_2443 = arith.select %or3A_2439, %select_n3A_2390, %select_n3A_2437 : vector<16xi1>, vector<16xi32>
      %gt3A_2444 = arith.cmpf ogt, %select_n3A_2442, %select_n3A_2395 : vector<16xf32>
      %or3A_2445 = arith.ori %or3A_2439, %gt3A_2444 : vector<16xi1>
      %select_n3A_2446 = arith.select %or3A_2445, %select_n3A_2442, %select_n3A_2395 : vector<16xi1>, vector<16xf32>
      %select_n3A_2447 = arith.select %or3A_2445, %select_n3A_2443, %select_n3A_2396 : vector<16xi1>, vector<16xi32>
      %select_n3A_2448 = arith.select %or3A_2445, %select_n3A_2395, %select_n3A_2442 : vector<16xi1>, vector<16xf32>
      %select_n3A_2449 = arith.select %or3A_2445, %select_n3A_2396, %select_n3A_2443 : vector<16xi1>, vector<16xi32>
      %gt3A_2450 = arith.cmpf ogt, %select_n3A_2448, %select_n3A_2401 : vector<16xf32>
      %or3A_2451 = arith.ori %or3A_2445, %gt3A_2450 : vector<16xi1>
      %select_n3A_2452 = arith.select %or3A_2451, %select_n3A_2448, %select_n3A_2401 : vector<16xi1>, vector<16xf32>
      %select_n3A_2453 = arith.select %or3A_2451, %select_n3A_2449, %select_n3A_2402 : vector<16xi1>, vector<16xi32>
      %select_n3A_2454 = arith.select %or3A_2451, %select_n3A_2401, %select_n3A_2448 : vector<16xi1>, vector<16xf32>
      %select_n3A_2455 = arith.select %or3A_2451, %select_n3A_2402, %select_n3A_2449 : vector<16xi1>, vector<16xi32>
      %gt3A_2456 = arith.cmpf ogt, %select_n3A_2454, %select_n3A_2407 : vector<16xf32>
      %or3A_2457 = arith.ori %or3A_2451, %gt3A_2456 : vector<16xi1>
      %select_n3A_2458 = arith.select %or3A_2457, %select_n3A_2454, %select_n3A_2407 : vector<16xi1>, vector<16xf32>
      %select_n3A_2459 = arith.select %or3A_2457, %select_n3A_2455, %select_n3A_2408 : vector<16xi1>, vector<16xi32>
      %select_n3A_2460 = arith.select %or3A_2457, %select_n3A_2407, %select_n3A_2454 : vector<16xi1>, vector<16xf32>
      %select_n3A_2461 = arith.select %or3A_2457, %select_n3A_2408, %select_n3A_2455 : vector<16xi1>, vector<16xi32>
      %gt3A_2462 = arith.cmpf ogt, %select_n3A_2460, %select_n3A_2413 : vector<16xf32>
      %or3A_2463 = arith.ori %or3A_2457, %gt3A_2462 : vector<16xi1>
      %select_n3A_2464 = arith.select %or3A_2463, %select_n3A_2460, %select_n3A_2413 : vector<16xi1>, vector<16xf32>
      %select_n3A_2465 = arith.select %or3A_2463, %select_n3A_2461, %select_n3A_2414 : vector<16xi1>, vector<16xi32>
      %select_n3A_2466 = arith.select %or3A_2463, %select_n3A_2413, %select_n3A_2460 : vector<16xi1>, vector<16xf32>
      %select_n3A_2467 = arith.select %or3A_2463, %select_n3A_2414, %select_n3A_2461 : vector<16xi1>, vector<16xi32>
      %gt3A_2468 = arith.cmpf ogt, %select_n3A_2466, %select_n3A_2419 : vector<16xf32>
      %or3A_2469 = arith.ori %or3A_2463, %gt3A_2468 : vector<16xi1>
      %select_n3A_2470 = arith.select %or3A_2469, %select_n3A_2466, %select_n3A_2419 : vector<16xi1>, vector<16xf32>
      %select_n3A_2471 = arith.select %or3A_2469, %select_n3A_2467, %select_n3A_2420 : vector<16xi1>, vector<16xi32>
      %add3A_2472 = arith.constant 48 : i32
      %add3A_2473 = vector.broadcast %add3A_2472 : i32 to vector<16xi32>
      %add3A_2474 = arith.addi %add3A_27, %add3A_2473 : vector<16xi32>
      %gather3A_2475 = tpu.vector_load_idx %arg6[%add3A_2474] : memref<32768xf32, #tpu.memory_space<vmem>>[vector<16xi32>], vector<16xf32>,
      %broadcast_in_dim3A_2476 = arith.constant 48 : i32
      %broadcast_in_dim3A_2477 = vector.broadcast %broadcast_in_dim3A_2476 : i32 to vector<16xi32>
      %gt3A_2478 = arith.cmpf ogt, %gather3A_2475, %select_n3A_2428 : vector<16xf32>
      %select_n3A_2479 = arith.select %gt3A_2478, %gather3A_2475, %select_n3A_2428 : vector<16xi1>, vector<16xf32>
      %select_n3A_2480 = arith.select %gt3A_2478, %broadcast_in_dim3A_2477, %select_n3A_2429 : vector<16xi1>, vector<16xi32>
      %select_n3A_2481 = arith.select %gt3A_2478, %select_n3A_2428, %gather3A_2475 : vector<16xi1>, vector<16xf32>
      %select_n3A_2482 = arith.select %gt3A_2478, %select_n3A_2429, %broadcast_in_dim3A_2477 : vector<16xi1>, vector<16xi32>
      %gt3A_2483 = arith.cmpf ogt, %select_n3A_2481, %select_n3A_2434 : vector<16xf32>
      %or3A_2484 = arith.ori %gt3A_2478, %gt3A_2483 : vector<16xi1>
      %select_n3A_2485 = arith.select %or3A_2484, %select_n3A_2481, %select_n3A_2434 : vector<16xi1>, vector<16xf32>
      %select_n3A_2486 = arith.select %or3A_2484, %select_n3A_2482, %select_n3A_2435 : vector<16xi1>, vector<16xi32>
      %select_n3A_2487 = arith.select %or3A_2484, %select_n3A_2434, %select_n3A_2481 : vector<16xi1>, vector<16xf32>
      %select_n3A_2488 = arith.select %or3A_2484, %select_n3A_2435, %select_n3A_2482 : vector<16xi1>, vector<16xi32>
      %gt3A_2489 = arith.cmpf ogt, %select_n3A_2487, %select_n3A_2440 : vector<16xf32>
      %or3A_2490 = arith.ori %or3A_2484, %gt3A_2489 : vector<16xi1>
      %select_n3A_2491 = arith.select %or3A_2490, %select_n3A_2487, %select_n3A_2440 : vector<16xi1>, vector<16xf32>
      %select_n3A_2492 = arith.select %or3A_2490, %select_n3A_2488, %select_n3A_2441 : vector<16xi1>, vector<16xi32>
      %select_n3A_2493 = arith.select %or3A_2490, %select_n3A_2440, %select_n3A_2487 : vector<16xi1>, vector<16xf32>
      %select_n3A_2494 = arith.select %or3A_2490, %select_n3A_2441, %select_n3A_2488 : vector<16xi1>, vector<16xi32>
      %gt3A_2495 = arith.cmpf ogt, %select_n3A_2493, %select_n3A_2446 : vector<16xf32>
      %or3A_2496 = arith.ori %or3A_2490, %gt3A_2495 : vector<16xi1>
      %select_n3A_2497 = arith.select %or3A_2496, %select_n3A_2493, %select_n3A_2446 : vector<16xi1>, vector<16xf32>
      %select_n3A_2498 = arith.select %or3A_2496, %select_n3A_2494, %select_n3A_2447 : vector<16xi1>, vector<16xi32>
      %select_n3A_2499 = arith.select %or3A_2496, %select_n3A_2446, %select_n3A_2493 : vector<16xi1>, vector<16xf32>
      %select_n3A_2500 = arith.select %or3A_2496, %select_n3A_2447, %select_n3A_2494 : vector<16xi1>, vector<16xi32>
      %gt3A_2501 = arith.cmpf ogt, %select_n3A_2499, %select_n3A_2452 : vector<16xf32>
      %or3A_2502 = arith.ori %or3A_2496, %gt3A_2501 : vector<16xi1>
      %select_n3A_2503 = arith.select %or3A_2502, %select_n3A_2499, %select_n3A_2452 : vector<16xi1>, vector<16xf32>
      %select_n3A_2504 = arith.select %or3A_2502, %select_n3A_2500, %select_n3A_2453 : vector<16xi1>, vector<16xi32>
      %select_n3A_2505 = arith.select %or3A_2502, %select_n3A_2452, %select_n3A_2499 : vector<16xi1>, vector<16xf32>
      %select_n3A_2506 = arith.select %or3A_2502, %select_n3A_2453, %select_n3A_2500 : vector<16xi1>, vector<16xi32>
      %gt3A_2507 = arith.cmpf ogt, %select_n3A_2505, %select_n3A_2458 : vector<16xf32>
      %or3A_2508 = arith.ori %or3A_2502, %gt3A_2507 : vector<16xi1>
      %select_n3A_2509 = arith.select %or3A_2508, %select_n3A_2505, %select_n3A_2458 : vector<16xi1>, vector<16xf32>
      %select_n3A_2510 = arith.select %or3A_2508, %select_n3A_2506, %select_n3A_2459 : vector<16xi1>, vector<16xi32>
      %select_n3A_2511 = arith.select %or3A_2508, %select_n3A_2458, %select_n3A_2505 : vector<16xi1>, vector<16xf32>
      %select_n3A_2512 = arith.select %or3A_2508, %select_n3A_2459, %select_n3A_2506 : vector<16xi1>, vector<16xi32>
      %gt3A_2513 = arith.cmpf ogt, %select_n3A_2511, %select_n3A_2464 : vector<16xf32>
      %or3A_2514 = arith.ori %or3A_2508, %gt3A_2513 : vector<16xi1>
      %select_n3A_2515 = arith.select %or3A_2514, %select_n3A_2511, %select_n3A_2464 : vector<16xi1>, vector<16xf32>
      %select_n3A_2516 = arith.select %or3A_2514, %select_n3A_2512, %select_n3A_2465 : vector<16xi1>, vector<16xi32>
      %select_n3A_2517 = arith.select %or3A_2514, %select_n3A_2464, %select_n3A_2511 : vector<16xi1>, vector<16xf32>
      %select_n3A_2518 = arith.select %or3A_2514, %select_n3A_2465, %select_n3A_2512 : vector<16xi1>, vector<16xi32>
      %gt3A_2519 = arith.cmpf ogt, %select_n3A_2517, %select_n3A_2470 : vector<16xf32>
      %or3A_2520 = arith.ori %or3A_2514, %gt3A_2519 : vector<16xi1>
      %select_n3A_2521 = arith.select %or3A_2520, %select_n3A_2517, %select_n3A_2470 : vector<16xi1>, vector<16xf32>
      %select_n3A_2522 = arith.select %or3A_2520, %select_n3A_2518, %select_n3A_2471 : vector<16xi1>, vector<16xi32>
      %add3A_2523 = arith.constant 49 : i32
      %add3A_2524 = vector.broadcast %add3A_2523 : i32 to vector<16xi32>
      %add3A_2525 = arith.addi %add3A_27, %add3A_2524 : vector<16xi32>
      %gather3A_2526 = tpu.vector_load_idx %arg6[%add3A_2525] : memref<32768xf32, #tpu.memory_space<vmem>>[vector<16xi32>], vector<16xf32>,
      %broadcast_in_dim3A_2527 = arith.constant 49 : i32
      %broadcast_in_dim3A_2528 = vector.broadcast %broadcast_in_dim3A_2527 : i32 to vector<16xi32>
      %gt3A_2529 = arith.cmpf ogt, %gather3A_2526, %select_n3A_2479 : vector<16xf32>
      %select_n3A_2530 = arith.select %gt3A_2529, %gather3A_2526, %select_n3A_2479 : vector<16xi1>, vector<16xf32>
      %select_n3A_2531 = arith.select %gt3A_2529, %broadcast_in_dim3A_2528, %select_n3A_2480 : vector<16xi1>, vector<16xi32>
      %select_n3A_2532 = arith.select %gt3A_2529, %select_n3A_2479, %gather3A_2526 : vector<16xi1>, vector<16xf32>
      %select_n3A_2533 = arith.select %gt3A_2529, %select_n3A_2480, %broadcast_in_dim3A_2528 : vector<16xi1>, vector<16xi32>
      %gt3A_2534 = arith.cmpf ogt, %select_n3A_2532, %select_n3A_2485 : vector<16xf32>
      %or3A_2535 = arith.ori %gt3A_2529, %gt3A_2534 : vector<16xi1>
      %select_n3A_2536 = arith.select %or3A_2535, %select_n3A_2532, %select_n3A_2485 : vector<16xi1>, vector<16xf32>
      %select_n3A_2537 = arith.select %or3A_2535, %select_n3A_2533, %select_n3A_2486 : vector<16xi1>, vector<16xi32>
      %select_n3A_2538 = arith.select %or3A_2535, %select_n3A_2485, %select_n3A_2532 : vector<16xi1>, vector<16xf32>
      %select_n3A_2539 = arith.select %or3A_2535, %select_n3A_2486, %select_n3A_2533 : vector<16xi1>, vector<16xi32>
      %gt3A_2540 = arith.cmpf ogt, %select_n3A_2538, %select_n3A_2491 : vector<16xf32>
      %or3A_2541 = arith.ori %or3A_2535, %gt3A_2540 : vector<16xi1>
      %select_n3A_2542 = arith.select %or3A_2541, %select_n3A_2538, %select_n3A_2491 : vector<16xi1>, vector<16xf32>
      %select_n3A_2543 = arith.select %or3A_2541, %select_n3A_2539, %select_n3A_2492 : vector<16xi1>, vector<16xi32>
      %select_n3A_2544 = arith.select %or3A_2541, %select_n3A_2491, %select_n3A_2538 : vector<16xi1>, vector<16xf32>
      %select_n3A_2545 = arith.select %or3A_2541, %select_n3A_2492, %select_n3A_2539 : vector<16xi1>, vector<16xi32>
      %gt3A_2546 = arith.cmpf ogt, %select_n3A_2544, %select_n3A_2497 : vector<16xf32>
      %or3A_2547 = arith.ori %or3A_2541, %gt3A_2546 : vector<16xi1>
      %select_n3A_2548 = arith.select %or3A_2547, %select_n3A_2544, %select_n3A_2497 : vector<16xi1>, vector<16xf32>
      %select_n3A_2549 = arith.select %or3A_2547, %select_n3A_2545, %select_n3A_2498 : vector<16xi1>, vector<16xi32>
      %select_n3A_2550 = arith.select %or3A_2547, %select_n3A_2497, %select_n3A_2544 : vector<16xi1>, vector<16xf32>
      %select_n3A_2551 = arith.select %or3A_2547, %select_n3A_2498, %select_n3A_2545 : vector<16xi1>, vector<16xi32>
      %gt3A_2552 = arith.cmpf ogt, %select_n3A_2550, %select_n3A_2503 : vector<16xf32>
      %or3A_2553 = arith.ori %or3A_2547, %gt3A_2552 : vector<16xi1>
      %select_n3A_2554 = arith.select %or3A_2553, %select_n3A_2550, %select_n3A_2503 : vector<16xi1>, vector<16xf32>
      %select_n3A_2555 = arith.select %or3A_2553, %select_n3A_2551, %select_n3A_2504 : vector<16xi1>, vector<16xi32>
      %select_n3A_2556 = arith.select %or3A_2553, %select_n3A_2503, %select_n3A_2550 : vector<16xi1>, vector<16xf32>
      %select_n3A_2557 = arith.select %or3A_2553, %select_n3A_2504, %select_n3A_2551 : vector<16xi1>, vector<16xi32>
      %gt3A_2558 = arith.cmpf ogt, %select_n3A_2556, %select_n3A_2509 : vector<16xf32>
      %or3A_2559 = arith.ori %or3A_2553, %gt3A_2558 : vector<16xi1>
      %select_n3A_2560 = arith.select %or3A_2559, %select_n3A_2556, %select_n3A_2509 : vector<16xi1>, vector<16xf32>
      %select_n3A_2561 = arith.select %or3A_2559, %select_n3A_2557, %select_n3A_2510 : vector<16xi1>, vector<16xi32>
      %select_n3A_2562 = arith.select %or3A_2559, %select_n3A_2509, %select_n3A_2556 : vector<16xi1>, vector<16xf32>
      %select_n3A_2563 = arith.select %or3A_2559, %select_n3A_2510, %select_n3A_2557 : vector<16xi1>, vector<16xi32>
      %gt3A_2564 = arith.cmpf ogt, %select_n3A_2562, %select_n3A_2515 : vector<16xf32>
      %or3A_2565 = arith.ori %or3A_2559, %gt3A_2564 : vector<16xi1>
      %select_n3A_2566 = arith.select %or3A_2565, %select_n3A_2562, %select_n3A_2515 : vector<16xi1>, vector<16xf32>
      %select_n3A_2567 = arith.select %or3A_2565, %select_n3A_2563, %select_n3A_2516 : vector<16xi1>, vector<16xi32>
      %select_n3A_2568 = arith.select %or3A_2565, %select_n3A_2515, %select_n3A_2562 : vector<16xi1>, vector<16xf32>
      %select_n3A_2569 = arith.select %or3A_2565, %select_n3A_2516, %select_n3A_2563 : vector<16xi1>, vector<16xi32>
      %gt3A_2570 = arith.cmpf ogt, %select_n3A_2568, %select_n3A_2521 : vector<16xf32>
      %or3A_2571 = arith.ori %or3A_2565, %gt3A_2570 : vector<16xi1>
      %select_n3A_2572 = arith.select %or3A_2571, %select_n3A_2568, %select_n3A_2521 : vector<16xi1>, vector<16xf32>
      %select_n3A_2573 = arith.select %or3A_2571, %select_n3A_2569, %select_n3A_2522 : vector<16xi1>, vector<16xi32>
      %add3A_2574 = arith.constant 50 : i32
      %add3A_2575 = vector.broadcast %add3A_2574 : i32 to vector<16xi32>
      %add3A_2576 = arith.addi %add3A_27, %add3A_2575 : vector<16xi32>
      %gather3A_2577 = tpu.vector_load_idx %arg6[%add3A_2576] : memref<32768xf32, #tpu.memory_space<vmem>>[vector<16xi32>], vector<16xf32>,
      %broadcast_in_dim3A_2578 = arith.constant 50 : i32
      %broadcast_in_dim3A_2579 = vector.broadcast %broadcast_in_dim3A_2578 : i32 to vector<16xi32>
      %gt3A_2580 = arith.cmpf ogt, %gather3A_2577, %select_n3A_2530 : vector<16xf32>
      %select_n3A_2581 = arith.select %gt3A_2580, %gather3A_2577, %select_n3A_2530 : vector<16xi1>, vector<16xf32>
      %select_n3A_2582 = arith.select %gt3A_2580, %broadcast_in_dim3A_2579, %select_n3A_2531 : vector<16xi1>, vector<16xi32>
      %select_n3A_2583 = arith.select %gt3A_2580, %select_n3A_2530, %gather3A_2577 : vector<16xi1>, vector<16xf32>
      %select_n3A_2584 = arith.select %gt3A_2580, %select_n3A_2531, %broadcast_in_dim3A_2579 : vector<16xi1>, vector<16xi32>
      %gt3A_2585 = arith.cmpf ogt, %select_n3A_2583, %select_n3A_2536 : vector<16xf32>
      %or3A_2586 = arith.ori %gt3A_2580, %gt3A_2585 : vector<16xi1>
      %select_n3A_2587 = arith.select %or3A_2586, %select_n3A_2583, %select_n3A_2536 : vector<16xi1>, vector<16xf32>
      %select_n3A_2588 = arith.select %or3A_2586, %select_n3A_2584, %select_n3A_2537 : vector<16xi1>, vector<16xi32>
      %select_n3A_2589 = arith.select %or3A_2586, %select_n3A_2536, %select_n3A_2583 : vector<16xi1>, vector<16xf32>
      %select_n3A_2590 = arith.select %or3A_2586, %select_n3A_2537, %select_n3A_2584 : vector<16xi1>, vector<16xi32>
      %gt3A_2591 = arith.cmpf ogt, %select_n3A_2589, %select_n3A_2542 : vector<16xf32>
      %or3A_2592 = arith.ori %or3A_2586, %gt3A_2591 : vector<16xi1>
      %select_n3A_2593 = arith.select %or3A_2592, %select_n3A_2589, %select_n3A_2542 : vector<16xi1>, vector<16xf32>
      %select_n3A_2594 = arith.select %or3A_2592, %select_n3A_2590, %select_n3A_2543 : vector<16xi1>, vector<16xi32>
      %select_n3A_2595 = arith.select %or3A_2592, %select_n3A_2542, %select_n3A_2589 : vector<16xi1>, vector<16xf32>
      %select_n3A_2596 = arith.select %or3A_2592, %select_n3A_2543, %select_n3A_2590 : vector<16xi1>, vector<16xi32>
      %gt3A_2597 = arith.cmpf ogt, %select_n3A_2595, %select_n3A_2548 : vector<16xf32>
      %or3A_2598 = arith.ori %or3A_2592, %gt3A_2597 : vector<16xi1>
      %select_n3A_2599 = arith.select %or3A_2598, %select_n3A_2595, %select_n3A_2548 : vector<16xi1>, vector<16xf32>
      %select_n3A_2600 = arith.select %or3A_2598, %select_n3A_2596, %select_n3A_2549 : vector<16xi1>, vector<16xi32>
      %select_n3A_2601 = arith.select %or3A_2598, %select_n3A_2548, %select_n3A_2595 : vector<16xi1>, vector<16xf32>
      %select_n3A_2602 = arith.select %or3A_2598, %select_n3A_2549, %select_n3A_2596 : vector<16xi1>, vector<16xi32>
      %gt3A_2603 = arith.cmpf ogt, %select_n3A_2601, %select_n3A_2554 : vector<16xf32>
      %or3A_2604 = arith.ori %or3A_2598, %gt3A_2603 : vector<16xi1>
      %select_n3A_2605 = arith.select %or3A_2604, %select_n3A_2601, %select_n3A_2554 : vector<16xi1>, vector<16xf32>
      %select_n3A_2606 = arith.select %or3A_2604, %select_n3A_2602, %select_n3A_2555 : vector<16xi1>, vector<16xi32>
      %select_n3A_2607 = arith.select %or3A_2604, %select_n3A_2554, %select_n3A_2601 : vector<16xi1>, vector<16xf32>
      %select_n3A_2608 = arith.select %or3A_2604, %select_n3A_2555, %select_n3A_2602 : vector<16xi1>, vector<16xi32>
      %gt3A_2609 = arith.cmpf ogt, %select_n3A_2607, %select_n3A_2560 : vector<16xf32>
      %or3A_2610 = arith.ori %or3A_2604, %gt3A_2609 : vector<16xi1>
      %select_n3A_2611 = arith.select %or3A_2610, %select_n3A_2607, %select_n3A_2560 : vector<16xi1>, vector<16xf32>
      %select_n3A_2612 = arith.select %or3A_2610, %select_n3A_2608, %select_n3A_2561 : vector<16xi1>, vector<16xi32>
      %select_n3A_2613 = arith.select %or3A_2610, %select_n3A_2560, %select_n3A_2607 : vector<16xi1>, vector<16xf32>
      %select_n3A_2614 = arith.select %or3A_2610, %select_n3A_2561, %select_n3A_2608 : vector<16xi1>, vector<16xi32>
      %gt3A_2615 = arith.cmpf ogt, %select_n3A_2613, %select_n3A_2566 : vector<16xf32>
      %or3A_2616 = arith.ori %or3A_2610, %gt3A_2615 : vector<16xi1>
      %select_n3A_2617 = arith.select %or3A_2616, %select_n3A_2613, %select_n3A_2566 : vector<16xi1>, vector<16xf32>
      %select_n3A_2618 = arith.select %or3A_2616, %select_n3A_2614, %select_n3A_2567 : vector<16xi1>, vector<16xi32>
      %select_n3A_2619 = arith.select %or3A_2616, %select_n3A_2566, %select_n3A_2613 : vector<16xi1>, vector<16xf32>
      %select_n3A_2620 = arith.select %or3A_2616, %select_n3A_2567, %select_n3A_2614 : vector<16xi1>, vector<16xi32>
      %gt3A_2621 = arith.cmpf ogt, %select_n3A_2619, %select_n3A_2572 : vector<16xf32>
      %or3A_2622 = arith.ori %or3A_2616, %gt3A_2621 : vector<16xi1>
      %select_n3A_2623 = arith.select %or3A_2622, %select_n3A_2619, %select_n3A_2572 : vector<16xi1>, vector<16xf32>
      %select_n3A_2624 = arith.select %or3A_2622, %select_n3A_2620, %select_n3A_2573 : vector<16xi1>, vector<16xi32>
      %add3A_2625 = arith.constant 51 : i32
      %add3A_2626 = vector.broadcast %add3A_2625 : i32 to vector<16xi32>
      %add3A_2627 = arith.addi %add3A_27, %add3A_2626 : vector<16xi32>
      %gather3A_2628 = tpu.vector_load_idx %arg6[%add3A_2627] : memref<32768xf32, #tpu.memory_space<vmem>>[vector<16xi32>], vector<16xf32>,
      %broadcast_in_dim3A_2629 = arith.constant 51 : i32
      %broadcast_in_dim3A_2630 = vector.broadcast %broadcast_in_dim3A_2629 : i32 to vector<16xi32>
      %gt3A_2631 = arith.cmpf ogt, %gather3A_2628, %select_n3A_2581 : vector<16xf32>
      %select_n3A_2632 = arith.select %gt3A_2631, %gather3A_2628, %select_n3A_2581 : vector<16xi1>, vector<16xf32>
      %select_n3A_2633 = arith.select %gt3A_2631, %broadcast_in_dim3A_2630, %select_n3A_2582 : vector<16xi1>, vector<16xi32>
      %select_n3A_2634 = arith.select %gt3A_2631, %select_n3A_2581, %gather3A_2628 : vector<16xi1>, vector<16xf32>
      %select_n3A_2635 = arith.select %gt3A_2631, %select_n3A_2582, %broadcast_in_dim3A_2630 : vector<16xi1>, vector<16xi32>
      %gt3A_2636 = arith.cmpf ogt, %select_n3A_2634, %select_n3A_2587 : vector<16xf32>
      %or3A_2637 = arith.ori %gt3A_2631, %gt3A_2636 : vector<16xi1>
      %select_n3A_2638 = arith.select %or3A_2637, %select_n3A_2634, %select_n3A_2587 : vector<16xi1>, vector<16xf32>
      %select_n3A_2639 = arith.select %or3A_2637, %select_n3A_2635, %select_n3A_2588 : vector<16xi1>, vector<16xi32>
      %select_n3A_2640 = arith.select %or3A_2637, %select_n3A_2587, %select_n3A_2634 : vector<16xi1>, vector<16xf32>
      %select_n3A_2641 = arith.select %or3A_2637, %select_n3A_2588, %select_n3A_2635 : vector<16xi1>, vector<16xi32>
      %gt3A_2642 = arith.cmpf ogt, %select_n3A_2640, %select_n3A_2593 : vector<16xf32>
      %or3A_2643 = arith.ori %or3A_2637, %gt3A_2642 : vector<16xi1>
      %select_n3A_2644 = arith.select %or3A_2643, %select_n3A_2640, %select_n3A_2593 : vector<16xi1>, vector<16xf32>
      %select_n3A_2645 = arith.select %or3A_2643, %select_n3A_2641, %select_n3A_2594 : vector<16xi1>, vector<16xi32>
      %select_n3A_2646 = arith.select %or3A_2643, %select_n3A_2593, %select_n3A_2640 : vector<16xi1>, vector<16xf32>
      %select_n3A_2647 = arith.select %or3A_2643, %select_n3A_2594, %select_n3A_2641 : vector<16xi1>, vector<16xi32>
      %gt3A_2648 = arith.cmpf ogt, %select_n3A_2646, %select_n3A_2599 : vector<16xf32>
      %or3A_2649 = arith.ori %or3A_2643, %gt3A_2648 : vector<16xi1>
      %select_n3A_2650 = arith.select %or3A_2649, %select_n3A_2646, %select_n3A_2599 : vector<16xi1>, vector<16xf32>
      %select_n3A_2651 = arith.select %or3A_2649, %select_n3A_2647, %select_n3A_2600 : vector<16xi1>, vector<16xi32>
      %select_n3A_2652 = arith.select %or3A_2649, %select_n3A_2599, %select_n3A_2646 : vector<16xi1>, vector<16xf32>
      %select_n3A_2653 = arith.select %or3A_2649, %select_n3A_2600, %select_n3A_2647 : vector<16xi1>, vector<16xi32>
      %gt3A_2654 = arith.cmpf ogt, %select_n3A_2652, %select_n3A_2605 : vector<16xf32>
      %or3A_2655 = arith.ori %or3A_2649, %gt3A_2654 : vector<16xi1>
      %select_n3A_2656 = arith.select %or3A_2655, %select_n3A_2652, %select_n3A_2605 : vector<16xi1>, vector<16xf32>
      %select_n3A_2657 = arith.select %or3A_2655, %select_n3A_2653, %select_n3A_2606 : vector<16xi1>, vector<16xi32>
      %select_n3A_2658 = arith.select %or3A_2655, %select_n3A_2605, %select_n3A_2652 : vector<16xi1>, vector<16xf32>
      %select_n3A_2659 = arith.select %or3A_2655, %select_n3A_2606, %select_n3A_2653 : vector<16xi1>, vector<16xi32>
      %gt3A_2660 = arith.cmpf ogt, %select_n3A_2658, %select_n3A_2611 : vector<16xf32>
      %or3A_2661 = arith.ori %or3A_2655, %gt3A_2660 : vector<16xi1>
      %select_n3A_2662 = arith.select %or3A_2661, %select_n3A_2658, %select_n3A_2611 : vector<16xi1>, vector<16xf32>
      %select_n3A_2663 = arith.select %or3A_2661, %select_n3A_2659, %select_n3A_2612 : vector<16xi1>, vector<16xi32>
      %select_n3A_2664 = arith.select %or3A_2661, %select_n3A_2611, %select_n3A_2658 : vector<16xi1>, vector<16xf32>
      %select_n3A_2665 = arith.select %or3A_2661, %select_n3A_2612, %select_n3A_2659 : vector<16xi1>, vector<16xi32>
      %gt3A_2666 = arith.cmpf ogt, %select_n3A_2664, %select_n3A_2617 : vector<16xf32>
      %or3A_2667 = arith.ori %or3A_2661, %gt3A_2666 : vector<16xi1>
      %select_n3A_2668 = arith.select %or3A_2667, %select_n3A_2664, %select_n3A_2617 : vector<16xi1>, vector<16xf32>
      %select_n3A_2669 = arith.select %or3A_2667, %select_n3A_2665, %select_n3A_2618 : vector<16xi1>, vector<16xi32>
      %select_n3A_2670 = arith.select %or3A_2667, %select_n3A_2617, %select_n3A_2664 : vector<16xi1>, vector<16xf32>
      %select_n3A_2671 = arith.select %or3A_2667, %select_n3A_2618, %select_n3A_2665 : vector<16xi1>, vector<16xi32>
      %gt3A_2672 = arith.cmpf ogt, %select_n3A_2670, %select_n3A_2623 : vector<16xf32>
      %or3A_2673 = arith.ori %or3A_2667, %gt3A_2672 : vector<16xi1>
      %select_n3A_2674 = arith.select %or3A_2673, %select_n3A_2670, %select_n3A_2623 : vector<16xi1>, vector<16xf32>
      %select_n3A_2675 = arith.select %or3A_2673, %select_n3A_2671, %select_n3A_2624 : vector<16xi1>, vector<16xi32>
      %add3A_2676 = arith.constant 52 : i32
      %add3A_2677 = vector.broadcast %add3A_2676 : i32 to vector<16xi32>
      %add3A_2678 = arith.addi %add3A_27, %add3A_2677 : vector<16xi32>
      %gather3A_2679 = tpu.vector_load_idx %arg6[%add3A_2678] : memref<32768xf32, #tpu.memory_space<vmem>>[vector<16xi32>], vector<16xf32>,
      %broadcast_in_dim3A_2680 = arith.constant 52 : i32
      %broadcast_in_dim3A_2681 = vector.broadcast %broadcast_in_dim3A_2680 : i32 to vector<16xi32>
      %gt3A_2682 = arith.cmpf ogt, %gather3A_2679, %select_n3A_2632 : vector<16xf32>
      %select_n3A_2683 = arith.select %gt3A_2682, %gather3A_2679, %select_n3A_2632 : vector<16xi1>, vector<16xf32>
      %select_n3A_2684 = arith.select %gt3A_2682, %broadcast_in_dim3A_2681, %select_n3A_2633 : vector<16xi1>, vector<16xi32>
      %select_n3A_2685 = arith.select %gt3A_2682, %select_n3A_2632, %gather3A_2679 : vector<16xi1>, vector<16xf32>
      %select_n3A_2686 = arith.select %gt3A_2682, %select_n3A_2633, %broadcast_in_dim3A_2681 : vector<16xi1>, vector<16xi32>
      %gt3A_2687 = arith.cmpf ogt, %select_n3A_2685, %select_n3A_2638 : vector<16xf32>
      %or3A_2688 = arith.ori %gt3A_2682, %gt3A_2687 : vector<16xi1>
      %select_n3A_2689 = arith.select %or3A_2688, %select_n3A_2685, %select_n3A_2638 : vector<16xi1>, vector<16xf32>
      %select_n3A_2690 = arith.select %or3A_2688, %select_n3A_2686, %select_n3A_2639 : vector<16xi1>, vector<16xi32>
      %select_n3A_2691 = arith.select %or3A_2688, %select_n3A_2638, %select_n3A_2685 : vector<16xi1>, vector<16xf32>
      %select_n3A_2692 = arith.select %or3A_2688, %select_n3A_2639, %select_n3A_2686 : vector<16xi1>, vector<16xi32>
      %gt3A_2693 = arith.cmpf ogt, %select_n3A_2691, %select_n3A_2644 : vector<16xf32>
      %or3A_2694 = arith.ori %or3A_2688, %gt3A_2693 : vector<16xi1>
      %select_n3A_2695 = arith.select %or3A_2694, %select_n3A_2691, %select_n3A_2644 : vector<16xi1>, vector<16xf32>
      %select_n3A_2696 = arith.select %or3A_2694, %select_n3A_2692, %select_n3A_2645 : vector<16xi1>, vector<16xi32>
      %select_n3A_2697 = arith.select %or3A_2694, %select_n3A_2644, %select_n3A_2691 : vector<16xi1>, vector<16xf32>
      %select_n3A_2698 = arith.select %or3A_2694, %select_n3A_2645, %select_n3A_2692 : vector<16xi1>, vector<16xi32>
      %gt3A_2699 = arith.cmpf ogt, %select_n3A_2697, %select_n3A_2650 : vector<16xf32>
      %or3A_2700 = arith.ori %or3A_2694, %gt3A_2699 : vector<16xi1>
      %select_n3A_2701 = arith.select %or3A_2700, %select_n3A_2697, %select_n3A_2650 : vector<16xi1>, vector<16xf32>
      %select_n3A_2702 = arith.select %or3A_2700, %select_n3A_2698, %select_n3A_2651 : vector<16xi1>, vector<16xi32>
      %select_n3A_2703 = arith.select %or3A_2700, %select_n3A_2650, %select_n3A_2697 : vector<16xi1>, vector<16xf32>
      %select_n3A_2704 = arith.select %or3A_2700, %select_n3A_2651, %select_n3A_2698 : vector<16xi1>, vector<16xi32>
      %gt3A_2705 = arith.cmpf ogt, %select_n3A_2703, %select_n3A_2656 : vector<16xf32>
      %or3A_2706 = arith.ori %or3A_2700, %gt3A_2705 : vector<16xi1>
      %select_n3A_2707 = arith.select %or3A_2706, %select_n3A_2703, %select_n3A_2656 : vector<16xi1>, vector<16xf32>
      %select_n3A_2708 = arith.select %or3A_2706, %select_n3A_2704, %select_n3A_2657 : vector<16xi1>, vector<16xi32>
      %select_n3A_2709 = arith.select %or3A_2706, %select_n3A_2656, %select_n3A_2703 : vector<16xi1>, vector<16xf32>
      %select_n3A_2710 = arith.select %or3A_2706, %select_n3A_2657, %select_n3A_2704 : vector<16xi1>, vector<16xi32>
      %gt3A_2711 = arith.cmpf ogt, %select_n3A_2709, %select_n3A_2662 : vector<16xf32>
      %or3A_2712 = arith.ori %or3A_2706, %gt3A_2711 : vector<16xi1>
      %select_n3A_2713 = arith.select %or3A_2712, %select_n3A_2709, %select_n3A_2662 : vector<16xi1>, vector<16xf32>
      %select_n3A_2714 = arith.select %or3A_2712, %select_n3A_2710, %select_n3A_2663 : vector<16xi1>, vector<16xi32>
      %select_n3A_2715 = arith.select %or3A_2712, %select_n3A_2662, %select_n3A_2709 : vector<16xi1>, vector<16xf32>
      %select_n3A_2716 = arith.select %or3A_2712, %select_n3A_2663, %select_n3A_2710 : vector<16xi1>, vector<16xi32>
      %gt3A_2717 = arith.cmpf ogt, %select_n3A_2715, %select_n3A_2668 : vector<16xf32>
      %or3A_2718 = arith.ori %or3A_2712, %gt3A_2717 : vector<16xi1>
      %select_n3A_2719 = arith.select %or3A_2718, %select_n3A_2715, %select_n3A_2668 : vector<16xi1>, vector<16xf32>
      %select_n3A_2720 = arith.select %or3A_2718, %select_n3A_2716, %select_n3A_2669 : vector<16xi1>, vector<16xi32>
      %select_n3A_2721 = arith.select %or3A_2718, %select_n3A_2668, %select_n3A_2715 : vector<16xi1>, vector<16xf32>
      %select_n3A_2722 = arith.select %or3A_2718, %select_n3A_2669, %select_n3A_2716 : vector<16xi1>, vector<16xi32>
      %gt3A_2723 = arith.cmpf ogt, %select_n3A_2721, %select_n3A_2674 : vector<16xf32>
      %or3A_2724 = arith.ori %or3A_2718, %gt3A_2723 : vector<16xi1>
      %select_n3A_2725 = arith.select %or3A_2724, %select_n3A_2721, %select_n3A_2674 : vector<16xi1>, vector<16xf32>
      %select_n3A_2726 = arith.select %or3A_2724, %select_n3A_2722, %select_n3A_2675 : vector<16xi1>, vector<16xi32>
      %add3A_2727 = arith.constant 53 : i32
      %add3A_2728 = vector.broadcast %add3A_2727 : i32 to vector<16xi32>
      %add3A_2729 = arith.addi %add3A_27, %add3A_2728 : vector<16xi32>
      %gather3A_2730 = tpu.vector_load_idx %arg6[%add3A_2729] : memref<32768xf32, #tpu.memory_space<vmem>>[vector<16xi32>], vector<16xf32>,
      %broadcast_in_dim3A_2731 = arith.constant 53 : i32
      %broadcast_in_dim3A_2732 = vector.broadcast %broadcast_in_dim3A_2731 : i32 to vector<16xi32>
      %gt3A_2733 = arith.cmpf ogt, %gather3A_2730, %select_n3A_2683 : vector<16xf32>
      %select_n3A_2734 = arith.select %gt3A_2733, %gather3A_2730, %select_n3A_2683 : vector<16xi1>, vector<16xf32>
      %select_n3A_2735 = arith.select %gt3A_2733, %broadcast_in_dim3A_2732, %select_n3A_2684 : vector<16xi1>, vector<16xi32>
      %select_n3A_2736 = arith.select %gt3A_2733, %select_n3A_2683, %gather3A_2730 : vector<16xi1>, vector<16xf32>
      %select_n3A_2737 = arith.select %gt3A_2733, %select_n3A_2684, %broadcast_in_dim3A_2732 : vector<16xi1>, vector<16xi32>
      %gt3A_2738 = arith.cmpf ogt, %select_n3A_2736, %select_n3A_2689 : vector<16xf32>
      %or3A_2739 = arith.ori %gt3A_2733, %gt3A_2738 : vector<16xi1>
      %select_n3A_2740 = arith.select %or3A_2739, %select_n3A_2736, %select_n3A_2689 : vector<16xi1>, vector<16xf32>
      %select_n3A_2741 = arith.select %or3A_2739, %select_n3A_2737, %select_n3A_2690 : vector<16xi1>, vector<16xi32>
      %select_n3A_2742 = arith.select %or3A_2739, %select_n3A_2689, %select_n3A_2736 : vector<16xi1>, vector<16xf32>
      %select_n3A_2743 = arith.select %or3A_2739, %select_n3A_2690, %select_n3A_2737 : vector<16xi1>, vector<16xi32>
      %gt3A_2744 = arith.cmpf ogt, %select_n3A_2742, %select_n3A_2695 : vector<16xf32>
      %or3A_2745 = arith.ori %or3A_2739, %gt3A_2744 : vector<16xi1>
      %select_n3A_2746 = arith.select %or3A_2745, %select_n3A_2742, %select_n3A_2695 : vector<16xi1>, vector<16xf32>
      %select_n3A_2747 = arith.select %or3A_2745, %select_n3A_2743, %select_n3A_2696 : vector<16xi1>, vector<16xi32>
      %select_n3A_2748 = arith.select %or3A_2745, %select_n3A_2695, %select_n3A_2742 : vector<16xi1>, vector<16xf32>
      %select_n3A_2749 = arith.select %or3A_2745, %select_n3A_2696, %select_n3A_2743 : vector<16xi1>, vector<16xi32>
      %gt3A_2750 = arith.cmpf ogt, %select_n3A_2748, %select_n3A_2701 : vector<16xf32>
      %or3A_2751 = arith.ori %or3A_2745, %gt3A_2750 : vector<16xi1>
      %select_n3A_2752 = arith.select %or3A_2751, %select_n3A_2748, %select_n3A_2701 : vector<16xi1>, vector<16xf32>
      %select_n3A_2753 = arith.select %or3A_2751, %select_n3A_2749, %select_n3A_2702 : vector<16xi1>, vector<16xi32>
      %select_n3A_2754 = arith.select %or3A_2751, %select_n3A_2701, %select_n3A_2748 : vector<16xi1>, vector<16xf32>
      %select_n3A_2755 = arith.select %or3A_2751, %select_n3A_2702, %select_n3A_2749 : vector<16xi1>, vector<16xi32>
      %gt3A_2756 = arith.cmpf ogt, %select_n3A_2754, %select_n3A_2707 : vector<16xf32>
      %or3A_2757 = arith.ori %or3A_2751, %gt3A_2756 : vector<16xi1>
      %select_n3A_2758 = arith.select %or3A_2757, %select_n3A_2754, %select_n3A_2707 : vector<16xi1>, vector<16xf32>
      %select_n3A_2759 = arith.select %or3A_2757, %select_n3A_2755, %select_n3A_2708 : vector<16xi1>, vector<16xi32>
      %select_n3A_2760 = arith.select %or3A_2757, %select_n3A_2707, %select_n3A_2754 : vector<16xi1>, vector<16xf32>
      %select_n3A_2761 = arith.select %or3A_2757, %select_n3A_2708, %select_n3A_2755 : vector<16xi1>, vector<16xi32>
      %gt3A_2762 = arith.cmpf ogt, %select_n3A_2760, %select_n3A_2713 : vector<16xf32>
      %or3A_2763 = arith.ori %or3A_2757, %gt3A_2762 : vector<16xi1>
      %select_n3A_2764 = arith.select %or3A_2763, %select_n3A_2760, %select_n3A_2713 : vector<16xi1>, vector<16xf32>
      %select_n3A_2765 = arith.select %or3A_2763, %select_n3A_2761, %select_n3A_2714 : vector<16xi1>, vector<16xi32>
      %select_n3A_2766 = arith.select %or3A_2763, %select_n3A_2713, %select_n3A_2760 : vector<16xi1>, vector<16xf32>
      %select_n3A_2767 = arith.select %or3A_2763, %select_n3A_2714, %select_n3A_2761 : vector<16xi1>, vector<16xi32>
      %gt3A_2768 = arith.cmpf ogt, %select_n3A_2766, %select_n3A_2719 : vector<16xf32>
      %or3A_2769 = arith.ori %or3A_2763, %gt3A_2768 : vector<16xi1>
      %select_n3A_2770 = arith.select %or3A_2769, %select_n3A_2766, %select_n3A_2719 : vector<16xi1>, vector<16xf32>
      %select_n3A_2771 = arith.select %or3A_2769, %select_n3A_2767, %select_n3A_2720 : vector<16xi1>, vector<16xi32>
      %select_n3A_2772 = arith.select %or3A_2769, %select_n3A_2719, %select_n3A_2766 : vector<16xi1>, vector<16xf32>
      %select_n3A_2773 = arith.select %or3A_2769, %select_n3A_2720, %select_n3A_2767 : vector<16xi1>, vector<16xi32>
      %gt3A_2774 = arith.cmpf ogt, %select_n3A_2772, %select_n3A_2725 : vector<16xf32>
      %or3A_2775 = arith.ori %or3A_2769, %gt3A_2774 : vector<16xi1>
      %select_n3A_2776 = arith.select %or3A_2775, %select_n3A_2772, %select_n3A_2725 : vector<16xi1>, vector<16xf32>
      %select_n3A_2777 = arith.select %or3A_2775, %select_n3A_2773, %select_n3A_2726 : vector<16xi1>, vector<16xi32>
      %add3A_2778 = arith.constant 54 : i32
      %add3A_2779 = vector.broadcast %add3A_2778 : i32 to vector<16xi32>
      %add3A_2780 = arith.addi %add3A_27, %add3A_2779 : vector<16xi32>
      %gather3A_2781 = tpu.vector_load_idx %arg6[%add3A_2780] : memref<32768xf32, #tpu.memory_space<vmem>>[vector<16xi32>], vector<16xf32>,
      %broadcast_in_dim3A_2782 = arith.constant 54 : i32
      %broadcast_in_dim3A_2783 = vector.broadcast %broadcast_in_dim3A_2782 : i32 to vector<16xi32>
      %gt3A_2784 = arith.cmpf ogt, %gather3A_2781, %select_n3A_2734 : vector<16xf32>
      %select_n3A_2785 = arith.select %gt3A_2784, %gather3A_2781, %select_n3A_2734 : vector<16xi1>, vector<16xf32>
      %select_n3A_2786 = arith.select %gt3A_2784, %broadcast_in_dim3A_2783, %select_n3A_2735 : vector<16xi1>, vector<16xi32>
      %select_n3A_2787 = arith.select %gt3A_2784, %select_n3A_2734, %gather3A_2781 : vector<16xi1>, vector<16xf32>
      %select_n3A_2788 = arith.select %gt3A_2784, %select_n3A_2735, %broadcast_in_dim3A_2783 : vector<16xi1>, vector<16xi32>
      %gt3A_2789 = arith.cmpf ogt, %select_n3A_2787, %select_n3A_2740 : vector<16xf32>
      %or3A_2790 = arith.ori %gt3A_2784, %gt3A_2789 : vector<16xi1>
      %select_n3A_2791 = arith.select %or3A_2790, %select_n3A_2787, %select_n3A_2740 : vector<16xi1>, vector<16xf32>
      %select_n3A_2792 = arith.select %or3A_2790, %select_n3A_2788, %select_n3A_2741 : vector<16xi1>, vector<16xi32>
      %select_n3A_2793 = arith.select %or3A_2790, %select_n3A_2740, %select_n3A_2787 : vector<16xi1>, vector<16xf32>
      %select_n3A_2794 = arith.select %or3A_2790, %select_n3A_2741, %select_n3A_2788 : vector<16xi1>, vector<16xi32>
      %gt3A_2795 = arith.cmpf ogt, %select_n3A_2793, %select_n3A_2746 : vector<16xf32>
      %or3A_2796 = arith.ori %or3A_2790, %gt3A_2795 : vector<16xi1>
      %select_n3A_2797 = arith.select %or3A_2796, %select_n3A_2793, %select_n3A_2746 : vector<16xi1>, vector<16xf32>
      %select_n3A_2798 = arith.select %or3A_2796, %select_n3A_2794, %select_n3A_2747 : vector<16xi1>, vector<16xi32>
      %select_n3A_2799 = arith.select %or3A_2796, %select_n3A_2746, %select_n3A_2793 : vector<16xi1>, vector<16xf32>
      %select_n3A_2800 = arith.select %or3A_2796, %select_n3A_2747, %select_n3A_2794 : vector<16xi1>, vector<16xi32>
      %gt3A_2801 = arith.cmpf ogt, %select_n3A_2799, %select_n3A_2752 : vector<16xf32>
      %or3A_2802 = arith.ori %or3A_2796, %gt3A_2801 : vector<16xi1>
      %select_n3A_2803 = arith.select %or3A_2802, %select_n3A_2799, %select_n3A_2752 : vector<16xi1>, vector<16xf32>
      %select_n3A_2804 = arith.select %or3A_2802, %select_n3A_2800, %select_n3A_2753 : vector<16xi1>, vector<16xi32>
      %select_n3A_2805 = arith.select %or3A_2802, %select_n3A_2752, %select_n3A_2799 : vector<16xi1>, vector<16xf32>
      %select_n3A_2806 = arith.select %or3A_2802, %select_n3A_2753, %select_n3A_2800 : vector<16xi1>, vector<16xi32>
      %gt3A_2807 = arith.cmpf ogt, %select_n3A_2805, %select_n3A_2758 : vector<16xf32>
      %or3A_2808 = arith.ori %or3A_2802, %gt3A_2807 : vector<16xi1>
      %select_n3A_2809 = arith.select %or3A_2808, %select_n3A_2805, %select_n3A_2758 : vector<16xi1>, vector<16xf32>
      %select_n3A_2810 = arith.select %or3A_2808, %select_n3A_2806, %select_n3A_2759 : vector<16xi1>, vector<16xi32>
      %select_n3A_2811 = arith.select %or3A_2808, %select_n3A_2758, %select_n3A_2805 : vector<16xi1>, vector<16xf32>
      %select_n3A_2812 = arith.select %or3A_2808, %select_n3A_2759, %select_n3A_2806 : vector<16xi1>, vector<16xi32>
      %gt3A_2813 = arith.cmpf ogt, %select_n3A_2811, %select_n3A_2764 : vector<16xf32>
      %or3A_2814 = arith.ori %or3A_2808, %gt3A_2813 : vector<16xi1>
      %select_n3A_2815 = arith.select %or3A_2814, %select_n3A_2811, %select_n3A_2764 : vector<16xi1>, vector<16xf32>
      %select_n3A_2816 = arith.select %or3A_2814, %select_n3A_2812, %select_n3A_2765 : vector<16xi1>, vector<16xi32>
      %select_n3A_2817 = arith.select %or3A_2814, %select_n3A_2764, %select_n3A_2811 : vector<16xi1>, vector<16xf32>
      %select_n3A_2818 = arith.select %or3A_2814, %select_n3A_2765, %select_n3A_2812 : vector<16xi1>, vector<16xi32>
      %gt3A_2819 = arith.cmpf ogt, %select_n3A_2817, %select_n3A_2770 : vector<16xf32>
      %or3A_2820 = arith.ori %or3A_2814, %gt3A_2819 : vector<16xi1>
      %select_n3A_2821 = arith.select %or3A_2820, %select_n3A_2817, %select_n3A_2770 : vector<16xi1>, vector<16xf32>
      %select_n3A_2822 = arith.select %or3A_2820, %select_n3A_2818, %select_n3A_2771 : vector<16xi1>, vector<16xi32>
      %select_n3A_2823 = arith.select %or3A_2820, %select_n3A_2770, %select_n3A_2817 : vector<16xi1>, vector<16xf32>
      %select_n3A_2824 = arith.select %or3A_2820, %select_n3A_2771, %select_n3A_2818 : vector<16xi1>, vector<16xi32>
      %gt3A_2825 = arith.cmpf ogt, %select_n3A_2823, %select_n3A_2776 : vector<16xf32>
      %or3A_2826 = arith.ori %or3A_2820, %gt3A_2825 : vector<16xi1>
      %select_n3A_2827 = arith.select %or3A_2826, %select_n3A_2823, %select_n3A_2776 : vector<16xi1>, vector<16xf32>
      %select_n3A_2828 = arith.select %or3A_2826, %select_n3A_2824, %select_n3A_2777 : vector<16xi1>, vector<16xi32>
      %add3A_2829 = arith.constant 55 : i32
      %add3A_2830 = vector.broadcast %add3A_2829 : i32 to vector<16xi32>
      %add3A_2831 = arith.addi %add3A_27, %add3A_2830 : vector<16xi32>
      %gather3A_2832 = tpu.vector_load_idx %arg6[%add3A_2831] : memref<32768xf32, #tpu.memory_space<vmem>>[vector<16xi32>], vector<16xf32>,
      %broadcast_in_dim3A_2833 = arith.constant 55 : i32
      %broadcast_in_dim3A_2834 = vector.broadcast %broadcast_in_dim3A_2833 : i32 to vector<16xi32>
      %gt3A_2835 = arith.cmpf ogt, %gather3A_2832, %select_n3A_2785 : vector<16xf32>
      %select_n3A_2836 = arith.select %gt3A_2835, %gather3A_2832, %select_n3A_2785 : vector<16xi1>, vector<16xf32>
      %select_n3A_2837 = arith.select %gt3A_2835, %broadcast_in_dim3A_2834, %select_n3A_2786 : vector<16xi1>, vector<16xi32>
      %select_n3A_2838 = arith.select %gt3A_2835, %select_n3A_2785, %gather3A_2832 : vector<16xi1>, vector<16xf32>
      %select_n3A_2839 = arith.select %gt3A_2835, %select_n3A_2786, %broadcast_in_dim3A_2834 : vector<16xi1>, vector<16xi32>
      %gt3A_2840 = arith.cmpf ogt, %select_n3A_2838, %select_n3A_2791 : vector<16xf32>
      %or3A_2841 = arith.ori %gt3A_2835, %gt3A_2840 : vector<16xi1>
      %select_n3A_2842 = arith.select %or3A_2841, %select_n3A_2838, %select_n3A_2791 : vector<16xi1>, vector<16xf32>
      %select_n3A_2843 = arith.select %or3A_2841, %select_n3A_2839, %select_n3A_2792 : vector<16xi1>, vector<16xi32>
      %select_n3A_2844 = arith.select %or3A_2841, %select_n3A_2791, %select_n3A_2838 : vector<16xi1>, vector<16xf32>
      %select_n3A_2845 = arith.select %or3A_2841, %select_n3A_2792, %select_n3A_2839 : vector<16xi1>, vector<16xi32>
      %gt3A_2846 = arith.cmpf ogt, %select_n3A_2844, %select_n3A_2797 : vector<16xf32>
      %or3A_2847 = arith.ori %or3A_2841, %gt3A_2846 : vector<16xi1>
      %select_n3A_2848 = arith.select %or3A_2847, %select_n3A_2844, %select_n3A_2797 : vector<16xi1>, vector<16xf32>
      %select_n3A_2849 = arith.select %or3A_2847, %select_n3A_2845, %select_n3A_2798 : vector<16xi1>, vector<16xi32>
      %select_n3A_2850 = arith.select %or3A_2847, %select_n3A_2797, %select_n3A_2844 : vector<16xi1>, vector<16xf32>
      %select_n3A_2851 = arith.select %or3A_2847, %select_n3A_2798, %select_n3A_2845 : vector<16xi1>, vector<16xi32>
      %gt3A_2852 = arith.cmpf ogt, %select_n3A_2850, %select_n3A_2803 : vector<16xf32>
      %or3A_2853 = arith.ori %or3A_2847, %gt3A_2852 : vector<16xi1>
      %select_n3A_2854 = arith.select %or3A_2853, %select_n3A_2850, %select_n3A_2803 : vector<16xi1>, vector<16xf32>
      %select_n3A_2855 = arith.select %or3A_2853, %select_n3A_2851, %select_n3A_2804 : vector<16xi1>, vector<16xi32>
      %select_n3A_2856 = arith.select %or3A_2853, %select_n3A_2803, %select_n3A_2850 : vector<16xi1>, vector<16xf32>
      %select_n3A_2857 = arith.select %or3A_2853, %select_n3A_2804, %select_n3A_2851 : vector<16xi1>, vector<16xi32>
      %gt3A_2858 = arith.cmpf ogt, %select_n3A_2856, %select_n3A_2809 : vector<16xf32>
      %or3A_2859 = arith.ori %or3A_2853, %gt3A_2858 : vector<16xi1>
      %select_n3A_2860 = arith.select %or3A_2859, %select_n3A_2856, %select_n3A_2809 : vector<16xi1>, vector<16xf32>
      %select_n3A_2861 = arith.select %or3A_2859, %select_n3A_2857, %select_n3A_2810 : vector<16xi1>, vector<16xi32>
      %select_n3A_2862 = arith.select %or3A_2859, %select_n3A_2809, %select_n3A_2856 : vector<16xi1>, vector<16xf32>
      %select_n3A_2863 = arith.select %or3A_2859, %select_n3A_2810, %select_n3A_2857 : vector<16xi1>, vector<16xi32>
      %gt3A_2864 = arith.cmpf ogt, %select_n3A_2862, %select_n3A_2815 : vector<16xf32>
      %or3A_2865 = arith.ori %or3A_2859, %gt3A_2864 : vector<16xi1>
      %select_n3A_2866 = arith.select %or3A_2865, %select_n3A_2862, %select_n3A_2815 : vector<16xi1>, vector<16xf32>
      %select_n3A_2867 = arith.select %or3A_2865, %select_n3A_2863, %select_n3A_2816 : vector<16xi1>, vector<16xi32>
      %select_n3A_2868 = arith.select %or3A_2865, %select_n3A_2815, %select_n3A_2862 : vector<16xi1>, vector<16xf32>
      %select_n3A_2869 = arith.select %or3A_2865, %select_n3A_2816, %select_n3A_2863 : vector<16xi1>, vector<16xi32>
      %gt3A_2870 = arith.cmpf ogt, %select_n3A_2868, %select_n3A_2821 : vector<16xf32>
      %or3A_2871 = arith.ori %or3A_2865, %gt3A_2870 : vector<16xi1>
      %select_n3A_2872 = arith.select %or3A_2871, %select_n3A_2868, %select_n3A_2821 : vector<16xi1>, vector<16xf32>
      %select_n3A_2873 = arith.select %or3A_2871, %select_n3A_2869, %select_n3A_2822 : vector<16xi1>, vector<16xi32>
      %select_n3A_2874 = arith.select %or3A_2871, %select_n3A_2821, %select_n3A_2868 : vector<16xi1>, vector<16xf32>
      %select_n3A_2875 = arith.select %or3A_2871, %select_n3A_2822, %select_n3A_2869 : vector<16xi1>, vector<16xi32>
      %gt3A_2876 = arith.cmpf ogt, %select_n3A_2874, %select_n3A_2827 : vector<16xf32>
      %or3A_2877 = arith.ori %or3A_2871, %gt3A_2876 : vector<16xi1>
      %select_n3A_2878 = arith.select %or3A_2877, %select_n3A_2874, %select_n3A_2827 : vector<16xi1>, vector<16xf32>
      %select_n3A_2879 = arith.select %or3A_2877, %select_n3A_2875, %select_n3A_2828 : vector<16xi1>, vector<16xi32>
      %add3A_2880 = arith.constant 56 : i32
      %add3A_2881 = vector.broadcast %add3A_2880 : i32 to vector<16xi32>
      %add3A_2882 = arith.addi %add3A_27, %add3A_2881 : vector<16xi32>
      %gather3A_2883 = tpu.vector_load_idx %arg6[%add3A_2882] : memref<32768xf32, #tpu.memory_space<vmem>>[vector<16xi32>], vector<16xf32>,
      %broadcast_in_dim3A_2884 = arith.constant 56 : i32
      %broadcast_in_dim3A_2885 = vector.broadcast %broadcast_in_dim3A_2884 : i32 to vector<16xi32>
      %gt3A_2886 = arith.cmpf ogt, %gather3A_2883, %select_n3A_2836 : vector<16xf32>
      %select_n3A_2887 = arith.select %gt3A_2886, %gather3A_2883, %select_n3A_2836 : vector<16xi1>, vector<16xf32>
      %select_n3A_2888 = arith.select %gt3A_2886, %broadcast_in_dim3A_2885, %select_n3A_2837 : vector<16xi1>, vector<16xi32>
      %select_n3A_2889 = arith.select %gt3A_2886, %select_n3A_2836, %gather3A_2883 : vector<16xi1>, vector<16xf32>
      %select_n3A_2890 = arith.select %gt3A_2886, %select_n3A_2837, %broadcast_in_dim3A_2885 : vector<16xi1>, vector<16xi32>
      %gt3A_2891 = arith.cmpf ogt, %select_n3A_2889, %select_n3A_2842 : vector<16xf32>
      %or3A_2892 = arith.ori %gt3A_2886, %gt3A_2891 : vector<16xi1>
      %select_n3A_2893 = arith.select %or3A_2892, %select_n3A_2889, %select_n3A_2842 : vector<16xi1>, vector<16xf32>
      %select_n3A_2894 = arith.select %or3A_2892, %select_n3A_2890, %select_n3A_2843 : vector<16xi1>, vector<16xi32>
      %select_n3A_2895 = arith.select %or3A_2892, %select_n3A_2842, %select_n3A_2889 : vector<16xi1>, vector<16xf32>
      %select_n3A_2896 = arith.select %or3A_2892, %select_n3A_2843, %select_n3A_2890 : vector<16xi1>, vector<16xi32>
      %gt3A_2897 = arith.cmpf ogt, %select_n3A_2895, %select_n3A_2848 : vector<16xf32>
      %or3A_2898 = arith.ori %or3A_2892, %gt3A_2897 : vector<16xi1>
      %select_n3A_2899 = arith.select %or3A_2898, %select_n3A_2895, %select_n3A_2848 : vector<16xi1>, vector<16xf32>
      %select_n3A_2900 = arith.select %or3A_2898, %select_n3A_2896, %select_n3A_2849 : vector<16xi1>, vector<16xi32>
      %select_n3A_2901 = arith.select %or3A_2898, %select_n3A_2848, %select_n3A_2895 : vector<16xi1>, vector<16xf32>
      %select_n3A_2902 = arith.select %or3A_2898, %select_n3A_2849, %select_n3A_2896 : vector<16xi1>, vector<16xi32>
      %gt3A_2903 = arith.cmpf ogt, %select_n3A_2901, %select_n3A_2854 : vector<16xf32>
      %or3A_2904 = arith.ori %or3A_2898, %gt3A_2903 : vector<16xi1>
      %select_n3A_2905 = arith.select %or3A_2904, %select_n3A_2901, %select_n3A_2854 : vector<16xi1>, vector<16xf32>
      %select_n3A_2906 = arith.select %or3A_2904, %select_n3A_2902, %select_n3A_2855 : vector<16xi1>, vector<16xi32>
      %select_n3A_2907 = arith.select %or3A_2904, %select_n3A_2854, %select_n3A_2901 : vector<16xi1>, vector<16xf32>
      %select_n3A_2908 = arith.select %or3A_2904, %select_n3A_2855, %select_n3A_2902 : vector<16xi1>, vector<16xi32>
      %gt3A_2909 = arith.cmpf ogt, %select_n3A_2907, %select_n3A_2860 : vector<16xf32>
      %or3A_2910 = arith.ori %or3A_2904, %gt3A_2909 : vector<16xi1>
      %select_n3A_2911 = arith.select %or3A_2910, %select_n3A_2907, %select_n3A_2860 : vector<16xi1>, vector<16xf32>
      %select_n3A_2912 = arith.select %or3A_2910, %select_n3A_2908, %select_n3A_2861 : vector<16xi1>, vector<16xi32>
      %select_n3A_2913 = arith.select %or3A_2910, %select_n3A_2860, %select_n3A_2907 : vector<16xi1>, vector<16xf32>
      %select_n3A_2914 = arith.select %or3A_2910, %select_n3A_2861, %select_n3A_2908 : vector<16xi1>, vector<16xi32>
      %gt3A_2915 = arith.cmpf ogt, %select_n3A_2913, %select_n3A_2866 : vector<16xf32>
      %or3A_2916 = arith.ori %or3A_2910, %gt3A_2915 : vector<16xi1>
      %select_n3A_2917 = arith.select %or3A_2916, %select_n3A_2913, %select_n3A_2866 : vector<16xi1>, vector<16xf32>
      %select_n3A_2918 = arith.select %or3A_2916, %select_n3A_2914, %select_n3A_2867 : vector<16xi1>, vector<16xi32>
      %select_n3A_2919 = arith.select %or3A_2916, %select_n3A_2866, %select_n3A_2913 : vector<16xi1>, vector<16xf32>
      %select_n3A_2920 = arith.select %or3A_2916, %select_n3A_2867, %select_n3A_2914 : vector<16xi1>, vector<16xi32>
      %gt3A_2921 = arith.cmpf ogt, %select_n3A_2919, %select_n3A_2872 : vector<16xf32>
      %or3A_2922 = arith.ori %or3A_2916, %gt3A_2921 : vector<16xi1>
      %select_n3A_2923 = arith.select %or3A_2922, %select_n3A_2919, %select_n3A_2872 : vector<16xi1>, vector<16xf32>
      %select_n3A_2924 = arith.select %or3A_2922, %select_n3A_2920, %select_n3A_2873 : vector<16xi1>, vector<16xi32>
      %select_n3A_2925 = arith.select %or3A_2922, %select_n3A_2872, %select_n3A_2919 : vector<16xi1>, vector<16xf32>
      %select_n3A_2926 = arith.select %or3A_2922, %select_n3A_2873, %select_n3A_2920 : vector<16xi1>, vector<16xi32>
      %gt3A_2927 = arith.cmpf ogt, %select_n3A_2925, %select_n3A_2878 : vector<16xf32>
      %or3A_2928 = arith.ori %or3A_2922, %gt3A_2927 : vector<16xi1>
      %select_n3A_2929 = arith.select %or3A_2928, %select_n3A_2925, %select_n3A_2878 : vector<16xi1>, vector<16xf32>
      %select_n3A_2930 = arith.select %or3A_2928, %select_n3A_2926, %select_n3A_2879 : vector<16xi1>, vector<16xi32>
      %add3A_2931 = arith.constant 57 : i32
      %add3A_2932 = vector.broadcast %add3A_2931 : i32 to vector<16xi32>
      %add3A_2933 = arith.addi %add3A_27, %add3A_2932 : vector<16xi32>
      %gather3A_2934 = tpu.vector_load_idx %arg6[%add3A_2933] : memref<32768xf32, #tpu.memory_space<vmem>>[vector<16xi32>], vector<16xf32>,
      %broadcast_in_dim3A_2935 = arith.constant 57 : i32
      %broadcast_in_dim3A_2936 = vector.broadcast %broadcast_in_dim3A_2935 : i32 to vector<16xi32>
      %gt3A_2937 = arith.cmpf ogt, %gather3A_2934, %select_n3A_2887 : vector<16xf32>
      %select_n3A_2938 = arith.select %gt3A_2937, %gather3A_2934, %select_n3A_2887 : vector<16xi1>, vector<16xf32>
      %select_n3A_2939 = arith.select %gt3A_2937, %broadcast_in_dim3A_2936, %select_n3A_2888 : vector<16xi1>, vector<16xi32>
      %select_n3A_2940 = arith.select %gt3A_2937, %select_n3A_2887, %gather3A_2934 : vector<16xi1>, vector<16xf32>
      %select_n3A_2941 = arith.select %gt3A_2937, %select_n3A_2888, %broadcast_in_dim3A_2936 : vector<16xi1>, vector<16xi32>
      %gt3A_2942 = arith.cmpf ogt, %select_n3A_2940, %select_n3A_2893 : vector<16xf32>
      %or3A_2943 = arith.ori %gt3A_2937, %gt3A_2942 : vector<16xi1>
      %select_n3A_2944 = arith.select %or3A_2943, %select_n3A_2940, %select_n3A_2893 : vector<16xi1>, vector<16xf32>
      %select_n3A_2945 = arith.select %or3A_2943, %select_n3A_2941, %select_n3A_2894 : vector<16xi1>, vector<16xi32>
      %select_n3A_2946 = arith.select %or3A_2943, %select_n3A_2893, %select_n3A_2940 : vector<16xi1>, vector<16xf32>
      %select_n3A_2947 = arith.select %or3A_2943, %select_n3A_2894, %select_n3A_2941 : vector<16xi1>, vector<16xi32>
      %gt3A_2948 = arith.cmpf ogt, %select_n3A_2946, %select_n3A_2899 : vector<16xf32>
      %or3A_2949 = arith.ori %or3A_2943, %gt3A_2948 : vector<16xi1>
      %select_n3A_2950 = arith.select %or3A_2949, %select_n3A_2946, %select_n3A_2899 : vector<16xi1>, vector<16xf32>
      %select_n3A_2951 = arith.select %or3A_2949, %select_n3A_2947, %select_n3A_2900 : vector<16xi1>, vector<16xi32>
      %select_n3A_2952 = arith.select %or3A_2949, %select_n3A_2899, %select_n3A_2946 : vector<16xi1>, vector<16xf32>
      %select_n3A_2953 = arith.select %or3A_2949, %select_n3A_2900, %select_n3A_2947 : vector<16xi1>, vector<16xi32>
      %gt3A_2954 = arith.cmpf ogt, %select_n3A_2952, %select_n3A_2905 : vector<16xf32>
      %or3A_2955 = arith.ori %or3A_2949, %gt3A_2954 : vector<16xi1>
      %select_n3A_2956 = arith.select %or3A_2955, %select_n3A_2952, %select_n3A_2905 : vector<16xi1>, vector<16xf32>
      %select_n3A_2957 = arith.select %or3A_2955, %select_n3A_2953, %select_n3A_2906 : vector<16xi1>, vector<16xi32>
      %select_n3A_2958 = arith.select %or3A_2955, %select_n3A_2905, %select_n3A_2952 : vector<16xi1>, vector<16xf32>
      %select_n3A_2959 = arith.select %or3A_2955, %select_n3A_2906, %select_n3A_2953 : vector<16xi1>, vector<16xi32>
      %gt3A_2960 = arith.cmpf ogt, %select_n3A_2958, %select_n3A_2911 : vector<16xf32>
      %or3A_2961 = arith.ori %or3A_2955, %gt3A_2960 : vector<16xi1>
      %select_n3A_2962 = arith.select %or3A_2961, %select_n3A_2958, %select_n3A_2911 : vector<16xi1>, vector<16xf32>
      %select_n3A_2963 = arith.select %or3A_2961, %select_n3A_2959, %select_n3A_2912 : vector<16xi1>, vector<16xi32>
      %select_n3A_2964 = arith.select %or3A_2961, %select_n3A_2911, %select_n3A_2958 : vector<16xi1>, vector<16xf32>
      %select_n3A_2965 = arith.select %or3A_2961, %select_n3A_2912, %select_n3A_2959 : vector<16xi1>, vector<16xi32>
      %gt3A_2966 = arith.cmpf ogt, %select_n3A_2964, %select_n3A_2917 : vector<16xf32>
      %or3A_2967 = arith.ori %or3A_2961, %gt3A_2966 : vector<16xi1>
      %select_n3A_2968 = arith.select %or3A_2967, %select_n3A_2964, %select_n3A_2917 : vector<16xi1>, vector<16xf32>
      %select_n3A_2969 = arith.select %or3A_2967, %select_n3A_2965, %select_n3A_2918 : vector<16xi1>, vector<16xi32>
      %select_n3A_2970 = arith.select %or3A_2967, %select_n3A_2917, %select_n3A_2964 : vector<16xi1>, vector<16xf32>
      %select_n3A_2971 = arith.select %or3A_2967, %select_n3A_2918, %select_n3A_2965 : vector<16xi1>, vector<16xi32>
      %gt3A_2972 = arith.cmpf ogt, %select_n3A_2970, %select_n3A_2923 : vector<16xf32>
      %or3A_2973 = arith.ori %or3A_2967, %gt3A_2972 : vector<16xi1>
      %select_n3A_2974 = arith.select %or3A_2973, %select_n3A_2970, %select_n3A_2923 : vector<16xi1>, vector<16xf32>
      %select_n3A_2975 = arith.select %or3A_2973, %select_n3A_2971, %select_n3A_2924 : vector<16xi1>, vector<16xi32>
      %select_n3A_2976 = arith.select %or3A_2973, %select_n3A_2923, %select_n3A_2970 : vector<16xi1>, vector<16xf32>
      %select_n3A_2977 = arith.select %or3A_2973, %select_n3A_2924, %select_n3A_2971 : vector<16xi1>, vector<16xi32>
      %gt3A_2978 = arith.cmpf ogt, %select_n3A_2976, %select_n3A_2929 : vector<16xf32>
      %or3A_2979 = arith.ori %or3A_2973, %gt3A_2978 : vector<16xi1>
      %select_n3A_2980 = arith.select %or3A_2979, %select_n3A_2976, %select_n3A_2929 : vector<16xi1>, vector<16xf32>
      %select_n3A_2981 = arith.select %or3A_2979, %select_n3A_2977, %select_n3A_2930 : vector<16xi1>, vector<16xi32>
      %add3A_2982 = arith.constant 58 : i32
      %add3A_2983 = vector.broadcast %add3A_2982 : i32 to vector<16xi32>
      %add3A_2984 = arith.addi %add3A_27, %add3A_2983 : vector<16xi32>
      %gather3A_2985 = tpu.vector_load_idx %arg6[%add3A_2984] : memref<32768xf32, #tpu.memory_space<vmem>>[vector<16xi32>], vector<16xf32>,
      %broadcast_in_dim3A_2986 = arith.constant 58 : i32
      %broadcast_in_dim3A_2987 = vector.broadcast %broadcast_in_dim3A_2986 : i32 to vector<16xi32>
      %gt3A_2988 = arith.cmpf ogt, %gather3A_2985, %select_n3A_2938 : vector<16xf32>
      %select_n3A_2989 = arith.select %gt3A_2988, %gather3A_2985, %select_n3A_2938 : vector<16xi1>, vector<16xf32>
      %select_n3A_2990 = arith.select %gt3A_2988, %broadcast_in_dim3A_2987, %select_n3A_2939 : vector<16xi1>, vector<16xi32>
      %select_n3A_2991 = arith.select %gt3A_2988, %select_n3A_2938, %gather3A_2985 : vector<16xi1>, vector<16xf32>
      %select_n3A_2992 = arith.select %gt3A_2988, %select_n3A_2939, %broadcast_in_dim3A_2987 : vector<16xi1>, vector<16xi32>
      %gt3A_2993 = arith.cmpf ogt, %select_n3A_2991, %select_n3A_2944 : vector<16xf32>
      %or3A_2994 = arith.ori %gt3A_2988, %gt3A_2993 : vector<16xi1>
      %select_n3A_2995 = arith.select %or3A_2994, %select_n3A_2991, %select_n3A_2944 : vector<16xi1>, vector<16xf32>
      %select_n3A_2996 = arith.select %or3A_2994, %select_n3A_2992, %select_n3A_2945 : vector<16xi1>, vector<16xi32>
      %select_n3A_2997 = arith.select %or3A_2994, %select_n3A_2944, %select_n3A_2991 : vector<16xi1>, vector<16xf32>
      %select_n3A_2998 = arith.select %or3A_2994, %select_n3A_2945, %select_n3A_2992 : vector<16xi1>, vector<16xi32>
      %gt3A_2999 = arith.cmpf ogt, %select_n3A_2997, %select_n3A_2950 : vector<16xf32>
      %or3A_3000 = arith.ori %or3A_2994, %gt3A_2999 : vector<16xi1>
      %select_n3A_3001 = arith.select %or3A_3000, %select_n3A_2997, %select_n3A_2950 : vector<16xi1>, vector<16xf32>
      %select_n3A_3002 = arith.select %or3A_3000, %select_n3A_2998, %select_n3A_2951 : vector<16xi1>, vector<16xi32>
      %select_n3A_3003 = arith.select %or3A_3000, %select_n3A_2950, %select_n3A_2997 : vector<16xi1>, vector<16xf32>
      %select_n3A_3004 = arith.select %or3A_3000, %select_n3A_2951, %select_n3A_2998 : vector<16xi1>, vector<16xi32>
      %gt3A_3005 = arith.cmpf ogt, %select_n3A_3003, %select_n3A_2956 : vector<16xf32>
      %or3A_3006 = arith.ori %or3A_3000, %gt3A_3005 : vector<16xi1>
      %select_n3A_3007 = arith.select %or3A_3006, %select_n3A_3003, %select_n3A_2956 : vector<16xi1>, vector<16xf32>
      %select_n3A_3008 = arith.select %or3A_3006, %select_n3A_3004, %select_n3A_2957 : vector<16xi1>, vector<16xi32>
      %select_n3A_3009 = arith.select %or3A_3006, %select_n3A_2956, %select_n3A_3003 : vector<16xi1>, vector<16xf32>
      %select_n3A_3010 = arith.select %or3A_3006, %select_n3A_2957, %select_n3A_3004 : vector<16xi1>, vector<16xi32>
      %gt3A_3011 = arith.cmpf ogt, %select_n3A_3009, %select_n3A_2962 : vector<16xf32>
      %or3A_3012 = arith.ori %or3A_3006, %gt3A_3011 : vector<16xi1>
      %select_n3A_3013 = arith.select %or3A_3012, %select_n3A_3009, %select_n3A_2962 : vector<16xi1>, vector<16xf32>
      %select_n3A_3014 = arith.select %or3A_3012, %select_n3A_3010, %select_n3A_2963 : vector<16xi1>, vector<16xi32>
      %select_n3A_3015 = arith.select %or3A_3012, %select_n3A_2962, %select_n3A_3009 : vector<16xi1>, vector<16xf32>
      %select_n3A_3016 = arith.select %or3A_3012, %select_n3A_2963, %select_n3A_3010 : vector<16xi1>, vector<16xi32>
      %gt3A_3017 = arith.cmpf ogt, %select_n3A_3015, %select_n3A_2968 : vector<16xf32>
      %or3A_3018 = arith.ori %or3A_3012, %gt3A_3017 : vector<16xi1>
      %select_n3A_3019 = arith.select %or3A_3018, %select_n3A_3015, %select_n3A_2968 : vector<16xi1>, vector<16xf32>
      %select_n3A_3020 = arith.select %or3A_3018, %select_n3A_3016, %select_n3A_2969 : vector<16xi1>, vector<16xi32>
      %select_n3A_3021 = arith.select %or3A_3018, %select_n3A_2968, %select_n3A_3015 : vector<16xi1>, vector<16xf32>
      %select_n3A_3022 = arith.select %or3A_3018, %select_n3A_2969, %select_n3A_3016 : vector<16xi1>, vector<16xi32>
      %gt3A_3023 = arith.cmpf ogt, %select_n3A_3021, %select_n3A_2974 : vector<16xf32>
      %or3A_3024 = arith.ori %or3A_3018, %gt3A_3023 : vector<16xi1>
      %select_n3A_3025 = arith.select %or3A_3024, %select_n3A_3021, %select_n3A_2974 : vector<16xi1>, vector<16xf32>
      %select_n3A_3026 = arith.select %or3A_3024, %select_n3A_3022, %select_n3A_2975 : vector<16xi1>, vector<16xi32>
      %select_n3A_3027 = arith.select %or3A_3024, %select_n3A_2974, %select_n3A_3021 : vector<16xi1>, vector<16xf32>
      %select_n3A_3028 = arith.select %or3A_3024, %select_n3A_2975, %select_n3A_3022 : vector<16xi1>, vector<16xi32>
      %gt3A_3029 = arith.cmpf ogt, %select_n3A_3027, %select_n3A_2980 : vector<16xf32>
      %or3A_3030 = arith.ori %or3A_3024, %gt3A_3029 : vector<16xi1>
      %select_n3A_3031 = arith.select %or3A_3030, %select_n3A_3027, %select_n3A_2980 : vector<16xi1>, vector<16xf32>
      %select_n3A_3032 = arith.select %or3A_3030, %select_n3A_3028, %select_n3A_2981 : vector<16xi1>, vector<16xi32>
      %add3A_3033 = arith.constant 59 : i32
      %add3A_3034 = vector.broadcast %add3A_3033 : i32 to vector<16xi32>
      %add3A_3035 = arith.addi %add3A_27, %add3A_3034 : vector<16xi32>
      %gather3A_3036 = tpu.vector_load_idx %arg6[%add3A_3035] : memref<32768xf32, #tpu.memory_space<vmem>>[vector<16xi32>], vector<16xf32>,
      %broadcast_in_dim3A_3037 = arith.constant 59 : i32
      %broadcast_in_dim3A_3038 = vector.broadcast %broadcast_in_dim3A_3037 : i32 to vector<16xi32>
      %gt3A_3039 = arith.cmpf ogt, %gather3A_3036, %select_n3A_2989 : vector<16xf32>
      %select_n3A_3040 = arith.select %gt3A_3039, %gather3A_3036, %select_n3A_2989 : vector<16xi1>, vector<16xf32>
      %select_n3A_3041 = arith.select %gt3A_3039, %broadcast_in_dim3A_3038, %select_n3A_2990 : vector<16xi1>, vector<16xi32>
      %select_n3A_3042 = arith.select %gt3A_3039, %select_n3A_2989, %gather3A_3036 : vector<16xi1>, vector<16xf32>
      %select_n3A_3043 = arith.select %gt3A_3039, %select_n3A_2990, %broadcast_in_dim3A_3038 : vector<16xi1>, vector<16xi32>
      %gt3A_3044 = arith.cmpf ogt, %select_n3A_3042, %select_n3A_2995 : vector<16xf32>
      %or3A_3045 = arith.ori %gt3A_3039, %gt3A_3044 : vector<16xi1>
      %select_n3A_3046 = arith.select %or3A_3045, %select_n3A_3042, %select_n3A_2995 : vector<16xi1>, vector<16xf32>
      %select_n3A_3047 = arith.select %or3A_3045, %select_n3A_3043, %select_n3A_2996 : vector<16xi1>, vector<16xi32>
      %select_n3A_3048 = arith.select %or3A_3045, %select_n3A_2995, %select_n3A_3042 : vector<16xi1>, vector<16xf32>
      %select_n3A_3049 = arith.select %or3A_3045, %select_n3A_2996, %select_n3A_3043 : vector<16xi1>, vector<16xi32>
      %gt3A_3050 = arith.cmpf ogt, %select_n3A_3048, %select_n3A_3001 : vector<16xf32>
      %or3A_3051 = arith.ori %or3A_3045, %gt3A_3050 : vector<16xi1>
      %select_n3A_3052 = arith.select %or3A_3051, %select_n3A_3048, %select_n3A_3001 : vector<16xi1>, vector<16xf32>
      %select_n3A_3053 = arith.select %or3A_3051, %select_n3A_3049, %select_n3A_3002 : vector<16xi1>, vector<16xi32>
      %select_n3A_3054 = arith.select %or3A_3051, %select_n3A_3001, %select_n3A_3048 : vector<16xi1>, vector<16xf32>
      %select_n3A_3055 = arith.select %or3A_3051, %select_n3A_3002, %select_n3A_3049 : vector<16xi1>, vector<16xi32>
      %gt3A_3056 = arith.cmpf ogt, %select_n3A_3054, %select_n3A_3007 : vector<16xf32>
      %or3A_3057 = arith.ori %or3A_3051, %gt3A_3056 : vector<16xi1>
      %select_n3A_3058 = arith.select %or3A_3057, %select_n3A_3054, %select_n3A_3007 : vector<16xi1>, vector<16xf32>
      %select_n3A_3059 = arith.select %or3A_3057, %select_n3A_3055, %select_n3A_3008 : vector<16xi1>, vector<16xi32>
      %select_n3A_3060 = arith.select %or3A_3057, %select_n3A_3007, %select_n3A_3054 : vector<16xi1>, vector<16xf32>
      %select_n3A_3061 = arith.select %or3A_3057, %select_n3A_3008, %select_n3A_3055 : vector<16xi1>, vector<16xi32>
      %gt3A_3062 = arith.cmpf ogt, %select_n3A_3060, %select_n3A_3013 : vector<16xf32>
      %or3A_3063 = arith.ori %or3A_3057, %gt3A_3062 : vector<16xi1>
      %select_n3A_3064 = arith.select %or3A_3063, %select_n3A_3060, %select_n3A_3013 : vector<16xi1>, vector<16xf32>
      %select_n3A_3065 = arith.select %or3A_3063, %select_n3A_3061, %select_n3A_3014 : vector<16xi1>, vector<16xi32>
      %select_n3A_3066 = arith.select %or3A_3063, %select_n3A_3013, %select_n3A_3060 : vector<16xi1>, vector<16xf32>
      %select_n3A_3067 = arith.select %or3A_3063, %select_n3A_3014, %select_n3A_3061 : vector<16xi1>, vector<16xi32>
      %gt3A_3068 = arith.cmpf ogt, %select_n3A_3066, %select_n3A_3019 : vector<16xf32>
      %or3A_3069 = arith.ori %or3A_3063, %gt3A_3068 : vector<16xi1>
      %select_n3A_3070 = arith.select %or3A_3069, %select_n3A_3066, %select_n3A_3019 : vector<16xi1>, vector<16xf32>
      %select_n3A_3071 = arith.select %or3A_3069, %select_n3A_3067, %select_n3A_3020 : vector<16xi1>, vector<16xi32>
      %select_n3A_3072 = arith.select %or3A_3069, %select_n3A_3019, %select_n3A_3066 : vector<16xi1>, vector<16xf32>
      %select_n3A_3073 = arith.select %or3A_3069, %select_n3A_3020, %select_n3A_3067 : vector<16xi1>, vector<16xi32>
      %gt3A_3074 = arith.cmpf ogt, %select_n3A_3072, %select_n3A_3025 : vector<16xf32>
      %or3A_3075 = arith.ori %or3A_3069, %gt3A_3074 : vector<16xi1>
      %select_n3A_3076 = arith.select %or3A_3075, %select_n3A_3072, %select_n3A_3025 : vector<16xi1>, vector<16xf32>
      %select_n3A_3077 = arith.select %or3A_3075, %select_n3A_3073, %select_n3A_3026 : vector<16xi1>, vector<16xi32>
      %select_n3A_3078 = arith.select %or3A_3075, %select_n3A_3025, %select_n3A_3072 : vector<16xi1>, vector<16xf32>
      %select_n3A_3079 = arith.select %or3A_3075, %select_n3A_3026, %select_n3A_3073 : vector<16xi1>, vector<16xi32>
      %gt3A_3080 = arith.cmpf ogt, %select_n3A_3078, %select_n3A_3031 : vector<16xf32>
      %or3A_3081 = arith.ori %or3A_3075, %gt3A_3080 : vector<16xi1>
      %select_n3A_3082 = arith.select %or3A_3081, %select_n3A_3078, %select_n3A_3031 : vector<16xi1>, vector<16xf32>
      %select_n3A_3083 = arith.select %or3A_3081, %select_n3A_3079, %select_n3A_3032 : vector<16xi1>, vector<16xi32>
      %add3A_3084 = arith.constant 60 : i32
      %add3A_3085 = vector.broadcast %add3A_3084 : i32 to vector<16xi32>
      %add3A_3086 = arith.addi %add3A_27, %add3A_3085 : vector<16xi32>
      %gather3A_3087 = tpu.vector_load_idx %arg6[%add3A_3086] : memref<32768xf32, #tpu.memory_space<vmem>>[vector<16xi32>], vector<16xf32>,
      %broadcast_in_dim3A_3088 = arith.constant 60 : i32
      %broadcast_in_dim3A_3089 = vector.broadcast %broadcast_in_dim3A_3088 : i32 to vector<16xi32>
      %gt3A_3090 = arith.cmpf ogt, %gather3A_3087, %select_n3A_3040 : vector<16xf32>
      %select_n3A_3091 = arith.select %gt3A_3090, %gather3A_3087, %select_n3A_3040 : vector<16xi1>, vector<16xf32>
      %select_n3A_3092 = arith.select %gt3A_3090, %broadcast_in_dim3A_3089, %select_n3A_3041 : vector<16xi1>, vector<16xi32>
      %select_n3A_3093 = arith.select %gt3A_3090, %select_n3A_3040, %gather3A_3087 : vector<16xi1>, vector<16xf32>
      %select_n3A_3094 = arith.select %gt3A_3090, %select_n3A_3041, %broadcast_in_dim3A_3089 : vector<16xi1>, vector<16xi32>
      %gt3A_3095 = arith.cmpf ogt, %select_n3A_3093, %select_n3A_3046 : vector<16xf32>
      %or3A_3096 = arith.ori %gt3A_3090, %gt3A_3095 : vector<16xi1>
      %select_n3A_3097 = arith.select %or3A_3096, %select_n3A_3093, %select_n3A_3046 : vector<16xi1>, vector<16xf32>
      %select_n3A_3098 = arith.select %or3A_3096, %select_n3A_3094, %select_n3A_3047 : vector<16xi1>, vector<16xi32>
      %select_n3A_3099 = arith.select %or3A_3096, %select_n3A_3046, %select_n3A_3093 : vector<16xi1>, vector<16xf32>
      %select_n3A_3100 = arith.select %or3A_3096, %select_n3A_3047, %select_n3A_3094 : vector<16xi1>, vector<16xi32>
      %gt3A_3101 = arith.cmpf ogt, %select_n3A_3099, %select_n3A_3052 : vector<16xf32>
      %or3A_3102 = arith.ori %or3A_3096, %gt3A_3101 : vector<16xi1>
      %select_n3A_3103 = arith.select %or3A_3102, %select_n3A_3099, %select_n3A_3052 : vector<16xi1>, vector<16xf32>
      %select_n3A_3104 = arith.select %or3A_3102, %select_n3A_3100, %select_n3A_3053 : vector<16xi1>, vector<16xi32>
      %select_n3A_3105 = arith.select %or3A_3102, %select_n3A_3052, %select_n3A_3099 : vector<16xi1>, vector<16xf32>
      %select_n3A_3106 = arith.select %or3A_3102, %select_n3A_3053, %select_n3A_3100 : vector<16xi1>, vector<16xi32>
      %gt3A_3107 = arith.cmpf ogt, %select_n3A_3105, %select_n3A_3058 : vector<16xf32>
      %or3A_3108 = arith.ori %or3A_3102, %gt3A_3107 : vector<16xi1>
      %select_n3A_3109 = arith.select %or3A_3108, %select_n3A_3105, %select_n3A_3058 : vector<16xi1>, vector<16xf32>
      %select_n3A_3110 = arith.select %or3A_3108, %select_n3A_3106, %select_n3A_3059 : vector<16xi1>, vector<16xi32>
      %select_n3A_3111 = arith.select %or3A_3108, %select_n3A_3058, %select_n3A_3105 : vector<16xi1>, vector<16xf32>
      %select_n3A_3112 = arith.select %or3A_3108, %select_n3A_3059, %select_n3A_3106 : vector<16xi1>, vector<16xi32>
      %gt3A_3113 = arith.cmpf ogt, %select_n3A_3111, %select_n3A_3064 : vector<16xf32>
      %or3A_3114 = arith.ori %or3A_3108, %gt3A_3113 : vector<16xi1>
      %select_n3A_3115 = arith.select %or3A_3114, %select_n3A_3111, %select_n3A_3064 : vector<16xi1>, vector<16xf32>
      %select_n3A_3116 = arith.select %or3A_3114, %select_n3A_3112, %select_n3A_3065 : vector<16xi1>, vector<16xi32>
      %select_n3A_3117 = arith.select %or3A_3114, %select_n3A_3064, %select_n3A_3111 : vector<16xi1>, vector<16xf32>
      %select_n3A_3118 = arith.select %or3A_3114, %select_n3A_3065, %select_n3A_3112 : vector<16xi1>, vector<16xi32>
      %gt3A_3119 = arith.cmpf ogt, %select_n3A_3117, %select_n3A_3070 : vector<16xf32>
      %or3A_3120 = arith.ori %or3A_3114, %gt3A_3119 : vector<16xi1>
      %select_n3A_3121 = arith.select %or3A_3120, %select_n3A_3117, %select_n3A_3070 : vector<16xi1>, vector<16xf32>
      %select_n3A_3122 = arith.select %or3A_3120, %select_n3A_3118, %select_n3A_3071 : vector<16xi1>, vector<16xi32>
      %select_n3A_3123 = arith.select %or3A_3120, %select_n3A_3070, %select_n3A_3117 : vector<16xi1>, vector<16xf32>
      %select_n3A_3124 = arith.select %or3A_3120, %select_n3A_3071, %select_n3A_3118 : vector<16xi1>, vector<16xi32>
      %gt3A_3125 = arith.cmpf ogt, %select_n3A_3123, %select_n3A_3076 : vector<16xf32>
      %or3A_3126 = arith.ori %or3A_3120, %gt3A_3125 : vector<16xi1>
      %select_n3A_3127 = arith.select %or3A_3126, %select_n3A_3123, %select_n3A_3076 : vector<16xi1>, vector<16xf32>
      %select_n3A_3128 = arith.select %or3A_3126, %select_n3A_3124, %select_n3A_3077 : vector<16xi1>, vector<16xi32>
      %select_n3A_3129 = arith.select %or3A_3126, %select_n3A_3076, %select_n3A_3123 : vector<16xi1>, vector<16xf32>
      %select_n3A_3130 = arith.select %or3A_3126, %select_n3A_3077, %select_n3A_3124 : vector<16xi1>, vector<16xi32>
      %gt3A_3131 = arith.cmpf ogt, %select_n3A_3129, %select_n3A_3082 : vector<16xf32>
      %or3A_3132 = arith.ori %or3A_3126, %gt3A_3131 : vector<16xi1>
      %select_n3A_3133 = arith.select %or3A_3132, %select_n3A_3129, %select_n3A_3082 : vector<16xi1>, vector<16xf32>
      %select_n3A_3134 = arith.select %or3A_3132, %select_n3A_3130, %select_n3A_3083 : vector<16xi1>, vector<16xi32>
      %add3A_3135 = arith.constant 61 : i32
      %add3A_3136 = vector.broadcast %add3A_3135 : i32 to vector<16xi32>
      %add3A_3137 = arith.addi %add3A_27, %add3A_3136 : vector<16xi32>
      %gather3A_3138 = tpu.vector_load_idx %arg6[%add3A_3137] : memref<32768xf32, #tpu.memory_space<vmem>>[vector<16xi32>], vector<16xf32>,
      %broadcast_in_dim3A_3139 = arith.constant 61 : i32
      %broadcast_in_dim3A_3140 = vector.broadcast %broadcast_in_dim3A_3139 : i32 to vector<16xi32>
      %gt3A_3141 = arith.cmpf ogt, %gather3A_3138, %select_n3A_3091 : vector<16xf32>
      %select_n3A_3142 = arith.select %gt3A_3141, %gather3A_3138, %select_n3A_3091 : vector<16xi1>, vector<16xf32>
      %select_n3A_3143 = arith.select %gt3A_3141, %broadcast_in_dim3A_3140, %select_n3A_3092 : vector<16xi1>, vector<16xi32>
      %select_n3A_3144 = arith.select %gt3A_3141, %select_n3A_3091, %gather3A_3138 : vector<16xi1>, vector<16xf32>
      %select_n3A_3145 = arith.select %gt3A_3141, %select_n3A_3092, %broadcast_in_dim3A_3140 : vector<16xi1>, vector<16xi32>
      %gt3A_3146 = arith.cmpf ogt, %select_n3A_3144, %select_n3A_3097 : vector<16xf32>
      %or3A_3147 = arith.ori %gt3A_3141, %gt3A_3146 : vector<16xi1>
      %select_n3A_3148 = arith.select %or3A_3147, %select_n3A_3144, %select_n3A_3097 : vector<16xi1>, vector<16xf32>
      %select_n3A_3149 = arith.select %or3A_3147, %select_n3A_3145, %select_n3A_3098 : vector<16xi1>, vector<16xi32>
      %select_n3A_3150 = arith.select %or3A_3147, %select_n3A_3097, %select_n3A_3144 : vector<16xi1>, vector<16xf32>
      %select_n3A_3151 = arith.select %or3A_3147, %select_n3A_3098, %select_n3A_3145 : vector<16xi1>, vector<16xi32>
      %gt3A_3152 = arith.cmpf ogt, %select_n3A_3150, %select_n3A_3103 : vector<16xf32>
      %or3A_3153 = arith.ori %or3A_3147, %gt3A_3152 : vector<16xi1>
      %select_n3A_3154 = arith.select %or3A_3153, %select_n3A_3150, %select_n3A_3103 : vector<16xi1>, vector<16xf32>
      %select_n3A_3155 = arith.select %or3A_3153, %select_n3A_3151, %select_n3A_3104 : vector<16xi1>, vector<16xi32>
      %select_n3A_3156 = arith.select %or3A_3153, %select_n3A_3103, %select_n3A_3150 : vector<16xi1>, vector<16xf32>
      %select_n3A_3157 = arith.select %or3A_3153, %select_n3A_3104, %select_n3A_3151 : vector<16xi1>, vector<16xi32>
      %gt3A_3158 = arith.cmpf ogt, %select_n3A_3156, %select_n3A_3109 : vector<16xf32>
      %or3A_3159 = arith.ori %or3A_3153, %gt3A_3158 : vector<16xi1>
      %select_n3A_3160 = arith.select %or3A_3159, %select_n3A_3156, %select_n3A_3109 : vector<16xi1>, vector<16xf32>
      %select_n3A_3161 = arith.select %or3A_3159, %select_n3A_3157, %select_n3A_3110 : vector<16xi1>, vector<16xi32>
      %select_n3A_3162 = arith.select %or3A_3159, %select_n3A_3109, %select_n3A_3156 : vector<16xi1>, vector<16xf32>
      %select_n3A_3163 = arith.select %or3A_3159, %select_n3A_3110, %select_n3A_3157 : vector<16xi1>, vector<16xi32>
      %gt3A_3164 = arith.cmpf ogt, %select_n3A_3162, %select_n3A_3115 : vector<16xf32>
      %or3A_3165 = arith.ori %or3A_3159, %gt3A_3164 : vector<16xi1>
      %select_n3A_3166 = arith.select %or3A_3165, %select_n3A_3162, %select_n3A_3115 : vector<16xi1>, vector<16xf32>
      %select_n3A_3167 = arith.select %or3A_3165, %select_n3A_3163, %select_n3A_3116 : vector<16xi1>, vector<16xi32>
      %select_n3A_3168 = arith.select %or3A_3165, %select_n3A_3115, %select_n3A_3162 : vector<16xi1>, vector<16xf32>
      %select_n3A_3169 = arith.select %or3A_3165, %select_n3A_3116, %select_n3A_3163 : vector<16xi1>, vector<16xi32>
      %gt3A_3170 = arith.cmpf ogt, %select_n3A_3168, %select_n3A_3121 : vector<16xf32>
      %or3A_3171 = arith.ori %or3A_3165, %gt3A_3170 : vector<16xi1>
      %select_n3A_3172 = arith.select %or3A_3171, %select_n3A_3168, %select_n3A_3121 : vector<16xi1>, vector<16xf32>
      %select_n3A_3173 = arith.select %or3A_3171, %select_n3A_3169, %select_n3A_3122 : vector<16xi1>, vector<16xi32>
      %select_n3A_3174 = arith.select %or3A_3171, %select_n3A_3121, %select_n3A_3168 : vector<16xi1>, vector<16xf32>
      %select_n3A_3175 = arith.select %or3A_3171, %select_n3A_3122, %select_n3A_3169 : vector<16xi1>, vector<16xi32>
      %gt3A_3176 = arith.cmpf ogt, %select_n3A_3174, %select_n3A_3127 : vector<16xf32>
      %or3A_3177 = arith.ori %or3A_3171, %gt3A_3176 : vector<16xi1>
      %select_n3A_3178 = arith.select %or3A_3177, %select_n3A_3174, %select_n3A_3127 : vector<16xi1>, vector<16xf32>
      %select_n3A_3179 = arith.select %or3A_3177, %select_n3A_3175, %select_n3A_3128 : vector<16xi1>, vector<16xi32>
      %select_n3A_3180 = arith.select %or3A_3177, %select_n3A_3127, %select_n3A_3174 : vector<16xi1>, vector<16xf32>
      %select_n3A_3181 = arith.select %or3A_3177, %select_n3A_3128, %select_n3A_3175 : vector<16xi1>, vector<16xi32>
      %gt3A_3182 = arith.cmpf ogt, %select_n3A_3180, %select_n3A_3133 : vector<16xf32>
      %or3A_3183 = arith.ori %or3A_3177, %gt3A_3182 : vector<16xi1>
      %select_n3A_3184 = arith.select %or3A_3183, %select_n3A_3180, %select_n3A_3133 : vector<16xi1>, vector<16xf32>
      %select_n3A_3185 = arith.select %or3A_3183, %select_n3A_3181, %select_n3A_3134 : vector<16xi1>, vector<16xi32>
      %add3A_3186 = arith.constant 62 : i32
      %add3A_3187 = vector.broadcast %add3A_3186 : i32 to vector<16xi32>
      %add3A_3188 = arith.addi %add3A_27, %add3A_3187 : vector<16xi32>
      %gather3A_3189 = tpu.vector_load_idx %arg6[%add3A_3188] : memref<32768xf32, #tpu.memory_space<vmem>>[vector<16xi32>], vector<16xf32>,
      %broadcast_in_dim3A_3190 = arith.constant 62 : i32
      %broadcast_in_dim3A_3191 = vector.broadcast %broadcast_in_dim3A_3190 : i32 to vector<16xi32>
      %gt3A_3192 = arith.cmpf ogt, %gather3A_3189, %select_n3A_3142 : vector<16xf32>
      %select_n3A_3193 = arith.select %gt3A_3192, %gather3A_3189, %select_n3A_3142 : vector<16xi1>, vector<16xf32>
      %select_n3A_3194 = arith.select %gt3A_3192, %broadcast_in_dim3A_3191, %select_n3A_3143 : vector<16xi1>, vector<16xi32>
      %select_n3A_3195 = arith.select %gt3A_3192, %select_n3A_3142, %gather3A_3189 : vector<16xi1>, vector<16xf32>
      %select_n3A_3196 = arith.select %gt3A_3192, %select_n3A_3143, %broadcast_in_dim3A_3191 : vector<16xi1>, vector<16xi32>
      %gt3A_3197 = arith.cmpf ogt, %select_n3A_3195, %select_n3A_3148 : vector<16xf32>
      %or3A_3198 = arith.ori %gt3A_3192, %gt3A_3197 : vector<16xi1>
      %select_n3A_3199 = arith.select %or3A_3198, %select_n3A_3195, %select_n3A_3148 : vector<16xi1>, vector<16xf32>
      %select_n3A_3200 = arith.select %or3A_3198, %select_n3A_3196, %select_n3A_3149 : vector<16xi1>, vector<16xi32>
      %select_n3A_3201 = arith.select %or3A_3198, %select_n3A_3148, %select_n3A_3195 : vector<16xi1>, vector<16xf32>
      %select_n3A_3202 = arith.select %or3A_3198, %select_n3A_3149, %select_n3A_3196 : vector<16xi1>, vector<16xi32>
      %gt3A_3203 = arith.cmpf ogt, %select_n3A_3201, %select_n3A_3154 : vector<16xf32>
      %or3A_3204 = arith.ori %or3A_3198, %gt3A_3203 : vector<16xi1>
      %select_n3A_3205 = arith.select %or3A_3204, %select_n3A_3201, %select_n3A_3154 : vector<16xi1>, vector<16xf32>
      %select_n3A_3206 = arith.select %or3A_3204, %select_n3A_3202, %select_n3A_3155 : vector<16xi1>, vector<16xi32>
      %select_n3A_3207 = arith.select %or3A_3204, %select_n3A_3154, %select_n3A_3201 : vector<16xi1>, vector<16xf32>
      %select_n3A_3208 = arith.select %or3A_3204, %select_n3A_3155, %select_n3A_3202 : vector<16xi1>, vector<16xi32>
      %gt3A_3209 = arith.cmpf ogt, %select_n3A_3207, %select_n3A_3160 : vector<16xf32>
      %or3A_3210 = arith.ori %or3A_3204, %gt3A_3209 : vector<16xi1>
      %select_n3A_3211 = arith.select %or3A_3210, %select_n3A_3207, %select_n3A_3160 : vector<16xi1>, vector<16xf32>
      %select_n3A_3212 = arith.select %or3A_3210, %select_n3A_3208, %select_n3A_3161 : vector<16xi1>, vector<16xi32>
      %select_n3A_3213 = arith.select %or3A_3210, %select_n3A_3160, %select_n3A_3207 : vector<16xi1>, vector<16xf32>
      %select_n3A_3214 = arith.select %or3A_3210, %select_n3A_3161, %select_n3A_3208 : vector<16xi1>, vector<16xi32>
      %gt3A_3215 = arith.cmpf ogt, %select_n3A_3213, %select_n3A_3166 : vector<16xf32>
      %or3A_3216 = arith.ori %or3A_3210, %gt3A_3215 : vector<16xi1>
      %select_n3A_3217 = arith.select %or3A_3216, %select_n3A_3213, %select_n3A_3166 : vector<16xi1>, vector<16xf32>
      %select_n3A_3218 = arith.select %or3A_3216, %select_n3A_3214, %select_n3A_3167 : vector<16xi1>, vector<16xi32>
      %select_n3A_3219 = arith.select %or3A_3216, %select_n3A_3166, %select_n3A_3213 : vector<16xi1>, vector<16xf32>
      %select_n3A_3220 = arith.select %or3A_3216, %select_n3A_3167, %select_n3A_3214 : vector<16xi1>, vector<16xi32>
      %gt3A_3221 = arith.cmpf ogt, %select_n3A_3219, %select_n3A_3172 : vector<16xf32>
      %or3A_3222 = arith.ori %or3A_3216, %gt3A_3221 : vector<16xi1>
      %select_n3A_3223 = arith.select %or3A_3222, %select_n3A_3219, %select_n3A_3172 : vector<16xi1>, vector<16xf32>
      %select_n3A_3224 = arith.select %or3A_3222, %select_n3A_3220, %select_n3A_3173 : vector<16xi1>, vector<16xi32>
      %select_n3A_3225 = arith.select %or3A_3222, %select_n3A_3172, %select_n3A_3219 : vector<16xi1>, vector<16xf32>
      %select_n3A_3226 = arith.select %or3A_3222, %select_n3A_3173, %select_n3A_3220 : vector<16xi1>, vector<16xi32>
      %gt3A_3227 = arith.cmpf ogt, %select_n3A_3225, %select_n3A_3178 : vector<16xf32>
      %or3A_3228 = arith.ori %or3A_3222, %gt3A_3227 : vector<16xi1>
      %select_n3A_3229 = arith.select %or3A_3228, %select_n3A_3225, %select_n3A_3178 : vector<16xi1>, vector<16xf32>
      %select_n3A_3230 = arith.select %or3A_3228, %select_n3A_3226, %select_n3A_3179 : vector<16xi1>, vector<16xi32>
      %select_n3A_3231 = arith.select %or3A_3228, %select_n3A_3178, %select_n3A_3225 : vector<16xi1>, vector<16xf32>
      %select_n3A_3232 = arith.select %or3A_3228, %select_n3A_3179, %select_n3A_3226 : vector<16xi1>, vector<16xi32>
      %gt3A_3233 = arith.cmpf ogt, %select_n3A_3231, %select_n3A_3184 : vector<16xf32>
      %or3A_3234 = arith.ori %or3A_3228, %gt3A_3233 : vector<16xi1>
      %select_n3A_3235 = arith.select %or3A_3234, %select_n3A_3231, %select_n3A_3184 : vector<16xi1>, vector<16xf32>
      %select_n3A_3236 = arith.select %or3A_3234, %select_n3A_3232, %select_n3A_3185 : vector<16xi1>, vector<16xi32>
      %add3A_3237 = arith.constant 63 : i32
      %add3A_3238 = vector.broadcast %add3A_3237 : i32 to vector<16xi32>
      %add3A_3239 = arith.addi %add3A_27, %add3A_3238 : vector<16xi32>
      %gather3A_3240 = tpu.vector_load_idx %arg6[%add3A_3239] : memref<32768xf32, #tpu.memory_space<vmem>>[vector<16xi32>], vector<16xf32>,
      %broadcast_in_dim3A_3241 = arith.constant 63 : i32
      %broadcast_in_dim3A_3242 = vector.broadcast %broadcast_in_dim3A_3241 : i32 to vector<16xi32>
      %gt3A_3243 = arith.cmpf ogt, %gather3A_3240, %select_n3A_3193 : vector<16xf32>
      %select_n3A_3244 = arith.select %gt3A_3243, %gather3A_3240, %select_n3A_3193 : vector<16xi1>, vector<16xf32>
      %select_n3A_3245 = arith.select %gt3A_3243, %broadcast_in_dim3A_3242, %select_n3A_3194 : vector<16xi1>, vector<16xi32>
      %select_n3A_3246 = arith.select %gt3A_3243, %select_n3A_3193, %gather3A_3240 : vector<16xi1>, vector<16xf32>
      %select_n3A_3247 = arith.select %gt3A_3243, %select_n3A_3194, %broadcast_in_dim3A_3242 : vector<16xi1>, vector<16xi32>
      %gt3A_3248 = arith.cmpf ogt, %select_n3A_3246, %select_n3A_3199 : vector<16xf32>
      %or3A_3249 = arith.ori %gt3A_3243, %gt3A_3248 : vector<16xi1>
      %select_n3A_3250 = arith.select %or3A_3249, %select_n3A_3246, %select_n3A_3199 : vector<16xi1>, vector<16xf32>
      %select_n3A_3251 = arith.select %or3A_3249, %select_n3A_3247, %select_n3A_3200 : vector<16xi1>, vector<16xi32>
      %select_n3A_3252 = arith.select %or3A_3249, %select_n3A_3199, %select_n3A_3246 : vector<16xi1>, vector<16xf32>
      %select_n3A_3253 = arith.select %or3A_3249, %select_n3A_3200, %select_n3A_3247 : vector<16xi1>, vector<16xi32>
      %gt3A_3254 = arith.cmpf ogt, %select_n3A_3252, %select_n3A_3205 : vector<16xf32>
      %or3A_3255 = arith.ori %or3A_3249, %gt3A_3254 : vector<16xi1>
      %select_n3A_3256 = arith.select %or3A_3255, %select_n3A_3252, %select_n3A_3205 : vector<16xi1>, vector<16xf32>
      %select_n3A_3257 = arith.select %or3A_3255, %select_n3A_3253, %select_n3A_3206 : vector<16xi1>, vector<16xi32>
      %select_n3A_3258 = arith.select %or3A_3255, %select_n3A_3205, %select_n3A_3252 : vector<16xi1>, vector<16xf32>
      %select_n3A_3259 = arith.select %or3A_3255, %select_n3A_3206, %select_n3A_3253 : vector<16xi1>, vector<16xi32>
      %gt3A_3260 = arith.cmpf ogt, %select_n3A_3258, %select_n3A_3211 : vector<16xf32>
      %or3A_3261 = arith.ori %or3A_3255, %gt3A_3260 : vector<16xi1>
      %select_n3A_3262 = arith.select %or3A_3261, %select_n3A_3258, %select_n3A_3211 : vector<16xi1>, vector<16xf32>
      %select_n3A_3263 = arith.select %or3A_3261, %select_n3A_3259, %select_n3A_3212 : vector<16xi1>, vector<16xi32>
      %select_n3A_3264 = arith.select %or3A_3261, %select_n3A_3211, %select_n3A_3258 : vector<16xi1>, vector<16xf32>
      %select_n3A_3265 = arith.select %or3A_3261, %select_n3A_3212, %select_n3A_3259 : vector<16xi1>, vector<16xi32>
      %gt3A_3266 = arith.cmpf ogt, %select_n3A_3264, %select_n3A_3217 : vector<16xf32>
      %or3A_3267 = arith.ori %or3A_3261, %gt3A_3266 : vector<16xi1>
      %select_n3A_3268 = arith.select %or3A_3267, %select_n3A_3264, %select_n3A_3217 : vector<16xi1>, vector<16xf32>
      %select_n3A_3269 = arith.select %or3A_3267, %select_n3A_3265, %select_n3A_3218 : vector<16xi1>, vector<16xi32>
      %select_n3A_3270 = arith.select %or3A_3267, %select_n3A_3217, %select_n3A_3264 : vector<16xi1>, vector<16xf32>
      %select_n3A_3271 = arith.select %or3A_3267, %select_n3A_3218, %select_n3A_3265 : vector<16xi1>, vector<16xi32>
      %gt3A_3272 = arith.cmpf ogt, %select_n3A_3270, %select_n3A_3223 : vector<16xf32>
      %or3A_3273 = arith.ori %or3A_3267, %gt3A_3272 : vector<16xi1>
      %select_n3A_3274 = arith.select %or3A_3273, %select_n3A_3270, %select_n3A_3223 : vector<16xi1>, vector<16xf32>
      %select_n3A_3275 = arith.select %or3A_3273, %select_n3A_3271, %select_n3A_3224 : vector<16xi1>, vector<16xi32>
      %select_n3A_3276 = arith.select %or3A_3273, %select_n3A_3223, %select_n3A_3270 : vector<16xi1>, vector<16xf32>
      %select_n3A_3277 = arith.select %or3A_3273, %select_n3A_3224, %select_n3A_3271 : vector<16xi1>, vector<16xi32>
      %gt3A_3278 = arith.cmpf ogt, %select_n3A_3276, %select_n3A_3229 : vector<16xf32>
      %or3A_3279 = arith.ori %or3A_3273, %gt3A_3278 : vector<16xi1>
      %select_n3A_3280 = arith.select %or3A_3279, %select_n3A_3276, %select_n3A_3229 : vector<16xi1>, vector<16xf32>
      %select_n3A_3281 = arith.select %or3A_3279, %select_n3A_3277, %select_n3A_3230 : vector<16xi1>, vector<16xi32>
      %select_n3A_3282 = arith.select %or3A_3279, %select_n3A_3229, %select_n3A_3276 : vector<16xi1>, vector<16xf32>
      %select_n3A_3283 = arith.select %or3A_3279, %select_n3A_3230, %select_n3A_3277 : vector<16xi1>, vector<16xi32>
      %gt3A_3284 = arith.cmpf ogt, %select_n3A_3282, %select_n3A_3235 : vector<16xf32>
      %or3A_3285 = arith.ori %or3A_3279, %gt3A_3284 : vector<16xi1>
      %select_n3A_3286 = arith.select %or3A_3285, %select_n3A_3282, %select_n3A_3235 : vector<16xi1>, vector<16xf32>
      %select_n3A_3287 = arith.select %or3A_3285, %select_n3A_3283, %select_n3A_3236 : vector<16xi1>, vector<16xi32>
      %sub3A = arith.subf %select_n3A_3244, %select_n3A_3244 : vector<16xf32>
      %exp3A = math.exp %sub3A : vector<16xf32>
      %sub3A_3288 = arith.subf %select_n3A_3250, %select_n3A_3244 : vector<16xf32>
      %exp3A_3289 = math.exp %sub3A_3288 : vector<16xf32>
      %sub3A_3290 = arith.subf %select_n3A_3256, %select_n3A_3244 : vector<16xf32>
      %exp3A_3291 = math.exp %sub3A_3290 : vector<16xf32>
      %sub3A_3292 = arith.subf %select_n3A_3262, %select_n3A_3244 : vector<16xf32>
      %exp3A_3293 = math.exp %sub3A_3292 : vector<16xf32>
      %sub3A_3294 = arith.subf %select_n3A_3268, %select_n3A_3244 : vector<16xf32>
      %exp3A_3295 = math.exp %sub3A_3294 : vector<16xf32>
      %sub3A_3296 = arith.subf %select_n3A_3274, %select_n3A_3244 : vector<16xf32>
      %exp3A_3297 = math.exp %sub3A_3296 : vector<16xf32>
      %sub3A_3298 = arith.subf %select_n3A_3280, %select_n3A_3244 : vector<16xf32>
      %exp3A_3299 = math.exp %sub3A_3298 : vector<16xf32>
      %sub3A_3300 = arith.subf %select_n3A_3286, %select_n3A_3244 : vector<16xf32>
      %exp3A_3301 = math.exp %sub3A_3300 : vector<16xf32>
      %add3A_3302 = arith.addf %exp3A, %exp3A_3289 : vector<16xf32>
      %add3A_3303 = arith.addf %add3A_3302, %exp3A_3291 : vector<16xf32>
      %add3A_3304 = arith.addf %add3A_3303, %exp3A_3293 : vector<16xf32>
      %add3A_3305 = arith.addf %add3A_3304, %exp3A_3295 : vector<16xf32>
      %add3A_3306 = arith.addf %add3A_3305, %exp3A_3297 : vector<16xf32>
      %add3A_3307 = arith.addf %add3A_3306, %exp3A_3299 : vector<16xf32>
      %add3A_3308 = arith.addf %add3A_3307, %exp3A_3301 : vector<16xf32>
      %div3A = arith.constant 1.000000e+00 : f32
      %div3A_3309 = vector.broadcast %div3A : f32 to vector<16xf32>
      %div3A_3310 = arith.divf %div3A_3309, %add3A_3308 : vector<16xf32>
      %add3A_3311 = arith.constant 0 : i32
      %add3A_3312 = arith.addi %mul3A_25, %add3A_3311 : i32
      %swap3A = arith.index_cast %add3A_3312 : i32 to index
      %swap3A_3313 = tpu.vector_load %arg7[%swap3A] {strides = array<i32>} : memref<32768xf32, #tpu.memory_space<vmem>>, vector<16xf32>,
      tpu.vector_store %arg7[%swap3A], %broadcast_in_dim3A_8 {strides = array<i32>} : memref<32768xf32, #tpu.memory_space<vmem>>, vector<16xf32>,
      %add3A_3314 = arith.constant 16 : i32
      %add3A_3315 = arith.addi %mul3A_25, %add3A_3314 : i32
      %swap3A_3316 = arith.index_cast %add3A_3315 : i32 to index
      %swap3A_3317 = tpu.vector_load %arg7[%swap3A_3316] {strides = array<i32>} : memref<32768xf32, #tpu.memory_space<vmem>>, vector<16xf32>,
      tpu.vector_store %arg7[%swap3A_3316], %broadcast_in_dim3A_8 {strides = array<i32>} : memref<32768xf32, #tpu.memory_space<vmem>>, vector<16xf32>,
      %add3A_3318 = arith.constant 32 : i32
      %add3A_3319 = arith.addi %mul3A_25, %add3A_3318 : i32
      %swap3A_3320 = arith.index_cast %add3A_3319 : i32 to index
      %swap3A_3321 = tpu.vector_load %arg7[%swap3A_3320] {strides = array<i32>} : memref<32768xf32, #tpu.memory_space<vmem>>, vector<16xf32>,
      tpu.vector_store %arg7[%swap3A_3320], %broadcast_in_dim3A_8 {strides = array<i32>} : memref<32768xf32, #tpu.memory_space<vmem>>, vector<16xf32>,
      %add3A_3322 = arith.constant 48 : i32
      %add3A_3323 = arith.addi %mul3A_25, %add3A_3322 : i32
      %swap3A_3324 = arith.index_cast %add3A_3323 : i32 to index
      %swap3A_3325 = tpu.vector_load %arg7[%swap3A_3324] {strides = array<i32>} : memref<32768xf32, #tpu.memory_space<vmem>>, vector<16xf32>,
      tpu.vector_store %arg7[%swap3A_3324], %broadcast_in_dim3A_8 {strides = array<i32>} : memref<32768xf32, #tpu.memory_space<vmem>>, vector<16xf32>,
      %add3A_3326 = arith.constant 64 : i32
      %add3A_3327 = arith.addi %mul3A_25, %add3A_3326 : i32
      %swap3A_3328 = arith.index_cast %add3A_3327 : i32 to index
      %swap3A_3329 = tpu.vector_load %arg7[%swap3A_3328] {strides = array<i32>} : memref<32768xf32, #tpu.memory_space<vmem>>, vector<16xf32>,
      tpu.vector_store %arg7[%swap3A_3328], %broadcast_in_dim3A_8 {strides = array<i32>} : memref<32768xf32, #tpu.memory_space<vmem>>, vector<16xf32>,
      %add3A_3330 = arith.constant 80 : i32
      %add3A_3331 = arith.addi %mul3A_25, %add3A_3330 : i32
      %swap3A_3332 = arith.index_cast %add3A_3331 : i32 to index
      %swap3A_3333 = tpu.vector_load %arg7[%swap3A_3332] {strides = array<i32>} : memref<32768xf32, #tpu.memory_space<vmem>>, vector<16xf32>,
      tpu.vector_store %arg7[%swap3A_3332], %broadcast_in_dim3A_8 {strides = array<i32>} : memref<32768xf32, #tpu.memory_space<vmem>>, vector<16xf32>,
      %add3A_3334 = arith.constant 96 : i32
      %add3A_3335 = arith.addi %mul3A_25, %add3A_3334 : i32
      %swap3A_3336 = arith.index_cast %add3A_3335 : i32 to index
      %swap3A_3337 = tpu.vector_load %arg7[%swap3A_3336] {strides = array<i32>} : memref<32768xf32, #tpu.memory_space<vmem>>, vector<16xf32>,
      tpu.vector_store %arg7[%swap3A_3336], %broadcast_in_dim3A_8 {strides = array<i32>} : memref<32768xf32, #tpu.memory_space<vmem>>, vector<16xf32>,
      %add3A_3338 = arith.constant 112 : i32
      %add3A_3339 = arith.addi %mul3A_25, %add3A_3338 : i32
      %swap3A_3340 = arith.index_cast %add3A_3339 : i32 to index
      %swap3A_3341 = tpu.vector_load %arg7[%swap3A_3340] {strides = array<i32>} : memref<32768xf32, #tpu.memory_space<vmem>>, vector<16xf32>,
      tpu.vector_store %arg7[%swap3A_3340], %broadcast_in_dim3A_8 {strides = array<i32>} : memref<32768xf32, #tpu.memory_space<vmem>>, vector<16xf32>,
      %add3A_3342 = arith.constant 128 : i32
      %add3A_3343 = arith.addi %mul3A_25, %add3A_3342 : i32
      %swap3A_3344 = arith.index_cast %add3A_3343 : i32 to index
      %swap3A_3345 = tpu.vector_load %arg7[%swap3A_3344] {strides = array<i32>} : memref<32768xf32, #tpu.memory_space<vmem>>, vector<16xf32>,
      tpu.vector_store %arg7[%swap3A_3344], %broadcast_in_dim3A_8 {strides = array<i32>} : memref<32768xf32, #tpu.memory_space<vmem>>, vector<16xf32>,
      %add3A_3346 = arith.constant 144 : i32
      %add3A_3347 = arith.addi %mul3A_25, %add3A_3346 : i32
      %swap3A_3348 = arith.index_cast %add3A_3347 : i32 to index
      %swap3A_3349 = tpu.vector_load %arg7[%swap3A_3348] {strides = array<i32>} : memref<32768xf32, #tpu.memory_space<vmem>>, vector<16xf32>,
      tpu.vector_store %arg7[%swap3A_3348], %broadcast_in_dim3A_8 {strides = array<i32>} : memref<32768xf32, #tpu.memory_space<vmem>>, vector<16xf32>,
      %add3A_3350 = arith.constant 160 : i32
      %add3A_3351 = arith.addi %mul3A_25, %add3A_3350 : i32
      %swap3A_3352 = arith.index_cast %add3A_3351 : i32 to index
      %swap3A_3353 = tpu.vector_load %arg7[%swap3A_3352] {strides = array<i32>} : memref<32768xf32, #tpu.memory_space<vmem>>, vector<16xf32>,
      tpu.vector_store %arg7[%swap3A_3352], %broadcast_in_dim3A_8 {strides = array<i32>} : memref<32768xf32, #tpu.memory_space<vmem>>, vector<16xf32>,
      %add3A_3354 = arith.constant 176 : i32
      %add3A_3355 = arith.addi %mul3A_25, %add3A_3354 : i32
      %swap3A_3356 = arith.index_cast %add3A_3355 : i32 to index
      %swap3A_3357 = tpu.vector_load %arg7[%swap3A_3356] {strides = array<i32>} : memref<32768xf32, #tpu.memory_space<vmem>>, vector<16xf32>,
      tpu.vector_store %arg7[%swap3A_3356], %broadcast_in_dim3A_8 {strides = array<i32>} : memref<32768xf32, #tpu.memory_space<vmem>>, vector<16xf32>,
      %add3A_3358 = arith.constant 192 : i32
      %add3A_3359 = arith.addi %mul3A_25, %add3A_3358 : i32
      %swap3A_3360 = arith.index_cast %add3A_3359 : i32 to index
      %swap3A_3361 = tpu.vector_load %arg7[%swap3A_3360] {strides = array<i32>} : memref<32768xf32, #tpu.memory_space<vmem>>, vector<16xf32>,
      tpu.vector_store %arg7[%swap3A_3360], %broadcast_in_dim3A_8 {strides = array<i32>} : memref<32768xf32, #tpu.memory_space<vmem>>, vector<16xf32>,
      %add3A_3362 = arith.constant 208 : i32
      %add3A_3363 = arith.addi %mul3A_25, %add3A_3362 : i32
      %swap3A_3364 = arith.index_cast %add3A_3363 : i32 to index
      %swap3A_3365 = tpu.vector_load %arg7[%swap3A_3364] {strides = array<i32>} : memref<32768xf32, #tpu.memory_space<vmem>>, vector<16xf32>,
      tpu.vector_store %arg7[%swap3A_3364], %broadcast_in_dim3A_8 {strides = array<i32>} : memref<32768xf32, #tpu.memory_space<vmem>>, vector<16xf32>,
      %add3A_3366 = arith.constant 224 : i32
      %add3A_3367 = arith.addi %mul3A_25, %add3A_3366 : i32
      %swap3A_3368 = arith.index_cast %add3A_3367 : i32 to index
      %swap3A_3369 = tpu.vector_load %arg7[%swap3A_3368] {strides = array<i32>} : memref<32768xf32, #tpu.memory_space<vmem>>, vector<16xf32>,
      tpu.vector_store %arg7[%swap3A_3368], %broadcast_in_dim3A_8 {strides = array<i32>} : memref<32768xf32, #tpu.memory_space<vmem>>, vector<16xf32>,
      %add3A_3370 = arith.constant 240 : i32
      %add3A_3371 = arith.addi %mul3A_25, %add3A_3370 : i32
      %swap3A_3372 = arith.index_cast %add3A_3371 : i32 to index
      %swap3A_3373 = tpu.vector_load %arg7[%swap3A_3372] {strides = array<i32>} : memref<32768xf32, #tpu.memory_space<vmem>>, vector<16xf32>,
      tpu.vector_store %arg7[%swap3A_3372], %broadcast_in_dim3A_8 {strides = array<i32>} : memref<32768xf32, #tpu.memory_space<vmem>>, vector<16xf32>,
      %add3A_3374 = arith.constant 256 : i32
      %add3A_3375 = arith.addi %mul3A_25, %add3A_3374 : i32
      %swap3A_3376 = arith.index_cast %add3A_3375 : i32 to index
      %swap3A_3377 = tpu.vector_load %arg7[%swap3A_3376] {strides = array<i32>} : memref<32768xf32, #tpu.memory_space<vmem>>, vector<16xf32>,
      tpu.vector_store %arg7[%swap3A_3376], %broadcast_in_dim3A_8 {strides = array<i32>} : memref<32768xf32, #tpu.memory_space<vmem>>, vector<16xf32>,
      %add3A_3378 = arith.constant 272 : i32
      %add3A_3379 = arith.addi %mul3A_25, %add3A_3378 : i32
      %swap3A_3380 = arith.index_cast %add3A_3379 : i32 to index
      %swap3A_3381 = tpu.vector_load %arg7[%swap3A_3380] {strides = array<i32>} : memref<32768xf32, #tpu.memory_space<vmem>>, vector<16xf32>,
      tpu.vector_store %arg7[%swap3A_3380], %broadcast_in_dim3A_8 {strides = array<i32>} : memref<32768xf32, #tpu.memory_space<vmem>>, vector<16xf32>,
      %add3A_3382 = arith.constant 288 : i32
      %add3A_3383 = arith.addi %mul3A_25, %add3A_3382 : i32
      %swap3A_3384 = arith.index_cast %add3A_3383 : i32 to index
      %swap3A_3385 = tpu.vector_load %arg7[%swap3A_3384] {strides = array<i32>} : memref<32768xf32, #tpu.memory_space<vmem>>, vector<16xf32>,
      tpu.vector_store %arg7[%swap3A_3384], %broadcast_in_dim3A_8 {strides = array<i32>} : memref<32768xf32, #tpu.memory_space<vmem>>, vector<16xf32>,
      %add3A_3386 = arith.constant 304 : i32
      %add3A_3387 = arith.addi %mul3A_25, %add3A_3386 : i32
      %swap3A_3388 = arith.index_cast %add3A_3387 : i32 to index
      %swap3A_3389 = tpu.vector_load %arg7[%swap3A_3388] {strides = array<i32>} : memref<32768xf32, #tpu.memory_space<vmem>>, vector<16xf32>,
      tpu.vector_store %arg7[%swap3A_3388], %broadcast_in_dim3A_8 {strides = array<i32>} : memref<32768xf32, #tpu.memory_space<vmem>>, vector<16xf32>,
      %add3A_3390 = arith.constant 320 : i32
      %add3A_3391 = arith.addi %mul3A_25, %add3A_3390 : i32
      %swap3A_3392 = arith.index_cast %add3A_3391 : i32 to index
      %swap3A_3393 = tpu.vector_load %arg7[%swap3A_3392] {strides = array<i32>} : memref<32768xf32, #tpu.memory_space<vmem>>, vector<16xf32>,
      tpu.vector_store %arg7[%swap3A_3392], %broadcast_in_dim3A_8 {strides = array<i32>} : memref<32768xf32, #tpu.memory_space<vmem>>, vector<16xf32>,
      %add3A_3394 = arith.constant 336 : i32
      %add3A_3395 = arith.addi %mul3A_25, %add3A_3394 : i32
      %swap3A_3396 = arith.index_cast %add3A_3395 : i32 to index
      %swap3A_3397 = tpu.vector_load %arg7[%swap3A_3396] {strides = array<i32>} : memref<32768xf32, #tpu.memory_space<vmem>>, vector<16xf32>,
      tpu.vector_store %arg7[%swap3A_3396], %broadcast_in_dim3A_8 {strides = array<i32>} : memref<32768xf32, #tpu.memory_space<vmem>>, vector<16xf32>,
      %add3A_3398 = arith.constant 352 : i32
      %add3A_3399 = arith.addi %mul3A_25, %add3A_3398 : i32
      %swap3A_3400 = arith.index_cast %add3A_3399 : i32 to index
      %swap3A_3401 = tpu.vector_load %arg7[%swap3A_3400] {strides = array<i32>} : memref<32768xf32, #tpu.memory_space<vmem>>, vector<16xf32>,
      tpu.vector_store %arg7[%swap3A_3400], %broadcast_in_dim3A_8 {strides = array<i32>} : memref<32768xf32, #tpu.memory_space<vmem>>, vector<16xf32>,
      %add3A_3402 = arith.constant 368 : i32
      %add3A_3403 = arith.addi %mul3A_25, %add3A_3402 : i32
      %swap3A_3404 = arith.index_cast %add3A_3403 : i32 to index
      %swap3A_3405 = tpu.vector_load %arg7[%swap3A_3404] {strides = array<i32>} : memref<32768xf32, #tpu.memory_space<vmem>>, vector<16xf32>,
      tpu.vector_store %arg7[%swap3A_3404], %broadcast_in_dim3A_8 {strides = array<i32>} : memref<32768xf32, #tpu.memory_space<vmem>>, vector<16xf32>,
      %add3A_3406 = arith.constant 384 : i32
      %add3A_3407 = arith.addi %mul3A_25, %add3A_3406 : i32
      %swap3A_3408 = arith.index_cast %add3A_3407 : i32 to index
      %swap3A_3409 = tpu.vector_load %arg7[%swap3A_3408] {strides = array<i32>} : memref<32768xf32, #tpu.memory_space<vmem>>, vector<16xf32>,
      tpu.vector_store %arg7[%swap3A_3408], %broadcast_in_dim3A_8 {strides = array<i32>} : memref<32768xf32, #tpu.memory_space<vmem>>, vector<16xf32>,
      %add3A_3410 = arith.constant 400 : i32
      %add3A_3411 = arith.addi %mul3A_25, %add3A_3410 : i32
      %swap3A_3412 = arith.index_cast %add3A_3411 : i32 to index
      %swap3A_3413 = tpu.vector_load %arg7[%swap3A_3412] {strides = array<i32>} : memref<32768xf32, #tpu.memory_space<vmem>>, vector<16xf32>,
      tpu.vector_store %arg7[%swap3A_3412], %broadcast_in_dim3A_8 {strides = array<i32>} : memref<32768xf32, #tpu.memory_space<vmem>>, vector<16xf32>,
      %add3A_3414 = arith.constant 416 : i32
      %add3A_3415 = arith.addi %mul3A_25, %add3A_3414 : i32
      %swap3A_3416 = arith.index_cast %add3A_3415 : i32 to index
      %swap3A_3417 = tpu.vector_load %arg7[%swap3A_3416] {strides = array<i32>} : memref<32768xf32, #tpu.memory_space<vmem>>, vector<16xf32>,
      tpu.vector_store %arg7[%swap3A_3416], %broadcast_in_dim3A_8 {strides = array<i32>} : memref<32768xf32, #tpu.memory_space<vmem>>, vector<16xf32>,
      %add3A_3418 = arith.constant 432 : i32
      %add3A_3419 = arith.addi %mul3A_25, %add3A_3418 : i32
      %swap3A_3420 = arith.index_cast %add3A_3419 : i32 to index
      %swap3A_3421 = tpu.vector_load %arg7[%swap3A_3420] {strides = array<i32>} : memref<32768xf32, #tpu.memory_space<vmem>>, vector<16xf32>,
      tpu.vector_store %arg7[%swap3A_3420], %broadcast_in_dim3A_8 {strides = array<i32>} : memref<32768xf32, #tpu.memory_space<vmem>>, vector<16xf32>,
      %add3A_3422 = arith.constant 448 : i32
      %add3A_3423 = arith.addi %mul3A_25, %add3A_3422 : i32
      %swap3A_3424 = arith.index_cast %add3A_3423 : i32 to index
      %swap3A_3425 = tpu.vector_load %arg7[%swap3A_3424] {strides = array<i32>} : memref<32768xf32, #tpu.memory_space<vmem>>, vector<16xf32>,
      tpu.vector_store %arg7[%swap3A_3424], %broadcast_in_dim3A_8 {strides = array<i32>} : memref<32768xf32, #tpu.memory_space<vmem>>, vector<16xf32>,
      %add3A_3426 = arith.constant 464 : i32
      %add3A_3427 = arith.addi %mul3A_25, %add3A_3426 : i32
      %swap3A_3428 = arith.index_cast %add3A_3427 : i32 to index
      %swap3A_3429 = tpu.vector_load %arg7[%swap3A_3428] {strides = array<i32>} : memref<32768xf32, #tpu.memory_space<vmem>>, vector<16xf32>,
      tpu.vector_store %arg7[%swap3A_3428], %broadcast_in_dim3A_8 {strides = array<i32>} : memref<32768xf32, #tpu.memory_space<vmem>>, vector<16xf32>,
      %add3A_3430 = arith.constant 480 : i32
      %add3A_3431 = arith.addi %mul3A_25, %add3A_3430 : i32
      %swap3A_3432 = arith.index_cast %add3A_3431 : i32 to index
      %swap3A_3433 = tpu.vector_load %arg7[%swap3A_3432] {strides = array<i32>} : memref<32768xf32, #tpu.memory_space<vmem>>, vector<16xf32>,
      tpu.vector_store %arg7[%swap3A_3432], %broadcast_in_dim3A_8 {strides = array<i32>} : memref<32768xf32, #tpu.memory_space<vmem>>, vector<16xf32>,
      %add3A_3434 = arith.constant 496 : i32
      %add3A_3435 = arith.addi %mul3A_25, %add3A_3434 : i32
      %swap3A_3436 = arith.index_cast %add3A_3435 : i32 to index
      %swap3A_3437 = tpu.vector_load %arg7[%swap3A_3436] {strides = array<i32>} : memref<32768xf32, #tpu.memory_space<vmem>>, vector<16xf32>,
      tpu.vector_store %arg7[%swap3A_3436], %broadcast_in_dim3A_8 {strides = array<i32>} : memref<32768xf32, #tpu.memory_space<vmem>>, vector<16xf32>,
      %add3A_3438 = arith.constant 512 : i32
      %add3A_3439 = arith.addi %mul3A_25, %add3A_3438 : i32
      %swap3A_3440 = arith.index_cast %add3A_3439 : i32 to index
      %swap3A_3441 = tpu.vector_load %arg7[%swap3A_3440] {strides = array<i32>} : memref<32768xf32, #tpu.memory_space<vmem>>, vector<16xf32>,
      tpu.vector_store %arg7[%swap3A_3440], %broadcast_in_dim3A_8 {strides = array<i32>} : memref<32768xf32, #tpu.memory_space<vmem>>, vector<16xf32>,
      %add3A_3442 = arith.constant 528 : i32
      %add3A_3443 = arith.addi %mul3A_25, %add3A_3442 : i32
      %swap3A_3444 = arith.index_cast %add3A_3443 : i32 to index
      %swap3A_3445 = tpu.vector_load %arg7[%swap3A_3444] {strides = array<i32>} : memref<32768xf32, #tpu.memory_space<vmem>>, vector<16xf32>,
      tpu.vector_store %arg7[%swap3A_3444], %broadcast_in_dim3A_8 {strides = array<i32>} : memref<32768xf32, #tpu.memory_space<vmem>>, vector<16xf32>,
      %add3A_3446 = arith.constant 544 : i32
      %add3A_3447 = arith.addi %mul3A_25, %add3A_3446 : i32
      %swap3A_3448 = arith.index_cast %add3A_3447 : i32 to index
      %swap3A_3449 = tpu.vector_load %arg7[%swap3A_3448] {strides = array<i32>} : memref<32768xf32, #tpu.memory_space<vmem>>, vector<16xf32>,
      tpu.vector_store %arg7[%swap3A_3448], %broadcast_in_dim3A_8 {strides = array<i32>} : memref<32768xf32, #tpu.memory_space<vmem>>, vector<16xf32>,
      %add3A_3450 = arith.constant 560 : i32
      %add3A_3451 = arith.addi %mul3A_25, %add3A_3450 : i32
      %swap3A_3452 = arith.index_cast %add3A_3451 : i32 to index
      %swap3A_3453 = tpu.vector_load %arg7[%swap3A_3452] {strides = array<i32>} : memref<32768xf32, #tpu.memory_space<vmem>>, vector<16xf32>,
      tpu.vector_store %arg7[%swap3A_3452], %broadcast_in_dim3A_8 {strides = array<i32>} : memref<32768xf32, #tpu.memory_space<vmem>>, vector<16xf32>,
      %add3A_3454 = arith.constant 576 : i32
      %add3A_3455 = arith.addi %mul3A_25, %add3A_3454 : i32
      %swap3A_3456 = arith.index_cast %add3A_3455 : i32 to index
      %swap3A_3457 = tpu.vector_load %arg7[%swap3A_3456] {strides = array<i32>} : memref<32768xf32, #tpu.memory_space<vmem>>, vector<16xf32>,
      tpu.vector_store %arg7[%swap3A_3456], %broadcast_in_dim3A_8 {strides = array<i32>} : memref<32768xf32, #tpu.memory_space<vmem>>, vector<16xf32>,
      %add3A_3458 = arith.constant 592 : i32
      %add3A_3459 = arith.addi %mul3A_25, %add3A_3458 : i32
      %swap3A_3460 = arith.index_cast %add3A_3459 : i32 to index
      %swap3A_3461 = tpu.vector_load %arg7[%swap3A_3460] {strides = array<i32>} : memref<32768xf32, #tpu.memory_space<vmem>>, vector<16xf32>,
      tpu.vector_store %arg7[%swap3A_3460], %broadcast_in_dim3A_8 {strides = array<i32>} : memref<32768xf32, #tpu.memory_space<vmem>>, vector<16xf32>,
      %add3A_3462 = arith.constant 608 : i32
      %add3A_3463 = arith.addi %mul3A_25, %add3A_3462 : i32
      %swap3A_3464 = arith.index_cast %add3A_3463 : i32 to index
      %swap3A_3465 = tpu.vector_load %arg7[%swap3A_3464] {strides = array<i32>} : memref<32768xf32, #tpu.memory_space<vmem>>, vector<16xf32>,
      tpu.vector_store %arg7[%swap3A_3464], %broadcast_in_dim3A_8 {strides = array<i32>} : memref<32768xf32, #tpu.memory_space<vmem>>, vector<16xf32>,
      %add3A_3466 = arith.constant 624 : i32
      %add3A_3467 = arith.addi %mul3A_25, %add3A_3466 : i32
      %swap3A_3468 = arith.index_cast %add3A_3467 : i32 to index
      %swap3A_3469 = tpu.vector_load %arg7[%swap3A_3468] {strides = array<i32>} : memref<32768xf32, #tpu.memory_space<vmem>>, vector<16xf32>,
      tpu.vector_store %arg7[%swap3A_3468], %broadcast_in_dim3A_8 {strides = array<i32>} : memref<32768xf32, #tpu.memory_space<vmem>>, vector<16xf32>,
      %add3A_3470 = arith.constant 640 : i32
      %add3A_3471 = arith.addi %mul3A_25, %add3A_3470 : i32
      %swap3A_3472 = arith.index_cast %add3A_3471 : i32 to index
      %swap3A_3473 = tpu.vector_load %arg7[%swap3A_3472] {strides = array<i32>} : memref<32768xf32, #tpu.memory_space<vmem>>, vector<16xf32>,
      tpu.vector_store %arg7[%swap3A_3472], %broadcast_in_dim3A_8 {strides = array<i32>} : memref<32768xf32, #tpu.memory_space<vmem>>, vector<16xf32>,
      %add3A_3474 = arith.constant 656 : i32
      %add3A_3475 = arith.addi %mul3A_25, %add3A_3474 : i32
      %swap3A_3476 = arith.index_cast %add3A_3475 : i32 to index
      %swap3A_3477 = tpu.vector_load %arg7[%swap3A_3476] {strides = array<i32>} : memref<32768xf32, #tpu.memory_space<vmem>>, vector<16xf32>,
      tpu.vector_store %arg7[%swap3A_3476], %broadcast_in_dim3A_8 {strides = array<i32>} : memref<32768xf32, #tpu.memory_space<vmem>>, vector<16xf32>,
      %add3A_3478 = arith.constant 672 : i32
      %add3A_3479 = arith.addi %mul3A_25, %add3A_3478 : i32
      %swap3A_3480 = arith.index_cast %add3A_3479 : i32 to index
      %swap3A_3481 = tpu.vector_load %arg7[%swap3A_3480] {strides = array<i32>} : memref<32768xf32, #tpu.memory_space<vmem>>, vector<16xf32>,
      tpu.vector_store %arg7[%swap3A_3480], %broadcast_in_dim3A_8 {strides = array<i32>} : memref<32768xf32, #tpu.memory_space<vmem>>, vector<16xf32>,
      %add3A_3482 = arith.constant 688 : i32
      %add3A_3483 = arith.addi %mul3A_25, %add3A_3482 : i32
      %swap3A_3484 = arith.index_cast %add3A_3483 : i32 to index
      %swap3A_3485 = tpu.vector_load %arg7[%swap3A_3484] {strides = array<i32>} : memref<32768xf32, #tpu.memory_space<vmem>>, vector<16xf32>,
      tpu.vector_store %arg7[%swap3A_3484], %broadcast_in_dim3A_8 {strides = array<i32>} : memref<32768xf32, #tpu.memory_space<vmem>>, vector<16xf32>,
      %add3A_3486 = arith.constant 704 : i32
      %add3A_3487 = arith.addi %mul3A_25, %add3A_3486 : i32
      %swap3A_3488 = arith.index_cast %add3A_3487 : i32 to index
      %swap3A_3489 = tpu.vector_load %arg7[%swap3A_3488] {strides = array<i32>} : memref<32768xf32, #tpu.memory_space<vmem>>, vector<16xf32>,
      tpu.vector_store %arg7[%swap3A_3488], %broadcast_in_dim3A_8 {strides = array<i32>} : memref<32768xf32, #tpu.memory_space<vmem>>, vector<16xf32>,
      %add3A_3490 = arith.constant 720 : i32
      %add3A_3491 = arith.addi %mul3A_25, %add3A_3490 : i32
      %swap3A_3492 = arith.index_cast %add3A_3491 : i32 to index
      %swap3A_3493 = tpu.vector_load %arg7[%swap3A_3492] {strides = array<i32>} : memref<32768xf32, #tpu.memory_space<vmem>>, vector<16xf32>,
      tpu.vector_store %arg7[%swap3A_3492], %broadcast_in_dim3A_8 {strides = array<i32>} : memref<32768xf32, #tpu.memory_space<vmem>>, vector<16xf32>,
      %add3A_3494 = arith.constant 736 : i32
      %add3A_3495 = arith.addi %mul3A_25, %add3A_3494 : i32
      %swap3A_3496 = arith.index_cast %add3A_3495 : i32 to index
      %swap3A_3497 = tpu.vector_load %arg7[%swap3A_3496] {strides = array<i32>} : memref<32768xf32, #tpu.memory_space<vmem>>, vector<16xf32>,
      tpu.vector_store %arg7[%swap3A_3496], %broadcast_in_dim3A_8 {strides = array<i32>} : memref<32768xf32, #tpu.memory_space<vmem>>, vector<16xf32>,
      %add3A_3498 = arith.constant 752 : i32
      %add3A_3499 = arith.addi %mul3A_25, %add3A_3498 : i32
      %swap3A_3500 = arith.index_cast %add3A_3499 : i32 to index
      %swap3A_3501 = tpu.vector_load %arg7[%swap3A_3500] {strides = array<i32>} : memref<32768xf32, #tpu.memory_space<vmem>>, vector<16xf32>,
      tpu.vector_store %arg7[%swap3A_3500], %broadcast_in_dim3A_8 {strides = array<i32>} : memref<32768xf32, #tpu.memory_space<vmem>>, vector<16xf32>,
      %add3A_3502 = arith.constant 768 : i32
      %add3A_3503 = arith.addi %mul3A_25, %add3A_3502 : i32
      %swap3A_3504 = arith.index_cast %add3A_3503 : i32 to index
      %swap3A_3505 = tpu.vector_load %arg7[%swap3A_3504] {strides = array<i32>} : memref<32768xf32, #tpu.memory_space<vmem>>, vector<16xf32>,
      tpu.vector_store %arg7[%swap3A_3504], %broadcast_in_dim3A_8 {strides = array<i32>} : memref<32768xf32, #tpu.memory_space<vmem>>, vector<16xf32>,
      %add3A_3506 = arith.constant 784 : i32
      %add3A_3507 = arith.addi %mul3A_25, %add3A_3506 : i32
      %swap3A_3508 = arith.index_cast %add3A_3507 : i32 to index
      %swap3A_3509 = tpu.vector_load %arg7[%swap3A_3508] {strides = array<i32>} : memref<32768xf32, #tpu.memory_space<vmem>>, vector<16xf32>,
      tpu.vector_store %arg7[%swap3A_3508], %broadcast_in_dim3A_8 {strides = array<i32>} : memref<32768xf32, #tpu.memory_space<vmem>>, vector<16xf32>,
      %add3A_3510 = arith.constant 800 : i32
      %add3A_3511 = arith.addi %mul3A_25, %add3A_3510 : i32
      %swap3A_3512 = arith.index_cast %add3A_3511 : i32 to index
      %swap3A_3513 = tpu.vector_load %arg7[%swap3A_3512] {strides = array<i32>} : memref<32768xf32, #tpu.memory_space<vmem>>, vector<16xf32>,
      tpu.vector_store %arg7[%swap3A_3512], %broadcast_in_dim3A_8 {strides = array<i32>} : memref<32768xf32, #tpu.memory_space<vmem>>, vector<16xf32>,
      %add3A_3514 = arith.constant 816 : i32
      %add3A_3515 = arith.addi %mul3A_25, %add3A_3514 : i32
      %swap3A_3516 = arith.index_cast %add3A_3515 : i32 to index
      %swap3A_3517 = tpu.vector_load %arg7[%swap3A_3516] {strides = array<i32>} : memref<32768xf32, #tpu.memory_space<vmem>>, vector<16xf32>,
      tpu.vector_store %arg7[%swap3A_3516], %broadcast_in_dim3A_8 {strides = array<i32>} : memref<32768xf32, #tpu.memory_space<vmem>>, vector<16xf32>,
      %add3A_3518 = arith.constant 832 : i32
      %add3A_3519 = arith.addi %mul3A_25, %add3A_3518 : i32
      %swap3A_3520 = arith.index_cast %add3A_3519 : i32 to index
      %swap3A_3521 = tpu.vector_load %arg7[%swap3A_3520] {strides = array<i32>} : memref<32768xf32, #tpu.memory_space<vmem>>, vector<16xf32>,
      tpu.vector_store %arg7[%swap3A_3520], %broadcast_in_dim3A_8 {strides = array<i32>} : memref<32768xf32, #tpu.memory_space<vmem>>, vector<16xf32>,
      %add3A_3522 = arith.constant 848 : i32
      %add3A_3523 = arith.addi %mul3A_25, %add3A_3522 : i32
      %swap3A_3524 = arith.index_cast %add3A_3523 : i32 to index
      %swap3A_3525 = tpu.vector_load %arg7[%swap3A_3524] {strides = array<i32>} : memref<32768xf32, #tpu.memory_space<vmem>>, vector<16xf32>,
      tpu.vector_store %arg7[%swap3A_3524], %broadcast_in_dim3A_8 {strides = array<i32>} : memref<32768xf32, #tpu.memory_space<vmem>>, vector<16xf32>,
      %add3A_3526 = arith.constant 864 : i32
      %add3A_3527 = arith.addi %mul3A_25, %add3A_3526 : i32
      %swap3A_3528 = arith.index_cast %add3A_3527 : i32 to index
      %swap3A_3529 = tpu.vector_load %arg7[%swap3A_3528] {strides = array<i32>} : memref<32768xf32, #tpu.memory_space<vmem>>, vector<16xf32>,
      tpu.vector_store %arg7[%swap3A_3528], %broadcast_in_dim3A_8 {strides = array<i32>} : memref<32768xf32, #tpu.memory_space<vmem>>, vector<16xf32>,
      %add3A_3530 = arith.constant 880 : i32
      %add3A_3531 = arith.addi %mul3A_25, %add3A_3530 : i32
      %swap3A_3532 = arith.index_cast %add3A_3531 : i32 to index
      %swap3A_3533 = tpu.vector_load %arg7[%swap3A_3532] {strides = array<i32>} : memref<32768xf32, #tpu.memory_space<vmem>>, vector<16xf32>,
      tpu.vector_store %arg7[%swap3A_3532], %broadcast_in_dim3A_8 {strides = array<i32>} : memref<32768xf32, #tpu.memory_space<vmem>>, vector<16xf32>,
      %add3A_3534 = arith.constant 896 : i32
      %add3A_3535 = arith.addi %mul3A_25, %add3A_3534 : i32
      %swap3A_3536 = arith.index_cast %add3A_3535 : i32 to index
      %swap3A_3537 = tpu.vector_load %arg7[%swap3A_3536] {strides = array<i32>} : memref<32768xf32, #tpu.memory_space<vmem>>, vector<16xf32>,
      tpu.vector_store %arg7[%swap3A_3536], %broadcast_in_dim3A_8 {strides = array<i32>} : memref<32768xf32, #tpu.memory_space<vmem>>, vector<16xf32>,
      %add3A_3538 = arith.constant 912 : i32
      %add3A_3539 = arith.addi %mul3A_25, %add3A_3538 : i32
      %swap3A_3540 = arith.index_cast %add3A_3539 : i32 to index
      %swap3A_3541 = tpu.vector_load %arg7[%swap3A_3540] {strides = array<i32>} : memref<32768xf32, #tpu.memory_space<vmem>>, vector<16xf32>,
      tpu.vector_store %arg7[%swap3A_3540], %broadcast_in_dim3A_8 {strides = array<i32>} : memref<32768xf32, #tpu.memory_space<vmem>>, vector<16xf32>,
      %add3A_3542 = arith.constant 928 : i32
      %add3A_3543 = arith.addi %mul3A_25, %add3A_3542 : i32
      %swap3A_3544 = arith.index_cast %add3A_3543 : i32 to index
      %swap3A_3545 = tpu.vector_load %arg7[%swap3A_3544] {strides = array<i32>} : memref<32768xf32, #tpu.memory_space<vmem>>, vector<16xf32>,
      tpu.vector_store %arg7[%swap3A_3544], %broadcast_in_dim3A_8 {strides = array<i32>} : memref<32768xf32, #tpu.memory_space<vmem>>, vector<16xf32>,
      %add3A_3546 = arith.constant 944 : i32
      %add3A_3547 = arith.addi %mul3A_25, %add3A_3546 : i32
      %swap3A_3548 = arith.index_cast %add3A_3547 : i32 to index
      %swap3A_3549 = tpu.vector_load %arg7[%swap3A_3548] {strides = array<i32>} : memref<32768xf32, #tpu.memory_space<vmem>>, vector<16xf32>,
      tpu.vector_store %arg7[%swap3A_3548], %broadcast_in_dim3A_8 {strides = array<i32>} : memref<32768xf32, #tpu.memory_space<vmem>>, vector<16xf32>,
      %add3A_3550 = arith.constant 960 : i32
      %add3A_3551 = arith.addi %mul3A_25, %add3A_3550 : i32
      %swap3A_3552 = arith.index_cast %add3A_3551 : i32 to index
      %swap3A_3553 = tpu.vector_load %arg7[%swap3A_3552] {strides = array<i32>} : memref<32768xf32, #tpu.memory_space<vmem>>, vector<16xf32>,
      tpu.vector_store %arg7[%swap3A_3552], %broadcast_in_dim3A_8 {strides = array<i32>} : memref<32768xf32, #tpu.memory_space<vmem>>, vector<16xf32>,
      %add3A_3554 = arith.constant 976 : i32
      %add3A_3555 = arith.addi %mul3A_25, %add3A_3554 : i32
      %swap3A_3556 = arith.index_cast %add3A_3555 : i32 to index
      %swap3A_3557 = tpu.vector_load %arg7[%swap3A_3556] {strides = array<i32>} : memref<32768xf32, #tpu.memory_space<vmem>>, vector<16xf32>,
      tpu.vector_store %arg7[%swap3A_3556], %broadcast_in_dim3A_8 {strides = array<i32>} : memref<32768xf32, #tpu.memory_space<vmem>>, vector<16xf32>,
      %add3A_3558 = arith.constant 992 : i32
      %add3A_3559 = arith.addi %mul3A_25, %add3A_3558 : i32
      %swap3A_3560 = arith.index_cast %add3A_3559 : i32 to index
      %swap3A_3561 = tpu.vector_load %arg7[%swap3A_3560] {strides = array<i32>} : memref<32768xf32, #tpu.memory_space<vmem>>, vector<16xf32>,
      tpu.vector_store %arg7[%swap3A_3560], %broadcast_in_dim3A_8 {strides = array<i32>} : memref<32768xf32, #tpu.memory_space<vmem>>, vector<16xf32>,
      %add3A_3562 = arith.constant 1008 : i32
      %add3A_3563 = arith.addi %mul3A_25, %add3A_3562 : i32
      %swap3A_3564 = arith.index_cast %add3A_3563 : i32 to index
      %swap3A_3565 = tpu.vector_load %arg7[%swap3A_3564] {strides = array<i32>} : memref<32768xf32, #tpu.memory_space<vmem>>, vector<16xf32>,
      tpu.vector_store %arg7[%swap3A_3564], %broadcast_in_dim3A_8 {strides = array<i32>} : memref<32768xf32, #tpu.memory_space<vmem>>, vector<16xf32>,
      %add3A_3566 = vector.broadcast %mul3A_25 : i32 to vector<16xi32>
      %add3A_3567 = arith.addi %add3A_3566, %mul3A_7 : vector<16xi32>
      %mul3A_3568 = arith.constant 128 : i32
      %mul3A_3569 = arith.muli %scan3A_23, %mul3A_3568 : i32
      %mul3A_3570 = arith.constant 8 : i32
      %mul3A_3571 = vector.broadcast %mul3A_3570 : i32 to vector<16xi32>
      %mul3A_3572 = arith.muli %iota3A, %mul3A_3571 : vector<16xi32>
      %add3A_3573 = vector.broadcast %mul3A_3569 : i32 to vector<16xi32>
      %add3A_3574 = arith.addi %add3A_3573, %mul3A_3572 : vector<16xi32>
      %mul3A_3575 = arith.mulf %exp3A, %div3A_3310 : vector<16xf32>
      %add3A_3576 = arith.addi %add3A_3567, %select_n3A_3245 : vector<16xi32>
      tpu.vector_store_idx %arg7[%add3A_3576], %mul3A_3575 : memref<32768xf32, #tpu.memory_space<vmem>>[vector<16xi32>], vector<16xf32>,
      %add3A_3577 = arith.constant 0 : i32
      %add3A_3578 = vector.broadcast %add3A_3577 : i32 to vector<16xi32>
      %add3A_3579 = arith.addi %add3A_3574, %add3A_3578 : vector<16xi32>
      tpu.vector_store_idx %arg8[%add3A_3579], %select_n3A_3245 : memref<4096xi32, #tpu.memory_space<vmem>>[vector<16xi32>], vector<16xi32>,
      %add3A_3580 = arith.constant 0 : i32
      %add3A_3581 = vector.broadcast %add3A_3580 : i32 to vector<16xi32>
      %add3A_3582 = arith.addi %add3A_3574, %add3A_3581 : vector<16xi32>
      tpu.vector_store_idx %arg9[%add3A_3582], %mul3A_3575 : memref<4096xf32, #tpu.memory_space<vmem>>[vector<16xi32>], vector<16xf32>,
      %mul3A_3583 = arith.mulf %exp3A_3289, %div3A_3310 : vector<16xf32>
      %add3A_3584 = arith.addi %add3A_3567, %select_n3A_3251 : vector<16xi32>
      tpu.vector_store_idx %arg7[%add3A_3584], %mul3A_3583 : memref<32768xf32, #tpu.memory_space<vmem>>[vector<16xi32>], vector<16xf32>,
      %add3A_3585 = arith.constant 1 : i32
      %add3A_3586 = vector.broadcast %add3A_3585 : i32 to vector<16xi32>
      %add3A_3587 = arith.addi %add3A_3574, %add3A_3586 : vector<16xi32>
      tpu.vector_store_idx %arg8[%add3A_3587], %select_n3A_3251 : memref<4096xi32, #tpu.memory_space<vmem>>[vector<16xi32>], vector<16xi32>,
      %add3A_3588 = arith.constant 1 : i32
      %add3A_3589 = vector.broadcast %add3A_3588 : i32 to vector<16xi32>
      %add3A_3590 = arith.addi %add3A_3574, %add3A_3589 : vector<16xi32>
      tpu.vector_store_idx %arg9[%add3A_3590], %mul3A_3583 : memref<4096xf32, #tpu.memory_space<vmem>>[vector<16xi32>], vector<16xf32>,
      %mul3A_3591 = arith.mulf %exp3A_3291, %div3A_3310 : vector<16xf32>
      %add3A_3592 = arith.addi %add3A_3567, %select_n3A_3257 : vector<16xi32>
      tpu.vector_store_idx %arg7[%add3A_3592], %mul3A_3591 : memref<32768xf32, #tpu.memory_space<vmem>>[vector<16xi32>], vector<16xf32>,
      %add3A_3593 = arith.constant 2 : i32
      %add3A_3594 = vector.broadcast %add3A_3593 : i32 to vector<16xi32>
      %add3A_3595 = arith.addi %add3A_3574, %add3A_3594 : vector<16xi32>
      tpu.vector_store_idx %arg8[%add3A_3595], %select_n3A_3257 : memref<4096xi32, #tpu.memory_space<vmem>>[vector<16xi32>], vector<16xi32>,
      %add3A_3596 = arith.constant 2 : i32
      %add3A_3597 = vector.broadcast %add3A_3596 : i32 to vector<16xi32>
      %add3A_3598 = arith.addi %add3A_3574, %add3A_3597 : vector<16xi32>
      tpu.vector_store_idx %arg9[%add3A_3598], %mul3A_3591 : memref<4096xf32, #tpu.memory_space<vmem>>[vector<16xi32>], vector<16xf32>,
      %mul3A_3599 = arith.mulf %exp3A_3293, %div3A_3310 : vector<16xf32>
      %add3A_3600 = arith.addi %add3A_3567, %select_n3A_3263 : vector<16xi32>
      tpu.vector_store_idx %arg7[%add3A_3600], %mul3A_3599 : memref<32768xf32, #tpu.memory_space<vmem>>[vector<16xi32>], vector<16xf32>,
      %add3A_3601 = arith.constant 3 : i32
      %add3A_3602 = vector.broadcast %add3A_3601 : i32 to vector<16xi32>
      %add3A_3603 = arith.addi %add3A_3574, %add3A_3602 : vector<16xi32>
      tpu.vector_store_idx %arg8[%add3A_3603], %select_n3A_3263 : memref<4096xi32, #tpu.memory_space<vmem>>[vector<16xi32>], vector<16xi32>,
      %add3A_3604 = arith.constant 3 : i32
      %add3A_3605 = vector.broadcast %add3A_3604 : i32 to vector<16xi32>
      %add3A_3606 = arith.addi %add3A_3574, %add3A_3605 : vector<16xi32>
      tpu.vector_store_idx %arg9[%add3A_3606], %mul3A_3599 : memref<4096xf32, #tpu.memory_space<vmem>>[vector<16xi32>], vector<16xf32>,
      %mul3A_3607 = arith.mulf %exp3A_3295, %div3A_3310 : vector<16xf32>
      %add3A_3608 = arith.addi %add3A_3567, %select_n3A_3269 : vector<16xi32>
      tpu.vector_store_idx %arg7[%add3A_3608], %mul3A_3607 : memref<32768xf32, #tpu.memory_space<vmem>>[vector<16xi32>], vector<16xf32>,
      %add3A_3609 = arith.constant 4 : i32
      %add3A_3610 = vector.broadcast %add3A_3609 : i32 to vector<16xi32>
      %add3A_3611 = arith.addi %add3A_3574, %add3A_3610 : vector<16xi32>
      tpu.vector_store_idx %arg8[%add3A_3611], %select_n3A_3269 : memref<4096xi32, #tpu.memory_space<vmem>>[vector<16xi32>], vector<16xi32>,
      %add3A_3612 = arith.constant 4 : i32
      %add3A_3613 = vector.broadcast %add3A_3612 : i32 to vector<16xi32>
      %add3A_3614 = arith.addi %add3A_3574, %add3A_3613 : vector<16xi32>
      tpu.vector_store_idx %arg9[%add3A_3614], %mul3A_3607 : memref<4096xf32, #tpu.memory_space<vmem>>[vector<16xi32>], vector<16xf32>,
      %mul3A_3615 = arith.mulf %exp3A_3297, %div3A_3310 : vector<16xf32>
      %add3A_3616 = arith.addi %add3A_3567, %select_n3A_3275 : vector<16xi32>
      tpu.vector_store_idx %arg7[%add3A_3616], %mul3A_3615 : memref<32768xf32, #tpu.memory_space<vmem>>[vector<16xi32>], vector<16xf32>,
      %add3A_3617 = arith.constant 5 : i32
      %add3A_3618 = vector.broadcast %add3A_3617 : i32 to vector<16xi32>
      %add3A_3619 = arith.addi %add3A_3574, %add3A_3618 : vector<16xi32>
      tpu.vector_store_idx %arg8[%add3A_3619], %select_n3A_3275 : memref<4096xi32, #tpu.memory_space<vmem>>[vector<16xi32>], vector<16xi32>,
      %add3A_3620 = arith.constant 5 : i32
      %add3A_3621 = vector.broadcast %add3A_3620 : i32 to vector<16xi32>
      %add3A_3622 = arith.addi %add3A_3574, %add3A_3621 : vector<16xi32>
      tpu.vector_store_idx %arg9[%add3A_3622], %mul3A_3615 : memref<4096xf32, #tpu.memory_space<vmem>>[vector<16xi32>], vector<16xf32>,
      %mul3A_3623 = arith.mulf %exp3A_3299, %div3A_3310 : vector<16xf32>
      %add3A_3624 = arith.addi %add3A_3567, %select_n3A_3281 : vector<16xi32>
      tpu.vector_store_idx %arg7[%add3A_3624], %mul3A_3623 : memref<32768xf32, #tpu.memory_space<vmem>>[vector<16xi32>], vector<16xf32>,
      %add3A_3625 = arith.constant 6 : i32
      %add3A_3626 = vector.broadcast %add3A_3625 : i32 to vector<16xi32>
      %add3A_3627 = arith.addi %add3A_3574, %add3A_3626 : vector<16xi32>
      tpu.vector_store_idx %arg8[%add3A_3627], %select_n3A_3281 : memref<4096xi32, #tpu.memory_space<vmem>>[vector<16xi32>], vector<16xi32>,
      %add3A_3628 = arith.constant 6 : i32
      %add3A_3629 = vector.broadcast %add3A_3628 : i32 to vector<16xi32>
      %add3A_3630 = arith.addi %add3A_3574, %add3A_3629 : vector<16xi32>
      tpu.vector_store_idx %arg9[%add3A_3630], %mul3A_3623 : memref<4096xf32, #tpu.memory_space<vmem>>[vector<16xi32>], vector<16xf32>,
      %mul3A_3631 = arith.mulf %exp3A_3301, %div3A_3310 : vector<16xf32>
      %add3A_3632 = arith.addi %add3A_3567, %select_n3A_3287 : vector<16xi32>
      tpu.vector_store_idx %arg7[%add3A_3632], %mul3A_3631 : memref<32768xf32, #tpu.memory_space<vmem>>[vector<16xi32>], vector<16xf32>,
      %add3A_3633 = arith.constant 7 : i32
      %add3A_3634 = vector.broadcast %add3A_3633 : i32 to vector<16xi32>
      %add3A_3635 = arith.addi %add3A_3574, %add3A_3634 : vector<16xi32>
      tpu.vector_store_idx %arg8[%add3A_3635], %select_n3A_3287 : memref<4096xi32, #tpu.memory_space<vmem>>[vector<16xi32>], vector<16xi32>,
      %add3A_3636 = arith.constant 7 : i32
      %add3A_3637 = vector.broadcast %add3A_3636 : i32 to vector<16xi32>
      %add3A_3638 = arith.addi %add3A_3574, %add3A_3637 : vector<16xi32>
      tpu.vector_store_idx %arg9[%add3A_3638], %mul3A_3631 : memref<4096xf32, #tpu.memory_space<vmem>>[vector<16xi32>], vector<16xf32>,
    }
    %scan3A_16 = arith.constant 32 : i32
    %mul3A_17 = arith.constant 64 : i32
    %mul3A_18 = arith.muli %mul3A_2, %mul3A_17 : i32
    "tpu.region"() ({
      %run_scoped3A = tpu.sem_alloc : memref<!tpu.dma_semaphore, #tpu.memory_space<semaphore_mem>>
      %dma_start3A = tpu.memref_slice %arg3[%mul3A_18] : memref<1048576xf32, #tpu.memory_space<hbm>> -> memref<32768xf32, #tpu.memory_space<hbm>>
      %dma_start3A_23 = tpu.memref_slice %arg3[%mul3A_18] : memref<1048576xf32, #tpu.memory_space<hbm>> -> memref<32768xf32, #tpu.memory_space<hbm>>
      tpu.enqueue_dma source(%arg7 : memref<32768xf32, #tpu.memory_space<vmem>>) target(%dma_start3A_23 : memref<32768xf32, #tpu.memory_space<hbm>>) target_semaphore(%run_scoped3A : memref<!tpu.dma_semaphore, #tpu.memory_space<semaphore_mem>>)
      %dma_wait3A = tpu.memref_slice %arg3[%mul3A_18] : memref<1048576xf32, #tpu.memory_space<hbm>> -> memref<32768xf32, #tpu.memory_space<hbm>>
      %dma_wait3A_24 = tpu.memref_slice %arg3[%mul3A_18] : memref<1048576xf32, #tpu.memory_space<hbm>> -> memref<32768xf32, #tpu.memory_space<hbm>>
      tpu.wait_dma2 semaphore(%run_scoped3A : memref<!tpu.dma_semaphore, #tpu.memory_space<semaphore_mem>>) src(%arg7 : memref<32768xf32, #tpu.memory_space<vmem>>) dst(%dma_wait3A_24 : memref<32768xf32, #tpu.memory_space<hbm>>)
      tpu.yield
    }) : () -> ()
    %mul3A_19 = arith.constant 8 : i32
    %mul3A_20 = arith.muli %mul3A_2, %mul3A_19 : i32
    "tpu.region"() ({
      %run_scoped3A = tpu.sem_alloc : memref<!tpu.dma_semaphore, #tpu.memory_space<semaphore_mem>>
      %dma_start3A = tpu.memref_slice %arg4[%mul3A_20] : memref<131072xi32, #tpu.memory_space<hbm>> -> memref<4096xi32, #tpu.memory_space<hbm>>
      %dma_start3A_23 = tpu.memref_slice %arg4[%mul3A_20] : memref<131072xi32, #tpu.memory_space<hbm>> -> memref<4096xi32, #tpu.memory_space<hbm>>
      tpu.enqueue_dma source(%arg8 : memref<4096xi32, #tpu.memory_space<vmem>>) target(%dma_start3A_23 : memref<4096xi32, #tpu.memory_space<hbm>>) target_semaphore(%run_scoped3A : memref<!tpu.dma_semaphore, #tpu.memory_space<semaphore_mem>>)
      %dma_wait3A = tpu.memref_slice %arg4[%mul3A_20] : memref<131072xi32, #tpu.memory_space<hbm>> -> memref<4096xi32, #tpu.memory_space<hbm>>
      %dma_wait3A_24 = tpu.memref_slice %arg4[%mul3A_20] : memref<131072xi32, #tpu.memory_space<hbm>> -> memref<4096xi32, #tpu.memory_space<hbm>>
      tpu.wait_dma2 semaphore(%run_scoped3A : memref<!tpu.dma_semaphore, #tpu.memory_space<semaphore_mem>>) src(%arg8 : memref<4096xi32, #tpu.memory_space<vmem>>) dst(%dma_wait3A_24 : memref<4096xi32, #tpu.memory_space<hbm>>)
      tpu.yield
    }) : () -> ()
    %mul3A_21 = arith.constant 8 : i32
    %mul3A_22 = arith.muli %mul3A_2, %mul3A_21 : i32
    "tpu.region"() ({
      %run_scoped3A = tpu.sem_alloc : memref<!tpu.dma_semaphore, #tpu.memory_space<semaphore_mem>>
      %dma_start3A = tpu.memref_slice %arg5[%mul3A_22] : memref<131072xf32, #tpu.memory_space<hbm>> -> memref<4096xf32, #tpu.memory_space<hbm>>
      %dma_start3A_23 = tpu.memref_slice %arg5[%mul3A_22] : memref<131072xf32, #tpu.memory_space<hbm>> -> memref<4096xf32, #tpu.memory_space<hbm>>
      tpu.enqueue_dma source(%arg9 : memref<4096xf32, #tpu.memory_space<vmem>>) target(%dma_start3A_23 : memref<4096xf32, #tpu.memory_space<hbm>>) target_semaphore(%run_scoped3A : memref<!tpu.dma_semaphore, #tpu.memory_space<semaphore_mem>>)
      %dma_wait3A = tpu.memref_slice %arg5[%mul3A_22] : memref<131072xf32, #tpu.memory_space<hbm>> -> memref<4096xf32, #tpu.memory_space<hbm>>
      %dma_wait3A_24 = tpu.memref_slice %arg5[%mul3A_22] : memref<131072xf32, #tpu.memory_space<hbm>> -> memref<4096xf32, #tpu.memory_space<hbm>>
      tpu.wait_dma2 semaphore(%run_scoped3A : memref<!tpu.dma_semaphore, #tpu.memory_space<semaphore_mem>>) src(%arg9 : memref<4096xf32, #tpu.memory_space<vmem>>) dst(%dma_wait3A_24 : memref<4096xf32, #tpu.memory_space<hbm>>)
      tpu.yield
    }) : () -> ()
    return
  }
}

module attributes {stable_mosaic.version = 14 : i64} {
  func.func @_matmul_body(%arg0: i32, %arg1: memref<1024x4096xf32, #tpu.memory_space<vmem>>, %arg2: memref<4096x64xf32, #tpu.memory_space<vmem>>, %arg3: memref<1024x64xf32, #tpu.memory_space<vmem>>) attributes {dimension_semantics = [#tpu.dimension_semantics<arbitrary>], iteration_bounds = array<i64: 16>, scalar_prefetch = 0 : i64, scratch_operands = 0 : i64, tpu.core_type = #tpu.core_type<tc>, window_params = [{transform_indices = @transform_0, window_bounds = array<i64: 1024, 4096>}, {pipeline_mode = #tpu.pipeline_mode<synchronous>, transform_indices = @transform_1, window_bounds = array<i64: 4096, 64>}, {transform_indices = @transform_2, window_bounds = array<i64: 1024, 64>}]} {
    %get3A = arith.constant 0 : index
    %get3A_0 = arith.constant 0 : index
    %get3A_1 = vector.load %arg1[%get3A, %get3A_0] : memref<1024x4096xf32, #tpu.memory_space<vmem>>, vector<1024x4096xf32>
    %get3A_2 = arith.constant 0 : index
    %get3A_3 = arith.constant 0 : index
    %get3A_4 = vector.load %arg2[%get3A_2, %get3A_3] : memref<4096x64xf32, #tpu.memory_space<vmem>>, vector<4096x64xf32>
    %dot_general3A = arith.constant dense<0.000000e+00> : vector<1024x64xf32>
    %dot_general3A_5 = tpu.matmul %get3A_1, %get3A_4, %dot_general3A {dimension_numbers = #tpu.dot_dimension_numbers<[1], [0], [0], [1], [0, 0, 1, 1], [], []>, transpose_lhs_hint = false} : vector<1024x4096xf32>, vector<4096x64xf32>, vector<1024x64xf32> -> vector<1024x64xf32>
    %swap3A = arith.constant 0 : index
    %swap3A_6 = arith.constant 0 : index
    %swap3A_7 = vector.load %arg3[%swap3A, %swap3A_6] : memref<1024x64xf32, #tpu.memory_space<vmem>>, vector<1024x64xf32>
    tpu.vector_store %arg3[%swap3A, %swap3A_6], %dot_general3A_5 {strides = array<i32>} : memref<1024x64xf32, #tpu.memory_space<vmem>>, vector<1024x64xf32>,
    return
  }
  func.func @transform_0(%arg0: i32) -> (i32, i32) {
    %c0_i32 = arith.constant 0 : i32
    %c0_i32_0 = arith.constant 0 : i32
    return %arg0, %c0_i32 : i32, i32
  }
  func.func @transform_1(%arg0: i32) -> (i32, i32) {
    %c0_i32 = arith.constant 0 : i32
    %c0_i32_0 = arith.constant 0 : i32
    %c0_i32_1 = arith.constant 0 : i32
    return %c0_i32, %c0_i32_0 : i32, i32
  }
  func.func @transform_2(%arg0: i32) -> (i32, i32) {
    %c0_i32 = arith.constant 0 : i32
    %c0_i32_0 = arith.constant 0 : i32
    return %arg0, %c0_i32 : i32, i32
  }
}

</mosaic_0001>

<sc_bundles>
// kernel: kernel.4.cloned.1.call-start
scs
__scs_entry_jumppad:
0x0: {  	(pc) =	sbr.rel $0x88, $3  }
0x1: {  	(tag) =	ssettag $0x0;
	lr =	simm.s32 $0x1  }
0x2: {  	[smem:$0x3F9F] =	sst lr;
	_ =	strace $0xD0000000  }
0x3: {  	_ = 	snop  }
0x4: {  	_ = 	snop  }
0x5: {  	_ = 	snop  }
0x6: {  	_ = 	snop  }
0x7: {  	_ = 	snop  }
__scs_overlays_trampoline_lowered:
0x8: {  	[smem:$0x3FAE] =	sst s0  }
0x9: {  	[smem:$0x3FAF] =	sst s1  }
0xa: {  	[smem:$0x3FB0] =	sst s2  }
0xb: {  	[smem:$0x3FB1] =	sst s3  }
0xc: {  	[smem:$0x3FB2] =	sst s4  }
0xd: {  	[smem:$0x3FB3] =	sst s5  }
0xe: {  	[smem:$0x3FB4] =	sst s6  }
0xf: {  	[smem:$0x3FB5] =	sst s7  }
0x10: {  	[smem:$0x3FB6] =	sst s8  }
0x11: {  	[smem:$0x3FB7] =	sst s9;
	s0 =	simm.s32 @!p0 $0x0  }
0x12: {  	s1 =	sld [smem:$0x3F9D];
	s0 =	simm.s32 @p0 $0x1  }
0x13: {  	[smem:$0x3FB8] =	sst s0;
	s0 =	simm.s32 @!p1 $0x0  }
0x14: {  	s2 =	sld [smem:$0x3F9C];
	s0 =	simm.s32 @p1 $0x1  }
0x15: {  	[smem:$0x3FB9] =	sst s0;
	s0 =	simm.s32 @!p2 $0x0  }
0x16: {  	s3 =	sld [smem:$0x3FDB];
	s0 =	simm.s32 @p2 $0x1  }
0x17: {  	s4 =	simm.s32 $0x1BF5;
	[smem:$0x3FBB] =	sst s0  }
0x18: {  	s0 =	sld [smem:$0x3F9E];
	_ =	swait.ge [sflag:s4], $0x0  }
0x19: {  	s7 =	sld [smem:$0x3F9F]  }
0x1a: {  	s8 =	sadd.s32 $0xFFFFE003, lr  }
0x1b: {  	s9 =	sadd.s32 $0xFFFFFEF7, lr;
	s5 =	simm.s32 $0xFFFFFFFF;
	p2 =	slt.u32 s8, $0xFFFFF086  }
0x1c: {  	p1 =	slt.u32 s9, $0xF7A;
	s5 =	simm.s32 @!p2 $0x0  }
0x1d: {  	s5 =	simm.s32 @p1 $0x1;
	p0 =	seq.s32 s7, s2  }
0x1e: {  	s7 =	smul.u32 @!p0 $0xF7A, s2;
	p2 =	seq.s32 @!p0 s5, $0x0  }
0x1f: {  	s9 =	smul.u32 $0xF7A, s1;
	s8 =	simm.s32 @!p0 $0x1BF5;
	p2 =	por !p2, p0  }
0x20: {  	[sflag:s8] =	ssyncset.s32 @!p0 $0xFFFFF086;
	s6 =	sadd.s32 @!p0 s3, s7;
	s7 =	simm.s32 @!p0 $0x108  }
0x21: {  	s3 =	sadd.s32 s3, s9;
	s6 =	sadd.s32 @!p0 $0x88, s6;
	s7 =	simm.s32 @p2 $0x1082  }
0x22: {  	[simem:s7], [sflag:s8] =	dma.local @!p0 [hbm:s6], $0xF7A  }
0x23: {  	s9 =	sor.u32 $0xD0000000, s2;
	s6 =	simm.s32 $0x108;
	_ =	swait.ge @!p0 [sflag:s8], $0x0  }
0x24: {  	s3 =	sadd.s32 $0x88, s3;
	s6 =	simm.s32 @!p1 $0x1082;
	[sflag:s4] =	ssyncset.s32 $0xFFFFF086  }
0x25: {  	[simem:s6], [sflag:s4] =	dma.local [hbm:s3], $0xF7A  }
0x26: {  	[smem:$0x3F9F] =	sst s1;
	(tag) =	ssettag s2;
	_ =	strace s9  }
0x27: {  	s1 =	sld [smem:$0x3FAF]  }
0x28: {  	s2 =	sld [smem:$0x3FB0]  }
0x29: {  	s4 =	sld [smem:$0x3FB2]  }
0x2a: {  	p0 =	seq.s32 s5, $0x0;
	s5 =	sld [smem:$0x3FB3]  }
0x2b: {  	s6 =	sld [smem:$0x3FB4]  }
0x2c: {  	s7 =	sld [smem:$0x3FB5]  }
0x2d: {  	s3 =	simm.s32 $0x108;
	s8 =	sld [smem:$0x3FB6]  }
0x2e: {  	s3 =	simm.s32 @!p0 $0x1082;
	s9 =	sld [smem:$0x3FB7]  }
0x2f: {  	lr =	sadd.s32 s0, s3;
	s0 =	sld [smem:$0x3FAE]  }
0x30: {  	s3 =	sld [smem:$0x3FB1]  }
0x31: {  	[smem:$0x3FBA] =	sst s10  }
0x32: {  	s10 =	sld [smem:$0x3FB8];
	_ =	sdelay $0x3  }
0x33: {  	p0 =	seq.s32 s10, $0x1;
	s10 =	sld [smem:$0x3FBA];
	_ =	sdelay $0x3  }
0x34: {  	[smem:$0x3FBA] =	sst s10  }
0x35: {  	s10 =	sld [smem:$0x3FB9];
	_ =	sdelay $0x3  }
0x36: {  	p1 =	seq.s32 s10, $0x1;
	s10 =	sld [smem:$0x3FBA];
	_ =	sdelay $0x3  }
0x37: {  	[smem:$0x3FBA] =	sst s10  }
0x38: {  	s10 =	sld [smem:$0x3FBB]  }
0x39: {  	_ = 	snop;
	(pc) =	sbr.ind lr, $3  }
0x3a: {  	_ = 	snop  }
0x3b: {  	_ = 	snop  }
0x3c: {  	p2 =	seq.s32 s10, $0x1;
	s10 =	sld [smem:$0x3FBA]  }
0x3d: {  	_ =	shalt  }
0x3e: {  	_ =	shalt  }
0x3f: {  	_ =	shalt  }
0x40: {  	_ =	shalt  }
0x41: {  	_ =	shalt  }
0x42: {  	_ =	shalt  }
0x43: {  	_ =	shalt  }
0x44: {  	_ =	shalt  }
0x45: {  	_ =	shalt  }
0x46: {  	_ =	shalt  }
0x47: {  	_ =	shalt  }
0x48: {  	_ =	shalt  }
0x49: {  	_ =	shalt  }
0x4a: {  	_ =	shalt  }
0x4b: {  	_ =	shalt  }
0x4c: {  	_ =	shalt  }
0x4d: {  	_ =	shalt  }
0x4e: {  	_ =	shalt  }
0x4f: {  	_ =	shalt  }
0x50: {  	_ =	shalt  }
0x51: {  	_ =	shalt  }
0x52: {  	_ =	shalt  }
0x53: {  	_ =	shalt  }
0x54: {  	_ =	shalt  }
0x55: {  	_ =	shalt  }
0x56: {  	_ =	shalt  }
0x57: {  	_ =	shalt  }
0x58: {  	_ =	shalt  }
0x59: {  	_ =	shalt  }
0x5a: {  	_ =	shalt  }
0x5b: {  	_ =	shalt  }
0x5c: {  	_ =	shalt  }
0x5d: {  	_ =	shalt  }
0x5e: {  	_ =	shalt  }
0x5f: {  	_ =	shalt  }
0x60: {  	_ =	shalt  }
0x61: {  	_ =	shalt  }
0x62: {  	_ =	shalt  }
0x63: {  	_ =	shalt  }
0x64: {  	_ =	shalt  }
0x65: {  	_ =	shalt  }
0x66: {  	_ =	shalt  }
0x67: {  	_ =	shalt  }
0x68: {  	_ =	shalt  }
0x69: {  	_ =	shalt  }
0x6a: {  	_ =	shalt  }
0x6b: {  	_ =	shalt  }
0x6c: {  	_ =	shalt  }
0x6d: {  	_ =	shalt  }
0x6e: {  	_ =	shalt  }
0x6f: {  	_ =	shalt  }
0x70: {  	_ =	shalt  }
0x71: {  	_ =	shalt  }
0x72: {  	_ =	shalt  }
0x73: {  	_ =	shalt  }
0x74: {  	_ =	shalt  }
0x75: {  	_ =	shalt  }
0x76: {  	_ =	shalt  }
0x77: {  	_ =	shalt  }
0x78: {  	_ =	shalt  }
0x79: {  	_ =	shalt  }
0x7a: {  	_ =	shalt  }
0x7b: {  	_ =	shalt  }
0x7c: {  	_ =	shalt  }
0x7d: {  	_ =	shalt  }
0x7e: {  	_ =	shalt  }
0x7f: {  	_ =	shalt  }
0x80: {  	_ =	shalt  }
0x81: {  	_ =	shalt  }
0x82: {  	_ =	shalt  }
0x83: {  	_ =	shalt  }
0x84: {  	_ =	shalt  }
0x85: {  	_ =	shalt  }
0x86: {  	_ =	shalt  }
0x87: {  	_ =	shalt  }
.Lfunc_end0:
.L_simem_size_0:
called_computation_lowered:
.L_overlay_start_0:
0x88: {  	s2 =	sld [smem:$0x3FD9]  }
0x89: {  	s3 =	sld [smem:$0x3FFE];
	_ =	sdelay $0x1  }
0x8a: {  	s1 =	srdreg.scid  }
0x8b: {  	s0 =	sand.u32 $0x1, s1  }
0x8c: {  	s14 =	sshll.u32 s0, $0xA;
	s2 =	sadd.s32 s3, s2  }
0x8d: {  	s2 =	sadd.s32 s2, s14  }
0x8e: {  	[smem:$0x3FC6] =	sst s2  }
0x8f: {  	_ = 	snop  }
0x90: {  	s2 =	sld [smem:$0x3FD0];
	_ =	sdelay $0x2  }
0x91: {  	s15 =	simm.s32 $0xA;
	s4 =	simm.s32 $0x10  }
0x92: {  	[smem:s4], [sflag:s15] =	dma.local [hbm:s2], $0x1  }
0x93: {  	_ =	swait.eq [sflag:s15], $0x1  }
0x94: {  	[sflag:s15] =	ssyncset.done $0x0  }
0x95: {  	s16 =	sld [smem:$0x10];
	[sflag:s15] =	ssyncadd.s32 $0xFFFFFFFF  }
0x96: {  	s17 =	sld [smem:$0x12];
	(tm) =	ssettm $0x1  }
0x97: {  	s18 =	sld [smem:$0x3FFB];
	_ =	sdelay $0x3  }
0x98: {  	_ =	strace s18  }
0x99: {  	s4 =	sld [smem:$0x3FFC];
	_ =	sdelay $0x3  }
0x9a: {  	_ =	strace s4  }
0x9b: {  	s4 =	sld [smem:$0x3FFD];
	_ =	sdelay $0x3  }
0x9c: {  	_ =	strace s4  }
0x9d: {  	_ =	strace $0x8FFFFFFF  }
0x9e: {  	s19 =	sld [smem:$0x3FDB];
	_ =	sdelay $0x1  }
0x9f: {  	s5 =	simm.s32 $_scs_section_size  }
0xa0: {  	s6 =	simm.s32 $_size__tile_overlayer_lowered;
	s7 =	simm.s32 $_tile_overlayer_lowered  }
0xa1: {  	s22 =	simm.s32 $0x1BFF;
	s21 =	sshll.u32 s7, $0x1;
	s4 =	sadd.s32 s5, s19  }
0xa2: {  	s8 =	simm.s32 $0x0;
	s20 =	sshll.u32 s6, $0x1;
	s6 =	sadd.s32 s21, s4  }
0xa3: {  	[timem:s8], [sflag:s22] =	dma.local [hbm:s6], s20  }
0xa4: {  	_ =	swait.ge [sflag:s22], s20  }
0xa5: {  	s5 =	ssub.s32 $0x0, s20;
	[sflag:s22] =	ssyncset.done $0x0  }
0xa6: {  	[sflag:s22] =	ssyncadd.s32 s5;
	_ =	sdelay $0x1  }
0xa7: {  	s23 =	simm.s32 $0x1B8B  }
0xa8: {  	_ =	swait.ge [sflag:s23], $0x1  }
0xa9: {  	[sflag:s23] =	ssyncset.done $0x0  }
0xaa: {  	s25 =	simm.s32 $0x1B8E;
	s24 =	sld [smem:$0x3FFE];
	[sflag:s23] =	ssyncadd.s32 $0xFFFFFFFF  }
0xab: {  	s26 =	simm.s32 $execute0_lowered;
	[smem:$0x3FD2] =	sst s25  }
0xac: {  	s6 =	sshll.u32 s26, $0x1;
	_ =	strace $0x80000046;
	[dreg:$0x1] =	wrdreg $0xFFFFFFFF  }
0xad: {  	s28 =	simm.s32 $_size_execute0_lowered;
	s4 =	sadd.s32 s4, s6;
	[dreg:$0x0] =	wrdreg $0x0  }
0xae: {  	s6 =	sshll.u32 s28, $0x1;
	[dreg:$0x2] =	wrdreg s4  }
0xaf: {  	[dreg:$0x3] =	wrdreg s6  }
0xb0: {  	[dreg:$0x4] =	wrdreg $0xC0  }
0xb1: {  	_ =	task [dreg:s8], $0x5FFFF  }
0xb2: {  	[dreg:$0x1] =	wrdreg $0xFFFFFFFF  }
0xb3: {  	[dreg:$0x0] =	wrdreg $0x60  }
0xb4: {  	[dreg:$0x2] =	wrdreg s16  }
0xb5: {  	[dreg:$0x3] =	wrdreg s24  }
0xb6: {  	[dreg:$0x4] =	wrdreg s17  }
0xb7: {  	[dreg:$0x5] =	wrdreg $0x9  }
0xb8: {  	_ =	task.clear_ibuf [dreg:s8], $0x6FFFF;
	_ =	strace $0x90000046  }
0xb9: {  	s29 =	simm.s32 $0x9;
	_ =	strace $0x80000048  }
0xba: {  	_ =	swait.ge [sflag:s29], $0x1  }
0xbb: {  	[sflag:s29] =	ssyncadd.s32 $0xFFFFFFFF  }
0xbc: {  	_ =	strace $0x90000048  }
0xbd: {  	_ =	sfence  }
0xbe: {  	s30 =	sld [smem:$0x0];
	_ =	sdelay $0x2  }
0xbf: {  	s31 =	sshll.u32 s1, $0xD;
	s1 =	sshrl.u32 s1, $0x2  }
0xc0: {  	s3 =	sand.u32 $0x4000, s31;
	s1 =	sadd.s32 s1, s30  }
0xc1: {  	s0 =	sor.u32 s3, s0;
	s1 =	sshll.u32 s1, $0x11  }
0xc2: {  	s0 =	sor.u32 s1, s0  }
0xc3: {  	s0 =	sadd.s32 $0x8F2B, s0  }
0xc4: {  	[sflag:s0] =	ssyncadd.remote.s32 $0x1  }
0xc5: {  	_ =	sfence.sel $0xFFFF  }
0xc6: {  	[dreg:$0x0] =	wrdreg $0xFFFFFFFF;
	(pc) =	sbr.abs _section_cstart, $3  }
0xc7: {  	[dreg:$0x1] =	wrdreg $0xFFFFFFFF  }
0xc8: {  	_ =	task.clear_ibuf [dreg:s8], $0x2FFFF;
	_ =	strace $0x9FFFFFFF  }
0xc9: {  	(tm) =	ssettm $0x7FFFFFFF  }
tec
execute0_lowered:
.L_overlay_start_1:
0x0: {  	(tag) =	ssettag $0x1  }
0x1: {  	v1 =	vlaneseq.u32  }
0x2: {  	v0 =	vand.u32 $0x1, v1  }
0x3: {  	v1 =	vmul.u32 $0x40, v1;
	v0 =	vmul.u32 $0x40, v0;
	_ =	sdelay $0x1  }
0x4: {  	v3 =	vor.u32 $0xFFFFFF80, v0;
	v0 =	vor.u32 $0x27, v1  }
0x5: {  	[tilespmem:$0x1FE60] =	vst v0;
	v0 =	vor.u32 $0x28, v1  }
0x6: {  	s3 =	rddreg [dreg:$0x0];
	[tilespmem:$0x1FE70] =	vst v0;
	v0 =	vor.u32 $0x29, v1  }
0x7: {  	s4 =	rddreg [dreg:$0x1];
	[tilespmem:$0x1FE80] =	vst v0;
	v0 =	vor.u32 $0x2A, v1  }
0x8: {  	s5 =	rddreg [dreg:$0x2];
	s2 =	simm.s32 $0x0;
	[tilespmem:$0x1FE90] =	vst v0;
	v0 =	vor.u32 $0x2B, v1  }
0x9: {  	[smem:$0x7FF] =	sst s2;
	[tilespmem:$0x1FEA0] =	vst v0;
	v0 =	vor.u32 $0x2C, v1  }
0xa: {  	s0 =	rddreg [dreg:$0x3];
	_ =	strace $0x80000047;
	[tilespmem:$0x1FEB0] =	vst v0  }
0xb: {  	v27 =	vor.u32 $0x25, v1;
	[tilespmem:$0x1FFC0] =	vst v3  }
0xc: {  	v2 =	vor.u32 $0x24, v1;
	[tilespmem:$0x1FFD0] =	vst v27  }
0xd: {  	v8 =	vimm.s32 $0x0;
	v5 =	vor.u32 $0x1, v1;
	v31 =	vor.u32 $0x2, v1;
	[tilespmem:$0x1FFE0] =	vst v2  }
0xe: {  	v32 =	vor.u32 $0x3, v1;
	v33 =	vor.u32 $0x4, v1;
	v0 =	vor.u32 $0x2D, v1;
	[tilespmem:$0x1FFF0] =	vst v5  }
0xf: {  	v34 =	vor.u32 $0x5, v1;
	v35 =	vor.u32 $0x6, v1;
	[tilespmem:$0x1FEC0] =	vst v0;
	v0 =	vor.u32 $0x2E, v1  }
0x10: {  	v36 =	vor.u32 $0x7, v1;
	v37 =	vor.u32 $0x8, v1;
	[tilespmem:$0x1FED0] =	vst v0;
	v0 =	vor.u32 $0x2F, v1  }
0x11: {  	v38 =	vor.u32 $0x9, v1;
	v30 =	vor.u32 $0xA, v1;
	[tilespmem:$0x1FEE0] =	vst v0;
	v0 =	vor.u32 $0x30, v1  }
0x12: {  	v28 =	vor.u32 $0xB, v1;
	v41 =	vor.u32 $0xC, v1;
	[tilespmem:$0x1FEF0] =	vst v0;
	v0 =	vor.u32 $0x31, v1  }
0x13: {  	v40 =	vor.u32 $0xD, v1;
	v43 =	vor.u32 $0xE, v1;
	[tilespmem:$0x1FF00] =	vst v0;
	v0 =	vor.u32 $0x32, v1  }
0x14: {  	v42 =	vor.u32 $0xF, v1;
	v45 =	vor.u32 $0x10, v1;
	[tilespmem:$0x1FF10] =	vst v0;
	v0 =	vor.u32 $0x33, v1  }
0x15: {  	v44 =	vor.u32 $0x11, v1;
	v47 =	vor.u32 $0x12, v1;
	[tilespmem:$0x1FF20] =	vst v0;
	v0 =	vor.u32 $0x34, v1  }
0x16: {  	v46 =	vor.u32 $0x13, v1;
	v49 =	vor.u32 $0x14, v1;
	[tilespmem:$0x1FF30] =	vst v0;
	v0 =	vor.u32 $0x35, v1  }
0x17: {  	s6 =	srdreg.scid;
	s1 =	stileid.u32;
	v48 =	vor.u32 $0x15, v1;
	v51 =	vor.u32 $0x16, v1;
	[tilespmem:$0x1FF40] =	vst v0;
	v0 =	vor.u32 $0x36, v1  }
0x18: {  	s6 =	sand.u32 $0x1, s6;
	s7 =	sshll.u32 s1, $0x1;
	v50 =	vor.u32 $0x17, v1;
	v53 =	vor.u32 $0x18, v1;
	[tilespmem:$0x1FF50] =	vst v0;
	v0 =	vor.u32 $0x37, v1  }
0x19: {  	s12 =	simm.s32 $0x0;
	s7 =	sor.u32 s6, s7;
	s6 =	ssub.s32 $0x2, s6;
	v52 =	vor.u32 $0x19, v1;
	v55 =	vor.u32 $0x1A, v1;
	[tilespmem:$0x1FF60] =	vst v0;
	v0 =	vor.u32 $0x38, v1  }
0x1a: {  	v54 =	vor.u32 $0x1B, v1;
	v57 =	vor.u32 $0x1C, v1;
	s8 =	sshll.u32 s7, $0xC;
	s7 =	sshll.u32 s7, $0x9;
	s10 =	sshrl.u32 s6, $0x1;
	[tilespmem:$0x1FF70] =	vst v0;
	v0 =	vor.u32 $0x39, v1  }
0x1b: {  	v56 =	vor.u32 $0x1D, v1;
	v59 =	vor.u32 $0x1E, v1;
	s9 =	sadd.s32 s8, s4;
	s11 =	sadd.s32 s7, s4;
	s10 =	ssub.s32 s6, s10;
	[tilespmem:$0x1FF80] =	vst v0;
	v0 =	vor.u32 $0x3A, v1  }
0x1c: {  	v58 =	vor.u32 $0x1F, v1;
	v61 =	vor.u32 $0x20, v1;
	s3 =	sadd.s32 s3, s8;
	s5 =	sadd.s32 s5, s7;
	s8 =	simm.s32 $0x1;
	[tilespmem:$0x1FF90] =	vst v0;
	v0 =	vor.u32 $0x3B, v1  }
0x1d: {  	v60 =	vor.u32 $0x21, v1;
	v63 =	vor.u32 $0x22, v1;
	s4 =	sadd.s32 $0xC00, s9;
	s6 =	sadd.s32 $0x20C00, s11;
	s7 =	smax.u32 s10, $0x1;
	[tilespmem:$0x1FFA0] =	vst v0;
	v0 =	vor.u32 $0x3C, v1  }
0x1e: {  	v62 =	vor.u32 $0x23, v1;
	v29 =	vor.u32 $0x26, v1;
	s9 =	simm.s32 $0x8000;
	s10 =	simm.s32 $0x10000;
	s11 =	simm.s32 $0x11000;
	[tilespmem:$0x1FFB0] =	vst v0;
	v0 =	vimm.f32 $0.0e+00  }
.LBB2_1:
0x1f: {  	[tilespmem:s2], [sflag:$0x1] =	stream.linear.gather [hbm4b:s3+s2], $0x8000, $0x38;
	[tilespmem:$0x12000] =	vst v63  }
0x20: {  	_ =	swait.ge [sflag:s8], $0x8000  }
0x21: {  	s13 =	simm.s32 $0x8200;
	[sflag:s8] =	ssyncset.done $0x0  }
0x22: {  	s14 =	simm.s32 $0x0;
	s15 =	simm.s32 $0x0;
	[sflag:s8] =	ssyncadd.s32 $0xFFFF8000  }
.LBB2_2:
0x23: {  	v3 =	vld [tilespmem:$0x1FFC0];
	_ =	sdelay $0x1  }
0x24: {  	v18 =	vld [tilespmem:$0x1FFF0];
	_ =	sdelay $0x1  }
0x25: {  	v4 =	vor.u32 s15, v1  }
0x26: {  	v3 =	vand.u32 v3, v4;
	_ =	sdelay $0x1  }
0x27: {  	[tilespmem:$0x1FDF0] =	vst v4;
	v4 =	vor.u32 s15, v18;
	_ =	sdelay $0x2  }
0x28: {  	v3 =	vld.idx.msk [tilespmem:v3+s2+$0x0], $0xffff  }
0x29: {  	v5 =	vor.u32 s15, v31  }
0x2a: {  	v4 =	vld.idx.msk [tilespmem:v4+s2+$0x0], $0xffff;
	_ =	sdelay $0x1  }
0x2b: {  	v9 =	vor.u32 s15, v32  }
0x2c: {  	vm0 =	vlt.f32 v3, $-Inf;
	vm1 =	vgt.f32 v3, $-Inf  }
0x2d: {  	v13 =	vor.u32 s15, v33;
	v17 =	vor.u32 s15, v34;
	v5 =	vld.idx.msk [tilespmem:v5+s2+$0x0], $0xffff;
	vm0 =	vmor vm1, vm0  }
0x2e: {  	vm2 =	vlt.f32 v4, $-Inf;
	vm3 =	vgt.f32 v4, $-Inf;
	v3 =	vnsel vm0, $0xFF800000, v3  }
0x2f: {  	v24 =	vor.u32 s15, v37;
	vm2 =	vmor vm3, vm2;
	vm0 =	vgt.f32 v4, v3  }
0x30: {  	v9 =	vld.idx.msk [tilespmem:v9+s2+$0x0], $0xffff;
	vm9 =	vmneg vm2;
	vm6 =	vmneg vm0;
	v6 =	vsel vm0, v4, v3  }
0x31: {  	v7 =	vsel vm0, $0x1, v8;
	v3 =	vsel vm0, v3, v4;
	v8 =	vimm.s32 $0x0  }
0x32: {  	v8 =	vsel vm6, $0x1, v8;
	vm7 =	vgt.f32 v3, $-Inf;
	vm10 =	vgt.f32 v5, v6  }
0x33: {  	vm8 =	vlt.f32 v3, $-Inf;
	vm0 =	vmor vm7, vm0;
	v10 =	vsel vm10, v6, v5  }
0x34: {  	v13 =	vld.idx.msk [tilespmem:v13+s2+$0x0], $0xffff;
	v6 =	vsel vm10, v5, v6;
	v12 =	vsel vm10, $0x2, v7;
	vm0 =	vmor vm0, vm8  }
0x35: {  	vm14 =	vgt.f32 v9, v6;
	v3 =	vnsel vm0, $0xFF800000, v3;
	vm1 =	vmor vm9, vm0  }
0x36: {  	v11 =	vnsel vm0, $0x0, v8;
	v20 =	vsel vm14, v6, v9;
	vm11 =	vgt.f32 v10, v3  }
0x37: {  	v6 =	vsel vm14, v9, v6;
	v4 =	vsel vm1, $0xFF800000, v4;
	vm12 =	vmor vm10, vm11  }
0x38: {  	v8 =	vsel vm1, $0x0, v8;
	v10 =	vsel vm12, v10, v3;
	v3 =	vsel vm12, v3, v5  }
0x39: {  	v19 =	vsel vm11, $0x2, v11;
	vm11 =	vgt.f32 v13, v6;
	vm13 =	vgt.f32 v3, v4  }
0x3a: {  	v5 =	vsel vm10, v7, v19;
	v7 =	vnsel vm12, $0x2, v11;
	vm0 =	vmor vm12, vm13  }
0x3b: {  	v22 =	vsel vm11, v6, v13;
	v6 =	vsel vm11, v13, v6;
	v14 =	vsel vm0, v4, v3  }
0x3c: {  	vm7 =	vgt.f32 v20, v10;
	vm15 =	vlt.f32 v14, $-Inf;
	vm6 =	vgt.f32 v14, $-Inf  }
0x3d: {  	vm8 =	vmor vm14, vm7;
	v11 =	vsel vm0, v3, v4;
	vm2 =	vmor vm6, vm15  }
0x3e: {  	v15 =	vsel vm0, v7, v8;
	v3 =	vnsel vm2, $0xFF800000, v3;
	v7 =	vnsel vm2, $0x0, v7  }
0x3f: {  	v3 =	vsel vm0, v4, v3;
	v4 =	vsel vm0, v8, v7;
	v7 =	vsel vm8, v10, v9  }
0x40: {  	v8 =	vsel vm14, $0x3, v12;
	v9 =	vsel vm8, v20, v10;
	v10 =	vsel vm7, $0x3, v5  }
0x41: {  	v5 =	vnsel vm8, $0x3, v5;
	vm9 =	vgt.f32 v7, v11;
	vm12 =	vgt.f32 v22, v9  }
0x42: {  	v10 =	vsel vm14, v12, v10;
	vm0 =	vmor vm8, vm9;
	vm13 =	vmor vm11, vm12  }
0x43: {  	v21 =	vsel vm0, v11, v7;
	v7 =	vsel vm0, v7, v11;
	v11 =	vsel vm0, v5, v15  }
0x44: {  	v5 =	vsel vm0, v15, v5;
	v39 =	vsel vm13, v9, v13;
	vm10 =	vgt.f32 v21, v3  }
0x45: {  	v9 =	vsel vm13, v22, v9;
	vm14 =	vgt.f32 v39, v7;
	vm1 =	vmor vm0, vm10  }
0x46: {  	v15 =	vor.u32 s15, v35;
	vm15 =	vmor vm13, vm14;
	v23 =	vsel vm1, v21, v3  }
0x47: {  	v16 =	vsel vm1, v3, v21;
	v18 =	vsel vm1, v5, v4;
	v20 =	vsel vm15, v7, v39  }
0x48: {  	vm4 =	vlt.f32 v16, $-Inf;
	vm5 =	vgt.f32 v16, $-Inf;
	vm8 =	vgt.f32 v20, v23  }
0x49: {  	v13 =	vld.idx.msk [tilespmem:v17+s2+$0x0], $0xffff;
	v7 =	vsel vm15, v39, v7;
	vm4 =	vmor vm5, vm4;
	vm9 =	vmor vm15, vm8  }
0x4a: {  	v12 =	vnsel vm4, $0xFF800000, v21;
	v5 =	vnsel vm4, $0x0, v5;
	v21 =	vsel vm12, $0x4, v10  }
0x4b: {  	v10 =	vnsel vm13, $0x4, v10;
	v22 =	vsel vm9, v23, v20;
	v3 =	vsel vm1, v3, v12  }
0x4c: {  	v4 =	vsel vm1, v4, v5;
	v12 =	vsel vm11, $0x4, v8;
	v8 =	vsel vm11, v8, v21  }
0x4d: {  	v16 =	vsel vm15, v10, v11;
	v10 =	vsel vm15, v11, v10;
	v5 =	vsel vm9, v20, v23  }
0x4e: {  	vm11 =	vgt.f32 v13, v6;
	vm10 =	vgt.f32 v22, v3;
	v11 =	vsel vm9, v10, v18  }
0x4f: {  	v10 =	vsel vm9, v18, v10;
	v17 =	vsel vm11, v6, v13;
	vm1 =	vmor vm9, vm10  }
0x50: {  	v6 =	vsel vm11, v13, v6;
	vm14 =	vgt.f32 v17, v9;
	v23 =	vsel vm1, v3, v22  }
0x51: {  	v39 =	vsel vm1, v22, v3;
	vm15 =	vmor vm11, vm14;
	v19 =	vsel vm1, v10, v4  }
0x52: {  	vm12 =	vlt.f32 v23, $-Inf;
	vm13 =	vgt.f32 v23, $-Inf;
	v20 =	vsel vm15, v9, v13  }
0x53: {  	v21 =	vsel vm14, $0x5, v8;
	vm0 =	vmor vm13, vm12;
	vm5 =	vgt.f32 v20, v7  }
0x54: {  	v14 =	vnsel vm0, $0xFF800000, v22;
	v10 =	vnsel vm0, $0x0, v10;
	vm0 =	vmor vm15, vm5  }
0x55: {  	v9 =	vsel vm15, v17, v9;
	v8 =	vnsel vm15, $0x5, v8;
	v22 =	vsel vm0, v7, v20  }
0x56: {  	v15 =	vld.idx.msk [tilespmem:v15+s2+$0x0], $0xffff;
	v3 =	vsel vm1, v3, v14;
	v4 =	vsel vm1, v4, v10;
	vm6 =	vgt.f32 v22, v5  }
0x57: {  	v10 =	vsel vm11, $0x5, v12;
	v12 =	vsel vm11, v12, v21;
	vm1 =	vmor vm0, vm6  }
0x58: {  	v7 =	vsel vm0, v20, v7;
	v13 =	vsel vm0, v8, v16;
	v23 =	vsel vm1, v5, v22  }
0x59: {  	v8 =	vsel vm0, v16, v8;
	v5 =	vsel vm1, v22, v5;
	vm7 =	vgt.f32 v23, v39  }
0x5a: {  	v14 =	vsel vm1, v8, v11;
	v8 =	vsel vm1, v11, v8;
	vm0 =	vmor vm1, vm7  }
0x5b: {  	vm1 =	vgt.f32 v15, v6;
	v11 =	vsel vm0, v23, v39;
	v16 =	vsel vm0, v39, v23  }
0x5c: {  	v17 =	vsel vm1, v6, v15;
	v18 =	vsel vm0, v8, v19;
	v8 =	vsel vm0, v19, v8  }
0x5d: {  	v23 =	vor.u32 s15, v36;
	vm8 =	vgt.f32 v16, v3;
	vm9 =	vgt.f32 v17, v9  }
0x5e: {  	v6 =	vsel vm1, v15, v6;
	vm0 =	vmor vm0, vm8;
	vm10 =	vmor vm1, vm9  }
0x5f: {  	v19 =	vsel vm0, v16, v3;
	v39 =	vsel vm0, v3, v16;
	v21 =	vsel vm10, v9, v15  }
0x60: {  	v20 =	vsel vm0, v8, v4;
	v9 =	vsel vm10, v17, v9;
	vm6 =	vgt.f32 v21, v7  }
0x61: {  	vm11 =	vlt.f32 v39, $-Inf;
	vm12 =	vgt.f32 v39, $-Inf;
	vm13 =	vmor vm10, vm6  }
0x62: {  	v39 =	vsel vm9, $0x6, v12;
	vm4 =	vmor vm12, vm11;
	v22 =	vsel vm13, v7, v21  }
0x63: {  	v12 =	vnsel vm10, $0x6, v12;
	v16 =	vnsel vm4, $0xFF800000, v16;
	vm14 =	vgt.f32 v22, v5  }
0x64: {  	v15 =	vld.idx.msk [tilespmem:v23+s2+$0x0], $0xffff;
	v8 =	vnsel vm4, $0x0, v8;
	v7 =	vsel vm13, v21, v7;
	vm15 =	vmor vm13, vm14  }
0x65: {  	v17 =	vsel vm13, v12, v13;
	v3 =	vsel vm0, v3, v16;
	v16 =	vsel vm15, v5, v22  }
0x66: {  	v12 =	vsel vm13, v13, v12;
	v4 =	vsel vm0, v4, v8;
	vm4 =	vgt.f32 v16, v11  }
0x67: {  	v8 =	vsel vm1, $0x6, v10;
	v10 =	vsel vm1, v10, v39;
	vm1 =	vmor vm15, vm4  }
0x68: {  	v5 =	vsel vm15, v22, v5;
	v21 =	vsel vm15, v12, v14;
	v39 =	vsel vm1, v11, v16  }
0x69: {  	v12 =	vsel vm15, v14, v12;
	vm9 =	vgt.f32 v15, v6;
	vm6 =	vgt.f32 v39, v19  }
0x6a: {  	v11 =	vsel vm1, v16, v11;
	v14 =	vsel vm1, v12, v18;
	vm7 =	vmor vm1, vm6  }
0x6b: {  	v12 =	vsel vm1, v18, v12;
	v16 =	vsel vm7, v19, v39;
	v13 =	vsel vm7, v39, v19  }
0x6c: {  	v18 =	vsel vm7, v12, v20;
	v19 =	vsel vm9, v6, v15;
	vm8 =	vgt.f32 v16, v3  }
0x6d: {  	v12 =	vsel vm7, v20, v12;
	vm10 =	vgt.f32 v19, v9;
	vm1 =	vmor vm7, vm8  }
0x6e: {  	v6 =	vsel vm9, v15, v6;
	vm11 =	vmor vm9, vm10;
	v20 =	vsel vm1, v16, v3  }
0x6f: {  	v22 =	vsel vm1, v12, v4;
	v39 =	vsel vm1, v3, v16;
	v23 =	vsel vm11, v9, v15  }
0x70: {  	v15 =	vsel vm9, $0x7, v8;
	vm12 =	vlt.f32 v39, $-Inf;
	vm13 =	vgt.f32 v39, $-Inf  }
0x71: {  	v9 =	vsel vm11, v19, v9;
	vm14 =	vgt.f32 v23, v7;
	vm4 =	vmor vm13, vm12  }
0x72: {  	v19 =	vld.idx.msk [tilespmem:v24+s2+$0x0], $0xffff;
	v39 =	vsel vm10, $0x7, v10;
	vm15 =	vmor vm11, vm14;
	v12 =	vnsel vm4, $0x0, v12  }
0x73: {  	v10 =	vnsel vm11, $0x7, v10;
	v4 =	vsel vm1, v4, v12;
	v12 =	vsel vm15, v7, v23  }
0x74: {  	v8 =	vsel vm9, v8, v39;
	v16 =	vnsel vm4, $0xFF800000, v16;
	vm6 =	vgt.f32 v12, v5  }
0x75: {  	v3 =	vsel vm1, v3, v16;
	v7 =	vsel vm15, v23, v7;
	vm7 =	vmor vm15, vm6  }
0x76: {  	v23 =	vsel vm15, v10, v17;
	v10 =	vsel vm15, v17, v10;
	v39 =	vsel vm7, v5, v12  }
0x77: {  	vm10 =	vgt.f32 v19, v6;
	v5 =	vsel vm7, v12, v5;
	vm8 =	vgt.f32 v39, v11  }
0x78: {  	v12 =	vsel vm7, v10, v21;
	v10 =	vsel vm7, v21, v10;
	vm1 =	vmor vm7, vm8  }
0x79: {  	v21 =	vsel vm1, v11, v39;
	v11 =	vsel vm1, v39, v11;
	v16 =	vsel vm1, v10, v14  }
0x7a: {  	v10 =	vsel vm1, v14, v10;
	v39 =	vsel vm10, v6, v19;
	vm9 =	vgt.f32 v21, v13  }
0x7b: {  	v6 =	vsel vm10, v19, v6;
	vm12 =	vgt.f32 v39, v9;
	vm0 =	vmor vm1, vm9  }
0x7c: {  	vm13 =	vmor vm10, vm12;
	v14 =	vsel vm0, v21, v13;
	v13 =	vsel vm0, v13, v21  }
0x7d: {  	v21 =	vsel vm0, v10, v18;
	v25 =	vsel vm13, v9, v19;
	vm11 =	vgt.f32 v13, v20  }
0x7e: {  	v10 =	vsel vm0, v18, v10;
	vm15 =	vgt.f32 v25, v7;
	vm0 =	vmor vm0, vm11  }
0x7f: {  	v9 =	vsel vm13, v39, v9;
	vm5 =	vmor vm13, vm15;
	v24 =	vsel vm0, v20, v13  }
0x80: {  	v18 =	vsel vm0, v13, v20;
	vm14 =	vgt.f32 v24, v3;
	v24 =	vor.u32 s15, v38  }
0x81: {  	v26 =	vsel vm0, v10, v22;
	v4 =	vsel vm14, v10, v4;
	v10 =	vsel vm5, v7, v25  }
0x82: {  	v3 =	vsel vm14, v13, v3;
	v13 =	vsel vm10, $0x8, v15;
	vm7 =	vgt.f32 v10, v5  }
0x83: {  	v3 =	vsel vm0, v20, v3;
	v4 =	vsel vm0, v22, v4;
	vm0 =	vmor vm5, vm7  }
0x84: {  	v7 =	vsel vm5, v25, v7;
	v22 =	vsel vm12, $0x8, v8;
	v39 =	vsel vm0, v5, v10  }
0x85: {  	v8 =	vnsel vm13, $0x8, v8;
	v15 =	vsel vm10, v15, v22;
	v19 =	vld.idx.msk [tilespmem:v24+s2+$0x0], $0xffff;
	vm8 =	vgt.f32 v39, v11  }
0x86: {  	v20 =	vsel vm5, v8, v23;
	v8 =	vsel vm5, v23, v8;
	vm1 =	vmor vm0, vm8  }
0x87: {  	v5 =	vsel vm0, v10, v5;
	v10 =	vsel vm0, v8, v12;
	v22 =	vsel vm1, v11, v39  }
0x88: {  	v8 =	vsel vm0, v12, v8;
	v11 =	vsel vm1, v39, v11;
	vm9 =	vgt.f32 v22, v14  }
0x89: {  	v12 =	vsel vm1, v8, v16;
	v8 =	vsel vm1, v16, v8;
	vm0 =	vmor vm1, vm9  }
0x8a: {  	vm10 =	vgt.f32 v19, v6;
	v16 =	vsel vm0, v14, v22;
	v14 =	vsel vm0, v22, v14  }
0x8b: {  	v22 =	vsel vm0, v8, v21;
	v39 =	vsel vm10, v6, v19;
	vm11 =	vgt.f32 v16, v18  }
0x8c: {  	v8 =	vsel vm0, v21, v8;
	vm12 =	vgt.f32 v39, v9;
	vm1 =	vmor vm0, vm11  }
0x8d: {  	v6 =	vsel vm10, v19, v6;
	vm13 =	vmor vm10, vm12;
	v25 =	vsel vm1, v18, v16  }
0x8e: {  	v23 =	vsel vm13, v9, v19;
	vm15 =	vgt.f32 v25, v3;
	v25 =	vor.u32 s15, v30  }
0x8f: {  	v21 =	vsel vm1, v16, v18;
	v24 =	vsel vm1, v8, v26;
	vm14 =	vgt.f32 v23, v7  }
0x90: {  	v17 =	vsel vm12, $0x9, v15;
	v9 =	vsel vm13, v39, v9;
	vm0 =	vmor vm13, vm14  }
0x91: {  	v3 =	vsel vm15, v16, v3;
	v4 =	vsel vm15, v8, v4;
	v8 =	vsel vm0, v7, v23  }
0x92: {  	v16 =	vsel vm10, $0x9, v13;
	v13 =	vsel vm10, v13, v17;
	vm6 =	vgt.f32 v8, v5  }
0x93: {  	v3 =	vsel vm1, v18, v3;
	v4 =	vsel vm1, v26, v4;
	vm1 =	vmor vm0, vm6;
	v17 =	vld.idx.msk [tilespmem:v25+s2+$0x0], $0xffff  }
0x94: {  	v15 =	vnsel vm13, $0x9, v15;
	v7 =	vsel vm0, v23, v7;
	v39 =	vsel vm1, v5, v8  }
0x95: {  	v19 =	vsel vm0, v15, v20;
	v15 =	vsel vm0, v20, v15;
	vm7 =	vgt.f32 v39, v11  }
0x96: {  	v5 =	vsel vm1, v8, v5;
	v20 =	vsel vm1, v15, v10;
	vm2 =	vmor vm1, vm7  }
0x97: {  	v10 =	vsel vm1, v10, v15;
	v8 =	vsel vm2, v11, v39;
	v11 =	vsel vm2, v39, v11  }
0x98: {  	v15 =	vsel vm2, v10, v12;
	vm8 =	vgt.f32 v8, v14;
	vm9 =	vgt.f32 v17, v6  }
0x99: {  	v10 =	vsel vm2, v12, v10;
	vm0 =	vmor vm2, vm8;
	v39 =	vsel vm9, v6, v17  }
0x9a: {  	v6 =	vsel vm9, v17, v6;
	v12 =	vsel vm0, v14, v8;
	v8 =	vsel vm0, v8, v14  }
0x9b: {  	v18 =	vsel vm0, v10, v22;
	vm11 =	vgt.f32 v39, v9;
	vm10 =	vgt.f32 v12, v21  }
0x9c: {  	v10 =	vsel vm0, v22, v10;
	vm12 =	vmor vm9, vm11;
	vm2 =	vmor vm0, vm10  }
0x9d: {  	v26 =	vsel vm12, v9, v17;
	v9 =	vsel vm12, v39, v9;
	v25 =	vsel vm2, v21, v12  }
0x9e: {  	vm14 =	vgt.f32 v26, v7;
	vm13 =	vgt.f32 v25, v3;
	v25 =	vor.u32 s15, v28  }
0x9f: {  	v22 =	vsel vm2, v12, v21;
	v23 =	vsel vm2, v10, v24;
	vm15 =	vmor vm12, vm14  }
0xa0: {  	v3 =	vsel vm13, v12, v3;
	v4 =	vsel vm13, v10, v4;
	v10 =	vsel vm15, v7, v26  }
0xa1: {  	v12 =	vsel vm9, $0xA, v16;
	v3 =	vsel vm2, v21, v3;
	vm7 =	vgt.f32 v10, v5  }
0xa2: {  	v4 =	vsel vm2, v24, v4;
	v21 =	vsel vm11, $0xA, v13;
	vm2 =	vmor vm15, vm7  }
0xa3: {  	v13 =	vnsel vm12, $0xA, v13;
	v14 =	vsel vm9, v16, v21;
	v16 =	vsel vm2, v5, v10;
	v17 =	vld.idx.msk [tilespmem:v25+s2+$0x0], $0xffff  }
0xa4: {  	v7 =	vsel vm15, v26, v7;
	v21 =	vsel vm15, v13, v19;
	vm8 =	vgt.f32 v16, v11  }
0xa5: {  	v13 =	vsel vm15, v19, v13;
	v5 =	vsel vm2, v10, v5;
	vm0 =	vmor vm2, vm8  }
0xa6: {  	v10 =	vsel vm2, v13, v20;
	v13 =	vsel vm2, v20, v13;
	v39 =	vsel vm0, v11, v16  }
0xa7: {  	v11 =	vsel vm0, v16, v11;
	v16 =	vsel vm0, v13, v15;
	vm9 =	vgt.f32 v39, v8  }
0xa8: {  	v13 =	vsel vm0, v15, v13;
	vm0 =	vmor vm0, vm9;
	vm10 =	vgt.f32 v17, v6  }
0xa9: {  	v15 =	vsel vm0, v39, v8;
	v8 =	vsel vm0, v8, v39;
	v20 =	vsel vm0, v13, v18  }
0xaa: {  	v13 =	vsel vm0, v18, v13;
	v19 =	vsel vm10, v6, v17;
	vm11 =	vgt.f32 v8, v22  }
0xab: {  	v6 =	vsel vm10, v17, v6;
	vm12 =	vgt.f32 v19, v9;
	vm0 =	vmor vm0, vm11  }
0xac: {  	vm13 =	vmor vm10, vm12;
	v18 =	vsel vm0, v8, v22;
	v24 =	vsel vm0, v22, v8  }
0xad: {  	v25 =	vsel vm13, v9, v17;
	vm14 =	vgt.f32 v24, v3;
	v24 =	vor.u32 s15, v41  }
0xae: {  	v26 =	vsel vm0, v13, v23;
	v9 =	vsel vm13, v19, v9;
	vm15 =	vgt.f32 v25, v7  }
0xaf: {  	v3 =	vsel vm14, v8, v3;
	v4 =	vsel vm14, v13, v4;
	vm5 =	vmor vm13, vm15  }
0xb0: {  	v13 =	vsel vm10, $0xB, v12;
	v3 =	vsel vm0, v22, v3;
	v8 =	vsel vm5, v7, v25  }
0xb1: {  	v4 =	vsel vm0, v23, v4;
	v23 =	vsel vm12, $0xB, v14;
	vm7 =	vgt.f32 v8, v5  }
0xb2: {  	v14 =	vnsel vm13, $0xB, v14;
	v12 =	vsel vm10, v12, v23;
	vm0 =	vmor vm5, vm7;
	v19 =	vld.idx.msk [tilespmem:v24+s2+$0x0], $0xffff  }
0xb3: {  	v39 =	vmovc v41;
	v7 =	vsel vm5, v25, v7;
	v22 =	vsel vm5, v14, v21;
	v41 =	vsel vm0, v5, v8  }
0xb4: {  	v14 =	vsel vm5, v21, v14;
	v5 =	vsel vm0, v8, v5;
	vm8 =	vgt.f32 v41, v11  }
0xb5: {  	v8 =	vsel vm0, v14, v10;
	v10 =	vsel vm0, v10, v14;
	vm1 =	vmor vm0, vm8  }
0xb6: {  	v21 =	vsel vm1, v11, v41;
	v11 =	vsel vm1, v41, v11;
	v14 =	vsel vm1, v10, v16  }
0xb7: {  	v10 =	vsel vm1, v16, v10;
	vm9 =	vgt.f32 v21, v15;
	vm10 =	vgt.f32 v19, v6  }
0xb8: {  	vm0 =	vmor vm1, vm9;
	v41 =	vsel vm10, v6, v19;
	v6 =	vsel vm10, v19, v6  }
0xb9: {  	v16 =	vsel vm0, v15, v21;
	v15 =	vsel vm0, v21, v15;
	vm12 =	vgt.f32 v41, v9  }
0xba: {  	v21 =	vsel vm0, v10, v20;
	vm11 =	vgt.f32 v16, v18;
	vm13 =	vmor vm10, vm12  }
0xbb: {  	v10 =	vsel vm0, v20, v10;
	vm1 =	vmor vm0, vm11;
	v23 =	vsel vm13, v9, v19  }
0xbc: {  	v17 =	vsel vm12, $0xC, v12;
	v25 =	vsel vm1, v18, v16;
	vm14 =	vgt.f32 v23, v7  }
0xbd: {  	vm15 =	vgt.f32 v25, v3;
	vm0 =	vmor vm13, vm14;
	v25 =	vor.u32 s15, v40  }
0xbe: {  	v24 =	vsel vm1, v10, v26;
	v4 =	vsel vm15, v10, v4;
	v10 =	vsel vm0, v7, v23  }
0xbf: {  	v20 =	vsel vm1, v16, v18;
	v3 =	vsel vm15, v16, v3;
	vm6 =	vgt.f32 v10, v5  }
0xc0: {  	v3 =	vsel vm1, v18, v3;
	v4 =	vsel vm1, v26, v4;
	vm1 =	vmor vm0, vm6  }
0xc1: {  	v9 =	vsel vm13, v41, v9;
	v12 =	vnsel vm13, $0xC, v12;
	v41 =	vsel vm1, v5, v10  }
0xc2: {  	v16 =	vsel vm10, $0xC, v13;
	v13 =	vsel vm10, v13, v17;
	vm7 =	vgt.f32 v41, v11;
	v17 =	vld.idx.msk [tilespmem:v25+s2+$0x0], $0xffff  }
0xc3: {  	v7 =	vsel vm0, v23, v7;
	v19 =	vsel vm0, v12, v22;
	vm2 =	vmor vm1, vm7  }
0xc4: {  	v12 =	vsel vm0, v22, v12;
	v5 =	vsel vm1, v10, v5;
	v10 =	vsel vm2, v11, v41  }
0xc5: {  	v22 =	vsel vm1, v12, v8;
	v8 =	vsel vm1, v8, v12;
	vm8 =	vgt.f32 v10, v15  }
0xc6: {  	v11 =	vsel vm2, v41, v11;
	v12 =	vsel vm2, v8, v14;
	vm0 =	vmor vm2, vm8  }
0xc7: {  	v8 =	vsel vm2, v14, v8;
	v14 =	vsel vm0, v15, v10;
	vm9 =	vgt.f32 v17, v6  }
0xc8: {  	v10 =	vsel vm0, v10, v15;
	v18 =	vsel vm0, v8, v21;
	v15 =	vsel vm9, v6, v17  }
0xc9: {  	v8 =	vsel vm0, v21, v8;
	vm10 =	vgt.f32 v14, v20;
	vm11 =	vgt.f32 v15, v9  }
0xca: {  	v6 =	vsel vm9, v17, v6;
	vm2 =	vmor vm0, vm10;
	vm12 =	vmor vm9, vm11  }
0xcb: {  	v21 =	vsel vm2, v14, v20;
	v25 =	vsel vm2, v20, v14;
	v26 =	vsel vm12, v9, v17  }
0xcc: {  	vm13 =	vgt.f32 v25, v3;
	v25 =	vor.u32 s15, v43;
	vm14 =	vgt.f32 v26, v7  }
0xcd: {  	v23 =	vsel vm2, v8, v24;
	v9 =	vsel vm12, v15, v9;
	vm15 =	vmor vm12, vm14  }
0xce: {  	v3 =	vsel vm13, v14, v3;
	v4 =	vsel vm13, v8, v4;
	v8 =	vsel vm15, v7, v26  }
0xcf: {  	v14 =	vsel vm9, $0xD, v16;
	v3 =	vsel vm2, v20, v3;
	vm7 =	vgt.f32 v8, v5  }
0xd0: {  	v4 =	vsel vm2, v24, v4;
	v20 =	vsel vm11, $0xD, v13;
	vm2 =	vmor vm15, vm7  }
0xd1: {  	v41 =	vmovc v43;
	v13 =	vnsel vm12, $0xD, v13;
	v15 =	vsel vm9, v16, v20;
	v17 =	vld.idx.msk [tilespmem:v25+s2+$0x0], $0xffff;
	v43 =	vsel vm2, v5, v8  }
0xd2: {  	v7 =	vsel vm15, v26, v7;
	v20 =	vsel vm15, v13, v19;
	vm8 =	vgt.f32 v43, v11  }
0xd3: {  	v13 =	vsel vm15, v19, v13;
	v5 =	vsel vm2, v8, v5;
	vm0 =	vmor vm2, vm8  }
0xd4: {  	v8 =	vsel vm2, v13, v22;
	v13 =	vsel vm2, v22, v13;
	v22 =	vsel vm0, v11, v43  }
0xd5: {  	v11 =	vsel vm0, v43, v11;
	v16 =	vsel vm0, v13, v12;
	vm9 =	vgt.f32 v22, v10  }
0xd6: {  	v12 =	vsel vm0, v12, v13;
	vm10 =	vgt.f32 v17, v6;
	vm0 =	vmor vm0, vm9  }
0xd7: {  	v43 =	vsel vm10, v6, v17;
	v6 =	vsel vm10, v17, v6;
	v13 =	vsel vm0, v22, v10  }
0xd8: {  	v10 =	vsel vm0, v10, v22;
	v22 =	vsel vm0, v12, v18;
	vm12 =	vgt.f32 v43, v9  }
0xd9: {  	v12 =	vsel vm0, v18, v12;
	vm11 =	vgt.f32 v10, v21;
	vm13 =	vmor vm10, vm12  }
0xda: {  	vm0 =	vmor vm0, vm11;
	v25 =	vsel vm13, v9, v17;
	v9 =	vsel vm13, v43, v9  }
0xdb: {  	v18 =	vsel vm0, v10, v21;
	v24 =	vsel vm0, v21, v10;
	vm15 =	vgt.f32 v25, v7  }
0xdc: {  	vm14 =	vgt.f32 v24, v3;
	v24 =	vor.u32 s15, v42;
	vm5 =	vmor vm13, vm15  }
0xdd: {  	v26 =	vsel vm0, v12, v23;
	v3 =	vsel vm14, v10, v3;
	v10 =	vsel vm5, v7, v25  }
0xde: {  	v4 =	vsel vm14, v12, v4;
	v12 =	vsel vm10, $0xE, v14;
	vm7 =	vgt.f32 v10, v5  }
0xdf: {  	v3 =	vsel vm0, v21, v3;
	v4 =	vsel vm0, v23, v4;
	vm0 =	vmor vm5, vm7  }
0xe0: {  	v7 =	vsel vm5, v25, v7;
	v23 =	vsel vm12, $0xE, v15;
	v17 =	vsel vm0, v5, v10  }
0xe1: {  	v15 =	vnsel vm13, $0xE, v15;
	v14 =	vsel vm10, v14, v23;
	v19 =	vld.idx.msk [tilespmem:v24+s2+$0x0], $0xffff;
	vm8 =	vgt.f32 v17, v11  }
0xe2: {  	v21 =	vsel vm5, v15, v20;
	v15 =	vsel vm5, v20, v15;
	vm1 =	vmor vm0, vm8  }
0xe3: {  	v5 =	vsel vm0, v10, v5;
	v10 =	vsel vm0, v15, v8;
	v43 =	vsel vm1, v11, v17  }
0xe4: {  	v8 =	vsel vm0, v8, v15;
	v11 =	vsel vm1, v17, v11;
	vm9 =	vgt.f32 v43, v13  }
0xe5: {  	v15 =	vsel vm1, v8, v16;
	v8 =	vsel vm1, v16, v8;
	vm0 =	vmor vm1, vm9  }
0xe6: {  	vm10 =	vgt.f32 v19, v6;
	v16 =	vsel vm0, v13, v43;
	v13 =	vsel vm0, v43, v13  }
0xe7: {  	v20 =	vsel vm0, v8, v22;
	v17 =	vsel vm10, v6, v19;
	vm11 =	vgt.f32 v16, v18  }
0xe8: {  	v8 =	vsel vm0, v22, v8;
	vm12 =	vgt.f32 v17, v9;
	vm1 =	vmor vm0, vm11  }
0xe9: {  	v6 =	vsel vm10, v19, v6;
	vm13 =	vmor vm10, vm12;
	v25 =	vsel vm1, v18, v16  }
0xea: {  	v23 =	vsel vm13, v9, v19;
	vm15 =	vgt.f32 v25, v3;
	v25 =	vor.u32 s15, v45  }
0xeb: {  	v22 =	vsel vm1, v16, v18;
	v24 =	vsel vm1, v8, v26;
	vm14 =	vgt.f32 v23, v7  }
0xec: {  	v9 =	vsel vm13, v17, v9;
	v17 =	vsel vm12, $0xF, v14;
	vm0 =	vmor vm13, vm14  }
0xed: {  	v3 =	vsel vm15, v16, v3;
	v4 =	vsel vm15, v8, v4;
	v8 =	vsel vm0, v7, v23  }
0xee: {  	v16 =	vsel vm10, $0xF, v12;
	v12 =	vsel vm10, v12, v17;
	vm6 =	vgt.f32 v8, v5  }
0xef: {  	v3 =	vsel vm1, v18, v3;
	v4 =	vsel vm1, v26, v4;
	vm1 =	vmor vm0, vm6;
	v17 =	vld.idx.msk [tilespmem:v25+s2+$0x0], $0xffff  }
0xf0: {  	v43 =	vmovc v45;
	v14 =	vnsel vm13, $0xF, v14;
	v7 =	vsel vm0, v23, v7;
	v45 =	vsel vm1, v5, v8  }
0xf1: {  	v19 =	vsel vm0, v14, v21;
	v14 =	vsel vm0, v21, v14;
	vm7 =	vgt.f32 v45, v11  }
0xf2: {  	v5 =	vsel vm1, v8, v5;
	v21 =	vsel vm1, v14, v10;
	vm2 =	vmor vm1, vm7  }
0xf3: {  	v10 =	vsel vm1, v10, v14;
	v8 =	vsel vm2, v11, v45;
	v11 =	vsel vm2, v45, v11  }
0xf4: {  	v14 =	vsel vm2, v10, v15;
	vm8 =	vgt.f32 v8, v13;
	vm9 =	vgt.f32 v17, v6  }
0xf5: {  	v10 =	vsel vm2, v15, v10;
	vm0 =	vmor vm2, vm8;
	v45 =	vsel vm9, v6, v17  }
0xf6: {  	v6 =	vsel vm9, v17, v6;
	v15 =	vsel vm0, v13, v8;
	v8 =	vsel vm0, v8, v13  }
0xf7: {  	v18 =	vsel vm0, v10, v20;
	vm11 =	vgt.f32 v45, v9;
	vm10 =	vgt.f32 v15, v22  }
0xf8: {  	v10 =	vsel vm0, v20, v10;
	vm12 =	vmor vm9, vm11;
	vm2 =	vmor vm0, vm10  }
0xf9: {  	v26 =	vsel vm12, v9, v17;
	v9 =	vsel vm12, v45, v9;
	v25 =	vsel vm2, v22, v15  }
0xfa: {  	vm14 =	vgt.f32 v26, v7;
	vm13 =	vgt.f32 v25, v3;
	v25 =	vor.u32 s15, v44  }
0xfb: {  	v20 =	vsel vm2, v15, v22;
	v23 =	vsel vm2, v10, v24;
	vm15 =	vmor vm12, vm14  }
0xfc: {  	v3 =	vsel vm13, v15, v3;
	v4 =	vsel vm13, v10, v4;
	v10 =	vsel vm15, v7, v26  }
0xfd: {  	v15 =	vsel vm9, $0x10, v16;
	v7 =	vsel vm15, v26, v7;
	vm7 =	vgt.f32 v10, v5  }
0xfe: {  	v3 =	vsel vm2, v22, v3;
	v4 =	vsel vm2, v24, v4;
	vm2 =	vmor vm15, vm7  }
0xff: {  	v22 =	vsel vm11, $0x10, v12;
	v12 =	vnsel vm12, $0x10, v12;
	v45 =	vsel vm2, v5, v10;
	v17 =	vld.idx.msk [tilespmem:v25+s2+$0x0], $0xffff  }
0x100: {  	v13 =	vsel vm9, v16, v22;
	v22 =	vsel vm15, v12, v19;
	vm8 =	vgt.f32 v45, v11  }
0x101: {  	v12 =	vsel vm15, v19, v12;
	v5 =	vsel vm2, v10, v5;
	vm0 =	vmor vm2, vm8  }
0x102: {  	v10 =	vsel vm2, v12, v21;
	v12 =	vsel vm2, v21, v12;
	v21 =	vsel vm0, v11, v45  }
0x103: {  	v11 =	vsel vm0, v45, v11;
	v16 =	vsel vm0, v12, v14;
	vm9 =	vgt.f32 v21, v8  }
0x104: {  	v12 =	vsel vm0, v14, v12;
	vm0 =	vmor vm0, vm9;
	vm10 =	vgt.f32 v17, v6  }
0x105: {  	v14 =	vsel vm0, v21, v8;
	v8 =	vsel vm0, v8, v21;
	v21 =	vsel vm0, v12, v18  }
0x106: {  	v12 =	vsel vm0, v18, v12;
	v19 =	vsel vm10, v6, v17;
	vm11 =	vgt.f32 v8, v20  }
0x107: {  	v6 =	vsel vm10, v17, v6;
	vm12 =	vgt.f32 v19, v9;
	vm0 =	vmor vm0, vm11  }
0x108: {  	vm13 =	vmor vm10, vm12;
	v18 =	vsel vm0, v8, v20;
	v24 =	vsel vm0, v20, v8  }
0x109: {  	v25 =	vsel vm13, v9, v17;
	vm14 =	vgt.f32 v24, v3;
	v24 =	vor.u32 s15, v47  }
0x10a: {  	v26 =	vsel vm0, v12, v23;
	v9 =	vsel vm13, v19, v9;
	vm15 =	vgt.f32 v25, v7  }
0x10b: {  	v3 =	vsel vm14, v8, v3;
	v4 =	vsel vm14, v12, v4;
	vm5 =	vmor vm13, vm15  }
0x10c: {  	v12 =	vsel vm10, $0x11, v15;
	v3 =	vsel vm0, v20, v3;
	v8 =	vsel vm5, v7, v25  }
0x10d: {  	v4 =	vsel vm0, v23, v4;
	v23 =	vsel vm12, $0x11, v13;
	vm7 =	vgt.f32 v8, v5  }
0x10e: {  	v13 =	vnsel vm13, $0x11, v13;
	v15 =	vsel vm10, v15, v23;
	vm0 =	vmor vm5, vm7;
	v19 =	vld.idx.msk [tilespmem:v24+s2+$0x0], $0xffff  }
0x10f: {  	v45 =	vmovc v47;
	v7 =	vsel vm5, v25, v7;
	v20 =	vsel vm5, v13, v22;
	v47 =	vsel vm0, v5, v8  }
0x110: {  	v13 =	vsel vm5, v22, v13;
	v5 =	vsel vm0, v8, v5;
	vm8 =	vgt.f32 v47, v11  }
0x111: {  	v8 =	vsel vm0, v13, v10;
	v10 =	vsel vm0, v10, v13;
	vm1 =	vmor vm0, vm8  }
0x112: {  	v22 =	vsel vm1, v11, v47;
	v11 =	vsel vm1, v47, v11;
	v13 =	vsel vm1, v10, v16  }
0x113: {  	v10 =	vsel vm1, v16, v10;
	vm9 =	vgt.f32 v22, v14;
	vm10 =	vgt.f32 v19, v6  }
0x114: {  	vm0 =	vmor vm1, vm9;
	v47 =	vsel vm10, v6, v19;
	v6 =	vsel vm10, v19, v6  }
0x115: {  	v16 =	vsel vm0, v14, v22;
	v14 =	vsel vm0, v22, v14;
	vm12 =	vgt.f32 v47, v9  }
0x116: {  	v22 =	vsel vm0, v10, v21;
	vm11 =	vgt.f32 v16, v18;
	vm13 =	vmor vm10, vm12  }
0x117: {  	v10 =	vsel vm0, v21, v10;
	vm1 =	vmor vm0, vm11;
	v23 =	vsel vm13, v9, v19  }
0x118: {  	v17 =	vsel vm12, $0x12, v15;
	v25 =	vsel vm1, v18, v16;
	vm14 =	vgt.f32 v23, v7  }
0x119: {  	vm15 =	vgt.f32 v25, v3;
	vm0 =	vmor vm13, vm14;
	v25 =	vor.u32 s15, v46  }
0x11a: {  	v24 =	vsel vm1, v10, v26;
	v4 =	vsel vm15, v10, v4;
	v10 =	vsel vm0, v7, v23  }
0x11b: {  	v21 =	vsel vm1, v16, v18;
	v3 =	vsel vm15, v16, v3;
	vm6 =	vgt.f32 v10, v5  }
0x11c: {  	v3 =	vsel vm1, v18, v3;
	v4 =	vsel vm1, v26, v4;
	vm1 =	vmor vm0, vm6  }
0x11d: {  	v9 =	vsel vm13, v47, v9;
	v15 =	vnsel vm13, $0x12, v15;
	v47 =	vsel vm1, v5, v10  }
0x11e: {  	v16 =	vsel vm10, $0x12, v12;
	v12 =	vsel vm10, v12, v17;
	vm7 =	vgt.f32 v47, v11;
	v17 =	vld.idx.msk [tilespmem:v25+s2+$0x0], $0xffff  }
0x11f: {  	v7 =	vsel vm0, v23, v7;
	v19 =	vsel vm0, v15, v20;
	vm2 =	vmor vm1, vm7  }
0x120: {  	v15 =	vsel vm0, v20, v15;
	v5 =	vsel vm1, v10, v5;
	v10 =	vsel vm2, v11, v47  }
0x121: {  	v20 =	vsel vm1, v15, v8;
	v8 =	vsel vm1, v8, v15;
	vm8 =	vgt.f32 v10, v14  }
0x122: {  	v11 =	vsel vm2, v47, v11;
	v15 =	vsel vm2, v8, v13;
	vm0 =	vmor vm2, vm8  }
0x123: {  	v8 =	vsel vm2, v13, v8;
	v13 =	vsel vm0, v14, v10;
	vm9 =	vgt.f32 v17, v6  }
0x124: {  	v10 =	vsel vm0, v10, v14;
	v18 =	vsel vm0, v8, v22;
	v14 =	vsel vm9, v6, v17  }
0x125: {  	v8 =	vsel vm0, v22, v8;
	vm10 =	vgt.f32 v13, v21;
	vm11 =	vgt.f32 v14, v9  }
0x126: {  	v6 =	vsel vm9, v17, v6;
	vm2 =	vmor vm0, vm10;
	vm12 =	vmor vm9, vm11  }
0x127: {  	v22 =	vsel vm2, v13, v21;
	v25 =	vsel vm2, v21, v13;
	v26 =	vsel vm12, v9, v17  }
0x128: {  	vm13 =	vgt.f32 v25, v3;
	v25 =	vor.u32 s15, v49;
	vm14 =	vgt.f32 v26, v7  }
0x129: {  	v23 =	vsel vm2, v8, v24;
	v9 =	vsel vm12, v14, v9;
	vm15 =	vmor vm12, vm14  }
0x12a: {  	v3 =	vsel vm13, v13, v3;
	v4 =	vsel vm13, v8, v4;
	v8 =	vsel vm15, v7, v26  }
0x12b: {  	v13 =	vsel vm9, $0x13, v16;
	v3 =	vsel vm2, v21, v3;
	vm7 =	vgt.f32 v8, v5  }
0x12c: {  	v4 =	vsel vm2, v24, v4;
	v21 =	vsel vm11, $0x13, v12;
	vm2 =	vmor vm15, vm7  }
0x12d: {  	v12 =	vnsel vm12, $0x13, v12;
	v14 =	vsel vm9, v16, v21;
	v17 =	vld.idx.msk [tilespmem:v25+s2+$0x0], $0xffff;
	v16 =	vsel vm2, v5, v8  }
0x12e: {  	v21 =	vsel vm15, v12, v19;
	vm8 =	vgt.f32 v16, v11  }
0x12f: {  	v12 =	vsel vm15, v19, v12;
	v5 =	vsel vm2, v8, v5;
	vm0 =	vmor vm2, vm8  }
0x130: {  	v47 =	vmovc v49;
	v8 =	vsel vm2, v12, v20;
	v12 =	vsel vm2, v20, v12;
	v49 =	vsel vm0, v11, v16  }
0x131: {  	v11 =	vsel vm0, v16, v11;
	v16 =	vsel vm0, v12, v15;
	vm9 =	vgt.f32 v49, v10  }
0x132: {  	v12 =	vsel vm0, v15, v12;
	vm10 =	vgt.f32 v17, v6;
	vm0 =	vmor vm0, vm9  }
0x133: {  	v15 =	vsel vm0, v49, v10;
	v10 =	vsel vm0, v10, v49;
	v49 =	vsel vm10, v6, v17  }
0x134: {  	v7 =	vsel vm15, v26, v7;
	v20 =	vsel vm0, v12, v18;
	vm12 =	vgt.f32 v49, v9  }
0x135: {  	v12 =	vsel vm0, v18, v12;
	vm11 =	vgt.f32 v10, v22;
	vm13 =	vmor vm10, vm12  }
0x136: {  	v6 =	vsel vm10, v17, v6;
	vm0 =	vmor vm0, vm11;
	v25 =	vsel vm13, v9, v17  }
0x137: {  	v18 =	vsel vm0, v10, v22;
	v24 =	vsel vm0, v22, v10;
	vm15 =	vgt.f32 v25, v7  }
0x138: {  	vm14 =	vgt.f32 v24, v3;
	v24 =	vor.u32 s15, v48;
	vm5 =	vmor vm13, vm15  }
0x139: {  	v26 =	vsel vm0, v12, v23;
	v3 =	vsel vm14, v10, v3;
	v10 =	vsel vm5, v7, v25  }
0x13a: {  	v9 =	vsel vm13, v49, v9;
	v4 =	vsel vm14, v12, v4;
	vm7 =	vgt.f32 v10, v5  }
0x13b: {  	v3 =	vsel vm0, v22, v3;
	v4 =	vsel vm0, v23, v4;
	vm0 =	vmor vm5, vm7  }
0x13c: {  	v12 =	vsel vm10, $0x14, v13;
	v23 =	vsel vm12, $0x14, v14;
	v49 =	vsel vm0, v5, v10  }
0x13d: {  	v14 =	vnsel vm13, $0x14, v14;
	v7 =	vsel vm5, v25, v7;
	v19 =	vld.idx.msk [tilespmem:v24+s2+$0x0], $0xffff;
	vm8 =	vgt.f32 v49, v11  }
0x13e: {  	v13 =	vsel vm10, v13, v23;
	v22 =	vsel vm5, v14, v21;
	vm1 =	vmor vm0, vm8  }
0x13f: {  	v14 =	vsel vm5, v21, v14;
	v5 =	vsel vm0, v10, v5;
	v21 =	vsel vm1, v11, v49  }
0x140: {  	v10 =	vsel vm0, v14, v8;
	v8 =	vsel vm0, v8, v14;
	vm9 =	vgt.f32 v21, v15  }
0x141: {  	v11 =	vsel vm1, v49, v11;
	v14 =	vsel vm1, v8, v16;
	vm0 =	vmor vm1, vm9  }
0x142: {  	v8 =	vsel vm1, v16, v8;
	vm10 =	vgt.f32 v19, v6;
	v16 =	vsel vm0, v15, v21  }
0x143: {  	v49 =	vsel vm10, v6, v19;
	v15 =	vsel vm0, v21, v15;
	v21 =	vsel vm0, v8, v20  }
0x144: {  	v8 =	vsel vm0, v20, v8;
	vm11 =	vgt.f32 v16, v18;
	vm12 =	vgt.f32 v49, v9  }
0x145: {  	v6 =	vsel vm10, v19, v6;
	vm1 =	vmor vm0, vm11;
	vm13 =	vmor vm10, vm12  }
0x146: {  	v17 =	vsel vm12, $0x15, v13;
	v23 =	vsel vm13, v9, v19;
	v25 =	vsel vm1, v18, v16  }
0x147: {  	vm14 =	vgt.f32 v23, v7;
	vm15 =	vgt.f32 v25, v3;
	v25 =	vor.u32 s15, v51  }
0x148: {  	v20 =	vsel vm1, v16, v18;
	v24 =	vsel vm1, v8, v26;
	vm0 =	vmor vm13, vm14  }
0x149: {  	v9 =	vsel vm13, v49, v9;
	v4 =	vsel vm15, v8, v4;
	v8 =	vsel vm0, v7, v23  }
0x14a: {  	v13 =	vnsel vm13, $0x15, v13;
	v3 =	vsel vm15, v16, v3;
	vm6 =	vgt.f32 v8, v5  }
0x14b: {  	v3 =	vsel vm1, v18, v3;
	v4 =	vsel vm1, v26, v4;
	vm1 =	vmor vm0, vm6  }
0x14c: {  	v16 =	vsel vm10, $0x15, v12;
	v12 =	vsel vm10, v12, v17;
	v49 =	vsel vm1, v5, v8;
	v17 =	vld.idx.msk [tilespmem:v25+s2+$0x0], $0xffff  }
0x14d: {  	v7 =	vsel vm0, v23, v7;
	v19 =	vsel vm0, v13, v22;
	vm7 =	vgt.f32 v49, v11  }
0x14e: {  	v13 =	vsel vm0, v22, v13;
	v5 =	vsel vm1, v8, v5;
	vm2 =	vmor vm1, vm7  }
0x14f: {  	v22 =	vsel vm1, v13, v10;
	v10 =	vsel vm1, v10, v13;
	v8 =	vsel vm2, v11, v49  }
0x150: {  	v11 =	vsel vm2, v49, v11;
	v13 =	vsel vm2, v10, v14;
	vm8 =	vgt.f32 v8, v15  }
0x151: {  	v10 =	vsel vm2, v14, v10;
	vm0 =	vmor vm2, vm8;
	vm9 =	vgt.f32 v17, v6  }
0x152: {  	v14 =	vsel vm0, v15, v8;
	v8 =	vsel vm0, v8, v15;
	v49 =	vsel vm9, v6, v17  }
0x153: {  	v18 =	vsel vm0, v10, v21;
	vm10 =	vgt.f32 v14, v20;
	vm11 =	vgt.f32 v49, v9  }
0x154: {  	v10 =	vsel vm0, v21, v10;
	vm2 =	vmor vm0, vm10;
	vm12 =	vmor vm9, vm11  }
0x155: {  	v6 =	vsel vm9, v17, v6;
	v25 =	vsel vm2, v20, v14;
	v26 =	vsel vm12, v9, v17  }
0x156: {  	vm13 =	vgt.f32 v25, v3;
	vm14 =	vgt.f32 v26, v7;
	v25 =	vor.u32 s15, v50  }
0x157: {  	v21 =	vsel vm2, v14, v20;
	v23 =	vsel vm2, v10, v24;
	vm15 =	vmor vm12, vm14  }
0x158: {  	v9 =	vsel vm12, v49, v9;
	v4 =	vsel vm13, v10, v4;
	v10 =	vsel vm15, v7, v26  }
0x159: {  	v3 =	vsel vm13, v14, v3;
	v14 =	vsel vm9, $0x16, v16;
	vm7 =	vgt.f32 v10, v5  }
0x15a: {  	v3 =	vsel vm2, v20, v3;
	v4 =	vsel vm2, v24, v4;
	vm2 =	vmor vm15, vm7  }
0x15b: {  	v20 =	vsel vm11, $0x16, v12;
	v12 =	vnsel vm12, $0x16, v12;
	v49 =	vsel vm2, v5, v10;
	v17 =	vld.idx.msk [tilespmem:v25+s2+$0x0], $0xffff  }
0x15c: {  	v15 =	vsel vm9, v16, v20;
	v20 =	vsel vm15, v12, v19;
	vm8 =	vgt.f32 v49, v11  }
0x15d: {  	v12 =	vsel vm15, v19, v12;
	v5 =	vsel vm2, v10, v5;
	vm0 =	vmor vm2, vm8  }
0x15e: {  	v10 =	vsel vm2, v12, v22;
	v12 =	vsel vm2, v22, v12;
	v22 =	vsel vm0, v11, v49  }
0x15f: {  	v11 =	vsel vm0, v49, v11;
	v16 =	vsel vm0, v12, v13;
	vm9 =	vgt.f32 v22, v8  }
0x160: {  	v12 =	vsel vm0, v13, v12;
	vm0 =	vmor vm0, vm9;
	vm10 =	vgt.f32 v17, v6  }
0x161: {  	v7 =	vsel vm15, v26, v7;
	v13 =	vsel vm0, v22, v8;
	v49 =	vsel vm10, v6, v17  }
0x162: {  	v8 =	vsel vm0, v8, v22;
	v22 =	vsel vm0, v12, v18;
	vm12 =	vgt.f32 v49, v9  }
0x163: {  	v12 =	vsel vm0, v18, v12;
	vm11 =	vgt.f32 v8, v21;
	vm13 =	vmor vm10, vm12  }
0x164: {  	v6 =	vsel vm10, v17, v6;
	vm0 =	vmor vm0, vm11;
	v25 =	vsel vm13, v9, v17  }
0x165: {  	v18 =	vsel vm0, v8, v21;
	v24 =	vsel vm0, v21, v8;
	vm15 =	vgt.f32 v25, v7  }
0x166: {  	vm14 =	vgt.f32 v24, v3;
	v24 =	vor.u32 s15, v53;
	vm5 =	vmor vm13, vm15  }
0x167: {  	v26 =	vsel vm0, v12, v23;
	v3 =	vsel vm14, v8, v3;
	v8 =	vsel vm5, v7, v25  }
0x168: {  	v9 =	vsel vm13, v49, v9;
	v4 =	vsel vm14, v12, v4;
	vm7 =	vgt.f32 v8, v5  }
0x169: {  	v3 =	vsel vm0, v21, v3;
	v4 =	vsel vm0, v23, v4;
	vm0 =	vmor vm5, vm7  }
0x16a: {  	v12 =	vsel vm10, $0x17, v14;
	v23 =	vsel vm12, $0x17, v15;
	v49 =	vsel vm0, v5, v8  }
0x16b: {  	v15 =	vnsel vm13, $0x17, v15;
	v7 =	vsel vm5, v25, v7;
	v19 =	vld.idx.msk [tilespmem:v24+s2+$0x0], $0xffff;
	vm8 =	vgt.f32 v49, v11  }
0x16c: {  	v14 =	vsel vm10, v14, v23;
	v21 =	vsel vm5, v15, v20;
	vm1 =	vmor vm0, vm8  }
0x16d: {  	v15 =	vsel vm5, v20, v15;
	v5 =	vsel vm0, v8, v5;
	v20 =	vsel vm1, v11, v49  }
0x16e: {  	v8 =	vsel vm0, v15, v10;
	v10 =	vsel vm0, v10, v15;
	vm9 =	vgt.f32 v20, v13  }
0x16f: {  	v11 =	vsel vm1, v49, v11;
	v15 =	vsel vm1, v10, v16;
	vm0 =	vmor vm1, vm9  }
0x170: {  	v10 =	vsel vm1, v16, v10;
	vm10 =	vgt.f32 v19, v6;
	v16 =	vsel vm0, v13, v20  }
0x171: {  	v49 =	vsel vm10, v6, v19;
	v13 =	vsel vm0, v20, v13;
	v20 =	vsel vm0, v10, v22  }
0x172: {  	v10 =	vsel vm0, v22, v10;
	vm11 =	vgt.f32 v16, v18;
	vm12 =	vgt.f32 v49, v9  }
0x173: {  	v6 =	vsel vm10, v19, v6;
	vm1 =	vmor vm0, vm11;
	vm13 =	vmor vm10, vm12  }
0x174: {  	v17 =	vsel vm12, $0x18, v14;
	v23 =	vsel vm13, v9, v19;
	v25 =	vsel vm1, v18, v16  }
0x175: {  	vm14 =	vgt.f32 v23, v7;
	vm15 =	vgt.f32 v25, v3;
	v25 =	vor.u32 s15, v52  }
0x176: {  	v22 =	vsel vm1, v16, v18;
	v24 =	vsel vm1, v10, v26;
	vm0 =	vmor vm13, vm14  }
0x177: {  	v9 =	vsel vm13, v49, v9;
	v4 =	vsel vm15, v10, v4;
	v10 =	vsel vm0, v7, v23  }
0x178: {  	v14 =	vnsel vm13, $0x18, v14;
	v3 =	vsel vm15, v16, v3;
	vm6 =	vgt.f32 v10, v5  }
0x179: {  	v3 =	vsel vm1, v18, v3;
	v4 =	vsel vm1, v26, v4;
	vm1 =	vmor vm0, vm6  }
0x17a: {  	v16 =	vsel vm10, $0x18, v12;
	v12 =	vsel vm10, v12, v17;
	v49 =	vsel vm1, v5, v10;
	v17 =	vld.idx.msk [tilespmem:v25+s2+$0x0], $0xffff  }
0x17b: {  	v7 =	vsel vm0, v23, v7;
	v19 =	vsel vm0, v14, v21;
	vm7 =	vgt.f32 v49, v11  }
0x17c: {  	v14 =	vsel vm0, v21, v14;
	v5 =	vsel vm1, v10, v5;
	vm2 =	vmor vm1, vm7  }
0x17d: {  	v21 =	vsel vm1, v14, v8;
	v8 =	vsel vm1, v8, v14;
	v10 =	vsel vm2, v11, v49  }
0x17e: {  	v11 =	vsel vm2, v49, v11;
	v14 =	vsel vm2, v8, v15;
	vm8 =	vgt.f32 v10, v13  }
0x17f: {  	v8 =	vsel vm2, v15, v8;
	vm0 =	vmor vm2, vm8;
	vm9 =	vgt.f32 v17, v6  }
0x180: {  	v15 =	vsel vm0, v13, v10;
	v10 =	vsel vm0, v10, v13;
	v49 =	vsel vm9, v6, v17  }
0x181: {  	v18 =	vsel vm0, v8, v20;
	vm10 =	vgt.f32 v15, v22;
	vm11 =	vgt.f32 v49, v9  }
0x182: {  	v8 =	vsel vm0, v20, v8;
	vm2 =	vmor vm0, vm10;
	vm12 =	vmor vm9, vm11  }
0x183: {  	v6 =	vsel vm9, v17, v6;
	v25 =	vsel vm2, v22, v15;
	v26 =	vsel vm12, v9, v17  }
0x184: {  	vm13 =	vgt.f32 v25, v3;
	vm14 =	vgt.f32 v26, v7;
	v25 =	vor.u32 s15, v55  }
0x185: {  	v20 =	vsel vm2, v15, v22;
	v23 =	vsel vm2, v8, v24;
	vm15 =	vmor vm12, vm14  }
0x186: {  	v9 =	vsel vm12, v49, v9;
	v4 =	vsel vm13, v8, v4;
	v8 =	vsel vm15, v7, v26  }
0x187: {  	v3 =	vsel vm13, v15, v3;
	v15 =	vsel vm9, $0x19, v16;
	vm7 =	vgt.f32 v8, v5  }
0x188: {  	v3 =	vsel vm2, v22, v3;
	v4 =	vsel vm2, v24, v4;
	vm2 =	vmor vm15, vm7  }
0x189: {  	v22 =	vsel vm11, $0x19, v12;
	v12 =	vnsel vm12, $0x19, v12;
	v49 =	vsel vm2, v5, v8;
	v17 =	vld.idx.msk [tilespmem:v25+s2+$0x0], $0xffff  }
0x18a: {  	v13 =	vsel vm9, v16, v22;
	v22 =	vsel vm15, v12, v19;
	vm8 =	vgt.f32 v49, v11  }
0x18b: {  	v12 =	vsel vm15, v19, v12;
	v5 =	vsel vm2, v8, v5;
	vm0 =	vmor vm2, vm8  }
0x18c: {  	v8 =	vsel vm2, v12, v21;
	v12 =	vsel vm2, v21, v12;
	v21 =	vsel vm0, v11, v49  }
0x18d: {  	v11 =	vsel vm0, v49, v11;
	v16 =	vsel vm0, v12, v14;
	vm9 =	vgt.f32 v21, v10  }
0x18e: {  	v12 =	vsel vm0, v14, v12;
	vm0 =	vmor vm0, vm9;
	vm10 =	vgt.f32 v17, v6  }
0x18f: {  	v7 =	vsel vm15, v26, v7;
	v14 =	vsel vm0, v21, v10;
	v49 =	vsel vm10, v6, v17  }
0x190: {  	v10 =	vsel vm0, v10, v21;
	v21 =	vsel vm0, v12, v18;
	vm12 =	vgt.f32 v49, v9  }
0x191: {  	v12 =	vsel vm0, v18, v12;
	vm11 =	vgt.f32 v10, v20;
	vm13 =	vmor vm10, vm12  }
0x192: {  	v6 =	vsel vm10, v17, v6;
	vm0 =	vmor vm0, vm11;
	v25 =	vsel vm13, v9, v17  }
0x193: {  	v18 =	vsel vm0, v10, v20;
	v24 =	vsel vm0, v20, v10;
	vm15 =	vgt.f32 v25, v7  }
0x194: {  	vm14 =	vgt.f32 v24, v3;
	v24 =	vor.u32 s15, v54;
	vm5 =	vmor vm13, vm15  }
0x195: {  	v26 =	vsel vm0, v12, v23;
	v3 =	vsel vm14, v10, v3;
	v10 =	vsel vm5, v7, v25  }
0x196: {  	v9 =	vsel vm13, v49, v9;
	v4 =	vsel vm14, v12, v4;
	vm7 =	vgt.f32 v10, v5  }
0x197: {  	v3 =	vsel vm0, v20, v3;
	v4 =	vsel vm0, v23, v4;
	vm0 =	vmor vm5, vm7  }
0x198: {  	v12 =	vsel vm10, $0x1A, v15;
	v23 =	vsel vm12, $0x1A, v13;
	v49 =	vsel vm0, v5, v10  }
0x199: {  	v13 =	vnsel vm13, $0x1A, v13;
	v7 =	vsel vm5, v25, v7;
	v19 =	vld.idx.msk [tilespmem:v24+s2+$0x0], $0xffff;
	vm8 =	vgt.f32 v49, v11  }
0x19a: {  	v15 =	vsel vm10, v15, v23;
	v20 =	vsel vm5, v13, v22;
	vm1 =	vmor vm0, vm8  }
0x19b: {  	v13 =	vsel vm5, v22, v13;
	v5 =	vsel vm0, v10, v5;
	v22 =	vsel vm1, v11, v49  }
0x19c: {  	v10 =	vsel vm0, v13, v8;
	v8 =	vsel vm0, v8, v13;
	vm9 =	vgt.f32 v22, v14  }
0x19d: {  	v11 =	vsel vm1, v49, v11;
	v13 =	vsel vm1, v8, v16;
	vm0 =	vmor vm1, vm9  }
0x19e: {  	v8 =	vsel vm1, v16, v8;
	vm10 =	vgt.f32 v19, v6;
	v16 =	vsel vm0, v14, v22  }
0x19f: {  	v49 =	vsel vm10, v6, v19;
	v14 =	vsel vm0, v22, v14;
	v22 =	vsel vm0, v8, v21  }
0x1a0: {  	v8 =	vsel vm0, v21, v8;
	vm11 =	vgt.f32 v16, v18;
	vm12 =	vgt.f32 v49, v9  }
0x1a1: {  	v6 =	vsel vm10, v19, v6;
	vm1 =	vmor vm0, vm11;
	vm13 =	vmor vm10, vm12  }
0x1a2: {  	v17 =	vsel vm12, $0x1B, v15;
	v23 =	vsel vm13, v9, v19;
	v25 =	vsel vm1, v18, v16  }
0x1a3: {  	vm14 =	vgt.f32 v23, v7;
	vm15 =	vgt.f32 v25, v3;
	v25 =	vor.u32 s15, v57  }
0x1a4: {  	v21 =	vsel vm1, v16, v18;
	v24 =	vsel vm1, v8, v26;
	vm0 =	vmor vm13, vm14  }
0x1a5: {  	v9 =	vsel vm13, v49, v9;
	v4 =	vsel vm15, v8, v4;
	v8 =	vsel vm0, v7, v23  }
0x1a6: {  	v15 =	vnsel vm13, $0x1B, v15;
	v3 =	vsel vm15, v16, v3;
	vm6 =	vgt.f32 v8, v5  }
0x1a7: {  	v3 =	vsel vm1, v18, v3;
	v4 =	vsel vm1, v26, v4;
	vm1 =	vmor vm0, vm6  }
0x1a8: {  	v16 =	vsel vm10, $0x1B, v12;
	v12 =	vsel vm10, v12, v17;
	v49 =	vsel vm1, v5, v8;
	v17 =	vld.idx.msk [tilespmem:v25+s2+$0x0], $0xffff  }
0x1a9: {  	v7 =	vsel vm0, v23, v7;
	v19 =	vsel vm0, v15, v20;
	vm7 =	vgt.f32 v49, v11  }
0x1aa: {  	v15 =	vsel vm0, v20, v15;
	v5 =	vsel vm1, v8, v5;
	vm2 =	vmor vm1, vm7  }
0x1ab: {  	v20 =	vsel vm1, v15, v10;
	v10 =	vsel vm1, v10, v15;
	v8 =	vsel vm2, v11, v49  }
0x1ac: {  	v11 =	vsel vm2, v49, v11;
	v15 =	vsel vm2, v10, v13;
	vm8 =	vgt.f32 v8, v14  }
0x1ad: {  	v10 =	vsel vm2, v13, v10;
	vm0 =	vmor vm2, vm8;
	vm9 =	vgt.f32 v17, v6  }
0x1ae: {  	v13 =	vsel vm0, v14, v8;
	v8 =	vsel vm0, v8, v14;
	v49 =	vsel vm9, v6, v17  }
0x1af: {  	v18 =	vsel vm0, v10, v22;
	vm10 =	vgt.f32 v13, v21;
	vm11 =	vgt.f32 v49, v9  }
0x1b0: {  	v10 =	vsel vm0, v22, v10;
	vm2 =	vmor vm0, vm10;
	vm12 =	vmor vm9, vm11  }
0x1b1: {  	v6 =	vsel vm9, v17, v6;
	v25 =	vsel vm2, v21, v13;
	v26 =	vsel vm12, v9, v17  }
0x1b2: {  	vm13 =	vgt.f32 v25, v3;
	vm14 =	vgt.f32 v26, v7;
	v25 =	vor.u32 s15, v56  }
0x1b3: {  	v22 =	vsel vm2, v13, v21;
	v23 =	vsel vm2, v10, v24;
	vm15 =	vmor vm12, vm14  }
0x1b4: {  	v3 =	vsel vm13, v13, v3;
	v4 =	vsel vm13, v10, v4;
	v10 =	vsel vm15, v7, v26  }
0x1b5: {  	v13 =	vsel vm9, $0x1C, v16;
	v3 =	vsel vm2, v21, v3;
	vm7 =	vgt.f32 v10, v5  }
0x1b6: {  	v4 =	vsel vm2, v24, v4;
	v21 =	vsel vm11, $0x1C, v12;
	vm2 =	vmor vm15, vm7  }
0x1b7: {  	v12 =	vnsel vm12, $0x1C, v12;
	v14 =	vsel vm9, v16, v21;
	v16 =	vsel vm2, v5, v10;
	v17 =	vld.idx.msk [tilespmem:v25+s2+$0x0], $0xffff  }
0x1b8: {  	v9 =	vsel vm12, v49, v9;
	v21 =	vsel vm15, v12, v19;
	vm8 =	vgt.f32 v16, v11  }
0x1b9: {  	v12 =	vsel vm15, v19, v12;
	v5 =	vsel vm2, v10, v5;
	vm0 =	vmor vm2, vm8  }
0x1ba: {  	v10 =	vsel vm2, v12, v20;
	v12 =	vsel vm2, v20, v12;
	v49 =	vsel vm0, v11, v16  }
0x1bb: {  	v11 =	vsel vm0, v16, v11;
	v16 =	vsel vm0, v12, v15;
	vm9 =	vgt.f32 v49, v8  }
0x1bc: {  	v12 =	vsel vm0, v15, v12;
	vm0 =	vmor vm0, vm9;
	vm10 =	vgt.f32 v17, v6  }
0x1bd: {  	v15 =	vsel vm0, v49, v8;
	v8 =	vsel vm0, v8, v49;
	v49 =	vsel vm10, v6, v17  }
0x1be: {  	v7 =	vsel vm15, v26, v7;
	v20 =	vsel vm0, v12, v18;
	vm12 =	vgt.f32 v49, v9  }
0x1bf: {  	v12 =	vsel vm0, v18, v12;
	vm11 =	vgt.f32 v8, v22;
	vm13 =	vmor vm10, vm12  }
0x1c0: {  	v6 =	vsel vm10, v17, v6;
	vm0 =	vmor vm0, vm11;
	v25 =	vsel vm13, v9, v17  }
0x1c1: {  	v18 =	vsel vm0, v8, v22;
	v24 =	vsel vm0, v22, v8;
	vm15 =	vgt.f32 v25, v7  }
0x1c2: {  	vm14 =	vgt.f32 v24, v3;
	v24 =	vor.u32 s15, v59;
	vm5 =	vmor vm13, vm15  }
0x1c3: {  	v26 =	vsel vm0, v12, v23;
	v3 =	vsel vm14, v8, v3;
	v8 =	vsel vm5, v7, v25  }
0x1c4: {  	v9 =	vsel vm13, v49, v9;
	v4 =	vsel vm14, v12, v4;
	vm7 =	vgt.f32 v8, v5  }
0x1c5: {  	v3 =	vsel vm0, v22, v3;
	v4 =	vsel vm0, v23, v4;
	vm0 =	vmor vm5, vm7  }
0x1c6: {  	v12 =	vsel vm10, $0x1D, v13;
	v23 =	vsel vm12, $0x1D, v14;
	v49 =	vsel vm0, v5, v8  }
0x1c7: {  	v14 =	vnsel vm13, $0x1D, v14;
	v7 =	vsel vm5, v25, v7;
	v19 =	vld.idx.msk [tilespmem:v24+s2+$0x0], $0xffff;
	vm8 =	vgt.f32 v49, v11  }
0x1c8: {  	v13 =	vsel vm10, v13, v23;
	v22 =	vsel vm5, v14, v21;
	vm1 =	vmor vm0, vm8  }
0x1c9: {  	v14 =	vsel vm5, v21, v14;
	v5 =	vsel vm0, v8, v5;
	v21 =	vsel vm1, v11, v49  }
0x1ca: {  	v8 =	vsel vm0, v14, v10;
	v10 =	vsel vm0, v10, v14;
	vm9 =	vgt.f32 v21, v15  }
0x1cb: {  	v11 =	vsel vm1, v49, v11;
	v14 =	vsel vm1, v10, v16;
	vm0 =	vmor vm1, vm9  }
0x1cc: {  	v10 =	vsel vm1, v16, v10;
	vm10 =	vgt.f32 v19, v6;
	v16 =	vsel vm0, v15, v21  }
0x1cd: {  	v49 =	vsel vm10, v6, v19;
	v15 =	vsel vm0, v21, v15;
	v21 =	vsel vm0, v10, v20  }
0x1ce: {  	v10 =	vsel vm0, v20, v10;
	vm11 =	vgt.f32 v16, v18;
	vm12 =	vgt.f32 v49, v9  }
0x1cf: {  	v6 =	vsel vm10, v19, v6;
	vm1 =	vmor vm0, vm11;
	vm13 =	vmor vm10, vm12  }
0x1d0: {  	v17 =	vsel vm12, $0x1E, v13;
	v23 =	vsel vm13, v9, v19;
	v25 =	vsel vm1, v18, v16  }
0x1d1: {  	vm14 =	vgt.f32 v23, v7;
	vm15 =	vgt.f32 v25, v3;
	v25 =	vor.u32 s15, v58  }
0x1d2: {  	v20 =	vsel vm1, v16, v18;
	v24 =	vsel vm1, v10, v26;
	vm0 =	vmor vm13, vm14  }
0x1d3: {  	v9 =	vsel vm13, v49, v9;
	v4 =	vsel vm15, v10, v4;
	v10 =	vsel vm0, v7, v23  }
0x1d4: {  	v13 =	vnsel vm13, $0x1E, v13;
	v3 =	vsel vm15, v16, v3;
	vm6 =	vgt.f32 v10, v5  }
0x1d5: {  	v3 =	vsel vm1, v18, v3;
	v4 =	vsel vm1, v26, v4;
	vm1 =	vmor vm0, vm6  }
0x1d6: {  	v16 =	vsel vm10, $0x1E, v12;
	v12 =	vsel vm10, v12, v17;
	v49 =	vsel vm1, v5, v10;
	v17 =	vld.idx.msk [tilespmem:v25+s2+$0x0], $0xffff  }
0x1d7: {  	v7 =	vsel vm0, v23, v7;
	v19 =	vsel vm0, v13, v22;
	vm7 =	vgt.f32 v49, v11  }
0x1d8: {  	v13 =	vsel vm0, v22, v13;
	v5 =	vsel vm1, v10, v5;
	vm2 =	vmor vm1, vm7  }
0x1d9: {  	v22 =	vsel vm1, v13, v8;
	v8 =	vsel vm1, v8, v13;
	v10 =	vsel vm2, v11, v49  }
0x1da: {  	v11 =	vsel vm2, v49, v11;
	v13 =	vsel vm2, v8, v14;
	vm8 =	vgt.f32 v10, v15  }
0x1db: {  	v8 =	vsel vm2, v14, v8;
	vm0 =	vmor vm2, vm8;
	vm9 =	vgt.f32 v17, v6  }
0x1dc: {  	v14 =	vsel vm0, v15, v10;
	v10 =	vsel vm0, v10, v15;
	v49 =	vsel vm9, v6, v17  }
0x1dd: {  	v18 =	vsel vm0, v8, v21;
	vm10 =	vgt.f32 v14, v20;
	vm11 =	vgt.f32 v49, v9  }
0x1de: {  	v8 =	vsel vm0, v21, v8;
	vm2 =	vmor vm0, vm10;
	vm12 =	vmor vm9, vm11  }
0x1df: {  	v6 =	vsel vm9, v17, v6;
	v25 =	vsel vm2, v20, v14;
	v26 =	vsel vm12, v9, v17  }
0x1e0: {  	vm13 =	vgt.f32 v25, v3;
	vm14 =	vgt.f32 v26, v7;
	v25 =	vor.u32 s15, v61  }
0x1e1: {  	v21 =	vsel vm2, v14, v20;
	v23 =	vsel vm2, v8, v24;
	vm15 =	vmor vm12, vm14  }
0x1e2: {  	v9 =	vsel vm12, v49, v9;
	v4 =	vsel vm13, v8, v4;
	v8 =	vsel vm15, v7, v26  }
0x1e3: {  	v3 =	vsel vm13, v14, v3;
	v14 =	vsel vm9, $0x1F, v16;
	vm7 =	vgt.f32 v8, v5  }
0x1e4: {  	v3 =	vsel vm2, v20, v3;
	v4 =	vsel vm2, v24, v4;
	vm2 =	vmor vm15, vm7  }
0x1e5: {  	v20 =	vsel vm11, $0x1F, v12;
	v12 =	vnsel vm12, $0x1F, v12;
	v49 =	vsel vm2, v5, v8;
	v17 =	vld.idx.msk [tilespmem:v25+s2+$0x0], $0xffff  }
0x1e6: {  	v15 =	vsel vm9, v16, v20;
	v20 =	vsel vm15, v12, v19;
	vm8 =	vgt.f32 v49, v11  }
0x1e7: {  	v12 =	vsel vm15, v19, v12;
	v5 =	vsel vm2, v8, v5;
	vm0 =	vmor vm2, vm8  }
0x1e8: {  	v8 =	vsel vm2, v12, v22;
	v12 =	vsel vm2, v22, v12;
	v22 =	vsel vm0, v11, v49  }
0x1e9: {  	v11 =	vsel vm0, v49, v11;
	v16 =	vsel vm0, v12, v13;
	vm9 =	vgt.f32 v22, v10  }
0x1ea: {  	v12 =	vsel vm0, v13, v12;
	vm0 =	vmor vm0, vm9;
	vm10 =	vgt.f32 v17, v6  }
0x1eb: {  	v7 =	vsel vm15, v26, v7;
	v13 =	vsel vm0, v22, v10;
	v49 =	vsel vm10, v6, v17  }
0x1ec: {  	v10 =	vsel vm0, v10, v22;
	v22 =	vsel vm0, v12, v18;
	vm12 =	vgt.f32 v49, v9  }
0x1ed: {  	v12 =	vsel vm0, v18, v12;
	vm11 =	vgt.f32 v10, v21;
	vm13 =	vmor vm10, vm12  }
0x1ee: {  	v6 =	vsel vm10, v17, v6;
	vm0 =	vmor vm0, vm11;
	v25 =	vsel vm13, v9, v17  }
0x1ef: {  	v18 =	vsel vm0, v10, v21;
	v24 =	vsel vm0, v21, v10;
	vm15 =	vgt.f32 v25, v7  }
0x1f0: {  	vm14 =	vgt.f32 v24, v3;
	v24 =	vor.u32 s15, v60;
	vm5 =	vmor vm13, vm15  }
0x1f1: {  	v26 =	vsel vm0, v12, v23;
	v3 =	vsel vm14, v10, v3;
	v10 =	vsel vm5, v7, v25  }
0x1f2: {  	v9 =	vsel vm13, v49, v9;
	v4 =	vsel vm14, v12, v4;
	vm7 =	vgt.f32 v10, v5  }
0x1f3: {  	v3 =	vsel vm0, v21, v3;
	v4 =	vsel vm0, v23, v4;
	vm0 =	vmor vm5, vm7  }
0x1f4: {  	v12 =	vsel vm10, $0x20, v14;
	v23 =	vsel vm12, $0x20, v15;
	v49 =	vsel vm0, v5, v10  }
0x1f5: {  	v15 =	vnsel vm13, $0x20, v15;
	v7 =	vsel vm5, v25, v7;
	v19 =	vld.idx.msk [tilespmem:v24+s2+$0x0], $0xffff;
	vm8 =	vgt.f32 v49, v11  }
0x1f6: {  	v14 =	vsel vm10, v14, v23;
	v21 =	vsel vm5, v15, v20;
	vm1 =	vmor vm0, vm8  }
0x1f7: {  	v15 =	vsel vm5, v20, v15;
	v5 =	vsel vm0, v10, v5;
	v20 =	vsel vm1, v11, v49  }
0x1f8: {  	v10 =	vsel vm0, v15, v8;
	v8 =	vsel vm0, v8, v15;
	vm9 =	vgt.f32 v20, v13  }
0x1f9: {  	v11 =	vsel vm1, v49, v11;
	v15 =	vsel vm1, v8, v16;
	vm0 =	vmor vm1, vm9  }
0x1fa: {  	v8 =	vsel vm1, v16, v8;
	vm10 =	vgt.f32 v19, v6;
	v16 =	vsel vm0, v13, v20  }
0x1fb: {  	v49 =	vsel vm10, v6, v19;
	v13 =	vsel vm0, v20, v13;
	v20 =	vsel vm0, v8, v22  }
0x1fc: {  	v8 =	vsel vm0, v22, v8;
	vm11 =	vgt.f32 v16, v18;
	vm12 =	vgt.f32 v49, v9  }
0x1fd: {  	v6 =	vsel vm10, v19, v6;
	vm1 =	vmor vm0, vm11;
	vm13 =	vmor vm10, vm12  }
0x1fe: {  	v17 =	vsel vm12, $0x21, v14;
	v23 =	vsel vm13, v9, v19;
	v25 =	vsel vm1, v18, v16  }
0x1ff: {  	vm14 =	vgt.f32 v23, v7;
	vm15 =	vgt.f32 v25, v3;
	v25 =	vor.u32 s15, v63  }
0x200: {  	v22 =	vsel vm1, v16, v18;
	v24 =	vsel vm1, v8, v26;
	vm0 =	vmor vm13, vm14  }
0x201: {  	v9 =	vsel vm13, v49, v9;
	v4 =	vsel vm15, v8, v4;
	v8 =	vsel vm0, v7, v23  }
0x202: {  	v14 =	vnsel vm13, $0x21, v14;
	v3 =	vsel vm15, v16, v3;
	vm6 =	vgt.f32 v8, v5  }
0x203: {  	v3 =	vsel vm1, v18, v3;
	v4 =	vsel vm1, v26, v4;
	vm1 =	vmor vm0, vm6  }
0x204: {  	v16 =	vsel vm10, $0x21, v12;
	v12 =	vsel vm10, v12, v17;
	v49 =	vsel vm1, v5, v8;
	v17 =	vld.idx.msk [tilespmem:v25+s2+$0x0], $0xffff  }
0x205: {  	v7 =	vsel vm0, v23, v7;
	v19 =	vsel vm0, v14, v21;
	vm7 =	vgt.f32 v49, v11  }
0x206: {  	v14 =	vsel vm0, v21, v14;
	v5 =	vsel vm1, v8, v5;
	vm2 =	vmor vm1, vm7  }
0x207: {  	v21 =	vsel vm1, v14, v10;
	v10 =	vsel vm1, v10, v14;
	v8 =	vsel vm2, v11, v49  }
0x208: {  	v11 =	vsel vm2, v49, v11;
	v14 =	vsel vm2, v10, v15;
	vm8 =	vgt.f32 v8, v13  }
0x209: {  	v10 =	vsel vm2, v15, v10;
	vm0 =	vmor vm2, vm8;
	vm9 =	vgt.f32 v17, v6  }
0x20a: {  	v15 =	vsel vm0, v13, v8;
	v8 =	vsel vm0, v8, v13;
	v49 =	vsel vm9, v6, v17  }
0x20b: {  	v18 =	vsel vm0, v10, v20;
	vm10 =	vgt.f32 v15, v22;
	vm11 =	vgt.f32 v49, v9  }
0x20c: {  	v10 =	vsel vm0, v20, v10;
	vm2 =	vmor vm0, vm10;
	vm12 =	vmor vm9, vm11  }
0x20d: {  	v6 =	vsel vm9, v17, v6;
	v25 =	vsel vm2, v22, v15;
	v26 =	vsel vm12, v9, v17  }
0x20e: {  	vm13 =	vgt.f32 v25, v3;
	vm14 =	vgt.f32 v26, v7;
	v25 =	vor.u32 s15, v62  }
0x20f: {  	v20 =	vsel vm2, v15, v22;
	v23 =	vsel vm2, v10, v24;
	vm15 =	vmor vm12, vm14  }
0x210: {  	v9 =	vsel vm12, v49, v9;
	v4 =	vsel vm13, v10, v4;
	v10 =	vsel vm15, v7, v26  }
0x211: {  	v3 =	vsel vm13, v15, v3;
	v15 =	vsel vm9, $0x22, v16;
	vm7 =	vgt.f32 v10, v5  }
0x212: {  	v3 =	vsel vm2, v22, v3;
	v4 =	vsel vm2, v24, v4;
	vm2 =	vmor vm15, vm7  }
0x213: {  	v22 =	vsel vm11, $0x22, v12;
	v12 =	vnsel vm12, $0x22, v12;
	v49 =	vsel vm2, v5, v10;
	v17 =	vld.idx.msk [tilespmem:v25+s2+$0x0], $0xffff  }
0x214: {  	v13 =	vsel vm9, v16, v22;
	v22 =	vsel vm15, v12, v19;
	vm8 =	vgt.f32 v49, v11  }
0x215: {  	v12 =	vsel vm15, v19, v12;
	v5 =	vsel vm2, v10, v5;
	vm0 =	vmor vm2, vm8  }
0x216: {  	v10 =	vsel vm2, v12, v21;
	v12 =	vsel vm2, v21, v12;
	v21 =	vsel vm0, v11, v49  }
0x217: {  	v11 =	vsel vm0, v49, v11;
	v16 =	vsel vm0, v12, v14;
	vm9 =	vgt.f32 v21, v8  }
0x218: {  	v12 =	vsel vm0, v14, v12;
	vm0 =	vmor vm0, vm9;
	vm10 =	vgt.f32 v17, v6  }
0x219: {  	v7 =	vsel vm15, v26, v7;
	v14 =	vsel vm0, v21, v8;
	v49 =	vsel vm10, v6, v17  }
0x21a: {  	v8 =	vsel vm0, v8, v21;
	v21 =	vsel vm0, v12, v18;
	vm12 =	vgt.f32 v49, v9  }
0x21b: {  	v12 =	vsel vm0, v18, v12;
	vm11 =	vgt.f32 v8, v20;
	vm13 =	vmor vm10, vm12  }
0x21c: {  	v6 =	vsel vm10, v17, v6;
	vm0 =	vmor vm0, vm11;
	v25 =	vsel vm13, v9, v17  }
0x21d: {  	v18 =	vsel vm0, v8, v20;
	v24 =	vsel vm0, v20, v8;
	vm15 =	vgt.f32 v25, v7  }
0x21e: {  	vm14 =	vgt.f32 v24, v3;
	v24 =	vor.u32 s15, v2;
	vm5 =	vmor vm13, vm15  }
0x21f: {  	v26 =	vsel vm0, v12, v23;
	v3 =	vsel vm14, v8, v3;
	v8 =	vsel vm5, v7, v25  }
0x220: {  	v9 =	vsel vm13, v49, v9;
	v4 =	vsel vm14, v12, v4;
	vm7 =	vgt.f32 v8, v5  }
0x221: {  	v3 =	vsel vm0, v20, v3;
	v4 =	vsel vm0, v23, v4;
	vm0 =	vmor vm5, vm7  }
0x222: {  	v12 =	vsel vm10, $0x23, v15;
	v23 =	vsel vm12, $0x23, v13;
	v49 =	vsel vm0, v5, v8  }
0x223: {  	v13 =	vnsel vm13, $0x23, v13;
	v7 =	vsel vm5, v25, v7;
	v19 =	vld.idx.msk [tilespmem:v24+s2+$0x0], $0xffff;
	vm8 =	vgt.f32 v49, v11  }
0x224: {  	v15 =	vsel vm10, v15, v23;
	v20 =	vsel vm5, v13, v22;
	vm1 =	vmor vm0, vm8  }
0x225: {  	v13 =	vsel vm5, v22, v13;
	v5 =	vsel vm0, v8, v5;
	v22 =	vsel vm1, v11, v49  }
0x226: {  	v8 =	vsel vm0, v13, v10;
	v10 =	vsel vm0, v10, v13;
	vm9 =	vgt.f32 v22, v14  }
0x227: {  	v11 =	vsel vm1, v49, v11;
	v13 =	vsel vm1, v10, v16;
	vm0 =	vmor vm1, vm9  }
0x228: {  	v10 =	vsel vm1, v16, v10;
	vm10 =	vgt.f32 v19, v6;
	v16 =	vsel vm0, v14, v22  }
0x229: {  	v49 =	vsel vm10, v6, v19;
	v14 =	vsel vm0, v22, v14;
	v22 =	vsel vm0, v10, v21  }
0x22a: {  	v10 =	vsel vm0, v21, v10;
	vm11 =	vgt.f32 v16, v18;
	vm12 =	vgt.f32 v49, v9  }
0x22b: {  	v6 =	vsel vm10, v19, v6;
	vm1 =	vmor vm0, vm11;
	vm13 =	vmor vm10, vm12  }
0x22c: {  	v17 =	vsel vm12, $0x24, v15;
	v23 =	vsel vm13, v9, v19;
	v25 =	vsel vm1, v18, v16  }
0x22d: {  	vm14 =	vgt.f32 v23, v7;
	vm15 =	vgt.f32 v25, v3;
	v25 =	vor.u32 s15, v27  }
0x22e: {  	v21 =	vsel vm1, v16, v18;
	v24 =	vsel vm1, v10, v26;
	vm0 =	vmor vm13, vm14  }
0x22f: {  	v9 =	vsel vm13, v49, v9;
	v4 =	vsel vm15, v10, v4;
	v10 =	vsel vm0, v7, v23  }
0x230: {  	v15 =	vnsel vm13, $0x24, v15;
	v3 =	vsel vm15, v16, v3;
	vm6 =	vgt.f32 v10, v5  }
0x231: {  	v3 =	vsel vm1, v18, v3;
	v4 =	vsel vm1, v26, v4;
	vm1 =	vmor vm0, vm6  }
0x232: {  	v16 =	vsel vm10, $0x24, v12;
	v12 =	vsel vm10, v12, v17;
	v49 =	vsel vm1, v5, v10;
	v17 =	vld.idx.msk [tilespmem:v25+s2+$0x0], $0xffff  }
0x233: {  	v7 =	vsel vm0, v23, v7;
	v19 =	vsel vm0, v15, v20;
	vm7 =	vgt.f32 v49, v11  }
0x234: {  	v15 =	vsel vm0, v20, v15;
	v5 =	vsel vm1, v10, v5;
	vm2 =	vmor vm1, vm7  }
0x235: {  	v20 =	vsel vm1, v15, v8;
	v8 =	vsel vm1, v8, v15;
	v10 =	vsel vm2, v11, v49  }
0x236: {  	v11 =	vsel vm2, v49, v11;
	v15 =	vsel vm2, v8, v13;
	vm8 =	vgt.f32 v10, v14  }
0x237: {  	v8 =	vsel vm2, v13, v8;
	vm0 =	vmor vm2, vm8;
	vm9 =	vgt.f32 v17, v6  }
0x238: {  	v13 =	vsel vm0, v14, v10;
	v10 =	vsel vm0, v10, v14;
	v49 =	vsel vm9, v6, v17  }
0x239: {  	v18 =	vsel vm0, v8, v22;
	vm10 =	vgt.f32 v13, v21;
	vm11 =	vgt.f32 v49, v9  }
0x23a: {  	v8 =	vsel vm0, v22, v8;
	vm2 =	vmor vm0, vm10;
	vm12 =	vmor vm9, vm11  }
0x23b: {  	v6 =	vsel vm9, v17, v6;
	v25 =	vsel vm2, v21, v13;
	v26 =	vsel vm12, v9, v17  }
0x23c: {  	vm13 =	vgt.f32 v25, v3;
	vm14 =	vgt.f32 v26, v7;
	v25 =	vor.u32 s15, v29  }
0x23d: {  	v22 =	vsel vm2, v13, v21;
	v23 =	vsel vm2, v8, v24;
	vm15 =	vmor vm12, vm14  }
0x23e: {  	v3 =	vsel vm13, v13, v3;
	v4 =	vsel vm13, v8, v4;
	v8 =	vsel vm15, v7, v26  }
0x23f: {  	v13 =	vsel vm9, $0x25, v16;
	v3 =	vsel vm2, v21, v3;
	vm7 =	vgt.f32 v8, v5  }
0x240: {  	v4 =	vsel vm2, v24, v4;
	v21 =	vsel vm11, $0x25, v12;
	vm2 =	vmor vm15, vm7  }
0x241: {  	v12 =	vnsel vm12, $0x25, v12;
	v14 =	vsel vm9, v16, v21;
	v16 =	vsel vm2, v5, v8;
	v17 =	vld.idx.msk [tilespmem:v25+s2+$0x0], $0xffff  }
0x242: {  	v9 =	vsel vm12, v49, v9;
	v21 =	vsel vm15, v12, v19;
	vm8 =	vgt.f32 v16, v11  }
0x243: {  	v12 =	vsel vm15, v19, v12;
	v5 =	vsel vm2, v8, v5;
	vm0 =	vmor vm2, vm8  }
0x244: {  	v8 =	vsel vm2, v12, v20;
	v12 =	vsel vm2, v20, v12;
	v49 =	vsel vm0, v11, v16  }
0x245: {  	v11 =	vsel vm0, v16, v11;
	v16 =	vsel vm0, v12, v15;
	vm9 =	vgt.f32 v49, v10  }
0x246: {  	v12 =	vsel vm0, v15, v12;
	vm0 =	vmor vm0, vm9;
	vm10 =	vgt.f32 v17, v6  }
0x247: {  	v2 =	vld [tilespmem:$0x1FE60];
	v15 =	vsel vm0, v49, v10;
	v10 =	vsel vm0, v10, v49;
	v49 =	vsel vm10, v6, v17  }
0x248: {  	v7 =	vsel vm15, v26, v7;
	v20 =	vsel vm0, v12, v18;
	vm12 =	vgt.f32 v49, v9  }
0x249: {  	v12 =	vsel vm0, v18, v12;
	vm11 =	vgt.f32 v10, v22;
	vm13 =	vmor vm10, vm12  }
0x24a: {  	v6 =	vsel vm10, v17, v6;
	vm0 =	vmor vm0, vm11;
	v25 =	vsel vm13, v9, v17  }
0x24b: {  	v18 =	vsel vm0, v10, v22;
	v24 =	vsel vm0, v22, v10;
	vm15 =	vgt.f32 v25, v7  }
0x24c: {  	vm14 =	vgt.f32 v24, v3;
	v24 =	vor.u32 s15, v2;
	vm5 =	vmor vm13, vm15  }
0x24d: {  	v26 =	vsel vm0, v12, v23;
	v3 =	vsel vm14, v10, v3;
	v10 =	vsel vm5, v7, v25  }
0x24e: {  	v9 =	vsel vm13, v49, v9;
	v4 =	vsel vm14, v12, v4;
	vm7 =	vgt.f32 v10, v5  }
0x24f: {  	v3 =	vsel vm0, v22, v3;
	v4 =	vsel vm0, v23, v4;
	vm0 =	vmor vm5, vm7  }
0x250: {  	v12 =	vsel vm10, $0x26, v13;
	v23 =	vsel vm12, $0x26, v14;
	v49 =	vsel vm0, v5, v10  }
0x251: {  	v14 =	vnsel vm13, $0x26, v14;
	v7 =	vsel vm5, v25, v7;
	v19 =	vld.idx.msk [tilespmem:v24+s2+$0x0], $0xffff;
	vm8 =	vgt.f32 v49, v11  }
0x252: {  	v13 =	vsel vm10, v13, v23;
	v22 =	vsel vm5, v14, v21;
	vm1 =	vmor vm0, vm8  }
0x253: {  	v14 =	vsel vm5, v21, v14;
	v5 =	vsel vm0, v10, v5;
	v21 =	vsel vm1, v11, v49  }
0x254: {  	v10 =	vsel vm0, v14, v8;
	v8 =	vsel vm0, v8, v14;
	vm9 =	vgt.f32 v21, v15  }
0x255: {  	v11 =	vsel vm1, v49, v11;
	v14 =	vsel vm1, v8, v16;
	vm0 =	vmor vm1, vm9  }
0x256: {  	v2 =	vld [tilespmem:$0x1FE70];
	v8 =	vsel vm1, v16, v8;
	vm10 =	vgt.f32 v19, v6;
	v16 =	vsel vm0, v15, v21  }
0x257: {  	v49 =	vsel vm10, v6, v19;
	v15 =	vsel vm0, v21, v15;
	v21 =	vsel vm0, v8, v20  }
0x258: {  	v8 =	vsel vm0, v20, v8;
	vm11 =	vgt.f32 v16, v18;
	vm12 =	vgt.f32 v49, v9  }
0x259: {  	v6 =	vsel vm10, v19, v6;
	vm1 =	vmor vm0, vm11;
	vm13 =	vmor vm10, vm12  }
0x25a: {  	v17 =	vsel vm12, $0x27, v13;
	v23 =	vsel vm13, v9, v19;
	v25 =	vsel vm1, v18, v16  }
0x25b: {  	vm14 =	vgt.f32 v23, v7;
	vm15 =	vgt.f32 v25, v3;
	v25 =	vor.u32 s15, v2  }
0x25c: {  	v20 =	vsel vm1, v16, v18;
	v24 =	vsel vm1, v8, v26;
	vm0 =	vmor vm13, vm14  }
0x25d: {  	v9 =	vsel vm13, v49, v9;
	v4 =	vsel vm15, v8, v4;
	v8 =	vsel vm0, v7, v23  }
0x25e: {  	v13 =	vnsel vm13, $0x27, v13;
	v3 =	vsel vm15, v16, v3;
	vm6 =	vgt.f32 v8, v5  }
0x25f: {  	v3 =	vsel vm1, v18, v3;
	v4 =	vsel vm1, v26, v4;
	vm1 =	vmor vm0, vm6  }
0x260: {  	v16 =	vsel vm10, $0x27, v12;
	v12 =	vsel vm10, v12, v17;
	v49 =	vsel vm1, v5, v8;
	v17 =	vld.idx.msk [tilespmem:v25+s2+$0x0], $0xffff  }
0x261: {  	v7 =	vsel vm0, v23, v7;
	v19 =	vsel vm0, v13, v22;
	vm7 =	vgt.f32 v49, v11  }
0x262: {  	v13 =	vsel vm0, v22, v13;
	v5 =	vsel vm1, v8, v5;
	vm2 =	vmor vm1, vm7  }
0x263: {  	v22 =	vsel vm1, v13, v10;
	v10 =	vsel vm1, v10, v13;
	v8 =	vsel vm2, v11, v49  }
0x264: {  	v11 =	vsel vm2, v49, v11;
	v13 =	vsel vm2, v10, v14;
	vm8 =	vgt.f32 v8, v15  }
0x265: {  	v2 =	vld [tilespmem:$0x1FE80];
	v10 =	vsel vm2, v14, v10;
	vm0 =	vmor vm2, vm8;
	vm9 =	vgt.f32 v17, v6  }
0x266: {  	v14 =	vsel vm0, v15, v8;
	v8 =	vsel vm0, v8, v15;
	v49 =	vsel vm9, v6, v17  }
0x267: {  	v18 =	vsel vm0, v10, v21;
	vm10 =	vgt.f32 v14, v20;
	vm11 =	vgt.f32 v49, v9  }
0x268: {  	v10 =	vsel vm0, v21, v10;
	vm2 =	vmor vm0, vm10;
	vm12 =	vmor vm9, vm11  }
0x269: {  	v6 =	vsel vm9, v17, v6;
	v25 =	vsel vm2, v20, v14;
	v26 =	vsel vm12, v9, v17  }
0x26a: {  	vm13 =	vgt.f32 v25, v3;
	vm14 =	vgt.f32 v26, v7;
	v25 =	vor.u32 s15, v2  }
0x26b: {  	v21 =	vsel vm2, v14, v20;
	v23 =	vsel vm2, v10, v24;
	vm15 =	vmor vm12, vm14  }
0x26c: {  	v9 =	vsel vm12, v49, v9;
	v4 =	vsel vm13, v10, v4;
	v10 =	vsel vm15, v7, v26  }
0x26d: {  	v3 =	vsel vm13, v14, v3;
	v14 =	vsel vm9, $0x28, v16;
	vm7 =	vgt.f32 v10, v5  }
0x26e: {  	v3 =	vsel vm2, v20, v3;
	v4 =	vsel vm2, v24, v4;
	vm2 =	vmor vm15, vm7  }
0x26f: {  	v20 =	vsel vm11, $0x28, v12;
	v12 =	vnsel vm12, $0x28, v12;
	v49 =	vsel vm2, v5, v10;
	v17 =	vld.idx.msk [tilespmem:v25+s2+$0x0], $0xffff  }
0x270: {  	v15 =	vsel vm9, v16, v20;
	v20 =	vsel vm15, v12, v19;
	vm8 =	vgt.f32 v49, v11  }
0x271: {  	v12 =	vsel vm15, v19, v12;
	v5 =	vsel vm2, v10, v5;
	vm0 =	vmor vm2, vm8  }
0x272: {  	v10 =	vsel vm2, v12, v22;
	v12 =	vsel vm2, v22, v12;
	v22 =	vsel vm0, v11, v49  }
0x273: {  	v11 =	vsel vm0, v49, v11;
	v16 =	vsel vm0, v12, v13;
	vm9 =	vgt.f32 v22, v8  }
0x274: {  	v12 =	vsel vm0, v13, v12;
	vm0 =	vmor vm0, vm9;
	vm10 =	vgt.f32 v17, v6  }
0x275: {  	v2 =	vld [tilespmem:$0x1FE90];
	v7 =	vsel vm15, v26, v7;
	v13 =	vsel vm0, v22, v8;
	v49 =	vsel vm10, v6, v17  }
0x276: {  	v8 =	vsel vm0, v8, v22;
	v22 =	vsel vm0, v12, v18;
	vm12 =	vgt.f32 v49, v9  }
0x277: {  	v12 =	vsel vm0, v18, v12;
	vm11 =	vgt.f32 v8, v21;
	vm13 =	vmor vm10, vm12  }
0x278: {  	v6 =	vsel vm10, v17, v6;
	vm0 =	vmor vm0, vm11;
	v25 =	vsel vm13, v9, v17  }
0x279: {  	v18 =	vsel vm0, v8, v21;
	v24 =	vsel vm0, v21, v8;
	vm15 =	vgt.f32 v25, v7  }
0x27a: {  	vm14 =	vgt.f32 v24, v3;
	v24 =	vor.u32 s15, v2;
	vm5 =	vmor vm13, vm15  }
0x27b: {  	v26 =	vsel vm0, v12, v23;
	v3 =	vsel vm14, v8, v3;
	v8 =	vsel vm5, v7, v25  }
0x27c: {  	v9 =	vsel vm13, v49, v9;
	v4 =	vsel vm14, v12, v4;
	vm7 =	vgt.f32 v8, v5  }
0x27d: {  	v3 =	vsel vm0, v21, v3;
	v4 =	vsel vm0, v23, v4;
	vm0 =	vmor vm5, vm7  }
0x27e: {  	v12 =	vsel vm10, $0x29, v14;
	v23 =	vsel vm12, $0x29, v15;
	v49 =	vsel vm0, v5, v8  }
0x27f: {  	v15 =	vnsel vm13, $0x29, v15;
	v7 =	vsel vm5, v25, v7;
	v19 =	vld.idx.msk [tilespmem:v24+s2+$0x0], $0xffff;
	vm8 =	vgt.f32 v49, v11  }
0x280: {  	v14 =	vsel vm10, v14, v23;
	v21 =	vsel vm5, v15, v20;
	vm1 =	vmor vm0, vm8  }
0x281: {  	v15 =	vsel vm5, v20, v15;
	v5 =	vsel vm0, v8, v5;
	v20 =	vsel vm1, v11, v49  }
0x282: {  	v8 =	vsel vm0, v15, v10;
	v10 =	vsel vm0, v10, v15;
	vm9 =	vgt.f32 v20, v13  }
0x283: {  	v11 =	vsel vm1, v49, v11;
	v15 =	vsel vm1, v10, v16;
	vm0 =	vmor vm1, vm9  }
0x284: {  	v2 =	vld [tilespmem:$0x1FEA0];
	v10 =	vsel vm1, v16, v10;
	vm10 =	vgt.f32 v19, v6;
	v16 =	vsel vm0, v13, v20  }
0x285: {  	v49 =	vsel vm10, v6, v19;
	v13 =	vsel vm0, v20, v13;
	v20 =	vsel vm0, v10, v22  }
0x286: {  	v10 =	vsel vm0, v22, v10;
	vm11 =	vgt.f32 v16, v18;
	vm12 =	vgt.f32 v49, v9  }
0x287: {  	v6 =	vsel vm10, v19, v6;
	vm1 =	vmor vm0, vm11;
	vm13 =	vmor vm10, vm12  }
0x288: {  	v17 =	vsel vm12, $0x2A, v14;
	v23 =	vsel vm13, v9, v19;
	v25 =	vsel vm1, v18, v16  }
0x289: {  	vm14 =	vgt.f32 v23, v7;
	vm15 =	vgt.f32 v25, v3;
	v25 =	vor.u32 s15, v2  }
0x28a: {  	v22 =	vsel vm1, v16, v18;
	v24 =	vsel vm1, v10, v26;
	vm0 =	vmor vm13, vm14  }
0x28b: {  	v9 =	vsel vm13, v49, v9;
	v4 =	vsel vm15, v10, v4;
	v10 =	vsel vm0, v7, v23  }
0x28c: {  	v14 =	vnsel vm13, $0x2A, v14;
	v3 =	vsel vm15, v16, v3;
	vm6 =	vgt.f32 v10, v5  }
0x28d: {  	v3 =	vsel vm1, v18, v3;
	v4 =	vsel vm1, v26, v4;
	vm1 =	vmor vm0, vm6  }
0x28e: {  	v16 =	vsel vm10, $0x2A, v12;
	v12 =	vsel vm10, v12, v17;
	v49 =	vsel vm1, v5, v10;
	v17 =	vld.idx.msk [tilespmem:v25+s2+$0x0], $0xffff  }
0x28f: {  	v7 =	vsel vm0, v23, v7;
	v19 =	vsel vm0, v14, v21;
	vm7 =	vgt.f32 v49, v11  }
0x290: {  	v14 =	vsel vm0, v21, v14;
	v5 =	vsel vm1, v10, v5;
	vm2 =	vmor vm1, vm7  }
0x291: {  	v21 =	vsel vm1, v14, v8;
	v8 =	vsel vm1, v8, v14;
	v10 =	vsel vm2, v11, v49  }
0x292: {  	v11 =	vsel vm2, v49, v11;
	v14 =	vsel vm2, v8, v15;
	vm8 =	vgt.f32 v10, v13  }
0x293: {  	v2 =	vld [tilespmem:$0x1FEB0];
	v8 =	vsel vm2, v15, v8;
	vm0 =	vmor vm2, vm8;
	vm9 =	vgt.f32 v17, v6  }
0x294: {  	v15 =	vsel vm0, v13, v10;
	v10 =	vsel vm0, v10, v13;
	v49 =	vsel vm9, v6, v17  }
0x295: {  	v18 =	vsel vm0, v8, v20;
	vm10 =	vgt.f32 v15, v22;
	vm11 =	vgt.f32 v49, v9  }
0x296: {  	v8 =	vsel vm0, v20, v8;
	vm2 =	vmor vm0, vm10;
	vm12 =	vmor vm9, vm11  }
0x297: {  	v6 =	vsel vm9, v17, v6;
	v25 =	vsel vm2, v22, v15;
	v26 =	vsel vm12, v9, v17  }
0x298: {  	vm13 =	vgt.f32 v25, v3;
	vm14 =	vgt.f32 v26, v7;
	v25 =	vor.u32 s15, v2  }
0x299: {  	v20 =	vsel vm2, v15, v22;
	v23 =	vsel vm2, v8, v24;
	vm15 =	vmor vm12, vm14  }
0x29a: {  	v9 =	vsel vm12, v49, v9;
	v4 =	vsel vm13, v8, v4;
	v8 =	vsel vm15, v7, v26  }
0x29b: {  	v3 =	vsel vm13, v15, v3;
	v15 =	vsel vm9, $0x2B, v16;
	vm7 =	vgt.f32 v8, v5  }
0x29c: {  	v3 =	vsel vm2, v22, v3;
	v4 =	vsel vm2, v24, v4;
	vm2 =	vmor vm15, vm7  }
0x29d: {  	v22 =	vsel vm11, $0x2B, v12;
	v12 =	vnsel vm12, $0x2B, v12;
	v49 =	vsel vm2, v5, v8;
	v17 =	vld.idx.msk [tilespmem:v25+s2+$0x0], $0xffff  }
0x29e: {  	v13 =	vsel vm9, v16, v22;
	v22 =	vsel vm15, v12, v19;
	vm8 =	vgt.f32 v49, v11  }
0x29f: {  	v12 =	vsel vm15, v19, v12;
	v5 =	vsel vm2, v8, v5;
	vm0 =	vmor vm2, vm8  }
0x2a0: {  	v8 =	vsel vm2, v12, v21;
	v12 =	vsel vm2, v21, v12;
	v21 =	vsel vm0, v11, v49  }
0x2a1: {  	v11 =	vsel vm0, v49, v11;
	v16 =	vsel vm0, v12, v14;
	vm9 =	vgt.f32 v21, v10  }
0x2a2: {  	v12 =	vsel vm0, v14, v12;
	vm0 =	vmor vm0, vm9;
	vm10 =	vgt.f32 v17, v6  }
0x2a3: {  	v2 =	vld [tilespmem:$0x1FEC0];
	v7 =	vsel vm15, v26, v7;
	v14 =	vsel vm0, v21, v10;
	v49 =	vsel vm10, v6, v17  }
0x2a4: {  	v10 =	vsel vm0, v10, v21;
	v21 =	vsel vm0, v12, v18;
	vm12 =	vgt.f32 v49, v9  }
0x2a5: {  	v12 =	vsel vm0, v18, v12;
	vm11 =	vgt.f32 v10, v20;
	vm13 =	vmor vm10, vm12  }
0x2a6: {  	v6 =	vsel vm10, v17, v6;
	vm0 =	vmor vm0, vm11;
	v25 =	vsel vm13, v9, v17  }
0x2a7: {  	v18 =	vsel vm0, v10, v20;
	v24 =	vsel vm0, v20, v10;
	vm15 =	vgt.f32 v25, v7  }
0x2a8: {  	vm14 =	vgt.f32 v24, v3;
	v24 =	vor.u32 s15, v2;
	vm5 =	vmor vm13, vm15  }
0x2a9: {  	v26 =	vsel vm0, v12, v23;
	v3 =	vsel vm14, v10, v3;
	v10 =	vsel vm5, v7, v25  }
0x2aa: {  	v9 =	vsel vm13, v49, v9;
	v4 =	vsel vm14, v12, v4;
	vm7 =	vgt.f32 v10, v5  }
0x2ab: {  	v3 =	vsel vm0, v20, v3;
	v4 =	vsel vm0, v23, v4;
	vm0 =	vmor vm5, vm7  }
0x2ac: {  	v12 =	vsel vm10, $0x2C, v15;
	v23 =	vsel vm12, $0x2C, v13;
	v49 =	vsel vm0, v5, v10  }
0x2ad: {  	v13 =	vnsel vm13, $0x2C, v13;
	v7 =	vsel vm5, v25, v7;
	v19 =	vld.idx.msk [tilespmem:v24+s2+$0x0], $0xffff;
	vm8 =	vgt.f32 v49, v11  }
0x2ae: {  	v15 =	vsel vm10, v15, v23;
	v20 =	vsel vm5, v13, v22;
	vm1 =	vmor vm0, vm8  }
0x2af: {  	v13 =	vsel vm5, v22, v13;
	v5 =	vsel vm0, v10, v5;
	v22 =	vsel vm1, v11, v49  }
0x2b0: {  	v10 =	vsel vm0, v13, v8;
	v8 =	vsel vm0, v8, v13;
	vm9 =	vgt.f32 v22, v14  }
0x2b1: {  	v11 =	vsel vm1, v49, v11;
	v13 =	vsel vm1, v8, v16;
	vm0 =	vmor vm1, vm9  }
0x2b2: {  	v2 =	vld [tilespmem:$0x1FED0];
	v8 =	vsel vm1, v16, v8;
	vm10 =	vgt.f32 v19, v6;
	v16 =	vsel vm0, v14, v22  }
0x2b3: {  	v49 =	vsel vm10, v6, v19;
	v14 =	vsel vm0, v22, v14;
	v22 =	vsel vm0, v8, v21  }
0x2b4: {  	v8 =	vsel vm0, v21, v8;
	vm11 =	vgt.f32 v16, v18;
	vm12 =	vgt.f32 v49, v9  }
0x2b5: {  	v6 =	vsel vm10, v19, v6;
	vm1 =	vmor vm0, vm11;
	vm13 =	vmor vm10, vm12  }
0x2b6: {  	v17 =	vsel vm12, $0x2D, v15;
	v23 =	vsel vm13, v9, v19;
	v25 =	vsel vm1, v18, v16  }
0x2b7: {  	vm14 =	vgt.f32 v23, v7;
	vm15 =	vgt.f32 v25, v3;
	v25 =	vor.u32 s15, v2  }
0x2b8: {  	v21 =	vsel vm1, v16, v18;
	v24 =	vsel vm1, v8, v26;
	vm0 =	vmor vm13, vm14  }
0x2b9: {  	v9 =	vsel vm13, v49, v9;
	v4 =	vsel vm15, v8, v4;
	v8 =	vsel vm0, v7, v23  }
0x2ba: {  	v15 =	vnsel vm13, $0x2D, v15;
	v3 =	vsel vm15, v16, v3;
	vm6 =	vgt.f32 v8, v5  }
0x2bb: {  	v3 =	vsel vm1, v18, v3;
	v4 =	vsel vm1, v26, v4;
	vm1 =	vmor vm0, vm6  }
0x2bc: {  	v16 =	vsel vm10, $0x2D, v12;
	v12 =	vsel vm10, v12, v17;
	v49 =	vsel vm1, v5, v8;
	v17 =	vld.idx.msk [tilespmem:v25+s2+$0x0], $0xffff  }
0x2bd: {  	v7 =	vsel vm0, v23, v7;
	v19 =	vsel vm0, v15, v20;
	vm7 =	vgt.f32 v49, v11  }
0x2be: {  	v15 =	vsel vm0, v20, v15;
	v5 =	vsel vm1, v8, v5;
	vm2 =	vmor vm1, vm7  }
0x2bf: {  	v20 =	vsel vm1, v15, v10;
	v10 =	vsel vm1, v10, v15;
	v8 =	vsel vm2, v11, v49  }
0x2c0: {  	v11 =	vsel vm2, v49, v11;
	v15 =	vsel vm2, v10, v13;
	vm8 =	vgt.f32 v8, v14  }
0x2c1: {  	v2 =	vld [tilespmem:$0x1FEE0];
	v10 =	vsel vm2, v13, v10;
	vm0 =	vmor vm2, vm8;
	vm9 =	vgt.f32 v17, v6  }
0x2c2: {  	v13 =	vsel vm0, v14, v8;
	v8 =	vsel vm0, v8, v14;
	v49 =	vsel vm9, v6, v17  }
0x2c3: {  	v18 =	vsel vm0, v10, v22;
	vm10 =	vgt.f32 v13, v21;
	vm11 =	vgt.f32 v49, v9  }
0x2c4: {  	v10 =	vsel vm0, v22, v10;
	vm2 =	vmor vm0, vm10;
	vm12 =	vmor vm9, vm11  }
0x2c5: {  	v6 =	vsel vm9, v17, v6;
	v25 =	vsel vm2, v21, v13;
	v26 =	vsel vm12, v9, v17  }
0x2c6: {  	vm13 =	vgt.f32 v25, v3;
	vm14 =	vgt.f32 v26, v7;
	v25 =	vor.u32 s15, v2  }
0x2c7: {  	v22 =	vsel vm2, v13, v21;
	v23 =	vsel vm2, v10, v24;
	vm15 =	vmor vm12, vm14  }
0x2c8: {  	v3 =	vsel vm13, v13, v3;
	v4 =	vsel vm13, v10, v4;
	v10 =	vsel vm15, v7, v26  }
0x2c9: {  	v13 =	vsel vm9, $0x2E, v16;
	v3 =	vsel vm2, v21, v3;
	vm7 =	vgt.f32 v10, v5  }
0x2ca: {  	v4 =	vsel vm2, v24, v4;
	v21 =	vsel vm11, $0x2E, v12;
	vm2 =	vmor vm15, vm7  }
0x2cb: {  	v12 =	vnsel vm12, $0x2E, v12;
	v14 =	vsel vm9, v16, v21;
	v16 =	vsel vm2, v5, v10;
	v17 =	vld.idx.msk [tilespmem:v25+s2+$0x0], $0xffff  }
0x2cc: {  	v9 =	vsel vm12, v49, v9;
	v21 =	vsel vm15, v12, v19;
	vm8 =	vgt.f32 v16, v11  }
0x2cd: {  	v12 =	vsel vm15, v19, v12;
	v5 =	vsel vm2, v10, v5;
	vm0 =	vmor vm2, vm8  }
0x2ce: {  	v10 =	vsel vm2, v12, v20;
	v12 =	vsel vm2, v20, v12;
	v49 =	vsel vm0, v11, v16  }
0x2cf: {  	v11 =	vsel vm0, v16, v11;
	v16 =	vsel vm0, v12, v15;
	vm9 =	vgt.f32 v49, v8  }
0x2d0: {  	v12 =	vsel vm0, v15, v12;
	vm0 =	vmor vm0, vm9;
	vm10 =	vgt.f32 v17, v6  }
0x2d1: {  	v2 =	vld [tilespmem:$0x1FEF0];
	v15 =	vsel vm0, v49, v8;
	v8 =	vsel vm0, v8, v49;
	v49 =	vsel vm10, v6, v17  }
0x2d2: {  	v7 =	vsel vm15, v26, v7;
	v20 =	vsel vm0, v12, v18;
	vm12 =	vgt.f32 v49, v9  }
0x2d3: {  	v12 =	vsel vm0, v18, v12;
	vm11 =	vgt.f32 v8, v22;
	vm13 =	vmor vm10, vm12  }
0x2d4: {  	v6 =	vsel vm10, v17, v6;
	vm0 =	vmor vm0, vm11;
	v25 =	vsel vm13, v9, v17  }
0x2d5: {  	v18 =	vsel vm0, v8, v22;
	v24 =	vsel vm0, v22, v8;
	vm15 =	vgt.f32 v25, v7  }
0x2d6: {  	vm14 =	vgt.f32 v24, v3;
	v24 =	vor.u32 s15, v2;
	vm5 =	vmor vm13, vm15  }
0x2d7: {  	v26 =	vsel vm0, v12, v23;
	v3 =	vsel vm14, v8, v3;
	v8 =	vsel vm5, v7, v25  }
0x2d8: {  	v9 =	vsel vm13, v49, v9;
	v4 =	vsel vm14, v12, v4;
	vm7 =	vgt.f32 v8, v5  }
0x2d9: {  	v3 =	vsel vm0, v22, v3;
	v4 =	vsel vm0, v23, v4;
	vm0 =	vmor vm5, vm7  }
0x2da: {  	v12 =	vsel vm10, $0x2F, v13;
	v23 =	vsel vm12, $0x2F, v14;
	v49 =	vsel vm0, v5, v8  }
0x2db: {  	v14 =	vnsel vm13, $0x2F, v14;
	v7 =	vsel vm5, v25, v7;
	v19 =	vld.idx.msk [tilespmem:v24+s2+$0x0], $0xffff;
	vm8 =	vgt.f32 v49, v11  }
0x2dc: {  	v13 =	vsel vm10, v13, v23;
	v22 =	vsel vm5, v14, v21;
	vm1 =	vmor vm0, vm8  }
0x2dd: {  	v14 =	vsel vm5, v21, v14;
	v5 =	vsel vm0, v8, v5;
	v21 =	vsel vm1, v11, v49  }
0x2de: {  	v8 =	vsel vm0, v14, v10;
	v10 =	vsel vm0, v10, v14;
	vm9 =	vgt.f32 v21, v15  }
0x2df: {  	v11 =	vsel vm1, v49, v11;
	v14 =	vsel vm1, v10, v16;
	vm0 =	vmor vm1, vm9  }
0x2e0: {  	v2 =	vld [tilespmem:$0x1FF00];
	v10 =	vsel vm1, v16, v10;
	vm10 =	vgt.f32 v19, v6;
	v16 =	vsel vm0, v15, v21  }
0x2e1: {  	v49 =	vsel vm10, v6, v19;
	v15 =	vsel vm0, v21, v15;
	v21 =	vsel vm0, v10, v20  }
0x2e2: {  	v10 =	vsel vm0, v20, v10;
	vm11 =	vgt.f32 v16, v18;
	vm12 =	vgt.f32 v49, v9  }
0x2e3: {  	v6 =	vsel vm10, v19, v6;
	vm1 =	vmor vm0, vm11;
	vm13 =	vmor vm10, vm12  }
0x2e4: {  	v17 =	vsel vm12, $0x30, v13;
	v23 =	vsel vm13, v9, v19;
	v25 =	vsel vm1, v18, v16  }
0x2e5: {  	vm14 =	vgt.f32 v23, v7;
	vm15 =	vgt.f32 v25, v3;
	v25 =	vor.u32 s15, v2  }
0x2e6: {  	v20 =	vsel vm1, v16, v18;
	v24 =	vsel vm1, v10, v26;
	vm0 =	vmor vm13, vm14  }
0x2e7: {  	v9 =	vsel vm13, v49, v9;
	v4 =	vsel vm15, v10, v4;
	v10 =	vsel vm0, v7, v23  }
0x2e8: {  	v13 =	vnsel vm13, $0x30, v13;
	v3 =	vsel vm15, v16, v3;
	vm6 =	vgt.f32 v10, v5  }
0x2e9: {  	v3 =	vsel vm1, v18, v3;
	v4 =	vsel vm1, v26, v4;
	vm1 =	vmor vm0, vm6  }
0x2ea: {  	v16 =	vsel vm10, $0x30, v12;
	v12 =	vsel vm10, v12, v17;
	v49 =	vsel vm1, v5, v10;
	v17 =	vld.idx.msk [tilespmem:v25+s2+$0x0], $0xffff  }
0x2eb: {  	v7 =	vsel vm0, v23, v7;
	v19 =	vsel vm0, v13, v22;
	vm7 =	vgt.f32 v49, v11  }
0x2ec: {  	v13 =	vsel vm0, v22, v13;
	v5 =	vsel vm1, v10, v5;
	vm2 =	vmor vm1, vm7  }
0x2ed: {  	v22 =	vsel vm1, v13, v8;
	v8 =	vsel vm1, v8, v13;
	v10 =	vsel vm2, v11, v49  }
0x2ee: {  	v11 =	vsel vm2, v49, v11;
	v13 =	vsel vm2, v8, v14;
	vm8 =	vgt.f32 v10, v15  }
0x2ef: {  	v2 =	vld [tilespmem:$0x1FF10];
	v8 =	vsel vm2, v14, v8;
	vm0 =	vmor vm2, vm8;
	vm9 =	vgt.f32 v17, v6  }
0x2f0: {  	v14 =	vsel vm0, v15, v10;
	v10 =	vsel vm0, v10, v15;
	v49 =	vsel vm9, v6, v17  }
0x2f1: {  	v18 =	vsel vm0, v8, v21;
	vm10 =	vgt.f32 v14, v20;
	vm11 =	vgt.f32 v49, v9  }
0x2f2: {  	v8 =	vsel vm0, v21, v8;
	vm2 =	vmor vm0, vm10;
	vm12 =	vmor vm9, vm11  }
0x2f3: {  	v6 =	vsel vm9, v17, v6;
	v25 =	vsel vm2, v20, v14;
	v26 =	vsel vm12, v9, v17  }
0x2f4: {  	vm13 =	vgt.f32 v25, v3;
	vm14 =	vgt.f32 v26, v7;
	v25 =	vor.u32 s15, v2  }
0x2f5: {  	v21 =	vsel vm2, v14, v20;
	v23 =	vsel vm2, v8, v24;
	vm15 =	vmor vm12, vm14  }
0x2f6: {  	v9 =	vsel vm12, v49, v9;
	v4 =	vsel vm13, v8, v4;
	v8 =	vsel vm15, v7, v26  }
0x2f7: {  	v3 =	vsel vm13, v14, v3;
	v14 =	vsel vm9, $0x31, v16;
	vm7 =	vgt.f32 v8, v5  }
0x2f8: {  	v3 =	vsel vm2, v20, v3;
	v4 =	vsel vm2, v24, v4;
	vm2 =	vmor vm15, vm7  }
0x2f9: {  	v20 =	vsel vm11, $0x31, v12;
	v12 =	vnsel vm12, $0x31, v12;
	v49 =	vsel vm2, v5, v8;
	v17 =	vld.idx.msk [tilespmem:v25+s2+$0x0], $0xffff  }
0x2fa: {  	v15 =	vsel vm9, v16, v20;
	v20 =	vsel vm15, v12, v19;
	vm8 =	vgt.f32 v49, v11  }
0x2fb: {  	v12 =	vsel vm15, v19, v12;
	v5 =	vsel vm2, v8, v5;
	vm0 =	vmor vm2, vm8  }
0x2fc: {  	v8 =	vsel vm2, v12, v22;
	v12 =	vsel vm2, v22, v12;
	v22 =	vsel vm0, v11, v49  }
0x2fd: {  	v11 =	vsel vm0, v49, v11;
	v16 =	vsel vm0, v12, v13;
	vm9 =	vgt.f32 v22, v10  }
0x2fe: {  	v12 =	vsel vm0, v13, v12;
	vm0 =	vmor vm0, vm9;
	vm10 =	vgt.f32 v17, v6  }
0x2ff: {  	v2 =	vld [tilespmem:$0x1FF20];
	v7 =	vsel vm15, v26, v7;
	v13 =	vsel vm0, v22, v10;
	v49 =	vsel vm10, v6, v17  }
0x300: {  	v10 =	vsel vm0, v10, v22;
	v22 =	vsel vm0, v12, v18;
	vm12 =	vgt.f32 v49, v9  }
0x301: {  	v12 =	vsel vm0, v18, v12;
	vm11 =	vgt.f32 v10, v21;
	vm13 =	vmor vm10, vm12  }
0x302: {  	v6 =	vsel vm10, v17, v6;
	vm0 =	vmor vm0, vm11;
	v25 =	vsel vm13, v9, v17  }
0x303: {  	v18 =	vsel vm0, v10, v21;
	v24 =	vsel vm0, v21, v10;
	vm15 =	vgt.f32 v25, v7  }
0x304: {  	vm14 =	vgt.f32 v24, v3;
	v24 =	vor.u32 s15, v2;
	vm5 =	vmor vm13, vm15  }
0x305: {  	v26 =	vsel vm0, v12, v23;
	v3 =	vsel vm14, v10, v3;
	v10 =	vsel vm5, v7, v25  }
0x306: {  	v9 =	vsel vm13, v49, v9;
	v4 =	vsel vm14, v12, v4;
	vm7 =	vgt.f32 v10, v5  }
0x307: {  	v3 =	vsel vm0, v21, v3;
	v4 =	vsel vm0, v23, v4;
	vm0 =	vmor vm5, vm7  }
0x308: {  	v12 =	vsel vm10, $0x32, v14;
	v23 =	vsel vm12, $0x32, v15;
	v49 =	vsel vm0, v5, v10  }
0x309: {  	v15 =	vnsel vm13, $0x32, v15;
	v7 =	vsel vm5, v25, v7;
	v19 =	vld.idx.msk [tilespmem:v24+s2+$0x0], $0xffff;
	vm8 =	vgt.f32 v49, v11  }
0x30a: {  	v14 =	vsel vm10, v14, v23;
	v21 =	vsel vm5, v15, v20;
	vm1 =	vmor vm0, vm8  }
0x30b: {  	v15 =	vsel vm5, v20, v15;
	v5 =	vsel vm0, v10, v5;
	v20 =	vsel vm1, v11, v49  }
0x30c: {  	v10 =	vsel vm0, v15, v8;
	v8 =	vsel vm0, v8, v15;
	vm9 =	vgt.f32 v20, v13  }
0x30d: {  	v11 =	vsel vm1, v49, v11;
	v15 =	vsel vm1, v8, v16;
	vm0 =	vmor vm1, vm9  }
0x30e: {  	v2 =	vld [tilespmem:$0x1FF30];
	v8 =	vsel vm1, v16, v8;
	vm10 =	vgt.f32 v19, v6;
	v16 =	vsel vm0, v13, v20  }
0x30f: {  	v49 =	vsel vm10, v6, v19;
	v13 =	vsel vm0, v20, v13;
	v20 =	vsel vm0, v8, v22  }
0x310: {  	v8 =	vsel vm0, v22, v8;
	vm11 =	vgt.f32 v16, v18;
	vm12 =	vgt.f32 v49, v9  }
0x311: {  	v6 =	vsel vm10, v19, v6;
	vm1 =	vmor vm0, vm11;
	vm13 =	vmor vm10, vm12  }
0x312: {  	v17 =	vsel vm12, $0x33, v14;
	v23 =	vsel vm13, v9, v19;
	v25 =	vsel vm1, v18, v16  }
0x313: {  	vm14 =	vgt.f32 v23, v7;
	vm15 =	vgt.f32 v25, v3;
	v25 =	vor.u32 s15, v2  }
0x314: {  	v22 =	vsel vm1, v16, v18;
	v24 =	vsel vm1, v8, v26;
	vm0 =	vmor vm13, vm14  }
0x315: {  	v9 =	vsel vm13, v49, v9;
	v4 =	vsel vm15, v8, v4;
	v8 =	vsel vm0, v7, v23  }
0x316: {  	v14 =	vnsel vm13, $0x33, v14;
	v3 =	vsel vm15, v16, v3;
	vm6 =	vgt.f32 v8, v5  }
0x317: {  	v3 =	vsel vm1, v18, v3;
	v4 =	vsel vm1, v26, v4;
	vm1 =	vmor vm0, vm6  }
0x318: {  	v16 =	vsel vm10, $0x33, v12;
	v12 =	vsel vm10, v12, v17;
	v49 =	vsel vm1, v5, v8;
	v17 =	vld.idx.msk [tilespmem:v25+s2+$0x0], $0xffff  }
0x319: {  	v7 =	vsel vm0, v23, v7;
	v19 =	vsel vm0, v14, v21;
	vm7 =	vgt.f32 v49, v11  }
0x31a: {  	v14 =	vsel vm0, v21, v14;
	v5 =	vsel vm1, v8, v5;
	vm2 =	vmor vm1, vm7  }
0x31b: {  	v21 =	vsel vm1, v14, v10;
	v10 =	vsel vm1, v10, v14;
	v8 =	vsel vm2, v11, v49  }
0x31c: {  	v11 =	vsel vm2, v49, v11;
	v14 =	vsel vm2, v10, v15;
	vm8 =	vgt.f32 v8, v13  }
0x31d: {  	v2 =	vld [tilespmem:$0x1FF40];
	v10 =	vsel vm2, v15, v10;
	vm0 =	vmor vm2, vm8;
	vm9 =	vgt.f32 v17, v6  }
0x31e: {  	v15 =	vsel vm0, v13, v8;
	v8 =	vsel vm0, v8, v13;
	v49 =	vsel vm9, v6, v17  }
0x31f: {  	v18 =	vsel vm0, v10, v20;
	vm10 =	vgt.f32 v15, v22;
	vm11 =	vgt.f32 v49, v9  }
0x320: {  	v10 =	vsel vm0, v20, v10;
	vm2 =	vmor vm0, vm10;
	vm12 =	vmor vm9, vm11  }
0x321: {  	v6 =	vsel vm9, v17, v6;
	v25 =	vsel vm2, v22, v15;
	v26 =	vsel vm12, v9, v17  }
0x322: {  	vm13 =	vgt.f32 v25, v3;
	vm14 =	vgt.f32 v26, v7;
	v25 =	vor.u32 s15, v2  }
0x323: {  	v20 =	vsel vm2, v15, v22;
	v23 =	vsel vm2, v10, v24;
	vm15 =	vmor vm12, vm14  }
0x324: {  	v9 =	vsel vm12, v49, v9;
	v4 =	vsel vm13, v10, v4;
	v10 =	vsel vm15, v7, v26  }
0x325: {  	v3 =	vsel vm13, v15, v3;
	v15 =	vsel vm9, $0x34, v16;
	vm7 =	vgt.f32 v10, v5  }
0x326: {  	v3 =	vsel vm2, v22, v3;
	v4 =	vsel vm2, v24, v4;
	vm2 =	vmor vm15, vm7  }
0x327: {  	v22 =	vsel vm11, $0x34, v12;
	v12 =	vnsel vm12, $0x34, v12;
	v49 =	vsel vm2, v5, v10;
	v17 =	vld.idx.msk [tilespmem:v25+s2+$0x0], $0xffff  }
0x328: {  	v13 =	vsel vm9, v16, v22;
	v22 =	vsel vm15, v12, v19;
	vm8 =	vgt.f32 v49, v11  }
0x329: {  	v12 =	vsel vm15, v19, v12;
	v5 =	vsel vm2, v10, v5;
	vm0 =	vmor vm2, vm8  }
0x32a: {  	v10 =	vsel vm2, v12, v21;
	v12 =	vsel vm2, v21, v12;
	v21 =	vsel vm0, v11, v49  }
0x32b: {  	v11 =	vsel vm0, v49, v11;
	v16 =	vsel vm0, v12, v14;
	vm9 =	vgt.f32 v21, v8  }
0x32c: {  	v12 =	vsel vm0, v14, v12;
	vm0 =	vmor vm0, vm9;
	vm10 =	vgt.f32 v17, v6  }
0x32d: {  	v2 =	vld [tilespmem:$0x1FF50];
	v7 =	vsel vm15, v26, v7;
	v14 =	vsel vm0, v21, v8;
	v49 =	vsel vm10, v6, v17  }
0x32e: {  	v8 =	vsel vm0, v8, v21;
	v21 =	vsel vm0, v12, v18;
	vm12 =	vgt.f32 v49, v9  }
0x32f: {  	v12 =	vsel vm0, v18, v12;
	vm11 =	vgt.f32 v8, v20;
	vm13 =	vmor vm10, vm12  }
0x330: {  	v6 =	vsel vm10, v17, v6;
	vm0 =	vmor vm0, vm11;
	v25 =	vsel vm13, v9, v17  }
0x331: {  	v18 =	vsel vm0, v8, v20;
	v24 =	vsel vm0, v20, v8;
	vm15 =	vgt.f32 v25, v7  }
0x332: {  	vm14 =	vgt.f32 v24, v3;
	v24 =	vor.u32 s15, v2;
	vm5 =	vmor vm13, vm15  }
0x333: {  	v26 =	vsel vm0, v12, v23;
	v3 =	vsel vm14, v8, v3;
	v8 =	vsel vm5, v7, v25  }
0x334: {  	v9 =	vsel vm13, v49, v9;
	v4 =	vsel vm14, v12, v4;
	vm7 =	vgt.f32 v8, v5  }
0x335: {  	v3 =	vsel vm0, v20, v3;
	v4 =	vsel vm0, v23, v4;
	vm0 =	vmor vm5, vm7  }
0x336: {  	v12 =	vsel vm10, $0x35, v15;
	v23 =	vsel vm12, $0x35, v13;
	v49 =	vsel vm0, v5, v8  }
0x337: {  	v13 =	vnsel vm13, $0x35, v13;
	v7 =	vsel vm5, v25, v7;
	v19 =	vld.idx.msk [tilespmem:v24+s2+$0x0], $0xffff;
	vm8 =	vgt.f32 v49, v11  }
0x338: {  	v15 =	vsel vm10, v15, v23;
	v20 =	vsel vm5, v13, v22;
	vm1 =	vmor vm0, vm8  }
0x339: {  	v13 =	vsel vm5, v22, v13;
	v5 =	vsel vm0, v8, v5;
	v22 =	vsel vm1, v11, v49  }
0x33a: {  	v8 =	vsel vm0, v13, v10;
	v10 =	vsel vm0, v10, v13;
	vm9 =	vgt.f32 v22, v14  }
0x33b: {  	v11 =	vsel vm1, v49, v11;
	v13 =	vsel vm1, v10, v16;
	vm0 =	vmor vm1, vm9  }
0x33c: {  	v2 =	vld [tilespmem:$0x1FF60];
	v10 =	vsel vm1, v16, v10;
	vm10 =	vgt.f32 v19, v6;
	v16 =	vsel vm0, v14, v22  }
0x33d: {  	v49 =	vsel vm10, v6, v19;
	v14 =	vsel vm0, v22, v14;
	v22 =	vsel vm0, v10, v21  }
0x33e: {  	v10 =	vsel vm0, v21, v10;
	vm11 =	vgt.f32 v16, v18;
	vm12 =	vgt.f32 v49, v9  }
0x33f: {  	v6 =	vsel vm10, v19, v6;
	vm1 =	vmor vm0, vm11;
	vm13 =	vmor vm10, vm12  }
0x340: {  	v17 =	vsel vm12, $0x36, v15;
	v23 =	vsel vm13, v9, v19;
	v25 =	vsel vm1, v18, v16  }
0x341: {  	vm14 =	vgt.f32 v23, v7;
	vm15 =	vgt.f32 v25, v3;
	v25 =	vor.u32 s15, v2  }
0x342: {  	v21 =	vsel vm1, v16, v18;
	v24 =	vsel vm1, v10, v26;
	vm0 =	vmor vm13, vm14  }
0x343: {  	v9 =	vsel vm13, v49, v9;
	v4 =	vsel vm15, v10, v4;
	v10 =	vsel vm0, v7, v23  }
0x344: {  	v15 =	vnsel vm13, $0x36, v15;
	v3 =	vsel vm15, v16, v3;
	vm6 =	vgt.f32 v10, v5  }
0x345: {  	v3 =	vsel vm1, v18, v3;
	v4 =	vsel vm1, v26, v4;
	vm1 =	vmor vm0, vm6  }
0x346: {  	v16 =	vsel vm10, $0x36, v12;
	v12 =	vsel vm10, v12, v17;
	v49 =	vsel vm1, v5, v10;
	v17 =	vld.idx.msk [tilespmem:v25+s2+$0x0], $0xffff  }
0x347: {  	v7 =	vsel vm0, v23, v7;
	v19 =	vsel vm0, v15, v20;
	vm7 =	vgt.f32 v49, v11  }
0x348: {  	v15 =	vsel vm0, v20, v15;
	v5 =	vsel vm1, v10, v5;
	vm2 =	vmor vm1, vm7  }
0x349: {  	v20 =	vsel vm1, v15, v8;
	v8 =	vsel vm1, v8, v15;
	v10 =	vsel vm2, v11, v49  }
0x34a: {  	v11 =	vsel vm2, v49, v11;
	v15 =	vsel vm2, v8, v13;
	vm8 =	vgt.f32 v10, v14  }
0x34b: {  	v2 =	vld [tilespmem:$0x1FF70];
	v8 =	vsel vm2, v13, v8;
	vm0 =	vmor vm2, vm8;
	vm9 =	vgt.f32 v17, v6  }
0x34c: {  	v13 =	vsel vm0, v14, v10;
	v10 =	vsel vm0, v10, v14;
	v49 =	vsel vm9, v6, v17  }
0x34d: {  	v18 =	vsel vm0, v8, v22;
	vm10 =	vgt.f32 v13, v21;
	vm11 =	vgt.f32 v49, v9  }
0x34e: {  	v8 =	vsel vm0, v22, v8;
	vm2 =	vmor vm0, vm10;
	vm12 =	vmor vm9, vm11  }
0x34f: {  	v6 =	vsel vm9, v17, v6;
	v25 =	vsel vm2, v21, v13;
	v26 =	vsel vm12, v9, v17  }
0x350: {  	vm13 =	vgt.f32 v25, v3;
	vm14 =	vgt.f32 v26, v7;
	v25 =	vor.u32 s15, v2  }
0x351: {  	v22 =	vsel vm2, v13, v21;
	v23 =	vsel vm2, v8, v24;
	vm15 =	vmor vm12, vm14  }
0x352: {  	v3 =	vsel vm13, v13, v3;
	v4 =	vsel vm13, v8, v4;
	v8 =	vsel vm15, v7, v26  }
0x353: {  	v13 =	vsel vm9, $0x37, v16;
	v3 =	vsel vm2, v21, v3;
	vm7 =	vgt.f32 v8, v5  }
0x354: {  	v4 =	vsel vm2, v24, v4;
	v21 =	vsel vm11, $0x37, v12;
	vm2 =	vmor vm15, vm7  }
0x355: {  	v12 =	vnsel vm12, $0x37, v12;
	v14 =	vsel vm9, v16, v21;
	v16 =	vsel vm2, v5, v8;
	v17 =	vld.idx.msk [tilespmem:v25+s2+$0x0], $0xffff  }
0x356: {  	v9 =	vsel vm12, v49, v9;
	v21 =	vsel vm15, v12, v19;
	vm8 =	vgt.f32 v16, v11  }
0x357: {  	v12 =	vsel vm15, v19, v12;
	v5 =	vsel vm2, v8, v5;
	vm0 =	vmor vm2, vm8  }
0x358: {  	v8 =	vsel vm2, v12, v20;
	v12 =	vsel vm2, v20, v12;
	v49 =	vsel vm0, v11, v16  }
0x359: {  	v11 =	vsel vm0, v16, v11;
	v16 =	vsel vm0, v12, v15;
	vm9 =	vgt.f32 v49, v10  }
0x35a: {  	v12 =	vsel vm0, v15, v12;
	vm0 =	vmor vm0, vm9;
	vm10 =	vgt.f32 v17, v6  }
0x35b: {  	v2 =	vld [tilespmem:$0x1FF80];
	v15 =	vsel vm0, v49, v10;
	v10 =	vsel vm0, v10, v49;
	v19 =	vsel vm10, v6, v17  }
0x35c: {  	v20 =	vsel vm0, v12, v18;
	vm11 =	vgt.f32 v10, v22;
	vm12 =	vgt.f32 v19, v9  }
0x35d: {  	v12 =	vsel vm0, v18, v12;
	vm0 =	vmor vm0, vm11;
	vm13 =	vmor vm10, vm12  }
0x35e: {  	v7 =	vsel vm15, v26, v7;
	v24 =	vsel vm0, v22, v10;
	v25 =	vsel vm13, v9, v17  }
0x35f: {  	v18 =	vsel vm0, v10, v22;
	vm14 =	vgt.f32 v24, v3;
	vm15 =	vgt.f32 v25, v7  }
0x360: {  	v3 =	vsel vm14, v10, v3;
	vm5 =	vmor vm13, vm15;
	v10 =	vor.u32 s15, v2  }
0x361: {  	v26 =	vsel vm0, v12, v23;
	v4 =	vsel vm14, v12, v4;
	v12 =	vsel vm5, v7, v25  }
0x362: {  	v6 =	vsel vm10, v17, v6;
	v49 =	vsel vm12, $0x38, v14;
	vm6 =	vgt.f32 v12, v5  }
0x363: {  	v3 =	vsel vm0, v22, v3;
	v4 =	vsel vm0, v23, v4;
	vm0 =	vmor vm5, vm6  }
0x364: {  	v17 =	vsel vm10, $0x38, v13;
	v9 =	vsel vm13, v19, v9;
	v19 =	vsel vm0, v5, v12  }
0x365: {  	v13 =	vsel vm10, v13, v49;
	v14 =	vnsel vm13, $0x38, v14;
	vm7 =	vgt.f32 v19, v11;
	v10 =	vld.idx.msk [tilespmem:v10+s2+$0x0], $0xffff  }
0x366: {  	v22 =	vsel vm5, v14, v21;
	v14 =	vsel vm5, v21, v14;
	vm1 =	vmor vm0, vm7  }
0x367: {  	v5 =	vsel vm0, v12, v5;
	v12 =	vsel vm0, v14, v8;
	v49 =	vsel vm1, v11, v19  }
0x368: {  	v8 =	vsel vm0, v8, v14;
	v11 =	vsel vm1, v19, v11;
	vm8 =	vgt.f32 v49, v15  }
0x369: {  	v2 =	vld [tilespmem:$0x1FF90];
	v14 =	vsel vm1, v8, v16;
	v8 =	vsel vm1, v16, v8;
	vm0 =	vmor vm1, vm8  }
0x36a: {  	v16 =	vsel vm0, v49, v15;
	v15 =	vsel vm0, v15, v49;
	vm9 =	vgt.f32 v10, v6  }
0x36b: {  	v19 =	vsel vm0, v8, v20;
	vm10 =	vgt.f32 v15, v18;
	v21 =	vsel vm9, v6, v10  }
0x36c: {  	v8 =	vsel vm0, v20, v8;
	vm0 =	vmor vm0, vm10;
	vm11 =	vgt.f32 v21, v9  }
0x36d: {  	v7 =	vsel vm5, v25, v7;
	v49 =	vsel vm0, v18, v15;
	vm12 =	vmor vm9, vm11  }
0x36e: {  	v24 =	vor.u32 s15, v2;
	vm13 =	vgt.f32 v49, v3;
	v23 =	vsel vm12, v9, v10  }
0x36f: {  	v20 =	vsel vm0, v15, v18;
	v3 =	vsel vm13, v15, v3;
	vm14 =	vgt.f32 v23, v7  }
0x370: {  	v15 =	vsel vm0, v18, v3;
	v3 =	vsel vm13, v8, v4;
	vm15 =	vmor vm12, vm14  }
0x371: {  	v25 =	vsel vm0, v8, v26;
	v8 =	vsel vm0, v26, v3;
	v3 =	vsel vm15, v7, v23  }
0x372: {  	v2 =	vld [tilespmem:$0x1FFA0];
	v10 =	vsel vm9, v10, v6;
	vm5 =	vgt.f32 v3, v5  }
0x373: {  	v24 =	vld.idx.msk [tilespmem:v24+s2+$0x0], $0xffff;
	v49 =	vsel vm11, $0x39, v13;
	v21 =	vsel vm12, v21, v9;
	vm0 =	vmor vm15, vm5  }
0x374: {  	v6 =	vnsel vm12, $0x39, v13;
	v13 =	vsel vm15, v23, v7;
	v7 =	vsel vm0, v5, v3  }
0x375: {  	v4 =	vsel vm15, v6, v22;
	v6 =	vsel vm15, v22, v6;
	vm6 =	vgt.f32 v7, v11  }
0x376: {  	v22 =	vsel vm0, v3, v5;
	v3 =	vsel vm0, v6, v12;
	vm1 =	vmor vm0, vm6  }
0x377: {  	v6 =	vsel vm0, v12, v6;
	v12 =	vsel vm1, v7, v11;
	v7 =	vsel vm1, v11, v7  }
0x378: {  	v9 =	vor.u32 s15, v2;
	vm0 =	vgt.f32 v24, v10;
	vm7 =	vgt.f32 v7, v16  }
0x379: {  	v18 =	vsel vm9, $0x39, v17;
	v11 =	vsel vm0, v10, v24;
	vm2 =	vmor vm1, vm7  }
0x37a: {  	v5 =	vsel vm1, v6, v14;
	vm3 =	vgt.f32 v11, v21;
	v23 =	vsel vm2, v16, v7  }
0x37b: {  	v14 =	vsel vm1, v14, v6;
	vm1 =	vmor vm0, vm3;
	vm8 =	vgt.f32 v23, v20  }
0x37c: {  	v17 =	vsel vm9, v17, v49;
	v26 =	vsel vm1, v21, v24;
	vm4 =	vmor vm2, vm8  }
0x37d: {  	v16 =	vsel vm2, v7, v16;
	vm9 =	vgt.f32 v26, v13;
	v7 =	vsel vm4, v20, v23  }
0x37e: {  	v6 =	vsel vm2, v14, v19;
	vm11 =	vmor vm1, vm9;
	vm10 =	vgt.f32 v7, v15  }
0x37f: {  	v14 =	vsel vm2, v19, v14;
	v19 =	vld.idx.msk [tilespmem:v9+s2+$0x0], $0xffff;
	v9 =	vsel vm10, v23, v15;
	v15 =	vsel vm11, v13, v26  }
0x380: {  	vm12 =	vgt.f32 v15, v22  }
0x381: {  	vm7 =	vmor vm11, vm12  }
0x382: {  	v2 =	vimm.s32 $0x0;
	v27 =	vsel vm4, v23, v20;
	v23 =	vsel vm7, v22, v15  }
0x383: {  	v2 =	vsel vm11, $0xFFFFFFFF, v2;
	v7 =	vsel vm4, v14, v25;
	vm13 =	vgt.f32 v23, v12  }
0x384: {  	[tilespmem:$0x1FBF0] =	vst v2;
	v2 =	vimm.s32 $0x0;
	v8 =	vsel vm10, v14, v8;
	vm14 =	vmor vm7, vm13  }
0x385: {  	v14 =	vsel vm0, v24, v10;
	v20 =	vsel vm4, v20, v9;
	v2 =	vsel vm14, $0xFFFFFFFF, v2  }
0x386: {  	v9 =	vsel vm4, v25, v8;
	vm4 =	vgt.f32 v19, v14;
	[tilespmem:$0x1FC10] =	vst v2;
	v2 =	vimm.s32 $0x0  }
0x387: {  	v21 =	vsel vm1, v11, v21;
	v24 =	vsel vm4, v14, v19;
	v2 =	vsel vm7, $0xFFFFFFFF, v2  }
0x388: {  	v49 =	vmovc v47;
	v47 =	vmovc v45;
	v45 =	vmov v43;
	vm15 =	vgt.f32 v24, v21;
	[tilespmem:$0x1FC00] =	vst v2;
	v2 =	vimm.s32 $0x0  }
0x389: {  	v43 =	vmovc v41;
	v41 =	vmovc v39;
	v39 =	vmov v30;
	v30 =	vimm.s32 $0x0;
	v2 =	vsel vm15, $0xFFFFFFFF, v2  }
0x38a: {  	v11 =	vimm.s32 $0x0;
	v10 =	vsel vm3, $0x3A, v17;
	v13 =	vsel vm11, v26, v13;
	[tilespmem:$0x1FC50] =	vst v2;
	v2 =	vld [tilespmem:$0x1FFB0]  }
0x38b: {  	v8 =	vsel vm0, $0x3A, v18;
	v10 =	vsel vm0, v18, v10;
	v18 =	vimm.s32 $0x0  }
0x38c: {  	v11 =	vsel vm4, $0xFFFFFFFF, v11;
	v14 =	vsel vm4, v19, v14;
	vm3 =	vmor vm4, vm15  }
0x38d: {  	[tilespmem:$0x1FC70] =	vst v11;
	v11 =	vimm.s32 $0x0;
	v15 =	vsel vm7, v15, v22;
	v26 =	vsel vm3, v21, v19  }
0x38e: {  	v18 =	vsel vm3, $0xFFFFFFFF, v18;
	v19 =	vsel vm3, v24, v21;
	vm8 =	vgt.f32 v26, v13  }
0x38f: {  	v25 =	vor.u32 s15, v2;
	v2 =	vmovc v62;
	v62 =	vmovc v60;
	v60 =	vmov v58;
	v58 =	vmov v56  }
0x390: {  	v56 =	vmovc v54;
	v54 =	vmovc v52;
	v52 =	vmov v50;
	v50 =	vmov v48;
	v48 =	vmov v46  }
0x391: {  	v46 =	vmovc v44;
	v44 =	vmovc v42;
	v42 =	vmov v40;
	v40 =	vmov v28;
	v28 =	vsel vm14, v12, v23  }
0x392: {  	v21 =	vimm.s32 $0x0;
	vm9 =	vmor vm3, vm8;
	vm6 =	vgt.f32 v28, v16  }
0x393: {  	[tilespmem:$0x1FC60] =	vst v18;
	v18 =	vsel vm9, v13, v26;
	vm5 =	vmmov vm9;
	vm2 =	vmor vm14, vm6  }
0x394: {  	vm12 =	vgt.f32 v18, v15;
	v13 =	vsel vm5, v26, v13;
	v11 =	vsel vm2, $0xFFFFFFFF, v11  }
0x395: {  	vm0 =	vmor vm9, vm12;
	[tilespmem:$0x1FC20] =	vst v11;
	v11 =	vnsel vm1, $0x3A, v17;
	v17 =	vsel vm2, v16, v28  }
0x396: {  	v12 =	vsel vm14, v23, v12;
	v16 =	vsel vm2, v28, v16;
	vm10 =	vgt.f32 v17, v27  }
0x397: {  	v28 =	vimm.s32 $0x0;
	v22 =	vld.idx.msk [tilespmem:v25+s2+$0x0], $0xffff;
	v25 =	vimm.s32 $0x0;
	vm11 =	vmor vm2, vm10  }
0x398: {  	v25 =	vsel vm9, $0xFFFFFFFF, v25;
	vm9 =	vmmov vm0;
	vm13 =	vmmov vm11  }
0x399: {  	v23 =	vsel vm11, v27, v17;
	[tilespmem:$0x1FC80] =	vst v25;
	vm10 =	vmmov vm9;
	v25 =	vsel vm13, v17, v27  }
0x39a: {  	vm14 =	vmmov vm13;
	vm15 =	vgt.f32 v23, v20;
	v23 =	vimm.s32 $0x0  }
0x39b: {  	v28 =	vsel vm13, $0xFFFFFFFF, v28;
	v23 =	vsel vm15, $0xFFFFFFFF, v23;
	v17 =	vsel vm15, v17, v20  }
0x39c: {  	v20 =	vimm.s32 $0x0;
	[tilespmem:$0x1FC30] =	vst v23;
	v23 =	vsel vm0, v15, v18;
	vm11 =	vgt.f32 v22, v14  }
0x39d: {  	v17 =	vsel vm14, v27, v17;
	v15 =	vsel vm10, v18, v15;
	v27 =	vimm.s32 $0x0  }
0x39e: {  	[tilespmem:$0x1FC40] =	vst v28;
	vm0 =	vgt.f32 v23, v12;
	v28 =	vsel vm11, v14, v22;
	vm15 =	vmmov vm11  }
0x39f: {  	vm3 =	vmor vm9, vm0;
	vm13 =	vgt.f32 v28, v19;
	v14 =	vsel vm15, v22, v14  }
0x3a0: {  	v21 =	vsel vm3, $0xFFFFFFFF, v21;
	v24 =	vsel vm3, v12, v23;
	v20 =	vsel vm13, $0xFFFFFFFF, v20  }
0x3a1: {  	vm4 =	vmor vm11, vm13;
	v12 =	vsel vm3, v23, v12;
	v23 =	vimm.s32 $0x0;
	[tilespmem:$0x1FCA0] =	vst v21  }
0x3a2: {  	v21 =	vimm.s32 $0x0;
	vm12 =	vgt.f32 v24, v16;
	[tilespmem:$0x1FCE0] =	vst v20;
	v20 =	vimm.s32 $0x0  }
0x3a3: {  	v26 =	vsel vm4, v19, v22;
	v21 =	vsel vm9, $0xFFFFFFFF, v21;
	vm14 =	vmor vm3, vm12  }
0x3a4: {  	v18 =	vsel vm4, $0xFFFFFFFF, v23;
	[tilespmem:$0x1FC90] =	vst v21;
	v21 =	vor.u32 $0x3D, v1;
	v20 =	vsel vm14, $0xFFFFFFFF, v20  }
0x3a5: {  	vm9 =	vgt.f32 v26, v13;
	v21 =	vor.u32 s15, v21;
	[tilespmem:$0x1FCB0] =	vst v20;
	v20 =	vimm.s32 $0x0  }
0x3a6: {  	v19 =	vsel vm4, v28, v19;
	vm1 =	vmor vm4, vm9;
	v20 =	vsel vm11, $0xFFFFFFFF, v20  }
0x3a7: {  	v22 =	vimm.s32 $0x0;
	v23 =	vsel vm1, v13, v26;
	[tilespmem:$0x1FD00] =	vst v20;
	v20 =	vsel vm14, v16, v24  }
0x3a8: {  	vm15 =	vmmov vm1;
	vm13 =	vgt.f32 v23, v15;
	vm8 =	vgt.f32 v20, v25  }
0x3a9: {  	v13 =	vsel vm15, v26, v13;
	v16 =	vsel vm14, v24, v16;
	vm10 =	vmor vm14, vm8  }
0x3aa: {  	[tilespmem:$0x1FCF0] =	vst v18;
	vm14 =	vmor vm1, vm13;
	v18 =	vld.idx.msk [tilespmem:v21+s2+$0x0], $0xffff;
	v21 =	vsel vm10, v25, v20;
	v24 =	vsel vm10, v20, v25  }
0x3ab: {  	v27 =	vsel vm10, $0xFFFFFFFF, v27;
	vm12 =	vgt.f32 v21, v17;
	v21 =	vimm.s32 $0x0  }
0x3ac: {  	[tilespmem:$0x1FCD0] =	vst v27;
	v21 =	vsel vm12, $0xFFFFFFFF, v21;
	v17 =	vsel vm12, v20, v17;
	v20 =	vimm.s32 $0x0  }
0x3ad: {  	vm11 =	vmmov vm10;
	v27 =	vor.u32 $0x3F, v1;
	[tilespmem:$0x1FCC0] =	vst v21;
	v20 =	vsel vm1, $0xFFFFFFFF, v20  }
0x3ae: {  	v27 =	vor.u32 s15, v27;
	v21 =	vor.u32 $0x3E, v1;
	[tilespmem:$0x1FD10] =	vst v20;
	v20 =	vsel vm14, v15, v23  }
0x3af: {  	v17 =	vsel vm11, v25, v17;
	v21 =	vor.u32 s15, v21;
	vm4 =	vgt.f32 v20, v12  }
0x3b0: {  	v25 =	vimm.s32 $0x0;
	v15 =	vsel vm14, v23, v15;
	vm8 =	vmor vm14, vm4  }
0x3b1: {  	vm1 =	vgt.f32 v18, v14;
	v22 =	vsel vm8, $0xFFFFFFFF, v22;
	v28 =	vsel vm8, v12, v20  }
0x3b2: {  	v25 =	vsel vm1, $0xFFFFFFFF, v25;
	[tilespmem:$0x1FD30] =	vst v22;
	v22 =	vimm.s32 $0x0;
	vm10 =	vgt.f32 v28, v16  }
0x3b3: {  	v12 =	vsel vm8, v20, v12;
	v22 =	vsel vm14, $0xFFFFFFFF, v22;
	vm12 =	vmor vm8, vm10  }
0x3b4: {  	v20 =	vimm.s32 $0x0;
	v21 =	vld.idx.msk [tilespmem:v21+s2+$0x0], $0xffff;
	[tilespmem:$0x1FD20] =	vst v22;
	v22 =	vsel vm1, v14, v18;
	v23 =	vsel vm12, v16, v28  }
0x3b5: {  	v16 =	vsel vm12, v28, v16;
	v14 =	vsel vm1, v18, v14;
	vm9 =	vgt.f32 v22, v19  }
0x3b6: {  	vm14 =	vgt.f32 v23, v24;
	v30 =	vsel vm9, $0xFFFFFFFF, v30;
	vm11 =	vmor vm1, vm9  }
0x3b7: {  	[tilespmem:$0x1FD90] =	vst v25;
	v25 =	vsel vm11, v19, v18;
	v20 =	vsel vm11, $0xFFFFFFFF, v20;
	v18 =	vimm.s32 $0x0  }
0x3b8: {  	v19 =	vsel vm11, v22, v19;
	vm13 =	vgt.f32 v25, v13;
	[tilespmem:$0x1FD60] =	vst v20;
	v20 =	vimm.s32 $0x0  }
0x3b9: {  	vm7 =	vgt.f32 v21, v14;
	vm3 =	vmor vm11, vm13;
	v20 =	vsel vm12, $0xFFFFFFFF, v20  }
0x3ba: {  	v26 =	vld.idx.msk [tilespmem:v27+s2+$0x0], $0xffff;
	vm12 =	vmor vm12, vm14;
	v22 =	vsel vm7, v14, v21;
	vm10 =	vmmov vm7  }
0x3bb: {  	[tilespmem:$0x1FD40] =	vst v20;
	v20 =	vsel vm3, v13, v25;
	v27 =	vsel vm12, v23, v24;
	v28 =	vsel vm12, v24, v23  }
0x3bc: {  	v18 =	vsel vm3, $0xFFFFFFFF, v18;
	vm9 =	vgt.f32 v22, v19;
	v13 =	vsel vm3, v25, v13  }
0x3bd: {  	v14 =	vsel vm10, v21, v14;
	v25 =	vimm.s32 $0x0;
	vm15 =	vgt.f32 v20, v15  }
0x3be: {  	[tilespmem:$0x1FD70] =	vst v18;
	vm5 =	vgt.f32 v28, v17;
	v18 =	vimm.s32 $0x0;
	vm0 =	vmor vm3, vm15  }
0x3bf: {  	v18 =	vsel vm5, $0xFFFFFFFF, v18;
	v17 =	vsel vm5, v23, v17;
	v23 =	vimm.s32 $0x0  }
0x3c0: {  	[tilespmem:$0x1FD50] =	vst v18;
	vm6 =	vmmov vm0;
	v18 =	vsel vm0, $0xFFFFFFFF, v23;
	v17 =	vsel vm12, v24, v17  }
0x3c1: {  	v23 =	vimm.s32 $0x0;
	v24 =	vimm.s32 $0x0;
	[tilespmem:$0x1FDA0] =	vst v18;
	v18 =	vsel vm0, v15, v20  }
0x3c2: {  	v23 =	vsel vm9, $0xFFFFFFFF, v23;
	v24 =	vsel vm7, $0xFFFFFFFF, v24;
	vm0 =	vgt.f32 v18, v12  }
0x3c3: {  	v15 =	vsel vm6, v20, v15;
	vm11 =	vmor vm6, vm0;
	vm0 =	vmor vm7, vm9  }
0x3c4: {  	[tilespmem:$0x1FDD0] =	vst v23;
	vm9 =	vgt.f32 v26, v14;
	v23 =	vsel vm11, v12, v18;
	vm13 =	vmmov vm0  }
0x3c5: {  	v20 =	vsel vm0, v19, v21;
	v12 =	vsel vm11, v18, v12;
	vm14 =	vgt.f32 v23, v16  }
0x3c6: {  	vm15 =	vgt.f32 v20, v13;
	v19 =	vsel vm13, v22, v19;
	vm6 =	vmor vm11, vm14  }
0x3c7: {  	v22 =	vimm.s32 $0x0;
	vm4 =	vmor vm13, vm15;
	v18 =	vsel vm6, v23, v16  }
0x3c8: {  	v16 =	vsel vm6, v16, v23;
	v23 =	vimm.s32 $0x0;
	v21 =	vsel vm4, v13, v20  }
0x3c9: {  	v22 =	vsel vm4, $0xFFFFFFFF, v22;
	v13 =	vsel vm4, v20, v13;
	v23 =	vsel vm13, $0xFFFFFFFF, v23  }
0x3ca: {  	vm5 =	vgt.f32 v16, v27;
	vm7 =	vgt.f32 v21, v15;
	[tilespmem:$0x1FE10] =	vst v22;
	v22 =	vsel vm9, v14, v26  }
0x3cb: {  	[tilespmem:$0x1FDC0] =	vst v24;
	v14 =	vsel vm9, v26, v14;
	vm10 =	vmor vm6, vm5;
	vm15 =	vmor vm4, vm7  }
0x3cc: {  	[tilespmem:$0x1FDE0] =	vst v23;
	vm2 =	vgt.f32 v22, v19;
	v23 =	vsel vm10, v16, v27;
	v24 =	vsel vm15, v15, v21  }
0x3cd: {  	v25 =	vsel vm2, $0xFFFFFFFF, v25;
	vm2 =	vmor vm9, vm2;
	v15 =	vsel vm15, v21, v15  }
0x3ce: {  	[tilespmem:$0x1FE00] =	vst v25;
	v25 =	vsel vm10, v27, v16;
	vm8 =	vgt.f32 v24, v12;
	v20 =	vsel vm2, v19, v26  }
0x3cf: {  	v19 =	vsel vm2, v22, v19;
	vm14 =	vmor vm15, vm8;
	vm13 =	vgt.f32 v25, v17  }
0x3d0: {  	v25 =	vimm.s32 $0x0;
	vm4 =	vgt.f32 v20, v13;
	v19 =	vsub.f32 v19, v14  }
0x3d1: {  	v28 =	vsel vm14, v12, v24;
	v25 =	vsel vm13, $0xFFFFFFFF, v25;
	v16 =	vsel vm13, v16, v17  }
0x3d2: {  	vm8 =	vmor vm2, vm4;
	v17 =	vimm.s32 $0x0;
	v12 =	vsel vm14, v24, v12  }
0x3d3: {  	v17 =	vsel vm2, $0xFFFFFFFF, v17;
	vm5 =	vgt.f32 v28, v18;
	v16 =	vsel vm10, v27, v16  }
0x3d4: {  	v19 =	vmul.f32 $1.442695020e+00, v19;
	[tilespmem:$0x1FE20] =	vst v17;
	vm13 =	vmor vm14, vm5;
	v17 =	vsel vm8, v13, v20  }
0x3d5: {  	v13 =	vsel vm8, v20, v13;
	v21 =	vsel vm13, v18, v28;
	vm7 =	vgt.f32 v17, v15  }
0x3d6: {  	v20 =	vsub.f32 v14, v14;
	vm7 =	vmor vm8, vm7;
	vm4 =	vgt.f32 v21, v23  }
0x3d7: {  	v18 =	vsel vm13, v28, v18;
	vm1 =	vmor vm13, vm4;
	v24 =	vsel vm7, v15, v17  }
0x3d8: {  	v20 =	vmul.f32 $1.442695020e+00, v20;
	vm5 =	vgt.f32 v24, v12;
	v22 =	vsel vm1, v23, v21  }
0x3d9: {  	v15 =	vsel vm7, v17, v15;
	vm5 =	vmor vm7, vm5;
	vm4 =	vgt.f32 v22, v16  }
0x3da: {  	v22 =	vimm.s32 $0x0;
	v17 =	vsel vm5, v24, v12;
	v12 =	vsel vm5, v12, v24  }
0x3db: {  	v22 =	vsel vm4, $0xFFFFFFFF, v22;
	v16 =	vsel vm4, v21, v16;
	vm4 =	vgt.f32 v12, v18  }
0x3dc: {  	v13 =	vsub.f32 v13, v14;
	(erf) = vpow2.f32 v20;
	vm3 =	vmor vm5, vm4  }
0x3dd: {  	v20 =	vsel vm1, v21, v23;
	(erf) = vpow2.f32 v19;
	v19 =	vsel vm3, v18, v12  }
0x3de: {  	v13 =	vmul.f32 $1.442695020e+00, v13;
	vm2 =	vmmov vm1;
	vm4 =	vgt.f32 v19, v20  }
0x3df: {  	v15 =	vsub.f32 v15, v14;
	v21 =	vimm.s32 $0x0;
	vm4 =	vmor vm3, vm4  }
0x3e0: {  	[tilespmem:$0x1FE30] =	vst v22;
	v22 =	vsub.f32 v17, v14;
	v16 =	vsel vm2, v23, v16;
	v23 =	vsel vm4, v20, v19  }
0x3e1: {  	(erf) = vpow2.f32 v13;
	v21 =	vsel vm1, $0xFFFFFFFF, v21;
	vm0 =	vgt.f32 v23, v16  }
0x3e2: {  	v13 =	vmul.f32 $1.442695020e+00, v22;
	v23 =	vsel vm4, v19, v20;
	v22 =	vsel vm0, v19, v16;
	v19 =	vld [tilespmem:$0x1FBF0]  }
0x3e3: {  	[tilespmem:$0x1FE40] =	vst v21;
	v21 =	vmul.f32 $1.442695020e+00, v15;
	_ =	sdelay $0x1  }
0x3e4: {  	(erf) = vpow2.f32 v21;
	v21 =	vimm.s32 $0x0  }
0x3e5: {  	v12 =	vsel vm3, v12, v18;
	v15 =	vsel vm0, $0xFFFFFFFF, v21;
	v21 =	vld [tilespmem:$0x1FC00]  }
0x3e6: {  	v12 =	vsub.f32 v12, v14;
	[tilespmem:$0x1FE50] =	vst v15;
	v15 =	vsel vm4, v20, v22;
	v22 =	vld [tilespmem:$0x1FC10];
	vm0 =	vnez.u8 v19  }
0x3e7: {  	(erf) = vpow2.f32 v13;
	v13 =	vsel vm0, v4, v11;
	v4 =	vsel vm0, v11, v4;
	v11 =	vld [tilespmem:$0x1FC20]  }
0x3e8: {  	v12 =	vmul.f32 $1.442695020e+00, v12;
	v19 =	vld [tilespmem:$0x1FC30]  }
0x3e9: {  	v16 =	vsub.f32 v23, v14;
	v20 =	vld [tilespmem:$0x1FC40]  }
0x3ea: {  	(erf) = vpow2.f32 v12;
	v14 =	vsub.f32 v15, v14;
	vm1 =	vnez.u8 v21  }
0x3eb: {  	v16 =	vmul.f32 $1.442695020e+00, v16;
	vm2 =	vnez.u8 v22;
	v17 =	vsel vm1, v3, v13  }
0x3ec: {  	v14 =	vmul.f32 $1.442695020e+00, v14;
	v15 =	vsel vm2, v5, v17;
	vm0 =	vnez.u8 v11  }
0x3ed: {  	v12 =	vpop (erf);
	v11 =	vsel vm0, v6, v15;
	v6 =	vsel vm0, v15, v6;
	vm0 =	vnez.u8 v19  }
0x3ee: {  	v3 =	vsel vm1, v13, v3;
	v13 =	vpop (erf);
	v9 =	vsel vm0, v11, v9;
	vm0 =	vnez.u8 v20  }
0x3ef: {  	v23 =	vadd.f32 v13, v12;
	v11 =	vsel vm0, v11, v7;
	v7 =	vsel vm0, v7, v9;
	v9 =	vld [tilespmem:$0x1FC50]  }
0x3f0: {  	(erf) = vpow2.f32 v16;
	v21 =	vld [tilespmem:$0x1FC60];
	v15 =	vpop (erf)  }
0x3f1: {  	(erf) = vpow2.f32 v14;
	v14 =	vadd.f32 v15, v23;
	v23 =	vld [tilespmem:$0x1FC80];
	_ =	sdelay $0x2  }
0x3f2: {  	vm0 =	vnez.u8 v9  }
0x3f3: {  	v9 =	vsel vm0, $0x3B, v10;
	vm0 =	vnez.u8 v21  }
0x3f4: {  	v22 =	vld [tilespmem:$0x1FC70];
	vm1 =	vnez.u8 v23;
	v10 =	vnsel vm0, $0x3B, v10  }
0x3f5: {  	v18 =	vsel vm1, v4, v10;
	v4 =	vsel vm1, v10, v4;
	v10 =	vld [tilespmem:$0x1FC90]  }
0x3f6: {  	v21 =	vld [tilespmem:$0x1FCA0];
	_ =	sdelay $0x2  }
0x3f7: {  	v5 =	vsel vm2, v17, v5;
	vm0 =	vnez.u8 v22  }
0x3f8: {  	v17 =	vsel vm0, $0x3B, v8;
	v8 =	vsel vm0, v8, v9;
	vm0 =	vnez.u8 v10  }
0x3f9: {  	v10 =	vsel vm0, v3, v18;
	v3 =	vsel vm0, v18, v3;
	vm0 =	vnez.u8 v21  }
0x3fa: {  	v18 =	vsel vm0, v5, v10;
	v5 =	vsel vm0, v10, v5;
	v10 =	vld [tilespmem:$0x1FCB0]  }
0x3fb: {  	v22 =	vld [tilespmem:$0x1FCC0]  }
0x3fc: {  	v23 =	vld [tilespmem:$0x1FCD0];
	_ =	sdelay $0x2  }
0x3fd: {  	vm0 =	vnez.u8 v10  }
0x3fe: {  	v10 =	vsel vm0, v18, v6;
	v6 =	vsel vm0, v6, v18;
	vm0 =	vnez.u8 v22  }
0x3ff: {  	v7 =	vsel vm0, v6, v7;
	vm0 =	vnez.u8 v23  }
0x400: {  	v6 =	vsel vm0, v6, v11;
	v7 =	vsel vm0, v11, v7;
	v11 =	vld [tilespmem:$0x1FCE0]  }
0x401: {  	v21 =	vld [tilespmem:$0x1FCF0];
	_ =	sdelay $0x3  }
0x402: {  	vm0 =	vnez.u8 v11  }
0x403: {  	[tilespmem:s13+$0xFFFFFE00] =	vst v0;
	v11 =	vsel vm0, $0x3C, v8;
	vm0 =	vnez.u8 v21;
	v21 =	vld [tilespmem:$0x1FD10]  }
0x404: {  	[tilespmem:s13+$0xFFFFFE10] =	vst v0  }
0x405: {  	[tilespmem:s13+$0xFFFFFE20] =	vst v0  }
0x406: {  	[tilespmem:s13+$0xFFFFFE30] =	vst v0  }
0x407: {  	[tilespmem:s13+$0xFFFFFE40] =	vst v0  }
0x408: {  	[tilespmem:s13+$0xFFFFFE50] =	vst v0;
	v20 =	vld [tilespmem:$0x1FD00];
	v8 =	vnsel vm0, $0x3C, v8;
	vm1 =	vnez.u8 v21  }
0x409: {  	[tilespmem:s13+$0xFFFFFE60] =	vst v0;
	v21 =	vsel vm1, v4, v8;
	v4 =	vsel vm1, v8, v4;
	v8 =	vld [tilespmem:$0x1FD20]  }
0x40a: {  	[tilespmem:s13+$0xFFFFFE70] =	vst v0  }
0x40b: {  	[tilespmem:s13+$0xFFFFFE80] =	vst v0  }
0x40c: {  	[tilespmem:s13+$0xFFFFFE90] =	vst v0  }
0x40d: {  	[tilespmem:s13+$0xFFFFFEA0] =	vst v0;
	vm0 =	vnez.u8 v20  }
0x40e: {  	[tilespmem:s13+$0xFFFFFEB0] =	vst v0;
	v20 =	vsel vm0, $0x3C, v17;
	v11 =	vsel vm0, v17, v11;
	vm0 =	vnez.u8 v8  }
0x40f: {  	[tilespmem:s13+$0xFFFFFEC0] =	vst v0;
	v8 =	vsel vm0, v3, v21;
	v3 =	vsel vm0, v21, v3;
	v21 =	vld [tilespmem:$0x1FD30]  }
0x410: {  	[tilespmem:s13+$0xFFFFFED0] =	vst v0  }
0x411: {  	[tilespmem:s13+$0xFFFFFEE0] =	vst v0  }
0x412: {  	[tilespmem:s13+$0xFFFFFEF0] =	vst v0  }
0x413: {  	[tilespmem:s13+$0xFFFFFF00] =	vst v0  }
0x414: {  	[tilespmem:s13+$0xFFFFFF10] =	vst v0;
	vm0 =	vnez.u8 v21  }
0x415: {  	[tilespmem:s13+$0xFFFFFF20] =	vst v0;
	v21 =	vsel vm0, v5, v8;
	v5 =	vsel vm0, v8, v5;
	v8 =	vld [tilespmem:$0x1FD40]  }
0x416: {  	[tilespmem:s13+$0xFFFFFF30] =	vst v0  }
0x417: {  	[tilespmem:s13+$0xFFFFFF40] =	vst v0  }
0x418: {  	[tilespmem:s13+$0xFFFFFF50] =	vst v0  }
0x419: {  	[tilespmem:s13+$0xFFFFFF60] =	vst v0  }
0x41a: {  	[tilespmem:s13+$0xFFFFFF70] =	vst v0;
	vm0 =	vnez.u8 v8  }
0x41b: {  	[tilespmem:s13+$0xFFFFFF80] =	vst v0;
	v8 =	vsel vm0, v21, v10;
	v10 =	vsel vm0, v10, v21;
	v21 =	vld [tilespmem:$0x1FD50]  }
0x41c: {  	[tilespmem:s13+$0xFFFFFF90] =	vst v0  }
0x41d: {  	[tilespmem:$0x1FD80] =	vst v30  }
0x41e: {  	[tilespmem:s13+$0xFFFFFFA0] =	vst v0;
	v16 =	vpop (erf);
	v22 =	vld [tilespmem:$0x1FD80]  }
0x41f: {  	[tilespmem:s13+$0xFFFFFFB0] =	vst v0;
	v14 =	vadd.f32 v16, v14  }
0x420: {  	[tilespmem:s13+$0xFFFFFFC0] =	vst v0;
	v9 =	vpop (erf);
	vm0 =	vnez.u8 v21  }
0x421: {  	[tilespmem:s13+$0xFFFFFFD0] =	vst v0;
	v14 =	vadd.f32 v9, v14;
	v21 =	vld [tilespmem:$0x1FD60];
	v7 =	vsel vm0, v10, v7  }
0x422: {  	[tilespmem:s13+$0xFFFFFFE0] =	vst v0;
	v18 =	vpop (erf);
	v10 =	vsel vm12, v10, v6;
	v6 =	vsel vm12, v6, v7;
	v7 =	vld [tilespmem:$0x1FD70]  }
0x423: {  	[tilespmem:s13+$0xFFFFFFF0] =	vst v0;
	v14 =	vadd.f32 v18, v14;
	vm12 =	vnez.u8 v22;
	v22 =	vld [tilespmem:$0x1FDA0]  }
0x424: {  	[tilespmem:s13+$0x0] =	vst v0;
	v19 =	vpop (erf);
	v23 =	vld [tilespmem:$0x1FD90]  }
0x425: {  	[tilespmem:s13+$0x10] =	vst v0;
	v14 =	vadd.f32 v19, v14  }
0x426: {  	[tilespmem:s13+$0x20] =	vst v0;
	v17 =	vpop (erf);
	vm0 =	vnez.u8 v21  }
0x427: {  	[tilespmem:s13+$0x30] =	vst v0;
	v14 =	vadd.f32 v17, v14;
	v21 =	vnsel vm0, $0x3D, v11;
	vm1 =	vnez.u8 v7  }
0x428: {  	[tilespmem:s13+$0x40] =	vst v0;
	v11 =	vsel vm12, $0x3D, v11;
	vm12 =	vnez.u8 v22;
	v7 =	vsel vm1, v4, v21  }
0x429: {  	[tilespmem:s13+$0x50] =	vst v0;
	(erf) = vrcp.f32 v14;
	vm0 =	vnez.u8 v23;
	v22 =	vsel vm12, v3, v7  }
0x42a: {  	[tilespmem:$0x1FDB0] =	vst v25;
	v14 =	vsel vm0, $0x3D, v20;
	v11 =	vsel vm0, v20, v11;
	v20 =	vsel vm11, v5, v22  }
0x42b: {  	[tilespmem:s13+$0x60] =	vst v0;
	v3 =	vsel vm12, v7, v3;
	v7 =	vsel vm6, v8, v20;
	v8 =	vsel vm6, v20, v8;
	v20 =	vld [tilespmem:$0x1FDB0]  }
0x42c: {  	[tilespmem:s13+$0x70] =	vst v0  }
0x42d: {  	[tilespmem:s13+$0x80] =	vst v0  }
0x42e: {  	[tilespmem:s13+$0x90] =	vst v0  }
0x42f: {  	[tilespmem:s13+$0xA0] =	vst v0;
	v4 =	vsel vm1, v21, v4;
	v21 =	vld [tilespmem:$0x1FDD0]  }
0x430: {  	[tilespmem:s13+$0xB0] =	vst v0;
	vm12 =	vnez.u8 v20;
	v20 =	vld [tilespmem:$0x1FDC0]  }
0x431: {  	[tilespmem:s13+$0xC0] =	vst v0;
	v24 =	vld [tilespmem:$0x1FE00]  }
0x432: {  	[tilespmem:s13+$0xD0] =	vst v0  }
0x433: {  	[tilespmem:s13+$0xE0] =	vst v0  }
0x434: {  	[tilespmem:s13+$0xF0] =	vst v0;
	v5 =	vsel vm11, v22, v5;
	vm11 =	vnez.u8 v21  }
0x435: {  	[tilespmem:s13+$0x100] =	vst v0;
	v21 =	vsel vm11, $0x3E, v11;
	vm6 =	vnez.u8 v20  }
0x436: {  	[tilespmem:s13+$0x110] =	vst v0;
	v20 =	vsel vm6, $0x3E, v14;
	v14 =	vsel vm6, v14, v21;
	vm6 =	vnez.u8 v24  }
0x437: {  	[tilespmem:s13+$0x120] =	vst v0;
	v6 =	vsel vm12, v7, v6;
	v7 =	vsel vm10, v7, v10;
	v21 =	vld [tilespmem:$0x1FDE0];
	v24 =	vsel vm6, $0x3F, v14  }
0x438: {  	[tilespmem:s13+$0x130] =	vst v0;
	v6 =	vsel vm10, v10, v6;
	v22 =	vsel vm9, $0x3F, v20;
	v10 =	vsel vm9, v20, v24;
	v20 =	vld [tilespmem:$0x1FE10]  }
0x439: {  	[tilespmem:s13+$0x140] =	vst v0  }
0x43a: {  	[tilespmem:s13+$0x150] =	vst v0  }
0x43b: {  	[tilespmem:s13+$0x160] =	vst v0;
	v27 =	vld [tilespmem:$0x1FDF0]  }
0x43c: {  	[tilespmem:s13+$0x170] =	vst v0;
	vm12 =	vnez.u8 v21  }
0x43d: {  	[tilespmem:s13+$0x180] =	vst v0;
	v11 =	vnsel vm12, $0x3E, v11;
	vm11 =	vnez.u8 v20  }
0x43e: {  	[tilespmem:s13+$0x190] =	vst v0;
	v23 =	vlaneseq.u32;
	v20 =	vsel vm11, v11, v4;
	v4 =	vsel vm11, v4, v11;
	v11 =	vld [tilespmem:$0x1FE20]  }
0x43f: {  	[tilespmem:s13+$0x1A0] =	vst v0;
	v23 =	vmul.u32 $0x8, v23  }
0x440: {  	[tilespmem:s13+$0x1B0] =	vst v0;
	v21 =	vadd.s32 v27, v22  }
0x441: {  	[tilespmem:s13+$0x1C0] =	vst v0;
	v25 =	vor.u32 s14, v23  }
0x442: {  	[tilespmem:s13+$0x1D0] =	vst v0;
	v28 =	vor.u32 $0x1, v23;
	v24 =	vpop (erf)  }
0x443: {  	[tilespmem:s13+$0x1E0] =	vst v0;
	v26 =	vadd.s32 v27, v10;
	v12 =	vmul.f32 v24, v12;
	vm12 =	vnez.u8 v11  }
0x444: {  	[tilespmem:s13+$0x1F0] =	vst v0;
	v11 =	vnsel vm12, $0x3F, v14;
	v14 =	vor.u32 s14, v28  }
0x445: {  	v13 =	vmul.f32 v24, v13;
	[tilespmem:v21+s9+$0x0] =	vst.idx.msk $0xffff, v12;
	v28 =	vsel vm8, v11, v20  }
0x446: {  	v30 =	vsel vm15, v4, v3;
	[tilespmem:v25+s10+$0x0] =	vst.idx.msk $0xffff, v22;
	v22 =	vor.u32 $0x2, v23;
	v21 =	vadd.s32 v27, v28  }
0x447: {  	v3 =	vsel vm15, v3, v4;
	[tilespmem:v25+s11+$0x0] =	vst.idx.msk $0xffff, v12;
	v4 =	vsel vm8, v20, v11;
	v11 =	vor.u32 s14, v22  }
0x448: {  	[tilespmem:v26+s9+$0x0] =	vst.idx.msk $0xffff, v13  }
0x449: {  	[tilespmem:v14+s10+$0x0] =	vst.idx.msk $0xffff, v10;
	v10 =	vmul.f32 v24, v15  }
0x44a: {  	[tilespmem:v14+s11+$0x0] =	vst.idx.msk $0xffff, v13  }
0x44b: {  	[tilespmem:v21+s9+$0x0] =	vst.idx.msk $0xffff, v10  }
0x44c: {  	[tilespmem:v11+s10+$0x0] =	vst.idx.msk $0xffff, v28;
	v28 =	vmov v40;
	v40 =	vmov v42;
	v42 =	vmov v44  }
0x44d: {  	v44 =	vmovc v46;
	v46 =	vmovc v48;
	v48 =	vmov v50;
	v50 =	vmov v52;
	v52 =	vmov v54  }
0x44e: {  	v54 =	vmovc v56;
	v56 =	vmovc v58;
	v58 =	vmov v60;
	v60 =	vmov v62;
	v62 =	vmov v2;
	v2 =	vld [tilespmem:$0x1FE30];
	_ =	sdelay $0x3  }
0x44f: {  	v12 =	vsel vm14, v3, v5;
	v3 =	vsel vm14, v5, v3;
	v20 =	vsel vm7, v4, v30  }
0x450: {  	v13 =	vsel vm13, v3, v8;
	v3 =	vsel vm13, v8, v3;
	vm13 =	vnez.u8 v2;
	v2 =	vld [tilespmem:$0x1FE40]  }
0x451: {  	v22 =	vor.u32 $0x3, v23;
	v15 =	vadd.s32 v27, v20  }
0x452: {  	v4 =	vsel vm7, v30, v4;
	v5 =	vor.u32 s14, v22  }
0x453: {  	v16 =	vmul.f32 v24, v16;
	v14 =	vsel vm5, v4, v12  }
0x454: {  	v9 =	vmul.f32 v24, v9;
	v30 =	vmovc v39;
	v39 =	vor.u32 $0x4, v23;
	v21 =	vadd.s32 v27, v14  }
0x455: {  	v4 =	vsel vm5, v12, v4;
	v8 =	vor.u32 s14, v39;
	[tilespmem:v11+s11+$0x0] =	vst.idx.msk $0xffff, v10;
	vm14 =	vnez.u8 v2;
	v2 =	vld [tilespmem:$0x1FE50]  }
0x456: {  	v18 =	vmul.f32 v24, v18;
	v10 =	vsel vm3, v4, v13;
	[tilespmem:v15+s9+$0x0] =	vst.idx.msk $0xffff, v16  }
0x457: {  	v39 =	vor.u32 $0x5, v23;
	v4 =	vsel vm3, v13, v4;
	v11 =	vadd.s32 v27, v10;
	[tilespmem:v5+s10+$0x0] =	vst.idx.msk $0xffff, v20  }
0x458: {  	[tilespmem:v5+s11+$0x0] =	vst.idx.msk $0xffff, v16;
	v16 =	vsel vm13, v3, v6;
	v6 =	vor.u32 s14, v39;
	v3 =	vsel vm14, v3, v7  }
0x459: {  	[tilespmem:v21+s9+$0x0] =	vst.idx.msk $0xffff, v9;
	v5 =	vsel vm14, v7, v16;
	v7 =	vsel vm4, v4, v3  }
0x45a: {  	v21 =	vor.u32 $0x6, v23;
	[tilespmem:v8+s10+$0x0] =	vst.idx.msk $0xffff, v14;
	v20 =	vadd.s32 v27, v7;
	vm15 =	vnez.u8 v2  }
0x45b: {  	v22 =	vor.u32 s14, v21;
	[tilespmem:v8+s11+$0x0] =	vst.idx.msk $0xffff, v9;
	v4 =	vsel vm15, v4, v5  }
0x45c: {  	[tilespmem:v11+s9+$0x0] =	vst.idx.msk $0xffff, v18;
	v3 =	vsel vm4, v3, v4  }
0x45d: {  	v39 =	vmul.f32 v24, v19;
	v8 =	vor.u32 $0x7, v23;
	[tilespmem:v6+s10+$0x0] =	vst.idx.msk $0xffff, v10;
	v2 =	vadd.s32 v27, v3  }
0x45e: {  	[tilespmem:v6+s11+$0x0] =	vst.idx.msk $0xffff, v18;
	v6 =	vor.u32 s14, v8  }
0x45f: {  	p0 =	sne.s32 s15, $0x7C00;
	[tilespmem:v20+s9+$0x0] =	vst.idx.msk $0xffff, v39  }
.Ltmp0:
0x460: {  	[tilespmem:v22+s10+$0x0] =	vst.idx.msk $0xffff, v7;
	v7 =	vmul.f32 v24, v17;
	(pc) =	sbr.rel @p0 .LBB2_2-.Ltmp0, $4  }
0x461: {  	[tilespmem:v22+s11+$0x0] =	vst.idx.msk $0xffff, v39  }
0x462: {  	[tilespmem:v2+s9+$0x0] =	vst.idx.msk $0xffff, v7  }
0x463: {  	v27 =	vld [tilespmem:$0x1FFD0];
	[tilespmem:v6+s10+$0x0] =	vst.idx.msk $0xffff, v3  }
0x464: {  	s15 =	sadd.s32 $0x400, s15;
	s13 =	sadd.s32 $0x400, s13;
	v8 =	vimm.s32 $0x0;
	s14 =	sadd.s32 $0x80, s14;
	v2 =	vld [tilespmem:$0x1FFE0];
	[tilespmem:v6+s11+$0x0] =	vst.idx.msk $0xffff, v7  }
0x465: {  	[hbm4b:s4+s2] =	stream.linear.scatter [tilespmem:s9], [sflag:$0x1], $0x8000, $0x38;
	[tilespmem:$0x12000] =	vst v63  }
0x466: {  	_ =	swait.ge [sflag:s8], $0x8000  }
0x467: {  	[sflag:s8] =	ssyncset.done $0x0  }
0x468: {  	[sflag:s8] =	ssyncadd.s32 $0xFFFF8000  }
0x469: {  	[hbm4b:s5+s2] =	stream.linear.scatter [tilespmem:s10], [sflag:$0x1], $0x1000, $0x38;
	[tilespmem:$0x12000] =	vst v63  }
0x46a: {  	s12 =	sadd.s32 $0x1, s12;
	_ =	swait.ge [sflag:s8], $0x1000  }
0x46b: {  	p0 =	sne.s32 s12, s7;
	[sflag:s8] =	ssyncset.done $0x0  }
.Ltmp1:
0x46c: {  	[sflag:s8] =	ssyncadd.s32 $0xFFFFF000;
	(pc) =	sbr.rel @p0 .LBB2_1-.Ltmp1, $4  }
0x46d: {  	[hbm4b:s6+s2] =	stream.linear.scatter [tilespmem:s11], [sflag:$0x1], $0x1000, $0x38;
	[tilespmem:$0x12000] =	vst v63  }
0x46e: {  	_ =	swait.ge [sflag:s8], $0x1000  }
0x46f: {  	[sflag:s8] =	ssyncset.done $0x0  }
0x470: {  	[sflag:s8] =	ssyncadd.s32 $0xFFFFF000  }
0x471: {  	_ =	sfence.sel $0x180000  }
0x472: {  	[bflag:$0x0] =	sbarrier.arrive $0xFFFF  }
0x473: {  	p0 =	sne.s32 s1, $0x0;
	_ =	strace $0x90000047  }
0x474: {  	s0 =	sadd.s32 @!p0 $0x100000, s0;
	[bflag:$0x2] =	sbarrier.arrive $0xFFFF  }
0x475: {  	[sflag:s0] =	ssyncadd.tile.s32 @!p0 $0x1;
	_ =	shalt  }
.Lfunc_end2:
_tile_overlayer_lowered:
.L_overlay_start_2:
0x476: {  	(tag) =	ssettag $0x2  }
0x477: {  	s0 =	rddreg [dreg:$0x0];
	s2 =	stileid.u32  }
0x478: {  	s1 =	rddreg [dreg:$0x1];
	p0 =	sne.s32 s2, $0x0  }
0x479: {  	s3 =	rddreg [dreg:$0x2];
	[bflag:$0x3] =	sbarrier.arrive $0xFFFF;
	s2 =	simm.s32 @!p0 $0x1C01  }
0x47a: {  	[timem:s3], [sflag:s2] =	dma.local @!p0 [hbm:s0], s1  }
0x47b: {  	s0 =	simm.s32 @!p0 $0x1  }
0x47c: {  	_ =	swait.ge @!p0 [sflag:s0], s1  }
0x47d: {  	s1 =	ssub.s32 @!p0 $0x0, s1;
	[sflag:s0] =	ssyncset.done @!p0 $0x0  }
0x47e: {  	[sflag:s0] =	ssyncadd.s32 @!p0 s1  }
0x47f: {  	[bflag:$0x3] =	sbarrier.arrive $0xFFFF  }
0x480: {  	_ =	shalt  }

</sc_bundles>
